<compile_context>
chip_gen: v7x
topology: tpu7x:2x2x1
jax: 0.10.2.dev20260603
libtpu: 0.0.44.dev20260713+nightly
codegen_flags: <defaults>
</compile_context>

<pallas_src>
import functools

import jax
import jax.numpy as jnp
from jax import lax
from jax.experimental import pallas as pl
from jax.experimental.pallas import tpu as pltpu
from jax.experimental.pallas import tpu_sc as plsc

N = 10000
E = 320000
D = 128
G = 64

NPAD = 10240
NC, NS, L = 2, 16, 16
CHUNK = 128
NCHUNK = 80
EPAD = NC * NS * NCHUNK * CHUNK
ROWS_PER_S = NPAD // NS
DW = 128
BLK = 256
NBLK = NPAD // BLK

TOTAL_CHUNKS = EPAD // CHUNK
FCHUNK = 144
SCHUNK = TOTAL_CHUNKS // NS - FCHUNK
FAST_CORE = 1
IDXBUF = 56



def _sc_mesh():
    return plsc.VectorSubcoreMesh(core_axis_name="c", subcore_axis_name="s")


@functools.partial(
    pl.kernel,
    out_type=jax.ShapeDtypeStruct((NC, NPAD, DW), jnp.float32),
    mesh=_sc_mesh(),
    scratch_types=[
        pltpu.VMEM((NCHUNK, CHUNK), jnp.int32),
        pltpu.VMEM((CHUNK, DW), jnp.float32),
        pltpu.VMEM_SHARED((NPAD, DW), jnp.float32),
    ],
)
def _sc_degree(dstc, onesD, zerosD, out, dst_v, ones_v, acc):
    c = lax.axis_index("c")
    s = lax.axis_index("s")
    pltpu.sync_copy(zerosD, ones_v)
    for i in range(ROWS_PER_S // CHUNK):
        r0 = s * ROWS_PER_S + i * CHUNK
        pltpu.sync_copy(ones_v, acc.at[pl.ds(r0, CHUNK)])
    pltpu.sync_copy(onesD, ones_v)
    plsc.subcore_barrier()
    pltpu.sync_copy(dstc.at[c, s], dst_v)

    def step(j, carry):
        pltpu.sync_copy(ones_v, acc.at[dst_v.at[j]], add=True)
        return carry

    lax.fori_loop(0, NCHUNK, step, 0)
    plsc.subcore_barrier()
    for i in range(ROWS_PER_S // CHUNK):
        r0 = s * ROWS_PER_S + i * CHUNK
        pltpu.sync_copy(acc.at[pl.ds(r0, CHUNK)], ones_v)
        pltpu.sync_copy(ones_v, out.at[c, pl.ds(r0, CHUNK)])


@functools.partial(
    pl.kernel,
    out_type=jax.ShapeDtypeStruct((NC, NPAD, D), jnp.float32),
    mesh=_sc_mesh(),
    scratch_types=[
        pltpu.VMEM((IDXBUF, CHUNK), jnp.int32),
        pltpu.VMEM((IDXBUF, CHUNK), jnp.int32),
        pltpu.VMEM((2, CHUNK, D), jnp.float32),
        pltpu.SemaphoreType.DMA,
        pltpu.VMEM_SHARED((NPAD, D), jnp.float32),
    ],
)
def _sc_scatter(y, srcc, dstc, zerosD, out, src_v, dst_v, rows_v, sem, acc):
    c = lax.axis_index("c")
    s = lax.axis_index("s")
    pltpu.sync_copy(zerosD, rows_v.at[0])
    for i in range(ROWS_PER_S // CHUNK):
        pltpu.sync_copy(rows_v.at[0], acc.at[pl.ds(s * ROWS_PER_S + i * CHUNK, CHUNK)])
    plsc.subcore_barrier()

    def run_edges(base, nchunk):
        done = 0
        while done < nchunk:
            n = min(IDXBUF, nchunk - done)
            b = base + done
            pltpu.sync_copy(srcc.at[pl.ds(b, n)], src_v.at[pl.ds(0, n)])
            pltpu.sync_copy(dstc.at[pl.ds(b, n)], dst_v.at[pl.ds(0, n)])
            pltpu.make_async_copy(y.at[src_v.at[0]], rows_v.at[0], sem).start()

            def step(j, carry):
                p = lax.rem(j, 2)
                pltpu.make_async_copy(y.at[src_v.at[j]], rows_v.at[p], sem).wait()

                @pl.when(j < n - 1)
                def _prefetch():
                    pltpu.make_async_copy(y.at[src_v.at[j + 1]],
                                          rows_v.at[1 - p], sem).start()

                pltpu.sync_copy(rows_v.at[p], acc.at[dst_v.at[j]], add=True)
                return carry

            lax.fori_loop(0, n, step, 0)
            done += n

    @pl.when(c == FAST_CORE)
    def _fast():
        run_edges(s * FCHUNK, FCHUNK)

    @pl.when(c != FAST_CORE)
    def _slow():
        run_edges(NS * FCHUNK + s * SCHUNK, SCHUNK)

    plsc.subcore_barrier()
    for i in range(ROWS_PER_S // CHUNK):
        r0 = s * ROWS_PER_S + i * CHUNK
        pltpu.sync_copy(acc.at[pl.ds(r0, CHUNK)], rows_v.at[0])
        pltpu.sync_copy(rows_v.at[0], out.at[c, pl.ds(r0, CHUNK)])



def _dis_block(degp):
    deg = degp[0, :, 0] + degp[1, :, 0] + 1.0
    return lax.rsqrt(deg)


def _tc_scale_matmul_kernel(x_ref, w_ref, degp_ref, y_ref):
    dis = _dis_block(degp_ref[...])
    y_ref[...] = dis[:, None] * jnp.dot(x_ref[...], w_ref[...],
                                        preferred_element_type=jnp.float32)


def _tc_scale_matmul(x_p, w, degp):
    return pl.pallas_call(
        _tc_scale_matmul_kernel,
        grid=(NBLK,),
        in_specs=[
            pl.BlockSpec((BLK, D), lambda i: (i, 0)),
            pl.BlockSpec((D, D), lambda i: (0, 0)),
            pl.BlockSpec((NC, BLK, DW), lambda i: (0, i, 0)),
        ],
        out_specs=pl.BlockSpec((BLK, D), lambda i: (i, 0)),
        out_shape=jax.ShapeDtypeStruct((NPAD, D), jnp.float32),
    )(x_p, w, degp)


def _tc_combine_matmul_kernel(sp_ref, y_ref, degp_ref, b_ref, w_ref, out_ref):
    dis = _dis_block(degp_ref[...])
    sp = sp_ref[...]
    h = dis[:, None] * (sp[0] + sp[1] + y_ref[...]) + b_ref[...]
    h = jnp.maximum(h, 0.0)
    out_ref[...] = dis[:, None] * jnp.dot(h, w_ref[...],
                                          preferred_element_type=jnp.float32)


def _tc_combine_matmul(sp, y, degp, b2d, w):
    return pl.pallas_call(
        _tc_combine_matmul_kernel,
        grid=(NBLK,),
        in_specs=[
            pl.BlockSpec((NC, BLK, D), lambda i: (0, i, 0)),
            pl.BlockSpec((BLK, D), lambda i: (i, 0)),
            pl.BlockSpec((NC, BLK, DW), lambda i: (0, i, 0)),
            pl.BlockSpec((1, D), lambda i: (0, 0)),
            pl.BlockSpec((D, D), lambda i: (0, 0)),
        ],
        out_specs=pl.BlockSpec((BLK, D), lambda i: (i, 0)),
        out_shape=jax.ShapeDtypeStruct((NPAD, D), jnp.float32),
    )(sp, y, degp, b2d, w)


def _tc_pool_kernel(sp_ref, y_ref, degp_ref, b_ref, batch_ref, wl_ref, bl_ref,
                    out_ref, gsum, cnt):
    i = pl.program_id(0)

    @pl.when(i == 0)
    def _init():
        gsum[...] = jnp.zeros((G, D), jnp.float32)
        cnt[...] = jnp.zeros((G, 128), jnp.float32)

    dis = _dis_block(degp_ref[...])
    sp = sp_ref[...]
    h = dis[:, None] * (sp[0] + sp[1] + y_ref[...]) + b_ref[...]
    h = jnp.maximum(h, 0.0)
    b = batch_ref[0]
    gid = lax.broadcasted_iota(jnp.int32, (G, BLK), 0)
    onehot = (jnp.broadcast_to(b, (G, BLK)) == gid).astype(jnp.float32)
    gsum[...] += jnp.dot(onehot, h, preferred_element_type=jnp.float32)
    cnt[...] += jnp.broadcast_to(jnp.sum(onehot, axis=1, keepdims=True), (G, 128))

    @pl.when(i == NBLK - 1)
    def _fin():
        g = gsum[...] / jnp.maximum(cnt[...], 1.0)
        out_ref[...] = jnp.dot(g, wl_ref[...],
                               preferred_element_type=jnp.float32) + bl_ref[...]


def _tc_pool(sp, y, degp, b2d, batch3, wlin, blin2d):
    return pl.pallas_call(
        _tc_pool_kernel,
        grid=(NBLK,),
        in_specs=[
            pl.BlockSpec((NC, BLK, D), lambda i: (0, i, 0)),
            pl.BlockSpec((BLK, D), lambda i: (i, 0)),
            pl.BlockSpec((NC, BLK, DW), lambda i: (0, i, 0)),
            pl.BlockSpec((1, D), lambda i: (0, 0)),
            pl.BlockSpec((1, 1, BLK), lambda i: (i, 0, 0)),
            pl.BlockSpec((D, 2), lambda i: (0, 0)),
            pl.BlockSpec((1, 2), lambda i: (0, 0)),
        ],
        out_specs=pl.BlockSpec((G, 2), lambda i: (0, 0)),
        out_shape=jax.ShapeDtypeStruct((G, 2), jnp.float32),
        scratch_shapes=[
            pltpu.VMEM((G, D), jnp.float32),
            pltpu.VMEM((G, 128), jnp.float32),
        ],
    )(sp, y, degp, b2d, batch3, wlin, blin2d)



def kernel(x, edge_index, batch, W1, b1, W2, b2, Wlin, blin):
    src = edge_index[0].astype(jnp.int32)
    dst = edge_index[1].astype(jnp.int32)
    pad = jnp.full((EPAD - E,), N, jnp.int32)
    src_flat = jnp.concatenate([src, pad]).reshape(TOTAL_CHUNKS, CHUNK)
    dst_flat = jnp.concatenate([dst, pad]).reshape(TOTAL_CHUNKS, CHUNK)
    dstc = dst_flat.reshape(NC, NS, NCHUNK, CHUNK)

    x_p = jnp.zeros((NPAD, D), x.dtype).at[:N].set(x)
    batch3 = (jnp.full((NPAD,), G, jnp.int32).at[:N]
              .set(batch.astype(jnp.int32)).reshape(NBLK, 1, BLK))

    ones_dw = jnp.ones((CHUNK, DW), jnp.float32)
    zeros_dw = jnp.zeros((CHUNK, DW), jnp.float32)
    zerosD = jnp.zeros((CHUNK, D), jnp.float32)
    b1_2d = b1.reshape(1, D)
    b2_2d = b2.reshape(1, D)
    blin2d = blin.reshape(1, 2)

    degp = _sc_degree(dstc, ones_dw, zeros_dw)
    y1 = _tc_scale_matmul(x_p, W1, degp)
    s1 = _sc_scatter(y1, src_flat, dst_flat, zerosD)
    y2 = _tc_combine_matmul(s1, y1, degp, b1_2d, W2)
    s2 = _sc_scatter(y2, src_flat, dst_flat, zerosD)
    return _tc_pool(s2, y2, degp, b2_2d, batch3, Wlin, blin2d)

# --- scband reference (transcript-rebuilt; emitter-appended) ---
"""Pipeline reference for scband-gnn-44178033607203 (READ-ONLY COPY).

The authoritative reference and input builder live on the scoring server;
editing this copy changes nothing except your own understanding.
"""

import jax, jax.numpy as jnp
import numpy as np

N_NODES = 10000
N_EDGES = 320000
D_FEAT = 128
HIDDEN = 128
N_GRAPHS = 64


def gcn_conv(x, edge_index, W, b):
    # GCNConv: x' = D^{-1/2} (A + I) D^{-1/2} X W + b (symmetric normalization, self-loops)
    N = x.shape[0]
    src = edge_index[0]
    dst = edge_index[1]
    loop = jnp.arange(N, dtype=src.dtype)
    src = jnp.concatenate([src, loop])
    dst = jnp.concatenate([dst, loop])
    deg = jax.ops.segment_sum(jnp.ones_like(dst, dtype=x.dtype), dst, num_segments=N)
    deg_inv_sqrt = jnp.where(deg > 0, 1.0 / jnp.sqrt(deg), 0.0)
    norm = deg_inv_sqrt[src] * deg_inv_sqrt[dst]
    xw = x @ W
    msg = xw[src] * norm[:, None]
    out = jax.ops.segment_sum(msg, dst, num_segments=N)
    return out + b


def global_mean_pool(x, batch, num_graphs):
    sums = jax.ops.segment_sum(x, batch, num_segments=num_graphs)
    counts = jax.ops.segment_sum(jnp.ones((x.shape[0],), dtype=x.dtype), batch, num_segments=num_graphs)
    counts = jnp.maximum(counts, 1.0)
    return sums / counts[:, None]


def setup_inputs(seed: int = 0) -> dict:
    key = jax.random.key(seed)
    k1, k2, k3, k4, k5, k6, k7, k8, k9 = jax.random.split(key, 9)
    x = jax.random.normal(k1, (N_NODES, D_FEAT), dtype=jnp.float32)
    edge_index = jax.random.randint(k2, (2, N_EDGES), 0, N_NODES, dtype=jnp.int64)
    batch = jnp.sort(jax.random.randint(k3, (N_NODES,), 0, N_GRAPHS, dtype=jnp.int64))
    s1 = 1.0 / np.sqrt(D_FEAT)
    s2 = 1.0 / np.sqrt(HIDDEN)
    W1 = jax.random.uniform(k4, (D_FEAT, HIDDEN), dtype=jnp.float32, minval=-s1, maxval=s1)
    b1 = jnp.zeros((HIDDEN,), dtype=jnp.float32)
    W2 = jax.random.uniform(k5, (HIDDEN, HIDDEN), dtype=jnp.float32, minval=-s2, maxval=s2)
    b2 = jnp.zeros((HIDDEN,), dtype=jnp.float32)
    Wlin = jax.random.uniform(k6, (HIDDEN, 2), dtype=jnp.float32, minval=-s2, maxval=s2)
    blin = jax.random.uniform(k7, (2,), dtype=jnp.float32, minval=-s2, maxval=s2)
    return {"x": x, "edge_index": edge_index, "batch": batch,
            "W1": W1, "b1": b1, "W2": W2, "b2": b2, "Wlin": Wlin, "blin": blin}


def reference(x, edge_index, batch, W1, b1, W2, b2, Wlin, blin):
    # dropout layers act as identity in eval mode
    h = gcn_conv(x, edge_index, W1, b1)
    h = jax.nn.relu(h)
    h = gcn_conv(h, edge_index, W2, b2)
    h = jax.nn.relu(h)
    g = global_mean_pool(h, batch, N_GRAPHS)
    out = g @ Wlin + blin
    return out

if __name__ == "__main__":
    import jax
    _d = setup_inputs()
    print(jax.jit(kernel)(*tuple(_d.values())))

</pallas_src>

<mosaic_0001>
#map = affine_map<(d0, d1) -> (0, 0)>
#map1 = affine_map<(d0, d1) -> (0, 0, 0)>
module attributes {stable_mosaic.version = 14 : i64} {
  func.func @_sc_scatter(%arg0: i32, %arg1: i32, %arg2: memref<10240x128xf32, #tpu.memory_space<hbm>>, %arg3: memref<2560x128xi32, #tpu.memory_space<hbm>>, %arg4: memref<2560x128xi32, #tpu.memory_space<hbm>>, %arg5: memref<128x128xf32, #tpu.memory_space<hbm>>, %arg6: memref<2x10240x128xf32, #tpu.memory_space<hbm>>, %arg7: memref<56x128xi32, #tpu.memory_space<vmem>>, %arg8: memref<56x128xi32, #tpu.memory_space<vmem>>, %arg9: memref<2x128x128xf32, #tpu.memory_space<vmem>>, %arg10: memref<!tpu.dma_semaphore, #tpu.memory_space<semaphore_mem>>, %arg11: memref<10240x128xf32, #tpu.memory_space<vmem_shared>>) attributes {dimension_semantics = [#tpu.dimension_semantics<core_parallel>, #tpu.dimension_semantics<subcore_parallel>], iteration_bounds = array<i64: 2, 16>, scalar_prefetch = 0 : i64, scratch_operands = 5 : i64, tpu.core_type = #tpu.core_type<sc_vector_subcore>, window_params = [{transform_indices = #map}, {transform_indices = #map}, {transform_indices = #map}, {transform_indices = #map}, {transform_indices = #map1}]} {
    %run_scoped3A = arith.constant 0 : i32
    "tpu.region"() ({
      %run_scoped3A_60 = tpu.sem_alloc : memref<!tpu.dma_semaphore, #tpu.memory_space<semaphore_mem>>
      %dma_start3A = arith.constant 0 : i32
      %dma_start3A_61 = arith.constant 0 : i32
      %dma_start3A_62 = tpu.memref_slice %arg9[%run_scoped3A, %dma_start3A, %dma_start3A_61] : memref<2x128x128xf32, #tpu.memory_space<vmem>> -> memref<1x128x128xf32, #tpu.memory_space<vmem>>
      %dma_start3A_63 = tpu.memref_squeeze %dma_start3A_62 : memref<1x128x128xf32, #tpu.memory_space<vmem>> -> memref<128x128xf32, #tpu.memory_space<vmem>>
      %dma_start3A_64 = arith.constant 0 : i32
      %dma_start3A_65 = arith.constant 0 : i32
      %dma_start3A_66 = tpu.memref_slice %arg9[%run_scoped3A, %dma_start3A_64, %dma_start3A_65] : memref<2x128x128xf32, #tpu.memory_space<vmem>> -> memref<1x128x128xf32, #tpu.memory_space<vmem>>
      %dma_start3A_67 = tpu.memref_squeeze %dma_start3A_66 : memref<1x128x128xf32, #tpu.memory_space<vmem>> -> memref<128x128xf32, #tpu.memory_space<vmem>>
      tpu.enqueue_dma source(%arg5 : memref<128x128xf32, #tpu.memory_space<hbm>>) target(%dma_start3A_67 : memref<128x128xf32, #tpu.memory_space<vmem>>) target_semaphore(%run_scoped3A_60 : memref<!tpu.dma_semaphore, #tpu.memory_space<semaphore_mem>>)
      %dma_wait3A = arith.constant 0 : i32
      %dma_wait3A_68 = arith.constant 0 : i32
      %dma_wait3A_69 = tpu.memref_slice %arg9[%run_scoped3A, %dma_wait3A, %dma_wait3A_68] : memref<2x128x128xf32, #tpu.memory_space<vmem>> -> memref<1x128x128xf32, #tpu.memory_space<vmem>>
      %dma_wait3A_70 = tpu.memref_squeeze %dma_wait3A_69 : memref<1x128x128xf32, #tpu.memory_space<vmem>> -> memref<128x128xf32, #tpu.memory_space<vmem>>
      %dma_wait3A_71 = arith.constant 0 : i32
      %dma_wait3A_72 = arith.constant 0 : i32
      %dma_wait3A_73 = tpu.memref_slice %arg9[%run_scoped3A, %dma_wait3A_71, %dma_wait3A_72] : memref<2x128x128xf32, #tpu.memory_space<vmem>> -> memref<1x128x128xf32, #tpu.memory_space<vmem>>
      %dma_wait3A_74 = tpu.memref_squeeze %dma_wait3A_73 : memref<1x128x128xf32, #tpu.memory_space<vmem>> -> memref<128x128xf32, #tpu.memory_space<vmem>>
      tpu.wait_dma2 semaphore(%run_scoped3A_60 : memref<!tpu.dma_semaphore, #tpu.memory_space<semaphore_mem>>) src(%arg5 : memref<128x128xf32, #tpu.memory_space<hbm>>) dst(%dma_wait3A_74 : memref<128x128xf32, #tpu.memory_space<vmem>>)
      tpu.yield
    }) : () -> ()
    %mul3A = arith.constant 640 : i32
    %mul3A_0 = arith.muli %arg1, %mul3A : i32
    %add3A = arith.constant 0 : i32
    %add3A_1 = arith.addi %mul3A_0, %add3A : i32
    %run_scoped3A_2 = arith.constant 0 : i32
    "tpu.region"() ({
      %run_scoped3A_60 = tpu.sem_alloc : memref<!tpu.dma_semaphore, #tpu.memory_space<semaphore_mem>>
      %dma_start3A = arith.constant 0 : i32
      %dma_start3A_61 = arith.constant 0 : i32
      %dma_start3A_62 = tpu.memref_slice %arg9[%run_scoped3A_2, %dma_start3A, %dma_start3A_61] : memref<2x128x128xf32, #tpu.memory_space<vmem>> -> memref<1x128x128xf32, #tpu.memory_space<vmem>>
      %dma_start3A_63 = tpu.memref_squeeze %dma_start3A_62 : memref<1x128x128xf32, #tpu.memory_space<vmem>> -> memref<128x128xf32, #tpu.memory_space<vmem>>
      %dma_start3A_64 = arith.constant 0 : i32
      %dma_start3A_65 = tpu.memref_slice %arg11[%add3A_1, %dma_start3A_64] : memref<10240x128xf32, #tpu.memory_space<vmem_shared>> -> memref<128x128xf32, #tpu.memory_space<vmem_shared>>
      %dma_start3A_66 = arith.constant 0 : i32
      %dma_start3A_67 = tpu.memref_slice %arg11[%add3A_1, %dma_start3A_66] : memref<10240x128xf32, #tpu.memory_space<vmem_shared>> -> memref<128x128xf32, #tpu.memory_space<vmem_shared>>
      %dma_start3A_68 = arith.constant 0 : i32
      %dma_start3A_69 = arith.constant 0 : i32
      %dma_start3A_70 = tpu.memref_slice %arg9[%run_scoped3A_2, %dma_start3A_68, %dma_start3A_69] : memref<2x128x128xf32, #tpu.memory_space<vmem>> -> memref<1x128x128xf32, #tpu.memory_space<vmem>>
      %dma_start3A_71 = tpu.memref_squeeze %dma_start3A_70 : memref<1x128x128xf32, #tpu.memory_space<vmem>> -> memref<128x128xf32, #tpu.memory_space<vmem>>
      tpu.enqueue_dma source(%dma_start3A_71 : memref<128x128xf32, #tpu.memory_space<vmem>>) target(%dma_start3A_67 : memref<128x128xf32, #tpu.memory_space<vmem_shared>>) target_semaphore(%run_scoped3A_60 : memref<!tpu.dma_semaphore, #tpu.memory_space<semaphore_mem>>)
      %dma_wait3A = arith.constant 0 : i32
      %dma_wait3A_72 = arith.constant 0 : i32
      %dma_wait3A_73 = tpu.memref_slice %arg9[%run_scoped3A_2, %dma_wait3A, %dma_wait3A_72] : memref<2x128x128xf32, #tpu.memory_space<vmem>> -> memref<1x128x128xf32, #tpu.memory_space<vmem>>
      %dma_wait3A_74 = tpu.memref_squeeze %dma_wait3A_73 : memref<1x128x128xf32, #tpu.memory_space<vmem>> -> memref<128x128xf32, #tpu.memory_space<vmem>>
      %dma_wait3A_75 = arith.constant 0 : i32
      %dma_wait3A_76 = tpu.memref_slice %arg11[%add3A_1, %dma_wait3A_75] : memref<10240x128xf32, #tpu.memory_space<vmem_shared>> -> memref<128x128xf32, #tpu.memory_space<vmem_shared>>
      %dma_wait3A_77 = arith.constant 0 : i32
      %dma_wait3A_78 = tpu.memref_slice %arg11[%add3A_1, %dma_wait3A_77] : memref<10240x128xf32, #tpu.memory_space<vmem_shared>> -> memref<128x128xf32, #tpu.memory_space<vmem_shared>>
      %dma_wait3A_79 = arith.constant 0 : i32
      %dma_wait3A_80 = arith.constant 0 : i32
      %dma_wait3A_81 = tpu.memref_slice %arg9[%run_scoped3A_2, %dma_wait3A_79, %dma_wait3A_80] : memref<2x128x128xf32, #tpu.memory_space<vmem>> -> memref<1x128x128xf32, #tpu.memory_space<vmem>>
      %dma_wait3A_82 = tpu.memref_squeeze %dma_wait3A_81 : memref<1x128x128xf32, #tpu.memory_space<vmem>> -> memref<128x128xf32, #tpu.memory_space<vmem>>
      tpu.wait_dma2 semaphore(%run_scoped3A_60 : memref<!tpu.dma_semaphore, #tpu.memory_space<semaphore_mem>>) src(%dma_wait3A_82 : memref<128x128xf32, #tpu.memory_space<vmem>>) dst(%dma_wait3A_78 : memref<128x128xf32, #tpu.memory_space<vmem_shared>>)
      tpu.yield
    }) : () -> ()
    %mul3A_3 = arith.constant 640 : i32
    %mul3A_4 = arith.muli %arg1, %mul3A_3 : i32
    %add3A_5 = arith.constant 128 : i32
    %add3A_6 = arith.addi %mul3A_4, %add3A_5 : i32
    %run_scoped3A_7 = arith.constant 0 : i32
    "tpu.region"() ({
      %run_scoped3A_60 = tpu.sem_alloc : memref<!tpu.dma_semaphore, #tpu.memory_space<semaphore_mem>>
      %dma_start3A = arith.constant 0 : i32
      %dma_start3A_61 = arith.constant 0 : i32
      %dma_start3A_62 = tpu.memref_slice %arg9[%run_scoped3A_7, %dma_start3A, %dma_start3A_61] : memref<2x128x128xf32, #tpu.memory_space<vmem>> -> memref<1x128x128xf32, #tpu.memory_space<vmem>>
      %dma_start3A_63 = tpu.memref_squeeze %dma_start3A_62 : memref<1x128x128xf32, #tpu.memory_space<vmem>> -> memref<128x128xf32, #tpu.memory_space<vmem>>
      %dma_start3A_64 = arith.constant 0 : i32
      %dma_start3A_65 = tpu.memref_slice %arg11[%add3A_6, %dma_start3A_64] : memref<10240x128xf32, #tpu.memory_space<vmem_shared>> -> memref<128x128xf32, #tpu.memory_space<vmem_shared>>
      %dma_start3A_66 = arith.constant 0 : i32
      %dma_start3A_67 = tpu.memref_slice %arg11[%add3A_6, %dma_start3A_66] : memref<10240x128xf32, #tpu.memory_space<vmem_shared>> -> memref<128x128xf32, #tpu.memory_space<vmem_shared>>
      %dma_start3A_68 = arith.constant 0 : i32
      %dma_start3A_69 = arith.constant 0 : i32
      %dma_start3A_70 = tpu.memref_slice %arg9[%run_scoped3A_7, %dma_start3A_68, %dma_start3A_69] : memref<2x128x128xf32, #tpu.memory_space<vmem>> -> memref<1x128x128xf32, #tpu.memory_space<vmem>>
      %dma_start3A_71 = tpu.memref_squeeze %dma_start3A_70 : memref<1x128x128xf32, #tpu.memory_space<vmem>> -> memref<128x128xf32, #tpu.memory_space<vmem>>
      tpu.enqueue_dma source(%dma_start3A_71 : memref<128x128xf32, #tpu.memory_space<vmem>>) target(%dma_start3A_67 : memref<128x128xf32, #tpu.memory_space<vmem_shared>>) target_semaphore(%run_scoped3A_60 : memref<!tpu.dma_semaphore, #tpu.memory_space<semaphore_mem>>)
      %dma_wait3A = arith.constant 0 : i32
      %dma_wait3A_72 = arith.constant 0 : i32
      %dma_wait3A_73 = tpu.memref_slice %arg9[%run_scoped3A_7, %dma_wait3A, %dma_wait3A_72] : memref<2x128x128xf32, #tpu.memory_space<vmem>> -> memref<1x128x128xf32, #tpu.memory_space<vmem>>
      %dma_wait3A_74 = tpu.memref_squeeze %dma_wait3A_73 : memref<1x128x128xf32, #tpu.memory_space<vmem>> -> memref<128x128xf32, #tpu.memory_space<vmem>>
      %dma_wait3A_75 = arith.constant 0 : i32
      %dma_wait3A_76 = tpu.memref_slice %arg11[%add3A_6, %dma_wait3A_75] : memref<10240x128xf32, #tpu.memory_space<vmem_shared>> -> memref<128x128xf32, #tpu.memory_space<vmem_shared>>
      %dma_wait3A_77 = arith.constant 0 : i32
      %dma_wait3A_78 = tpu.memref_slice %arg11[%add3A_6, %dma_wait3A_77] : memref<10240x128xf32, #tpu.memory_space<vmem_shared>> -> memref<128x128xf32, #tpu.memory_space<vmem_shared>>
      %dma_wait3A_79 = arith.constant 0 : i32
      %dma_wait3A_80 = arith.constant 0 : i32
      %dma_wait3A_81 = tpu.memref_slice %arg9[%run_scoped3A_7, %dma_wait3A_79, %dma_wait3A_80] : memref<2x128x128xf32, #tpu.memory_space<vmem>> -> memref<1x128x128xf32, #tpu.memory_space<vmem>>
      %dma_wait3A_82 = tpu.memref_squeeze %dma_wait3A_81 : memref<1x128x128xf32, #tpu.memory_space<vmem>> -> memref<128x128xf32, #tpu.memory_space<vmem>>
      tpu.wait_dma2 semaphore(%run_scoped3A_60 : memref<!tpu.dma_semaphore, #tpu.memory_space<semaphore_mem>>) src(%dma_wait3A_82 : memref<128x128xf32, #tpu.memory_space<vmem>>) dst(%dma_wait3A_78 : memref<128x128xf32, #tpu.memory_space<vmem_shared>>)
      tpu.yield
    }) : () -> ()
    %mul3A_8 = arith.constant 640 : i32
    %mul3A_9 = arith.muli %arg1, %mul3A_8 : i32
    %add3A_10 = arith.constant 256 : i32
    %add3A_11 = arith.addi %mul3A_9, %add3A_10 : i32
    %run_scoped3A_12 = arith.constant 0 : i32
    "tpu.region"() ({
      %run_scoped3A_60 = tpu.sem_alloc : memref<!tpu.dma_semaphore, #tpu.memory_space<semaphore_mem>>
      %dma_start3A = arith.constant 0 : i32
      %dma_start3A_61 = arith.constant 0 : i32
      %dma_start3A_62 = tpu.memref_slice %arg9[%run_scoped3A_12, %dma_start3A, %dma_start3A_61] : memref<2x128x128xf32, #tpu.memory_space<vmem>> -> memref<1x128x128xf32, #tpu.memory_space<vmem>>
      %dma_start3A_63 = tpu.memref_squeeze %dma_start3A_62 : memref<1x128x128xf32, #tpu.memory_space<vmem>> -> memref<128x128xf32, #tpu.memory_space<vmem>>
      %dma_start3A_64 = arith.constant 0 : i32
      %dma_start3A_65 = tpu.memref_slice %arg11[%add3A_11, %dma_start3A_64] : memref<10240x128xf32, #tpu.memory_space<vmem_shared>> -> memref<128x128xf32, #tpu.memory_space<vmem_shared>>
      %dma_start3A_66 = arith.constant 0 : i32
      %dma_start3A_67 = tpu.memref_slice %arg11[%add3A_11, %dma_start3A_66] : memref<10240x128xf32, #tpu.memory_space<vmem_shared>> -> memref<128x128xf32, #tpu.memory_space<vmem_shared>>
      %dma_start3A_68 = arith.constant 0 : i32
      %dma_start3A_69 = arith.constant 0 : i32
      %dma_start3A_70 = tpu.memref_slice %arg9[%run_scoped3A_12, %dma_start3A_68, %dma_start3A_69] : memref<2x128x128xf32, #tpu.memory_space<vmem>> -> memref<1x128x128xf32, #tpu.memory_space<vmem>>
      %dma_start3A_71 = tpu.memref_squeeze %dma_start3A_70 : memref<1x128x128xf32, #tpu.memory_space<vmem>> -> memref<128x128xf32, #tpu.memory_space<vmem>>
      tpu.enqueue_dma source(%dma_start3A_71 : memref<128x128xf32, #tpu.memory_space<vmem>>) target(%dma_start3A_67 : memref<128x128xf32, #tpu.memory_space<vmem_shared>>) target_semaphore(%run_scoped3A_60 : memref<!tpu.dma_semaphore, #tpu.memory_space<semaphore_mem>>)
      %dma_wait3A = arith.constant 0 : i32
      %dma_wait3A_72 = arith.constant 0 : i32
      %dma_wait3A_73 = tpu.memref_slice %arg9[%run_scoped3A_12, %dma_wait3A, %dma_wait3A_72] : memref<2x128x128xf32, #tpu.memory_space<vmem>> -> memref<1x128x128xf32, #tpu.memory_space<vmem>>
      %dma_wait3A_74 = tpu.memref_squeeze %dma_wait3A_73 : memref<1x128x128xf32, #tpu.memory_space<vmem>> -> memref<128x128xf32, #tpu.memory_space<vmem>>
      %dma_wait3A_75 = arith.constant 0 : i32
      %dma_wait3A_76 = tpu.memref_slice %arg11[%add3A_11, %dma_wait3A_75] : memref<10240x128xf32, #tpu.memory_space<vmem_shared>> -> memref<128x128xf32, #tpu.memory_space<vmem_shared>>
      %dma_wait3A_77 = arith.constant 0 : i32
      %dma_wait3A_78 = tpu.memref_slice %arg11[%add3A_11, %dma_wait3A_77] : memref<10240x128xf32, #tpu.memory_space<vmem_shared>> -> memref<128x128xf32, #tpu.memory_space<vmem_shared>>
      %dma_wait3A_79 = arith.constant 0 : i32
      %dma_wait3A_80 = arith.constant 0 : i32
      %dma_wait3A_81 = tpu.memref_slice %arg9[%run_scoped3A_12, %dma_wait3A_79, %dma_wait3A_80] : memref<2x128x128xf32, #tpu.memory_space<vmem>> -> memref<1x128x128xf32, #tpu.memory_space<vmem>>
      %dma_wait3A_82 = tpu.memref_squeeze %dma_wait3A_81 : memref<1x128x128xf32, #tpu.memory_space<vmem>> -> memref<128x128xf32, #tpu.memory_space<vmem>>
      tpu.wait_dma2 semaphore(%run_scoped3A_60 : memref<!tpu.dma_semaphore, #tpu.memory_space<semaphore_mem>>) src(%dma_wait3A_82 : memref<128x128xf32, #tpu.memory_space<vmem>>) dst(%dma_wait3A_78 : memref<128x128xf32, #tpu.memory_space<vmem_shared>>)
      tpu.yield
    }) : () -> ()
    %mul3A_13 = arith.constant 640 : i32
    %mul3A_14 = arith.muli %arg1, %mul3A_13 : i32
    %add3A_15 = arith.constant 384 : i32
    %add3A_16 = arith.addi %mul3A_14, %add3A_15 : i32
    %run_scoped3A_17 = arith.constant 0 : i32
    "tpu.region"() ({
      %run_scoped3A_60 = tpu.sem_alloc : memref<!tpu.dma_semaphore, #tpu.memory_space<semaphore_mem>>
      %dma_start3A = arith.constant 0 : i32
      %dma_start3A_61 = arith.constant 0 : i32
      %dma_start3A_62 = tpu.memref_slice %arg9[%run_scoped3A_17, %dma_start3A, %dma_start3A_61] : memref<2x128x128xf32, #tpu.memory_space<vmem>> -> memref<1x128x128xf32, #tpu.memory_space<vmem>>
      %dma_start3A_63 = tpu.memref_squeeze %dma_start3A_62 : memref<1x128x128xf32, #tpu.memory_space<vmem>> -> memref<128x128xf32, #tpu.memory_space<vmem>>
      %dma_start3A_64 = arith.constant 0 : i32
      %dma_start3A_65 = tpu.memref_slice %arg11[%add3A_16, %dma_start3A_64] : memref<10240x128xf32, #tpu.memory_space<vmem_shared>> -> memref<128x128xf32, #tpu.memory_space<vmem_shared>>
      %dma_start3A_66 = arith.constant 0 : i32
      %dma_start3A_67 = tpu.memref_slice %arg11[%add3A_16, %dma_start3A_66] : memref<10240x128xf32, #tpu.memory_space<vmem_shared>> -> memref<128x128xf32, #tpu.memory_space<vmem_shared>>
      %dma_start3A_68 = arith.constant 0 : i32
      %dma_start3A_69 = arith.constant 0 : i32
      %dma_start3A_70 = tpu.memref_slice %arg9[%run_scoped3A_17, %dma_start3A_68, %dma_start3A_69] : memref<2x128x128xf32, #tpu.memory_space<vmem>> -> memref<1x128x128xf32, #tpu.memory_space<vmem>>
      %dma_start3A_71 = tpu.memref_squeeze %dma_start3A_70 : memref<1x128x128xf32, #tpu.memory_space<vmem>> -> memref<128x128xf32, #tpu.memory_space<vmem>>
      tpu.enqueue_dma source(%dma_start3A_71 : memref<128x128xf32, #tpu.memory_space<vmem>>) target(%dma_start3A_67 : memref<128x128xf32, #tpu.memory_space<vmem_shared>>) target_semaphore(%run_scoped3A_60 : memref<!tpu.dma_semaphore, #tpu.memory_space<semaphore_mem>>)
      %dma_wait3A = arith.constant 0 : i32
      %dma_wait3A_72 = arith.constant 0 : i32
      %dma_wait3A_73 = tpu.memref_slice %arg9[%run_scoped3A_17, %dma_wait3A, %dma_wait3A_72] : memref<2x128x128xf32, #tpu.memory_space<vmem>> -> memref<1x128x128xf32, #tpu.memory_space<vmem>>
      %dma_wait3A_74 = tpu.memref_squeeze %dma_wait3A_73 : memref<1x128x128xf32, #tpu.memory_space<vmem>> -> memref<128x128xf32, #tpu.memory_space<vmem>>
      %dma_wait3A_75 = arith.constant 0 : i32
      %dma_wait3A_76 = tpu.memref_slice %arg11[%add3A_16, %dma_wait3A_75] : memref<10240x128xf32, #tpu.memory_space<vmem_shared>> -> memref<128x128xf32, #tpu.memory_space<vmem_shared>>
      %dma_wait3A_77 = arith.constant 0 : i32
      %dma_wait3A_78 = tpu.memref_slice %arg11[%add3A_16, %dma_wait3A_77] : memref<10240x128xf32, #tpu.memory_space<vmem_shared>> -> memref<128x128xf32, #tpu.memory_space<vmem_shared>>
      %dma_wait3A_79 = arith.constant 0 : i32
      %dma_wait3A_80 = arith.constant 0 : i32
      %dma_wait3A_81 = tpu.memref_slice %arg9[%run_scoped3A_17, %dma_wait3A_79, %dma_wait3A_80] : memref<2x128x128xf32, #tpu.memory_space<vmem>> -> memref<1x128x128xf32, #tpu.memory_space<vmem>>
      %dma_wait3A_82 = tpu.memref_squeeze %dma_wait3A_81 : memref<1x128x128xf32, #tpu.memory_space<vmem>> -> memref<128x128xf32, #tpu.memory_space<vmem>>
      tpu.wait_dma2 semaphore(%run_scoped3A_60 : memref<!tpu.dma_semaphore, #tpu.memory_space<semaphore_mem>>) src(%dma_wait3A_82 : memref<128x128xf32, #tpu.memory_space<vmem>>) dst(%dma_wait3A_78 : memref<128x128xf32, #tpu.memory_space<vmem_shared>>)
      tpu.yield
    }) : () -> ()
    %mul3A_18 = arith.constant 640 : i32
    %mul3A_19 = arith.muli %arg1, %mul3A_18 : i32
    %add3A_20 = arith.constant 512 : i32
    %add3A_21 = arith.addi %mul3A_19, %add3A_20 : i32
    %run_scoped3A_22 = arith.constant 0 : i32
    "tpu.region"() ({
      %run_scoped3A_60 = tpu.sem_alloc : memref<!tpu.dma_semaphore, #tpu.memory_space<semaphore_mem>>
      %dma_start3A = arith.constant 0 : i32
      %dma_start3A_61 = arith.constant 0 : i32
      %dma_start3A_62 = tpu.memref_slice %arg9[%run_scoped3A_22, %dma_start3A, %dma_start3A_61] : memref<2x128x128xf32, #tpu.memory_space<vmem>> -> memref<1x128x128xf32, #tpu.memory_space<vmem>>
      %dma_start3A_63 = tpu.memref_squeeze %dma_start3A_62 : memref<1x128x128xf32, #tpu.memory_space<vmem>> -> memref<128x128xf32, #tpu.memory_space<vmem>>
      %dma_start3A_64 = arith.constant 0 : i32
      %dma_start3A_65 = tpu.memref_slice %arg11[%add3A_21, %dma_start3A_64] : memref<10240x128xf32, #tpu.memory_space<vmem_shared>> -> memref<128x128xf32, #tpu.memory_space<vmem_shared>>
      %dma_start3A_66 = arith.constant 0 : i32
      %dma_start3A_67 = tpu.memref_slice %arg11[%add3A_21, %dma_start3A_66] : memref<10240x128xf32, #tpu.memory_space<vmem_shared>> -> memref<128x128xf32, #tpu.memory_space<vmem_shared>>
      %dma_start3A_68 = arith.constant 0 : i32
      %dma_start3A_69 = arith.constant 0 : i32
      %dma_start3A_70 = tpu.memref_slice %arg9[%run_scoped3A_22, %dma_start3A_68, %dma_start3A_69] : memref<2x128x128xf32, #tpu.memory_space<vmem>> -> memref<1x128x128xf32, #tpu.memory_space<vmem>>
      %dma_start3A_71 = tpu.memref_squeeze %dma_start3A_70 : memref<1x128x128xf32, #tpu.memory_space<vmem>> -> memref<128x128xf32, #tpu.memory_space<vmem>>
      tpu.enqueue_dma source(%dma_start3A_71 : memref<128x128xf32, #tpu.memory_space<vmem>>) target(%dma_start3A_67 : memref<128x128xf32, #tpu.memory_space<vmem_shared>>) target_semaphore(%run_scoped3A_60 : memref<!tpu.dma_semaphore, #tpu.memory_space<semaphore_mem>>)
      %dma_wait3A = arith.constant 0 : i32
      %dma_wait3A_72 = arith.constant 0 : i32
      %dma_wait3A_73 = tpu.memref_slice %arg9[%run_scoped3A_22, %dma_wait3A, %dma_wait3A_72] : memref<2x128x128xf32, #tpu.memory_space<vmem>> -> memref<1x128x128xf32, #tpu.memory_space<vmem>>
      %dma_wait3A_74 = tpu.memref_squeeze %dma_wait3A_73 : memref<1x128x128xf32, #tpu.memory_space<vmem>> -> memref<128x128xf32, #tpu.memory_space<vmem>>
      %dma_wait3A_75 = arith.constant 0 : i32
      %dma_wait3A_76 = tpu.memref_slice %arg11[%add3A_21, %dma_wait3A_75] : memref<10240x128xf32, #tpu.memory_space<vmem_shared>> -> memref<128x128xf32, #tpu.memory_space<vmem_shared>>
      %dma_wait3A_77 = arith.constant 0 : i32
      %dma_wait3A_78 = tpu.memref_slice %arg11[%add3A_21, %dma_wait3A_77] : memref<10240x128xf32, #tpu.memory_space<vmem_shared>> -> memref<128x128xf32, #tpu.memory_space<vmem_shared>>
      %dma_wait3A_79 = arith.constant 0 : i32
      %dma_wait3A_80 = arith.constant 0 : i32
      %dma_wait3A_81 = tpu.memref_slice %arg9[%run_scoped3A_22, %dma_wait3A_79, %dma_wait3A_80] : memref<2x128x128xf32, #tpu.memory_space<vmem>> -> memref<1x128x128xf32, #tpu.memory_space<vmem>>
      %dma_wait3A_82 = tpu.memref_squeeze %dma_wait3A_81 : memref<1x128x128xf32, #tpu.memory_space<vmem>> -> memref<128x128xf32, #tpu.memory_space<vmem>>
      tpu.wait_dma2 semaphore(%run_scoped3A_60 : memref<!tpu.dma_semaphore, #tpu.memory_space<semaphore_mem>>) src(%dma_wait3A_82 : memref<128x128xf32, #tpu.memory_space<vmem>>) dst(%dma_wait3A_78 : memref<128x128xf32, #tpu.memory_space<vmem_shared>>)
      tpu.yield
    }) : () -> ()
    %barrier3A = arith.constant 0 : index
    tpu.barrier barrier_id(%barrier3A)
    %eq3A = arith.constant 1 : i32
    %eq3A_23 = arith.cmpi eq, %arg0, %eq3A : i32
    %convert_element_type3A = arith.extui %eq3A_23 : i1 to i32
    %cond3A = arith.constant 0 : i32
    %cond3A_24 = arith.cmpi ne, %convert_element_type3A, %cond3A : i32
    scf.if %cond3A_24 {
      %mul3A_60 = arith.constant 144 : i32
      %mul3A_61 = arith.muli %arg1, %mul3A_60 : i32
      %add3A_62 = arith.constant 0 : i32
      %add3A_63 = arith.addi %mul3A_61, %add3A_62 : i32
      "tpu.region"() ({
        %run_scoped3A_120 = tpu.sem_alloc : memref<!tpu.dma_semaphore, #tpu.memory_space<semaphore_mem>>
        %dma_start3A_121 = arith.constant 0 : i32
        %dma_start3A_122 = arith.constant 0 : i32
        %dma_start3A_123 = tpu.memref_slice %arg7[%dma_start3A_121, %dma_start3A_122] : memref<56x128xi32, #tpu.memory_space<vmem>> -> memref<56x128xi32, #tpu.memory_space<vmem>>
        %dma_start3A_124 = arith.constant 0 : i32
        %dma_start3A_125 = tpu.memref_slice %arg3[%add3A_63, %dma_start3A_124] : memref<2560x128xi32, #tpu.memory_space<hbm>> -> memref<56x128xi32, #tpu.memory_space<hbm>>
        %dma_start3A_126 = arith.constant 0 : i32
        %dma_start3A_127 = arith.constant 0 : i32
        %dma_start3A_128 = tpu.memref_slice %arg7[%dma_start3A_126, %dma_start3A_127] : memref<56x128xi32, #tpu.memory_space<vmem>> -> memref<56x128xi32, #tpu.memory_space<vmem>>
        %dma_start3A_129 = arith.constant 0 : i32
        %dma_start3A_130 = tpu.memref_slice %arg3[%add3A_63, %dma_start3A_129] : memref<2560x128xi32, #tpu.memory_space<hbm>> -> memref<56x128xi32, #tpu.memory_space<hbm>>
        tpu.enqueue_dma source(%dma_start3A_130 : memref<56x128xi32, #tpu.memory_space<hbm>>) target(%dma_start3A_128 : memref<56x128xi32, #tpu.memory_space<vmem>>) target_semaphore(%run_scoped3A_120 : memref<!tpu.dma_semaphore, #tpu.memory_space<semaphore_mem>>)
        %dma_wait3A = arith.constant 0 : i32
        %dma_wait3A_131 = arith.constant 0 : i32
        %dma_wait3A_132 = tpu.memref_slice %arg7[%dma_wait3A, %dma_wait3A_131] : memref<56x128xi32, #tpu.memory_space<vmem>> -> memref<56x128xi32, #tpu.memory_space<vmem>>
        %dma_wait3A_133 = arith.constant 0 : i32
        %dma_wait3A_134 = tpu.memref_slice %arg3[%add3A_63, %dma_wait3A_133] : memref<2560x128xi32, #tpu.memory_space<hbm>> -> memref<56x128xi32, #tpu.memory_space<hbm>>
        %dma_wait3A_135 = arith.constant 0 : i32
        %dma_wait3A_136 = arith.constant 0 : i32
        %dma_wait3A_137 = tpu.memref_slice %arg7[%dma_wait3A_135, %dma_wait3A_136] : memref<56x128xi32, #tpu.memory_space<vmem>> -> memref<56x128xi32, #tpu.memory_space<vmem>>
        %dma_wait3A_138 = arith.constant 0 : i32
        %dma_wait3A_139 = tpu.memref_slice %arg3[%add3A_63, %dma_wait3A_138] : memref<2560x128xi32, #tpu.memory_space<hbm>> -> memref<56x128xi32, #tpu.memory_space<hbm>>
        tpu.wait_dma2 semaphore(%run_scoped3A_120 : memref<!tpu.dma_semaphore, #tpu.memory_space<semaphore_mem>>) src(%dma_wait3A_139 : memref<56x128xi32, #tpu.memory_space<hbm>>) dst(%dma_wait3A_137 : memref<56x128xi32, #tpu.memory_space<vmem>>)
        tpu.yield
      }) : () -> ()
      "tpu.region"() ({
        %run_scoped3A_120 = tpu.sem_alloc : memref<!tpu.dma_semaphore, #tpu.memory_space<semaphore_mem>>
        %dma_start3A_121 = arith.constant 0 : i32
        %dma_start3A_122 = arith.constant 0 : i32
        %dma_start3A_123 = tpu.memref_slice %arg8[%dma_start3A_121, %dma_start3A_122] : memref<56x128xi32, #tpu.memory_space<vmem>> -> memref<56x128xi32, #tpu.memory_space<vmem>>
        %dma_start3A_124 = arith.constant 0 : i32
        %dma_start3A_125 = tpu.memref_slice %arg4[%add3A_63, %dma_start3A_124] : memref<2560x128xi32, #tpu.memory_space<hbm>> -> memref<56x128xi32, #tpu.memory_space<hbm>>
        %dma_start3A_126 = arith.constant 0 : i32
        %dma_start3A_127 = arith.constant 0 : i32
        %dma_start3A_128 = tpu.memref_slice %arg8[%dma_start3A_126, %dma_start3A_127] : memref<56x128xi32, #tpu.memory_space<vmem>> -> memref<56x128xi32, #tpu.memory_space<vmem>>
        %dma_start3A_129 = arith.constant 0 : i32
        %dma_start3A_130 = tpu.memref_slice %arg4[%add3A_63, %dma_start3A_129] : memref<2560x128xi32, #tpu.memory_space<hbm>> -> memref<56x128xi32, #tpu.memory_space<hbm>>
        tpu.enqueue_dma source(%dma_start3A_130 : memref<56x128xi32, #tpu.memory_space<hbm>>) target(%dma_start3A_128 : memref<56x128xi32, #tpu.memory_space<vmem>>) target_semaphore(%run_scoped3A_120 : memref<!tpu.dma_semaphore, #tpu.memory_space<semaphore_mem>>)
        %dma_wait3A = arith.constant 0 : i32
        %dma_wait3A_131 = arith.constant 0 : i32
        %dma_wait3A_132 = tpu.memref_slice %arg8[%dma_wait3A, %dma_wait3A_131] : memref<56x128xi32, #tpu.memory_space<vmem>> -> memref<56x128xi32, #tpu.memory_space<vmem>>
        %dma_wait3A_133 = arith.constant 0 : i32
        %dma_wait3A_134 = tpu.memref_slice %arg4[%add3A_63, %dma_wait3A_133] : memref<2560x128xi32, #tpu.memory_space<hbm>> -> memref<56x128xi32, #tpu.memory_space<hbm>>
        %dma_wait3A_135 = arith.constant 0 : i32
        %dma_wait3A_136 = arith.constant 0 : i32
        %dma_wait3A_137 = tpu.memref_slice %arg8[%dma_wait3A_135, %dma_wait3A_136] : memref<56x128xi32, #tpu.memory_space<vmem>> -> memref<56x128xi32, #tpu.memory_space<vmem>>
        %dma_wait3A_138 = arith.constant 0 : i32
        %dma_wait3A_139 = tpu.memref_slice %arg4[%add3A_63, %dma_wait3A_138] : memref<2560x128xi32, #tpu.memory_space<hbm>> -> memref<56x128xi32, #tpu.memory_space<hbm>>
        tpu.wait_dma2 semaphore(%run_scoped3A_120 : memref<!tpu.dma_semaphore, #tpu.memory_space<semaphore_mem>>) src(%dma_wait3A_139 : memref<56x128xi32, #tpu.memory_space<hbm>>) dst(%dma_wait3A_137 : memref<56x128xi32, #tpu.memory_space<vmem>>)
        tpu.yield
      }) : () -> ()
      %dma_start3A = arith.constant 0 : i32
      %dma_start3A_64 = arith.constant 0 : i32
      %dma_start3A_65 = arith.constant 0 : i32
      %dma_start3A_66 = arith.constant 0 : i32
      %dma_start3A_67 = tpu.memref_slice %arg9[%dma_start3A_64, %dma_start3A_65, %dma_start3A_66] : memref<2x128x128xf32, #tpu.memory_space<vmem>> -> memref<1x128x128xf32, #tpu.memory_space<vmem>>
      %dma_start3A_68 = tpu.memref_squeeze %dma_start3A_67 : memref<1x128x128xf32, #tpu.memory_space<vmem>> -> memref<128x128xf32, #tpu.memory_space<vmem>>
      %dma_start3A_69 = arith.constant 0 : i32
      %dma_start3A_70 = tpu.memref_slice %arg7[%dma_start3A, %dma_start3A_69] : memref<56x128xi32, #tpu.memory_space<vmem>> -> memref<1x128xi32, #tpu.memory_space<vmem>>
      %dma_start3A_71 = tpu.memref_squeeze %dma_start3A_70 : memref<1x128xi32, #tpu.memory_space<vmem>> -> memref<128xi32, #tpu.memory_space<vmem>>
      %dma_start3A_72 = arith.constant 0 : i32
      %dma_start3A_73 = arith.constant 0 : i32
      %dma_start3A_74 = tpu.memref_slice %arg2[%dma_start3A_72, %dma_start3A_73] : memref<10240x128xf32, #tpu.memory_space<hbm>> -> memref<10240x128xf32, #tpu.memory_space<hbm>>
      tpu.enqueue_indirect_dma source(%dma_start3A_74 : memref<10240x128xf32, #tpu.memory_space<hbm>>) target(%dma_start3A_68 : memref<128x128xf32, #tpu.memory_space<vmem>>) offsets(%dma_start3A_71 : memref<128xi32, #tpu.memory_space<vmem>>) semaphore(%arg10 : memref<!tpu.dma_semaphore, #tpu.memory_space<semaphore_mem>>)
      %scan3A = arith.constant 0 : i32
      %scan3A_75 = arith.constant 0 : i32
      %scan3A_76 = arith.constant 56 : i32
      %scan3A_77 = arith.addi %scan3A_75, %scan3A_76 : i32
      %scan3A_78 = arith.constant 1 : i32
      scf.for %scan3A_120 = %scan3A_75 to %scan3A_77 step %scan3A_78  : i32 {
        %rem3A = arith.constant 2 : i32
        %rem3A_121 = arith.remsi %scan3A_120, %rem3A : i32
        %dma_wait3A = arith.constant 0 : i32
        %dma_wait3A_122 = arith.constant 0 : i32
        %dma_wait3A_123 = tpu.memref_slice %arg9[%rem3A_121, %dma_wait3A, %dma_wait3A_122] : memref<2x128x128xf32, #tpu.memory_space<vmem>> -> memref<1x128x128xf32, #tpu.memory_space<vmem>>
        %dma_wait3A_124 = tpu.memref_squeeze %dma_wait3A_123 : memref<1x128x128xf32, #tpu.memory_space<vmem>> -> memref<128x128xf32, #tpu.memory_space<vmem>>
        %dma_wait3A_125 = arith.constant 0 : i32
        %dma_wait3A_126 = tpu.memref_slice %arg7[%scan3A_120, %dma_wait3A_125] : memref<56x128xi32, #tpu.memory_space<vmem>> -> memref<1x128xi32, #tpu.memory_space<vmem>>
        %dma_wait3A_127 = tpu.memref_squeeze %dma_wait3A_126 : memref<1x128xi32, #tpu.memory_space<vmem>> -> memref<128xi32, #tpu.memory_space<vmem>>
        %dma_wait3A_128 = arith.constant 0 : i32
        %dma_wait3A_129 = arith.constant 0 : i32
        %dma_wait3A_130 = tpu.memref_slice %arg2[%dma_wait3A_128, %dma_wait3A_129] : memref<10240x128xf32, #tpu.memory_space<hbm>> -> memref<10240x128xf32, #tpu.memory_space<hbm>>
        tpu.wait_indirect_dma semaphore(%arg10 : memref<!tpu.dma_semaphore, #tpu.memory_space<semaphore_mem>>) src(%dma_wait3A_130 : memref<10240x128xf32, #tpu.memory_space<hbm>>) dst(%dma_wait3A_124 : memref<128x128xf32, #tpu.memory_space<vmem>>)
        %lt3A = arith.constant 55 : i32
        %lt3A_131 = arith.cmpi slt, %scan3A_120, %lt3A : i32
        %convert_element_type3A_132 = arith.extui %lt3A_131 : i1 to i32
        %cond3A_133 = arith.constant 0 : i32
        %cond3A_134 = arith.cmpi ne, %convert_element_type3A_132, %cond3A_133 : i32
        scf.if %cond3A_134 {
          %add3A_135 = arith.constant 1 : i32
          %add3A_136 = arith.addi %scan3A_120, %add3A_135 : i32
          %sub3A = arith.constant 1 : i32
          %sub3A_137 = arith.subi %sub3A, %rem3A_121 : i32
          %dma_start3A_138 = arith.constant 0 : i32
          %dma_start3A_139 = arith.constant 0 : i32
          %dma_start3A_140 = tpu.memref_slice %arg9[%sub3A_137, %dma_start3A_138, %dma_start3A_139] : memref<2x128x128xf32, #tpu.memory_space<vmem>> -> memref<1x128x128xf32, #tpu.memory_space<vmem>>
          %dma_start3A_141 = tpu.memref_squeeze %dma_start3A_140 : memref<1x128x128xf32, #tpu.memory_space<vmem>> -> memref<128x128xf32, #tpu.memory_space<vmem>>
          %dma_start3A_142 = arith.constant 0 : i32
          %dma_start3A_143 = tpu.memref_slice %arg7[%add3A_136, %dma_start3A_142] : memref<56x128xi32, #tpu.memory_space<vmem>> -> memref<1x128xi32, #tpu.memory_space<vmem>>
          %dma_start3A_144 = tpu.memref_squeeze %dma_start3A_143 : memref<1x128xi32, #tpu.memory_space<vmem>> -> memref<128xi32, #tpu.memory_space<vmem>>
          %dma_start3A_145 = arith.constant 0 : i32
          %dma_start3A_146 = arith.constant 0 : i32
          %dma_start3A_147 = tpu.memref_slice %arg2[%dma_start3A_145, %dma_start3A_146] : memref<10240x128xf32, #tpu.memory_space<hbm>> -> memref<10240x128xf32, #tpu.memory_space<hbm>>
          tpu.enqueue_indirect_dma source(%dma_start3A_147 : memref<10240x128xf32, #tpu.memory_space<hbm>>) target(%dma_start3A_141 : memref<128x128xf32, #tpu.memory_space<vmem>>) offsets(%dma_start3A_144 : memref<128xi32, #tpu.memory_space<vmem>>) semaphore(%arg10 : memref<!tpu.dma_semaphore, #tpu.memory_space<semaphore_mem>>)
        } else {
        }
        "tpu.region"() ({
          %run_scoped3A_135 = tpu.sem_alloc : memref<!tpu.dma_semaphore, #tpu.memory_space<semaphore_mem>>
          %dma_start3A_136 = arith.constant 0 : i32
          %dma_start3A_137 = arith.constant 0 : i32
          %dma_start3A_138 = tpu.memref_slice %arg9[%rem3A_121, %dma_start3A_136, %dma_start3A_137] : memref<2x128x128xf32, #tpu.memory_space<vmem>> -> memref<1x128x128xf32, #tpu.memory_space<vmem>>
          %dma_start3A_139 = tpu.memref_squeeze %dma_start3A_138 : memref<1x128x128xf32, #tpu.memory_space<vmem>> -> memref<128x128xf32, #tpu.memory_space<vmem>>
          %dma_start3A_140 = arith.constant 0 : i32
          %dma_start3A_141 = tpu.memref_slice %arg8[%scan3A_120, %dma_start3A_140] : memref<56x128xi32, #tpu.memory_space<vmem>> -> memref<1x128xi32, #tpu.memory_space<vmem>>
          %dma_start3A_142 = tpu.memref_squeeze %dma_start3A_141 : memref<1x128xi32, #tpu.memory_space<vmem>> -> memref<128xi32, #tpu.memory_space<vmem>>
          %dma_start3A_143 = arith.constant 0 : i32
          %dma_start3A_144 = arith.constant 0 : i32
          %dma_start3A_145 = tpu.memref_slice %arg11[%dma_start3A_143, %dma_start3A_144] : memref<10240x128xf32, #tpu.memory_space<vmem_shared>> -> memref<10240x128xf32, #tpu.memory_space<vmem_shared>>
          tpu.enqueue_indirect_dma source(%dma_start3A_139 : memref<128x128xf32, #tpu.memory_space<vmem>>) target(%dma_start3A_145 : memref<10240x128xf32, #tpu.memory_space<vmem_shared>>) offsets(%dma_start3A_142 : memref<128xi32, #tpu.memory_space<vmem>>) semaphore(%run_scoped3A_135 : memref<!tpu.dma_semaphore, #tpu.memory_space<semaphore_mem>>) {add = true}
          %dma_wait3A_146 = arith.constant 0 : i32
          %dma_wait3A_147 = arith.constant 0 : i32
          %dma_wait3A_148 = tpu.memref_slice %arg9[%rem3A_121, %dma_wait3A_146, %dma_wait3A_147] : memref<2x128x128xf32, #tpu.memory_space<vmem>> -> memref<1x128x128xf32, #tpu.memory_space<vmem>>
          %dma_wait3A_149 = tpu.memref_squeeze %dma_wait3A_148 : memref<1x128x128xf32, #tpu.memory_space<vmem>> -> memref<128x128xf32, #tpu.memory_space<vmem>>
          %dma_wait3A_150 = arith.constant 0 : i32
          %dma_wait3A_151 = tpu.memref_slice %arg8[%scan3A_120, %dma_wait3A_150] : memref<56x128xi32, #tpu.memory_space<vmem>> -> memref<1x128xi32, #tpu.memory_space<vmem>>
          %dma_wait3A_152 = tpu.memref_squeeze %dma_wait3A_151 : memref<1x128xi32, #tpu.memory_space<vmem>> -> memref<128xi32, #tpu.memory_space<vmem>>
          %dma_wait3A_153 = arith.constant 0 : i32
          %dma_wait3A_154 = arith.constant 0 : i32
          %dma_wait3A_155 = tpu.memref_slice %arg11[%dma_wait3A_153, %dma_wait3A_154] : memref<10240x128xf32, #tpu.memory_space<vmem_shared>> -> memref<10240x128xf32, #tpu.memory_space<vmem_shared>>
          tpu.wait_indirect_dma semaphore(%run_scoped3A_135 : memref<!tpu.dma_semaphore, #tpu.memory_space<semaphore_mem>>) src(%dma_wait3A_149 : memref<128x128xf32, #tpu.memory_space<vmem>>) dst(%dma_wait3A_155 : memref<10240x128xf32, #tpu.memory_space<vmem_shared>>)
          tpu.yield
        }) : () -> ()
      }
      %scan3A_79 = arith.constant 56 : i32
      %add3A_80 = arith.constant 56 : i32
      %add3A_81 = arith.addi %mul3A_61, %add3A_80 : i32
      "tpu.region"() ({
        %run_scoped3A_120 = tpu.sem_alloc : memref<!tpu.dma_semaphore, #tpu.memory_space<semaphore_mem>>
        %dma_start3A_121 = arith.constant 0 : i32
        %dma_start3A_122 = arith.constant 0 : i32
        %dma_start3A_123 = tpu.memref_slice %arg7[%dma_start3A_121, %dma_start3A_122] : memref<56x128xi32, #tpu.memory_space<vmem>> -> memref<56x128xi32, #tpu.memory_space<vmem>>
        %dma_start3A_124 = arith.constant 0 : i32
        %dma_start3A_125 = tpu.memref_slice %arg3[%add3A_81, %dma_start3A_124] : memref<2560x128xi32, #tpu.memory_space<hbm>> -> memref<56x128xi32, #tpu.memory_space<hbm>>
        %dma_start3A_126 = arith.constant 0 : i32
        %dma_start3A_127 = arith.constant 0 : i32
        %dma_start3A_128 = tpu.memref_slice %arg7[%dma_start3A_126, %dma_start3A_127] : memref<56x128xi32, #tpu.memory_space<vmem>> -> memref<56x128xi32, #tpu.memory_space<vmem>>
        %dma_start3A_129 = arith.constant 0 : i32
        %dma_start3A_130 = tpu.memref_slice %arg3[%add3A_81, %dma_start3A_129] : memref<2560x128xi32, #tpu.memory_space<hbm>> -> memref<56x128xi32, #tpu.memory_space<hbm>>
        tpu.enqueue_dma source(%dma_start3A_130 : memref<56x128xi32, #tpu.memory_space<hbm>>) target(%dma_start3A_128 : memref<56x128xi32, #tpu.memory_space<vmem>>) target_semaphore(%run_scoped3A_120 : memref<!tpu.dma_semaphore, #tpu.memory_space<semaphore_mem>>)
        %dma_wait3A = arith.constant 0 : i32
        %dma_wait3A_131 = arith.constant 0 : i32
        %dma_wait3A_132 = tpu.memref_slice %arg7[%dma_wait3A, %dma_wait3A_131] : memref<56x128xi32, #tpu.memory_space<vmem>> -> memref<56x128xi32, #tpu.memory_space<vmem>>
        %dma_wait3A_133 = arith.constant 0 : i32
        %dma_wait3A_134 = tpu.memref_slice %arg3[%add3A_81, %dma_wait3A_133] : memref<2560x128xi32, #tpu.memory_space<hbm>> -> memref<56x128xi32, #tpu.memory_space<hbm>>
        %dma_wait3A_135 = arith.constant 0 : i32
        %dma_wait3A_136 = arith.constant 0 : i32
        %dma_wait3A_137 = tpu.memref_slice %arg7[%dma_wait3A_135, %dma_wait3A_136] : memref<56x128xi32, #tpu.memory_space<vmem>> -> memref<56x128xi32, #tpu.memory_space<vmem>>
        %dma_wait3A_138 = arith.constant 0 : i32
        %dma_wait3A_139 = tpu.memref_slice %arg3[%add3A_81, %dma_wait3A_138] : memref<2560x128xi32, #tpu.memory_space<hbm>> -> memref<56x128xi32, #tpu.memory_space<hbm>>
        tpu.wait_dma2 semaphore(%run_scoped3A_120 : memref<!tpu.dma_semaphore, #tpu.memory_space<semaphore_mem>>) src(%dma_wait3A_139 : memref<56x128xi32, #tpu.memory_space<hbm>>) dst(%dma_wait3A_137 : memref<56x128xi32, #tpu.memory_space<vmem>>)
        tpu.yield
      }) : () -> ()
      "tpu.region"() ({
        %run_scoped3A_120 = tpu.sem_alloc : memref<!tpu.dma_semaphore, #tpu.memory_space<semaphore_mem>>
        %dma_start3A_121 = arith.constant 0 : i32
        %dma_start3A_122 = arith.constant 0 : i32
        %dma_start3A_123 = tpu.memref_slice %arg8[%dma_start3A_121, %dma_start3A_122] : memref<56x128xi32, #tpu.memory_space<vmem>> -> memref<56x128xi32, #tpu.memory_space<vmem>>
        %dma_start3A_124 = arith.constant 0 : i32
        %dma_start3A_125 = tpu.memref_slice %arg4[%add3A_81, %dma_start3A_124] : memref<2560x128xi32, #tpu.memory_space<hbm>> -> memref<56x128xi32, #tpu.memory_space<hbm>>
        %dma_start3A_126 = arith.constant 0 : i32
        %dma_start3A_127 = arith.constant 0 : i32
        %dma_start3A_128 = tpu.memref_slice %arg8[%dma_start3A_126, %dma_start3A_127] : memref<56x128xi32, #tpu.memory_space<vmem>> -> memref<56x128xi32, #tpu.memory_space<vmem>>
        %dma_start3A_129 = arith.constant 0 : i32
        %dma_start3A_130 = tpu.memref_slice %arg4[%add3A_81, %dma_start3A_129] : memref<2560x128xi32, #tpu.memory_space<hbm>> -> memref<56x128xi32, #tpu.memory_space<hbm>>
        tpu.enqueue_dma source(%dma_start3A_130 : memref<56x128xi32, #tpu.memory_space<hbm>>) target(%dma_start3A_128 : memref<56x128xi32, #tpu.memory_space<vmem>>) target_semaphore(%run_scoped3A_120 : memref<!tpu.dma_semaphore, #tpu.memory_space<semaphore_mem>>)
        %dma_wait3A = arith.constant 0 : i32
        %dma_wait3A_131 = arith.constant 0 : i32
        %dma_wait3A_132 = tpu.memref_slice %arg8[%dma_wait3A, %dma_wait3A_131] : memref<56x128xi32, #tpu.memory_space<vmem>> -> memref<56x128xi32, #tpu.memory_space<vmem>>
        %dma_wait3A_133 = arith.constant 0 : i32
        %dma_wait3A_134 = tpu.memref_slice %arg4[%add3A_81, %dma_wait3A_133] : memref<2560x128xi32, #tpu.memory_space<hbm>> -> memref<56x128xi32, #tpu.memory_space<hbm>>
        %dma_wait3A_135 = arith.constant 0 : i32
        %dma_wait3A_136 = arith.constant 0 : i32
        %dma_wait3A_137 = tpu.memref_slice %arg8[%dma_wait3A_135, %dma_wait3A_136] : memref<56x128xi32, #tpu.memory_space<vmem>> -> memref<56x128xi32, #tpu.memory_space<vmem>>
        %dma_wait3A_138 = arith.constant 0 : i32
        %dma_wait3A_139 = tpu.memref_slice %arg4[%add3A_81, %dma_wait3A_138] : memref<2560x128xi32, #tpu.memory_space<hbm>> -> memref<56x128xi32, #tpu.memory_space<hbm>>
        tpu.wait_dma2 semaphore(%run_scoped3A_120 : memref<!tpu.dma_semaphore, #tpu.memory_space<semaphore_mem>>) src(%dma_wait3A_139 : memref<56x128xi32, #tpu.memory_space<hbm>>) dst(%dma_wait3A_137 : memref<56x128xi32, #tpu.memory_space<vmem>>)
        tpu.yield
      }) : () -> ()
      %dma_start3A_82 = arith.constant 0 : i32
      %dma_start3A_83 = arith.constant 0 : i32
      %dma_start3A_84 = arith.constant 0 : i32
      %dma_start3A_85 = arith.constant 0 : i32
      %dma_start3A_86 = tpu.memref_slice %arg9[%dma_start3A_83, %dma_start3A_84, %dma_start3A_85] : memref<2x128x128xf32, #tpu.memory_space<vmem>> -> memref<1x128x128xf32, #tpu.memory_space<vmem>>
      %dma_start3A_87 = tpu.memref_squeeze %dma_start3A_86 : memref<1x128x128xf32, #tpu.memory_space<vmem>> -> memref<128x128xf32, #tpu.memory_space<vmem>>
      %dma_start3A_88 = arith.constant 0 : i32
      %dma_start3A_89 = tpu.memref_slice %arg7[%dma_start3A_82, %dma_start3A_88] : memref<56x128xi32, #tpu.memory_space<vmem>> -> memref<1x128xi32, #tpu.memory_space<vmem>>
      %dma_start3A_90 = tpu.memref_squeeze %dma_start3A_89 : memref<1x128xi32, #tpu.memory_space<vmem>> -> memref<128xi32, #tpu.memory_space<vmem>>
      %dma_start3A_91 = arith.constant 0 : i32
      %dma_start3A_92 = arith.constant 0 : i32
      %dma_start3A_93 = tpu.memref_slice %arg2[%dma_start3A_91, %dma_start3A_92] : memref<10240x128xf32, #tpu.memory_space<hbm>> -> memref<10240x128xf32, #tpu.memory_space<hbm>>
      tpu.enqueue_indirect_dma source(%dma_start3A_93 : memref<10240x128xf32, #tpu.memory_space<hbm>>) target(%dma_start3A_87 : memref<128x128xf32, #tpu.memory_space<vmem>>) offsets(%dma_start3A_90 : memref<128xi32, #tpu.memory_space<vmem>>) semaphore(%arg10 : memref<!tpu.dma_semaphore, #tpu.memory_space<semaphore_mem>>)
      %scan3A_94 = arith.constant 0 : i32
      %scan3A_95 = arith.constant 0 : i32
      %scan3A_96 = arith.constant 56 : i32
      %scan3A_97 = arith.addi %scan3A_95, %scan3A_96 : i32
      %scan3A_98 = arith.constant 1 : i32
      scf.for %scan3A_120 = %scan3A_95 to %scan3A_97 step %scan3A_98  : i32 {
        %rem3A = arith.constant 2 : i32
        %rem3A_121 = arith.remsi %scan3A_120, %rem3A : i32
        %dma_wait3A = arith.constant 0 : i32
        %dma_wait3A_122 = arith.constant 0 : i32
        %dma_wait3A_123 = tpu.memref_slice %arg9[%rem3A_121, %dma_wait3A, %dma_wait3A_122] : memref<2x128x128xf32, #tpu.memory_space<vmem>> -> memref<1x128x128xf32, #tpu.memory_space<vmem>>
        %dma_wait3A_124 = tpu.memref_squeeze %dma_wait3A_123 : memref<1x128x128xf32, #tpu.memory_space<vmem>> -> memref<128x128xf32, #tpu.memory_space<vmem>>
        %dma_wait3A_125 = arith.constant 0 : i32
        %dma_wait3A_126 = tpu.memref_slice %arg7[%scan3A_120, %dma_wait3A_125] : memref<56x128xi32, #tpu.memory_space<vmem>> -> memref<1x128xi32, #tpu.memory_space<vmem>>
        %dma_wait3A_127 = tpu.memref_squeeze %dma_wait3A_126 : memref<1x128xi32, #tpu.memory_space<vmem>> -> memref<128xi32, #tpu.memory_space<vmem>>
        %dma_wait3A_128 = arith.constant 0 : i32
        %dma_wait3A_129 = arith.constant 0 : i32
        %dma_wait3A_130 = tpu.memref_slice %arg2[%dma_wait3A_128, %dma_wait3A_129] : memref<10240x128xf32, #tpu.memory_space<hbm>> -> memref<10240x128xf32, #tpu.memory_space<hbm>>
        tpu.wait_indirect_dma semaphore(%arg10 : memref<!tpu.dma_semaphore, #tpu.memory_space<semaphore_mem>>) src(%dma_wait3A_130 : memref<10240x128xf32, #tpu.memory_space<hbm>>) dst(%dma_wait3A_124 : memref<128x128xf32, #tpu.memory_space<vmem>>)
        %lt3A = arith.constant 55 : i32
        %lt3A_131 = arith.cmpi slt, %scan3A_120, %lt3A : i32
        %convert_element_type3A_132 = arith.extui %lt3A_131 : i1 to i32
        %cond3A_133 = arith.constant 0 : i32
        %cond3A_134 = arith.cmpi ne, %convert_element_type3A_132, %cond3A_133 : i32
        scf.if %cond3A_134 {
          %add3A_135 = arith.constant 1 : i32
          %add3A_136 = arith.addi %scan3A_120, %add3A_135 : i32
          %sub3A = arith.constant 1 : i32
          %sub3A_137 = arith.subi %sub3A, %rem3A_121 : i32
          %dma_start3A_138 = arith.constant 0 : i32
          %dma_start3A_139 = arith.constant 0 : i32
          %dma_start3A_140 = tpu.memref_slice %arg9[%sub3A_137, %dma_start3A_138, %dma_start3A_139] : memref<2x128x128xf32, #tpu.memory_space<vmem>> -> memref<1x128x128xf32, #tpu.memory_space<vmem>>
          %dma_start3A_141 = tpu.memref_squeeze %dma_start3A_140 : memref<1x128x128xf32, #tpu.memory_space<vmem>> -> memref<128x128xf32, #tpu.memory_space<vmem>>
          %dma_start3A_142 = arith.constant 0 : i32
          %dma_start3A_143 = tpu.memref_slice %arg7[%add3A_136, %dma_start3A_142] : memref<56x128xi32, #tpu.memory_space<vmem>> -> memref<1x128xi32, #tpu.memory_space<vmem>>
          %dma_start3A_144 = tpu.memref_squeeze %dma_start3A_143 : memref<1x128xi32, #tpu.memory_space<vmem>> -> memref<128xi32, #tpu.memory_space<vmem>>
          %dma_start3A_145 = arith.constant 0 : i32
          %dma_start3A_146 = arith.constant 0 : i32
          %dma_start3A_147 = tpu.memref_slice %arg2[%dma_start3A_145, %dma_start3A_146] : memref<10240x128xf32, #tpu.memory_space<hbm>> -> memref<10240x128xf32, #tpu.memory_space<hbm>>
          tpu.enqueue_indirect_dma source(%dma_start3A_147 : memref<10240x128xf32, #tpu.memory_space<hbm>>) target(%dma_start3A_141 : memref<128x128xf32, #tpu.memory_space<vmem>>) offsets(%dma_start3A_144 : memref<128xi32, #tpu.memory_space<vmem>>) semaphore(%arg10 : memref<!tpu.dma_semaphore, #tpu.memory_space<semaphore_mem>>)
        } else {
        }
        "tpu.region"() ({
          %run_scoped3A_135 = tpu.sem_alloc : memref<!tpu.dma_semaphore, #tpu.memory_space<semaphore_mem>>
          %dma_start3A_136 = arith.constant 0 : i32
          %dma_start3A_137 = arith.constant 0 : i32
          %dma_start3A_138 = tpu.memref_slice %arg9[%rem3A_121, %dma_start3A_136, %dma_start3A_137] : memref<2x128x128xf32, #tpu.memory_space<vmem>> -> memref<1x128x128xf32, #tpu.memory_space<vmem>>
          %dma_start3A_139 = tpu.memref_squeeze %dma_start3A_138 : memref<1x128x128xf32, #tpu.memory_space<vmem>> -> memref<128x128xf32, #tpu.memory_space<vmem>>
          %dma_start3A_140 = arith.constant 0 : i32
          %dma_start3A_141 = tpu.memref_slice %arg8[%scan3A_120, %dma_start3A_140] : memref<56x128xi32, #tpu.memory_space<vmem>> -> memref<1x128xi32, #tpu.memory_space<vmem>>
          %dma_start3A_142 = tpu.memref_squeeze %dma_start3A_141 : memref<1x128xi32, #tpu.memory_space<vmem>> -> memref<128xi32, #tpu.memory_space<vmem>>
          %dma_start3A_143 = arith.constant 0 : i32
          %dma_start3A_144 = arith.constant 0 : i32
          %dma_start3A_145 = tpu.memref_slice %arg11[%dma_start3A_143, %dma_start3A_144] : memref<10240x128xf32, #tpu.memory_space<vmem_shared>> -> memref<10240x128xf32, #tpu.memory_space<vmem_shared>>
          tpu.enqueue_indirect_dma source(%dma_start3A_139 : memref<128x128xf32, #tpu.memory_space<vmem>>) target(%dma_start3A_145 : memref<10240x128xf32, #tpu.memory_space<vmem_shared>>) offsets(%dma_start3A_142 : memref<128xi32, #tpu.memory_space<vmem>>) semaphore(%run_scoped3A_135 : memref<!tpu.dma_semaphore, #tpu.memory_space<semaphore_mem>>) {add = true}
          %dma_wait3A_146 = arith.constant 0 : i32
          %dma_wait3A_147 = arith.constant 0 : i32
          %dma_wait3A_148 = tpu.memref_slice %arg9[%rem3A_121, %dma_wait3A_146, %dma_wait3A_147] : memref<2x128x128xf32, #tpu.memory_space<vmem>> -> memref<1x128x128xf32, #tpu.memory_space<vmem>>
          %dma_wait3A_149 = tpu.memref_squeeze %dma_wait3A_148 : memref<1x128x128xf32, #tpu.memory_space<vmem>> -> memref<128x128xf32, #tpu.memory_space<vmem>>
          %dma_wait3A_150 = arith.constant 0 : i32
          %dma_wait3A_151 = tpu.memref_slice %arg8[%scan3A_120, %dma_wait3A_150] : memref<56x128xi32, #tpu.memory_space<vmem>> -> memref<1x128xi32, #tpu.memory_space<vmem>>
          %dma_wait3A_152 = tpu.memref_squeeze %dma_wait3A_151 : memref<1x128xi32, #tpu.memory_space<vmem>> -> memref<128xi32, #tpu.memory_space<vmem>>
          %dma_wait3A_153 = arith.constant 0 : i32
          %dma_wait3A_154 = arith.constant 0 : i32
          %dma_wait3A_155 = tpu.memref_slice %arg11[%dma_wait3A_153, %dma_wait3A_154] : memref<10240x128xf32, #tpu.memory_space<vmem_shared>> -> memref<10240x128xf32, #tpu.memory_space<vmem_shared>>
          tpu.wait_indirect_dma semaphore(%run_scoped3A_135 : memref<!tpu.dma_semaphore, #tpu.memory_space<semaphore_mem>>) src(%dma_wait3A_149 : memref<128x128xf32, #tpu.memory_space<vmem>>) dst(%dma_wait3A_155 : memref<10240x128xf32, #tpu.memory_space<vmem_shared>>)
          tpu.yield
        }) : () -> ()
      }
      %scan3A_99 = arith.constant 56 : i32
      %add3A_100 = arith.constant 112 : i32
      %add3A_101 = arith.addi %mul3A_61, %add3A_100 : i32
      "tpu.region"() ({
        %run_scoped3A_120 = tpu.sem_alloc : memref<!tpu.dma_semaphore, #tpu.memory_space<semaphore_mem>>
        %dma_start3A_121 = arith.constant 0 : i32
        %dma_start3A_122 = arith.constant 0 : i32
        %dma_start3A_123 = tpu.memref_slice %arg7[%dma_start3A_121, %dma_start3A_122] : memref<56x128xi32, #tpu.memory_space<vmem>> -> memref<32x128xi32, #tpu.memory_space<vmem>>
        %dma_start3A_124 = arith.constant 0 : i32
        %dma_start3A_125 = tpu.memref_slice %arg3[%add3A_101, %dma_start3A_124] : memref<2560x128xi32, #tpu.memory_space<hbm>> -> memref<32x128xi32, #tpu.memory_space<hbm>>
        %dma_start3A_126 = arith.constant 0 : i32
        %dma_start3A_127 = arith.constant 0 : i32
        %dma_start3A_128 = tpu.memref_slice %arg7[%dma_start3A_126, %dma_start3A_127] : memref<56x128xi32, #tpu.memory_space<vmem>> -> memref<32x128xi32, #tpu.memory_space<vmem>>
        %dma_start3A_129 = arith.constant 0 : i32
        %dma_start3A_130 = tpu.memref_slice %arg3[%add3A_101, %dma_start3A_129] : memref<2560x128xi32, #tpu.memory_space<hbm>> -> memref<32x128xi32, #tpu.memory_space<hbm>>
        tpu.enqueue_dma source(%dma_start3A_130 : memref<32x128xi32, #tpu.memory_space<hbm>>) target(%dma_start3A_128 : memref<32x128xi32, #tpu.memory_space<vmem>>) target_semaphore(%run_scoped3A_120 : memref<!tpu.dma_semaphore, #tpu.memory_space<semaphore_mem>>)
        %dma_wait3A = arith.constant 0 : i32
        %dma_wait3A_131 = arith.constant 0 : i32
        %dma_wait3A_132 = tpu.memref_slice %arg7[%dma_wait3A, %dma_wait3A_131] : memref<56x128xi32, #tpu.memory_space<vmem>> -> memref<32x128xi32, #tpu.memory_space<vmem>>
        %dma_wait3A_133 = arith.constant 0 : i32
        %dma_wait3A_134 = tpu.memref_slice %arg3[%add3A_101, %dma_wait3A_133] : memref<2560x128xi32, #tpu.memory_space<hbm>> -> memref<32x128xi32, #tpu.memory_space<hbm>>
        %dma_wait3A_135 = arith.constant 0 : i32
        %dma_wait3A_136 = arith.constant 0 : i32
        %dma_wait3A_137 = tpu.memref_slice %arg7[%dma_wait3A_135, %dma_wait3A_136] : memref<56x128xi32, #tpu.memory_space<vmem>> -> memref<32x128xi32, #tpu.memory_space<vmem>>
        %dma_wait3A_138 = arith.constant 0 : i32
        %dma_wait3A_139 = tpu.memref_slice %arg3[%add3A_101, %dma_wait3A_138] : memref<2560x128xi32, #tpu.memory_space<hbm>> -> memref<32x128xi32, #tpu.memory_space<hbm>>
        tpu.wait_dma2 semaphore(%run_scoped3A_120 : memref<!tpu.dma_semaphore, #tpu.memory_space<semaphore_mem>>) src(%dma_wait3A_139 : memref<32x128xi32, #tpu.memory_space<hbm>>) dst(%dma_wait3A_137 : memref<32x128xi32, #tpu.memory_space<vmem>>)
        tpu.yield
      }) : () -> ()
      "tpu.region"() ({
        %run_scoped3A_120 = tpu.sem_alloc : memref<!tpu.dma_semaphore, #tpu.memory_space<semaphore_mem>>
        %dma_start3A_121 = arith.constant 0 : i32
        %dma_start3A_122 = arith.constant 0 : i32
        %dma_start3A_123 = tpu.memref_slice %arg8[%dma_start3A_121, %dma_start3A_122] : memref<56x128xi32, #tpu.memory_space<vmem>> -> memref<32x128xi32, #tpu.memory_space<vmem>>
        %dma_start3A_124 = arith.constant 0 : i32
        %dma_start3A_125 = tpu.memref_slice %arg4[%add3A_101, %dma_start3A_124] : memref<2560x128xi32, #tpu.memory_space<hbm>> -> memref<32x128xi32, #tpu.memory_space<hbm>>
        %dma_start3A_126 = arith.constant 0 : i32
        %dma_start3A_127 = arith.constant 0 : i32
        %dma_start3A_128 = tpu.memref_slice %arg8[%dma_start3A_126, %dma_start3A_127] : memref<56x128xi32, #tpu.memory_space<vmem>> -> memref<32x128xi32, #tpu.memory_space<vmem>>
        %dma_start3A_129 = arith.constant 0 : i32
        %dma_start3A_130 = tpu.memref_slice %arg4[%add3A_101, %dma_start3A_129] : memref<2560x128xi32, #tpu.memory_space<hbm>> -> memref<32x128xi32, #tpu.memory_space<hbm>>
        tpu.enqueue_dma source(%dma_start3A_130 : memref<32x128xi32, #tpu.memory_space<hbm>>) target(%dma_start3A_128 : memref<32x128xi32, #tpu.memory_space<vmem>>) target_semaphore(%run_scoped3A_120 : memref<!tpu.dma_semaphore, #tpu.memory_space<semaphore_mem>>)
        %dma_wait3A = arith.constant 0 : i32
        %dma_wait3A_131 = arith.constant 0 : i32
        %dma_wait3A_132 = tpu.memref_slice %arg8[%dma_wait3A, %dma_wait3A_131] : memref<56x128xi32, #tpu.memory_space<vmem>> -> memref<32x128xi32, #tpu.memory_space<vmem>>
        %dma_wait3A_133 = arith.constant 0 : i32
        %dma_wait3A_134 = tpu.memref_slice %arg4[%add3A_101, %dma_wait3A_133] : memref<2560x128xi32, #tpu.memory_space<hbm>> -> memref<32x128xi32, #tpu.memory_space<hbm>>
        %dma_wait3A_135 = arith.constant 0 : i32
        %dma_wait3A_136 = arith.constant 0 : i32
        %dma_wait3A_137 = tpu.memref_slice %arg8[%dma_wait3A_135, %dma_wait3A_136] : memref<56x128xi32, #tpu.memory_space<vmem>> -> memref<32x128xi32, #tpu.memory_space<vmem>>
        %dma_wait3A_138 = arith.constant 0 : i32
        %dma_wait3A_139 = tpu.memref_slice %arg4[%add3A_101, %dma_wait3A_138] : memref<2560x128xi32, #tpu.memory_space<hbm>> -> memref<32x128xi32, #tpu.memory_space<hbm>>
        tpu.wait_dma2 semaphore(%run_scoped3A_120 : memref<!tpu.dma_semaphore, #tpu.memory_space<semaphore_mem>>) src(%dma_wait3A_139 : memref<32x128xi32, #tpu.memory_space<hbm>>) dst(%dma_wait3A_137 : memref<32x128xi32, #tpu.memory_space<vmem>>)
        tpu.yield
      }) : () -> ()
      %dma_start3A_102 = arith.constant 0 : i32
      %dma_start3A_103 = arith.constant 0 : i32
      %dma_start3A_104 = arith.constant 0 : i32
      %dma_start3A_105 = arith.constant 0 : i32
      %dma_start3A_106 = tpu.memref_slice %arg9[%dma_start3A_103, %dma_start3A_104, %dma_start3A_105] : memref<2x128x128xf32, #tpu.memory_space<vmem>> -> memref<1x128x128xf32, #tpu.memory_space<vmem>>
      %dma_start3A_107 = tpu.memref_squeeze %dma_start3A_106 : memref<1x128x128xf32, #tpu.memory_space<vmem>> -> memref<128x128xf32, #tpu.memory_space<vmem>>
      %dma_start3A_108 = arith.constant 0 : i32
      %dma_start3A_109 = tpu.memref_slice %arg7[%dma_start3A_102, %dma_start3A_108] : memref<56x128xi32, #tpu.memory_space<vmem>> -> memref<1x128xi32, #tpu.memory_space<vmem>>
      %dma_start3A_110 = tpu.memref_squeeze %dma_start3A_109 : memref<1x128xi32, #tpu.memory_space<vmem>> -> memref<128xi32, #tpu.memory_space<vmem>>
      %dma_start3A_111 = arith.constant 0 : i32
      %dma_start3A_112 = arith.constant 0 : i32
      %dma_start3A_113 = tpu.memref_slice %arg2[%dma_start3A_111, %dma_start3A_112] : memref<10240x128xf32, #tpu.memory_space<hbm>> -> memref<10240x128xf32, #tpu.memory_space<hbm>>
      tpu.enqueue_indirect_dma source(%dma_start3A_113 : memref<10240x128xf32, #tpu.memory_space<hbm>>) target(%dma_start3A_107 : memref<128x128xf32, #tpu.memory_space<vmem>>) offsets(%dma_start3A_110 : memref<128xi32, #tpu.memory_space<vmem>>) semaphore(%arg10 : memref<!tpu.dma_semaphore, #tpu.memory_space<semaphore_mem>>)
      %scan3A_114 = arith.constant 0 : i32
      %scan3A_115 = arith.constant 0 : i32
      %scan3A_116 = arith.constant 32 : i32
      %scan3A_117 = arith.addi %scan3A_115, %scan3A_116 : i32
      %scan3A_118 = arith.constant 1 : i32
      scf.for %scan3A_120 = %scan3A_115 to %scan3A_117 step %scan3A_118  : i32 {
        %rem3A = arith.constant 2 : i32
        %rem3A_121 = arith.remsi %scan3A_120, %rem3A : i32
        %dma_wait3A = arith.constant 0 : i32
        %dma_wait3A_122 = arith.constant 0 : i32
        %dma_wait3A_123 = tpu.memref_slice %arg9[%rem3A_121, %dma_wait3A, %dma_wait3A_122] : memref<2x128x128xf32, #tpu.memory_space<vmem>> -> memref<1x128x128xf32, #tpu.memory_space<vmem>>
        %dma_wait3A_124 = tpu.memref_squeeze %dma_wait3A_123 : memref<1x128x128xf32, #tpu.memory_space<vmem>> -> memref<128x128xf32, #tpu.memory_space<vmem>>
        %dma_wait3A_125 = arith.constant 0 : i32
        %dma_wait3A_126 = tpu.memref_slice %arg7[%scan3A_120, %dma_wait3A_125] : memref<56x128xi32, #tpu.memory_space<vmem>> -> memref<1x128xi32, #tpu.memory_space<vmem>>
        %dma_wait3A_127 = tpu.memref_squeeze %dma_wait3A_126 : memref<1x128xi32, #tpu.memory_space<vmem>> -> memref<128xi32, #tpu.memory_space<vmem>>
        %dma_wait3A_128 = arith.constant 0 : i32
        %dma_wait3A_129 = arith.constant 0 : i32
        %dma_wait3A_130 = tpu.memref_slice %arg2[%dma_wait3A_128, %dma_wait3A_129] : memref<10240x128xf32, #tpu.memory_space<hbm>> -> memref<10240x128xf32, #tpu.memory_space<hbm>>
        tpu.wait_indirect_dma semaphore(%arg10 : memref<!tpu.dma_semaphore, #tpu.memory_space<semaphore_mem>>) src(%dma_wait3A_130 : memref<10240x128xf32, #tpu.memory_space<hbm>>) dst(%dma_wait3A_124 : memref<128x128xf32, #tpu.memory_space<vmem>>)
        %lt3A = arith.constant 31 : i32
        %lt3A_131 = arith.cmpi slt, %scan3A_120, %lt3A : i32
        %convert_element_type3A_132 = arith.extui %lt3A_131 : i1 to i32
        %cond3A_133 = arith.constant 0 : i32
        %cond3A_134 = arith.cmpi ne, %convert_element_type3A_132, %cond3A_133 : i32
        scf.if %cond3A_134 {
          %add3A_135 = arith.constant 1 : i32
          %add3A_136 = arith.addi %scan3A_120, %add3A_135 : i32
          %sub3A = arith.constant 1 : i32
          %sub3A_137 = arith.subi %sub3A, %rem3A_121 : i32
          %dma_start3A_138 = arith.constant 0 : i32
          %dma_start3A_139 = arith.constant 0 : i32
          %dma_start3A_140 = tpu.memref_slice %arg9[%sub3A_137, %dma_start3A_138, %dma_start3A_139] : memref<2x128x128xf32, #tpu.memory_space<vmem>> -> memref<1x128x128xf32, #tpu.memory_space<vmem>>
          %dma_start3A_141 = tpu.memref_squeeze %dma_start3A_140 : memref<1x128x128xf32, #tpu.memory_space<vmem>> -> memref<128x128xf32, #tpu.memory_space<vmem>>
          %dma_start3A_142 = arith.constant 0 : i32
          %dma_start3A_143 = tpu.memref_slice %arg7[%add3A_136, %dma_start3A_142] : memref<56x128xi32, #tpu.memory_space<vmem>> -> memref<1x128xi32, #tpu.memory_space<vmem>>
          %dma_start3A_144 = tpu.memref_squeeze %dma_start3A_143 : memref<1x128xi32, #tpu.memory_space<vmem>> -> memref<128xi32, #tpu.memory_space<vmem>>
          %dma_start3A_145 = arith.constant 0 : i32
          %dma_start3A_146 = arith.constant 0 : i32
          %dma_start3A_147 = tpu.memref_slice %arg2[%dma_start3A_145, %dma_start3A_146] : memref<10240x128xf32, #tpu.memory_space<hbm>> -> memref<10240x128xf32, #tpu.memory_space<hbm>>
          tpu.enqueue_indirect_dma source(%dma_start3A_147 : memref<10240x128xf32, #tpu.memory_space<hbm>>) target(%dma_start3A_141 : memref<128x128xf32, #tpu.memory_space<vmem>>) offsets(%dma_start3A_144 : memref<128xi32, #tpu.memory_space<vmem>>) semaphore(%arg10 : memref<!tpu.dma_semaphore, #tpu.memory_space<semaphore_mem>>)
        } else {
        }
        "tpu.region"() ({
          %run_scoped3A_135 = tpu.sem_alloc : memref<!tpu.dma_semaphore, #tpu.memory_space<semaphore_mem>>
          %dma_start3A_136 = arith.constant 0 : i32
          %dma_start3A_137 = arith.constant 0 : i32
          %dma_start3A_138 = tpu.memref_slice %arg9[%rem3A_121, %dma_start3A_136, %dma_start3A_137] : memref<2x128x128xf32, #tpu.memory_space<vmem>> -> memref<1x128x128xf32, #tpu.memory_space<vmem>>
          %dma_start3A_139 = tpu.memref_squeeze %dma_start3A_138 : memref<1x128x128xf32, #tpu.memory_space<vmem>> -> memref<128x128xf32, #tpu.memory_space<vmem>>
          %dma_start3A_140 = arith.constant 0 : i32
          %dma_start3A_141 = tpu.memref_slice %arg8[%scan3A_120, %dma_start3A_140] : memref<56x128xi32, #tpu.memory_space<vmem>> -> memref<1x128xi32, #tpu.memory_space<vmem>>
          %dma_start3A_142 = tpu.memref_squeeze %dma_start3A_141 : memref<1x128xi32, #tpu.memory_space<vmem>> -> memref<128xi32, #tpu.memory_space<vmem>>
          %dma_start3A_143 = arith.constant 0 : i32
          %dma_start3A_144 = arith.constant 0 : i32
          %dma_start3A_145 = tpu.memref_slice %arg11[%dma_start3A_143, %dma_start3A_144] : memref<10240x128xf32, #tpu.memory_space<vmem_shared>> -> memref<10240x128xf32, #tpu.memory_space<vmem_shared>>
          tpu.enqueue_indirect_dma source(%dma_start3A_139 : memref<128x128xf32, #tpu.memory_space<vmem>>) target(%dma_start3A_145 : memref<10240x128xf32, #tpu.memory_space<vmem_shared>>) offsets(%dma_start3A_142 : memref<128xi32, #tpu.memory_space<vmem>>) semaphore(%run_scoped3A_135 : memref<!tpu.dma_semaphore, #tpu.memory_space<semaphore_mem>>) {add = true}
          %dma_wait3A_146 = arith.constant 0 : i32
          %dma_wait3A_147 = arith.constant 0 : i32
          %dma_wait3A_148 = tpu.memref_slice %arg9[%rem3A_121, %dma_wait3A_146, %dma_wait3A_147] : memref<2x128x128xf32, #tpu.memory_space<vmem>> -> memref<1x128x128xf32, #tpu.memory_space<vmem>>
          %dma_wait3A_149 = tpu.memref_squeeze %dma_wait3A_148 : memref<1x128x128xf32, #tpu.memory_space<vmem>> -> memref<128x128xf32, #tpu.memory_space<vmem>>
          %dma_wait3A_150 = arith.constant 0 : i32
          %dma_wait3A_151 = tpu.memref_slice %arg8[%scan3A_120, %dma_wait3A_150] : memref<56x128xi32, #tpu.memory_space<vmem>> -> memref<1x128xi32, #tpu.memory_space<vmem>>
          %dma_wait3A_152 = tpu.memref_squeeze %dma_wait3A_151 : memref<1x128xi32, #tpu.memory_space<vmem>> -> memref<128xi32, #tpu.memory_space<vmem>>
          %dma_wait3A_153 = arith.constant 0 : i32
          %dma_wait3A_154 = arith.constant 0 : i32
          %dma_wait3A_155 = tpu.memref_slice %arg11[%dma_wait3A_153, %dma_wait3A_154] : memref<10240x128xf32, #tpu.memory_space<vmem_shared>> -> memref<10240x128xf32, #tpu.memory_space<vmem_shared>>
          tpu.wait_indirect_dma semaphore(%run_scoped3A_135 : memref<!tpu.dma_semaphore, #tpu.memory_space<semaphore_mem>>) src(%dma_wait3A_149 : memref<128x128xf32, #tpu.memory_space<vmem>>) dst(%dma_wait3A_155 : memref<10240x128xf32, #tpu.memory_space<vmem_shared>>)
          tpu.yield
        }) : () -> ()
      }
      %scan3A_119 = arith.constant 32 : i32
    } else {
    }
    %ne3A = arith.constant 1 : i32
    %ne3A_25 = arith.cmpi ne, %arg0, %ne3A : i32
    %convert_element_type3A_26 = arith.extui %ne3A_25 : i1 to i32
    %cond3A_27 = arith.constant 0 : i32
    %cond3A_28 = arith.cmpi ne, %convert_element_type3A_26, %cond3A_27 : i32
    scf.if %cond3A_28 {
      %mul3A_60 = arith.constant 16 : i32
      %mul3A_61 = arith.muli %arg1, %mul3A_60 : i32
      %add3A_62 = arith.constant 2304 : i32
      %add3A_63 = arith.addi %add3A_62, %mul3A_61 : i32
      %add3A_64 = arith.constant 0 : i32
      %add3A_65 = arith.addi %add3A_63, %add3A_64 : i32
      "tpu.region"() ({
        %run_scoped3A_82 = tpu.sem_alloc : memref<!tpu.dma_semaphore, #tpu.memory_space<semaphore_mem>>
        %dma_start3A_83 = arith.constant 0 : i32
        %dma_start3A_84 = arith.constant 0 : i32
        %dma_start3A_85 = tpu.memref_slice %arg7[%dma_start3A_83, %dma_start3A_84] : memref<56x128xi32, #tpu.memory_space<vmem>> -> memref<16x128xi32, #tpu.memory_space<vmem>>
        %dma_start3A_86 = arith.constant 0 : i32
        %dma_start3A_87 = tpu.memref_slice %arg3[%add3A_65, %dma_start3A_86] : memref<2560x128xi32, #tpu.memory_space<hbm>> -> memref<16x128xi32, #tpu.memory_space<hbm>>
        %dma_start3A_88 = arith.constant 0 : i32
        %dma_start3A_89 = arith.constant 0 : i32
        %dma_start3A_90 = tpu.memref_slice %arg7[%dma_start3A_88, %dma_start3A_89] : memref<56x128xi32, #tpu.memory_space<vmem>> -> memref<16x128xi32, #tpu.memory_space<vmem>>
        %dma_start3A_91 = arith.constant 0 : i32
        %dma_start3A_92 = tpu.memref_slice %arg3[%add3A_65, %dma_start3A_91] : memref<2560x128xi32, #tpu.memory_space<hbm>> -> memref<16x128xi32, #tpu.memory_space<hbm>>
        tpu.enqueue_dma source(%dma_start3A_92 : memref<16x128xi32, #tpu.memory_space<hbm>>) target(%dma_start3A_90 : memref<16x128xi32, #tpu.memory_space<vmem>>) target_semaphore(%run_scoped3A_82 : memref<!tpu.dma_semaphore, #tpu.memory_space<semaphore_mem>>)
        %dma_wait3A = arith.constant 0 : i32
        %dma_wait3A_93 = arith.constant 0 : i32
        %dma_wait3A_94 = tpu.memref_slice %arg7[%dma_wait3A, %dma_wait3A_93] : memref<56x128xi32, #tpu.memory_space<vmem>> -> memref<16x128xi32, #tpu.memory_space<vmem>>
        %dma_wait3A_95 = arith.constant 0 : i32
        %dma_wait3A_96 = tpu.memref_slice %arg3[%add3A_65, %dma_wait3A_95] : memref<2560x128xi32, #tpu.memory_space<hbm>> -> memref<16x128xi32, #tpu.memory_space<hbm>>
        %dma_wait3A_97 = arith.constant 0 : i32
        %dma_wait3A_98 = arith.constant 0 : i32
        %dma_wait3A_99 = tpu.memref_slice %arg7[%dma_wait3A_97, %dma_wait3A_98] : memref<56x128xi32, #tpu.memory_space<vmem>> -> memref<16x128xi32, #tpu.memory_space<vmem>>
        %dma_wait3A_100 = arith.constant 0 : i32
        %dma_wait3A_101 = tpu.memref_slice %arg3[%add3A_65, %dma_wait3A_100] : memref<2560x128xi32, #tpu.memory_space<hbm>> -> memref<16x128xi32, #tpu.memory_space<hbm>>
        tpu.wait_dma2 semaphore(%run_scoped3A_82 : memref<!tpu.dma_semaphore, #tpu.memory_space<semaphore_mem>>) src(%dma_wait3A_101 : memref<16x128xi32, #tpu.memory_space<hbm>>) dst(%dma_wait3A_99 : memref<16x128xi32, #tpu.memory_space<vmem>>)
        tpu.yield
      }) : () -> ()
      "tpu.region"() ({
        %run_scoped3A_82 = tpu.sem_alloc : memref<!tpu.dma_semaphore, #tpu.memory_space<semaphore_mem>>
        %dma_start3A_83 = arith.constant 0 : i32
        %dma_start3A_84 = arith.constant 0 : i32
        %dma_start3A_85 = tpu.memref_slice %arg8[%dma_start3A_83, %dma_start3A_84] : memref<56x128xi32, #tpu.memory_space<vmem>> -> memref<16x128xi32, #tpu.memory_space<vmem>>
        %dma_start3A_86 = arith.constant 0 : i32
        %dma_start3A_87 = tpu.memref_slice %arg4[%add3A_65, %dma_start3A_86] : memref<2560x128xi32, #tpu.memory_space<hbm>> -> memref<16x128xi32, #tpu.memory_space<hbm>>
        %dma_start3A_88 = arith.constant 0 : i32
        %dma_start3A_89 = arith.constant 0 : i32
        %dma_start3A_90 = tpu.memref_slice %arg8[%dma_start3A_88, %dma_start3A_89] : memref<56x128xi32, #tpu.memory_space<vmem>> -> memref<16x128xi32, #tpu.memory_space<vmem>>
        %dma_start3A_91 = arith.constant 0 : i32
        %dma_start3A_92 = tpu.memref_slice %arg4[%add3A_65, %dma_start3A_91] : memref<2560x128xi32, #tpu.memory_space<hbm>> -> memref<16x128xi32, #tpu.memory_space<hbm>>
        tpu.enqueue_dma source(%dma_start3A_92 : memref<16x128xi32, #tpu.memory_space<hbm>>) target(%dma_start3A_90 : memref<16x128xi32, #tpu.memory_space<vmem>>) target_semaphore(%run_scoped3A_82 : memref<!tpu.dma_semaphore, #tpu.memory_space<semaphore_mem>>)
        %dma_wait3A = arith.constant 0 : i32
        %dma_wait3A_93 = arith.constant 0 : i32
        %dma_wait3A_94 = tpu.memref_slice %arg8[%dma_wait3A, %dma_wait3A_93] : memref<56x128xi32, #tpu.memory_space<vmem>> -> memref<16x128xi32, #tpu.memory_space<vmem>>
        %dma_wait3A_95 = arith.constant 0 : i32
        %dma_wait3A_96 = tpu.memref_slice %arg4[%add3A_65, %dma_wait3A_95] : memref<2560x128xi32, #tpu.memory_space<hbm>> -> memref<16x128xi32, #tpu.memory_space<hbm>>
        %dma_wait3A_97 = arith.constant 0 : i32
        %dma_wait3A_98 = arith.constant 0 : i32
        %dma_wait3A_99 = tpu.memref_slice %arg8[%dma_wait3A_97, %dma_wait3A_98] : memref<56x128xi32, #tpu.memory_space<vmem>> -> memref<16x128xi32, #tpu.memory_space<vmem>>
        %dma_wait3A_100 = arith.constant 0 : i32
        %dma_wait3A_101 = tpu.memref_slice %arg4[%add3A_65, %dma_wait3A_100] : memref<2560x128xi32, #tpu.memory_space<hbm>> -> memref<16x128xi32, #tpu.memory_space<hbm>>
        tpu.wait_dma2 semaphore(%run_scoped3A_82 : memref<!tpu.dma_semaphore, #tpu.memory_space<semaphore_mem>>) src(%dma_wait3A_101 : memref<16x128xi32, #tpu.memory_space<hbm>>) dst(%dma_wait3A_99 : memref<16x128xi32, #tpu.memory_space<vmem>>)
        tpu.yield
      }) : () -> ()
      %dma_start3A = arith.constant 0 : i32
      %dma_start3A_66 = arith.constant 0 : i32
      %dma_start3A_67 = arith.constant 0 : i32
      %dma_start3A_68 = arith.constant 0 : i32
      %dma_start3A_69 = tpu.memref_slice %arg9[%dma_start3A_66, %dma_start3A_67, %dma_start3A_68] : memref<2x128x128xf32, #tpu.memory_space<vmem>> -> memref<1x128x128xf32, #tpu.memory_space<vmem>>
      %dma_start3A_70 = tpu.memref_squeeze %dma_start3A_69 : memref<1x128x128xf32, #tpu.memory_space<vmem>> -> memref<128x128xf32, #tpu.memory_space<vmem>>
      %dma_start3A_71 = arith.constant 0 : i32
      %dma_start3A_72 = tpu.memref_slice %arg7[%dma_start3A, %dma_start3A_71] : memref<56x128xi32, #tpu.memory_space<vmem>> -> memref<1x128xi32, #tpu.memory_space<vmem>>
      %dma_start3A_73 = tpu.memref_squeeze %dma_start3A_72 : memref<1x128xi32, #tpu.memory_space<vmem>> -> memref<128xi32, #tpu.memory_space<vmem>>
      %dma_start3A_74 = arith.constant 0 : i32
      %dma_start3A_75 = arith.constant 0 : i32
      %dma_start3A_76 = tpu.memref_slice %arg2[%dma_start3A_74, %dma_start3A_75] : memref<10240x128xf32, #tpu.memory_space<hbm>> -> memref<10240x128xf32, #tpu.memory_space<hbm>>
      tpu.enqueue_indirect_dma source(%dma_start3A_76 : memref<10240x128xf32, #tpu.memory_space<hbm>>) target(%dma_start3A_70 : memref<128x128xf32, #tpu.memory_space<vmem>>) offsets(%dma_start3A_73 : memref<128xi32, #tpu.memory_space<vmem>>) semaphore(%arg10 : memref<!tpu.dma_semaphore, #tpu.memory_space<semaphore_mem>>)
      %scan3A = arith.constant 0 : i32
      %scan3A_77 = arith.constant 0 : i32
      %scan3A_78 = arith.constant 16 : i32
      %scan3A_79 = arith.addi %scan3A_77, %scan3A_78 : i32
      %scan3A_80 = arith.constant 1 : i32
      scf.for %scan3A_82 = %scan3A_77 to %scan3A_79 step %scan3A_80  : i32 {
        %rem3A = arith.constant 2 : i32
        %rem3A_83 = arith.remsi %scan3A_82, %rem3A : i32
        %dma_wait3A = arith.constant 0 : i32
        %dma_wait3A_84 = arith.constant 0 : i32
        %dma_wait3A_85 = tpu.memref_slice %arg9[%rem3A_83, %dma_wait3A, %dma_wait3A_84] : memref<2x128x128xf32, #tpu.memory_space<vmem>> -> memref<1x128x128xf32, #tpu.memory_space<vmem>>
        %dma_wait3A_86 = tpu.memref_squeeze %dma_wait3A_85 : memref<1x128x128xf32, #tpu.memory_space<vmem>> -> memref<128x128xf32, #tpu.memory_space<vmem>>
        %dma_wait3A_87 = arith.constant 0 : i32
        %dma_wait3A_88 = tpu.memref_slice %arg7[%scan3A_82, %dma_wait3A_87] : memref<56x128xi32, #tpu.memory_space<vmem>> -> memref<1x128xi32, #tpu.memory_space<vmem>>
        %dma_wait3A_89 = tpu.memref_squeeze %dma_wait3A_88 : memref<1x128xi32, #tpu.memory_space<vmem>> -> memref<128xi32, #tpu.memory_space<vmem>>
        %dma_wait3A_90 = arith.constant 0 : i32
        %dma_wait3A_91 = arith.constant 0 : i32
        %dma_wait3A_92 = tpu.memref_slice %arg2[%dma_wait3A_90, %dma_wait3A_91] : memref<10240x128xf32, #tpu.memory_space<hbm>> -> memref<10240x128xf32, #tpu.memory_space<hbm>>
        tpu.wait_indirect_dma semaphore(%arg10 : memref<!tpu.dma_semaphore, #tpu.memory_space<semaphore_mem>>) src(%dma_wait3A_92 : memref<10240x128xf32, #tpu.memory_space<hbm>>) dst(%dma_wait3A_86 : memref<128x128xf32, #tpu.memory_space<vmem>>)
        %lt3A = arith.constant 15 : i32
        %lt3A_93 = arith.cmpi slt, %scan3A_82, %lt3A : i32
        %convert_element_type3A_94 = arith.extui %lt3A_93 : i1 to i32
        %cond3A_95 = arith.constant 0 : i32
        %cond3A_96 = arith.cmpi ne, %convert_element_type3A_94, %cond3A_95 : i32
        scf.if %cond3A_96 {
          %add3A_97 = arith.constant 1 : i32
          %add3A_98 = arith.addi %scan3A_82, %add3A_97 : i32
          %sub3A = arith.constant 1 : i32
          %sub3A_99 = arith.subi %sub3A, %rem3A_83 : i32
          %dma_start3A_100 = arith.constant 0 : i32
          %dma_start3A_101 = arith.constant 0 : i32
          %dma_start3A_102 = tpu.memref_slice %arg9[%sub3A_99, %dma_start3A_100, %dma_start3A_101] : memref<2x128x128xf32, #tpu.memory_space<vmem>> -> memref<1x128x128xf32, #tpu.memory_space<vmem>>
          %dma_start3A_103 = tpu.memref_squeeze %dma_start3A_102 : memref<1x128x128xf32, #tpu.memory_space<vmem>> -> memref<128x128xf32, #tpu.memory_space<vmem>>
          %dma_start3A_104 = arith.constant 0 : i32
          %dma_start3A_105 = tpu.memref_slice %arg7[%add3A_98, %dma_start3A_104] : memref<56x128xi32, #tpu.memory_space<vmem>> -> memref<1x128xi32, #tpu.memory_space<vmem>>
          %dma_start3A_106 = tpu.memref_squeeze %dma_start3A_105 : memref<1x128xi32, #tpu.memory_space<vmem>> -> memref<128xi32, #tpu.memory_space<vmem>>
          %dma_start3A_107 = arith.constant 0 : i32
          %dma_start3A_108 = arith.constant 0 : i32
          %dma_start3A_109 = tpu.memref_slice %arg2[%dma_start3A_107, %dma_start3A_108] : memref<10240x128xf32, #tpu.memory_space<hbm>> -> memref<10240x128xf32, #tpu.memory_space<hbm>>
          tpu.enqueue_indirect_dma source(%dma_start3A_109 : memref<10240x128xf32, #tpu.memory_space<hbm>>) target(%dma_start3A_103 : memref<128x128xf32, #tpu.memory_space<vmem>>) offsets(%dma_start3A_106 : memref<128xi32, #tpu.memory_space<vmem>>) semaphore(%arg10 : memref<!tpu.dma_semaphore, #tpu.memory_space<semaphore_mem>>)
        } else {
        }
        "tpu.region"() ({
          %run_scoped3A_97 = tpu.sem_alloc : memref<!tpu.dma_semaphore, #tpu.memory_space<semaphore_mem>>
          %dma_start3A_98 = arith.constant 0 : i32
          %dma_start3A_99 = arith.constant 0 : i32
          %dma_start3A_100 = tpu.memref_slice %arg9[%rem3A_83, %dma_start3A_98, %dma_start3A_99] : memref<2x128x128xf32, #tpu.memory_space<vmem>> -> memref<1x128x128xf32, #tpu.memory_space<vmem>>
          %dma_start3A_101 = tpu.memref_squeeze %dma_start3A_100 : memref<1x128x128xf32, #tpu.memory_space<vmem>> -> memref<128x128xf32, #tpu.memory_space<vmem>>
          %dma_start3A_102 = arith.constant 0 : i32
          %dma_start3A_103 = tpu.memref_slice %arg8[%scan3A_82, %dma_start3A_102] : memref<56x128xi32, #tpu.memory_space<vmem>> -> memref<1x128xi32, #tpu.memory_space<vmem>>
          %dma_start3A_104 = tpu.memref_squeeze %dma_start3A_103 : memref<1x128xi32, #tpu.memory_space<vmem>> -> memref<128xi32, #tpu.memory_space<vmem>>
          %dma_start3A_105 = arith.constant 0 : i32
          %dma_start3A_106 = arith.constant 0 : i32
          %dma_start3A_107 = tpu.memref_slice %arg11[%dma_start3A_105, %dma_start3A_106] : memref<10240x128xf32, #tpu.memory_space<vmem_shared>> -> memref<10240x128xf32, #tpu.memory_space<vmem_shared>>
          tpu.enqueue_indirect_dma source(%dma_start3A_101 : memref<128x128xf32, #tpu.memory_space<vmem>>) target(%dma_start3A_107 : memref<10240x128xf32, #tpu.memory_space<vmem_shared>>) offsets(%dma_start3A_104 : memref<128xi32, #tpu.memory_space<vmem>>) semaphore(%run_scoped3A_97 : memref<!tpu.dma_semaphore, #tpu.memory_space<semaphore_mem>>) {add = true}
          %dma_wait3A_108 = arith.constant 0 : i32
          %dma_wait3A_109 = arith.constant 0 : i32
          %dma_wait3A_110 = tpu.memref_slice %arg9[%rem3A_83, %dma_wait3A_108, %dma_wait3A_109] : memref<2x128x128xf32, #tpu.memory_space<vmem>> -> memref<1x128x128xf32, #tpu.memory_space<vmem>>
          %dma_wait3A_111 = tpu.memref_squeeze %dma_wait3A_110 : memref<1x128x128xf32, #tpu.memory_space<vmem>> -> memref<128x128xf32, #tpu.memory_space<vmem>>
          %dma_wait3A_112 = arith.constant 0 : i32
          %dma_wait3A_113 = tpu.memref_slice %arg8[%scan3A_82, %dma_wait3A_112] : memref<56x128xi32, #tpu.memory_space<vmem>> -> memref<1x128xi32, #tpu.memory_space<vmem>>
          %dma_wait3A_114 = tpu.memref_squeeze %dma_wait3A_113 : memref<1x128xi32, #tpu.memory_space<vmem>> -> memref<128xi32, #tpu.memory_space<vmem>>
          %dma_wait3A_115 = arith.constant 0 : i32
          %dma_wait3A_116 = arith.constant 0 : i32
          %dma_wait3A_117 = tpu.memref_slice %arg11[%dma_wait3A_115, %dma_wait3A_116] : memref<10240x128xf32, #tpu.memory_space<vmem_shared>> -> memref<10240x128xf32, #tpu.memory_space<vmem_shared>>
          tpu.wait_indirect_dma semaphore(%run_scoped3A_97 : memref<!tpu.dma_semaphore, #tpu.memory_space<semaphore_mem>>) src(%dma_wait3A_111 : memref<128x128xf32, #tpu.memory_space<vmem>>) dst(%dma_wait3A_117 : memref<10240x128xf32, #tpu.memory_space<vmem_shared>>)
          tpu.yield
        }) : () -> ()
      }
      %scan3A_81 = arith.constant 16 : i32
    } else {
    }
    %barrier3A_29 = arith.constant 0 : index
    tpu.barrier barrier_id(%barrier3A_29)
    %mul3A_30 = arith.constant 640 : i32
    %mul3A_31 = arith.muli %arg1, %mul3A_30 : i32
    %add3A_32 = arith.constant 0 : i32
    %add3A_33 = arith.addi %mul3A_31, %add3A_32 : i32
    %run_scoped3A_34 = arith.constant 0 : i32
    "tpu.region"() ({
      %run_scoped3A_60 = tpu.sem_alloc : memref<!tpu.dma_semaphore, #tpu.memory_space<semaphore_mem>>
      %dma_start3A = arith.constant 0 : i32
      %dma_start3A_61 = arith.constant 0 : i32
      %dma_start3A_62 = tpu.memref_slice %arg9[%run_scoped3A_34, %dma_start3A, %dma_start3A_61] : memref<2x128x128xf32, #tpu.memory_space<vmem>> -> memref<1x128x128xf32, #tpu.memory_space<vmem>>
      %dma_start3A_63 = tpu.memref_squeeze %dma_start3A_62 : memref<1x128x128xf32, #tpu.memory_space<vmem>> -> memref<128x128xf32, #tpu.memory_space<vmem>>
      %dma_start3A_64 = arith.constant 0 : i32
      %dma_start3A_65 = tpu.memref_slice %arg11[%add3A_33, %dma_start3A_64] : memref<10240x128xf32, #tpu.memory_space<vmem_shared>> -> memref<128x128xf32, #tpu.memory_space<vmem_shared>>
      %dma_start3A_66 = arith.constant 0 : i32
      %dma_start3A_67 = arith.constant 0 : i32
      %dma_start3A_68 = tpu.memref_slice %arg9[%run_scoped3A_34, %dma_start3A_66, %dma_start3A_67] : memref<2x128x128xf32, #tpu.memory_space<vmem>> -> memref<1x128x128xf32, #tpu.memory_space<vmem>>
      %dma_start3A_69 = tpu.memref_squeeze %dma_start3A_68 : memref<1x128x128xf32, #tpu.memory_space<vmem>> -> memref<128x128xf32, #tpu.memory_space<vmem>>
      %dma_start3A_70 = arith.constant 0 : i32
      %dma_start3A_71 = tpu.memref_slice %arg11[%add3A_33, %dma_start3A_70] : memref<10240x128xf32, #tpu.memory_space<vmem_shared>> -> memref<128x128xf32, #tpu.memory_space<vmem_shared>>
      tpu.enqueue_dma source(%dma_start3A_71 : memref<128x128xf32, #tpu.memory_space<vmem_shared>>) target(%dma_start3A_69 : memref<128x128xf32, #tpu.memory_space<vmem>>) target_semaphore(%run_scoped3A_60 : memref<!tpu.dma_semaphore, #tpu.memory_space<semaphore_mem>>)
      %dma_wait3A = arith.constant 0 : i32
      %dma_wait3A_72 = arith.constant 0 : i32
      %dma_wait3A_73 = tpu.memref_slice %arg9[%run_scoped3A_34, %dma_wait3A, %dma_wait3A_72] : memref<2x128x128xf32, #tpu.memory_space<vmem>> -> memref<1x128x128xf32, #tpu.memory_space<vmem>>
      %dma_wait3A_74 = tpu.memref_squeeze %dma_wait3A_73 : memref<1x128x128xf32, #tpu.memory_space<vmem>> -> memref<128x128xf32, #tpu.memory_space<vmem>>
      %dma_wait3A_75 = arith.constant 0 : i32
      %dma_wait3A_76 = tpu.memref_slice %arg11[%add3A_33, %dma_wait3A_75] : memref<10240x128xf32, #tpu.memory_space<vmem_shared>> -> memref<128x128xf32, #tpu.memory_space<vmem_shared>>
      %dma_wait3A_77 = arith.constant 0 : i32
      %dma_wait3A_78 = arith.constant 0 : i32
      %dma_wait3A_79 = tpu.memref_slice %arg9[%run_scoped3A_34, %dma_wait3A_77, %dma_wait3A_78] : memref<2x128x128xf32, #tpu.memory_space<vmem>> -> memref<1x128x128xf32, #tpu.memory_space<vmem>>
      %dma_wait3A_80 = tpu.memref_squeeze %dma_wait3A_79 : memref<1x128x128xf32, #tpu.memory_space<vmem>> -> memref<128x128xf32, #tpu.memory_space<vmem>>
      %dma_wait3A_81 = arith.constant 0 : i32
      %dma_wait3A_82 = tpu.memref_slice %arg11[%add3A_33, %dma_wait3A_81] : memref<10240x128xf32, #tpu.memory_space<vmem_shared>> -> memref<128x128xf32, #tpu.memory_space<vmem_shared>>
      tpu.wait_dma2 semaphore(%run_scoped3A_60 : memref<!tpu.dma_semaphore, #tpu.memory_space<semaphore_mem>>) src(%dma_wait3A_82 : memref<128x128xf32, #tpu.memory_space<vmem_shared>>) dst(%dma_wait3A_80 : memref<128x128xf32, #tpu.memory_space<vmem>>)
      tpu.yield
    }) : () -> ()
    %run_scoped3A_35 = arith.constant 0 : i32
    "tpu.region"() ({
      %run_scoped3A_60 = tpu.sem_alloc : memref<!tpu.dma_semaphore, #tpu.memory_space<semaphore_mem>>
      %dma_start3A = arith.constant 0 : i32
      %dma_start3A_61 = arith.constant 0 : i32
      %dma_start3A_62 = tpu.memref_slice %arg9[%run_scoped3A_35, %dma_start3A, %dma_start3A_61] : memref<2x128x128xf32, #tpu.memory_space<vmem>> -> memref<1x128x128xf32, #tpu.memory_space<vmem>>
      %dma_start3A_63 = tpu.memref_squeeze %dma_start3A_62 : memref<1x128x128xf32, #tpu.memory_space<vmem>> -> memref<128x128xf32, #tpu.memory_space<vmem>>
      %dma_start3A_64 = arith.constant 0 : i32
      %dma_start3A_65 = tpu.memref_slice %arg6[%arg0, %add3A_33, %dma_start3A_64] : memref<2x10240x128xf32, #tpu.memory_space<hbm>> -> memref<1x128x128xf32, #tpu.memory_space<hbm>>
      %dma_start3A_66 = tpu.memref_squeeze %dma_start3A_65 : memref<1x128x128xf32, #tpu.memory_space<hbm>> -> memref<128x128xf32, #tpu.memory_space<hbm>>
      %dma_start3A_67 = arith.constant 0 : i32
      %dma_start3A_68 = tpu.memref_slice %arg6[%arg0, %add3A_33, %dma_start3A_67] : memref<2x10240x128xf32, #tpu.memory_space<hbm>> -> memref<1x128x128xf32, #tpu.memory_space<hbm>>
      %dma_start3A_69 = tpu.memref_squeeze %dma_start3A_68 : memref<1x128x128xf32, #tpu.memory_space<hbm>> -> memref<128x128xf32, #tpu.memory_space<hbm>>
      %dma_start3A_70 = arith.constant 0 : i32
      %dma_start3A_71 = arith.constant 0 : i32
      %dma_start3A_72 = tpu.memref_slice %arg9[%run_scoped3A_35, %dma_start3A_70, %dma_start3A_71] : memref<2x128x128xf32, #tpu.memory_space<vmem>> -> memref<1x128x128xf32, #tpu.memory_space<vmem>>
      %dma_start3A_73 = tpu.memref_squeeze %dma_start3A_72 : memref<1x128x128xf32, #tpu.memory_space<vmem>> -> memref<128x128xf32, #tpu.memory_space<vmem>>
      tpu.enqueue_dma source(%dma_start3A_73 : memref<128x128xf32, #tpu.memory_space<vmem>>) target(%dma_start3A_69 : memref<128x128xf32, #tpu.memory_space<hbm>>) target_semaphore(%run_scoped3A_60 : memref<!tpu.dma_semaphore, #tpu.memory_space<semaphore_mem>>)
      %dma_wait3A = arith.constant 0 : i32
      %dma_wait3A_74 = arith.constant 0 : i32
      %dma_wait3A_75 = tpu.memref_slice %arg9[%run_scoped3A_35, %dma_wait3A, %dma_wait3A_74] : memref<2x128x128xf32, #tpu.memory_space<vmem>> -> memref<1x128x128xf32, #tpu.memory_space<vmem>>
      %dma_wait3A_76 = tpu.memref_squeeze %dma_wait3A_75 : memref<1x128x128xf32, #tpu.memory_space<vmem>> -> memref<128x128xf32, #tpu.memory_space<vmem>>
      %dma_wait3A_77 = arith.constant 0 : i32
      %dma_wait3A_78 = tpu.memref_slice %arg6[%arg0, %add3A_33, %dma_wait3A_77] : memref<2x10240x128xf32, #tpu.memory_space<hbm>> -> memref<1x128x128xf32, #tpu.memory_space<hbm>>
      %dma_wait3A_79 = tpu.memref_squeeze %dma_wait3A_78 : memref<1x128x128xf32, #tpu.memory_space<hbm>> -> memref<128x128xf32, #tpu.memory_space<hbm>>
      %dma_wait3A_80 = arith.constant 0 : i32
      %dma_wait3A_81 = tpu.memref_slice %arg6[%arg0, %add3A_33, %dma_wait3A_80] : memref<2x10240x128xf32, #tpu.memory_space<hbm>> -> memref<1x128x128xf32, #tpu.memory_space<hbm>>
      %dma_wait3A_82 = tpu.memref_squeeze %dma_wait3A_81 : memref<1x128x128xf32, #tpu.memory_space<hbm>> -> memref<128x128xf32, #tpu.memory_space<hbm>>
      %dma_wait3A_83 = arith.constant 0 : i32
      %dma_wait3A_84 = arith.constant 0 : i32
      %dma_wait3A_85 = tpu.memref_slice %arg9[%run_scoped3A_35, %dma_wait3A_83, %dma_wait3A_84] : memref<2x128x128xf32, #tpu.memory_space<vmem>> -> memref<1x128x128xf32, #tpu.memory_space<vmem>>
      %dma_wait3A_86 = tpu.memref_squeeze %dma_wait3A_85 : memref<1x128x128xf32, #tpu.memory_space<vmem>> -> memref<128x128xf32, #tpu.memory_space<vmem>>
      tpu.wait_dma2 semaphore(%run_scoped3A_60 : memref<!tpu.dma_semaphore, #tpu.memory_space<semaphore_mem>>) src(%dma_wait3A_86 : memref<128x128xf32, #tpu.memory_space<vmem>>) dst(%dma_wait3A_82 : memref<128x128xf32, #tpu.memory_space<hbm>>)
      tpu.yield
    }) : () -> ()
    %mul3A_36 = arith.constant 640 : i32
    %mul3A_37 = arith.muli %arg1, %mul3A_36 : i32
    %add3A_38 = arith.constant 128 : i32
    %add3A_39 = arith.addi %mul3A_37, %add3A_38 : i32
    %run_scoped3A_40 = arith.constant 0 : i32
    "tpu.region"() ({
      %run_scoped3A_60 = tpu.sem_alloc : memref<!tpu.dma_semaphore, #tpu.memory_space<semaphore_mem>>
      %dma_start3A = arith.constant 0 : i32
      %dma_start3A_61 = arith.constant 0 : i32
      %dma_start3A_62 = tpu.memref_slice %arg9[%run_scoped3A_40, %dma_start3A, %dma_start3A_61] : memref<2x128x128xf32, #tpu.memory_space<vmem>> -> memref<1x128x128xf32, #tpu.memory_space<vmem>>
      %dma_start3A_63 = tpu.memref_squeeze %dma_start3A_62 : memref<1x128x128xf32, #tpu.memory_space<vmem>> -> memref<128x128xf32, #tpu.memory_space<vmem>>
      %dma_start3A_64 = arith.constant 0 : i32
      %dma_start3A_65 = tpu.memref_slice %arg11[%add3A_39, %dma_start3A_64] : memref<10240x128xf32, #tpu.memory_space<vmem_shared>> -> memref<128x128xf32, #tpu.memory_space<vmem_shared>>
      %dma_start3A_66 = arith.constant 0 : i32
      %dma_start3A_67 = arith.constant 0 : i32
      %dma_start3A_68 = tpu.memref_slice %arg9[%run_scoped3A_40, %dma_start3A_66, %dma_start3A_67] : memref<2x128x128xf32, #tpu.memory_space<vmem>> -> memref<1x128x128xf32, #tpu.memory_space<vmem>>
      %dma_start3A_69 = tpu.memref_squeeze %dma_start3A_68 : memref<1x128x128xf32, #tpu.memory_space<vmem>> -> memref<128x128xf32, #tpu.memory_space<vmem>>
      %dma_start3A_70 = arith.constant 0 : i32
      %dma_start3A_71 = tpu.memref_slice %arg11[%add3A_39, %dma_start3A_70] : memref<10240x128xf32, #tpu.memory_space<vmem_shared>> -> memref<128x128xf32, #tpu.memory_space<vmem_shared>>
      tpu.enqueue_dma source(%dma_start3A_71 : memref<128x128xf32, #tpu.memory_space<vmem_shared>>) target(%dma_start3A_69 : memref<128x128xf32, #tpu.memory_space<vmem>>) target_semaphore(%run_scoped3A_60 : memref<!tpu.dma_semaphore, #tpu.memory_space<semaphore_mem>>)
      %dma_wait3A = arith.constant 0 : i32
      %dma_wait3A_72 = arith.constant 0 : i32
      %dma_wait3A_73 = tpu.memref_slice %arg9[%run_scoped3A_40, %dma_wait3A, %dma_wait3A_72] : memref<2x128x128xf32, #tpu.memory_space<vmem>> -> memref<1x128x128xf32, #tpu.memory_space<vmem>>
      %dma_wait3A_74 = tpu.memref_squeeze %dma_wait3A_73 : memref<1x128x128xf32, #tpu.memory_space<vmem>> -> memref<128x128xf32, #tpu.memory_space<vmem>>
      %dma_wait3A_75 = arith.constant 0 : i32
      %dma_wait3A_76 = tpu.memref_slice %arg11[%add3A_39, %dma_wait3A_75] : memref<10240x128xf32, #tpu.memory_space<vmem_shared>> -> memref<128x128xf32, #tpu.memory_space<vmem_shared>>
      %dma_wait3A_77 = arith.constant 0 : i32
      %dma_wait3A_78 = arith.constant 0 : i32
      %dma_wait3A_79 = tpu.memref_slice %arg9[%run_scoped3A_40, %dma_wait3A_77, %dma_wait3A_78] : memref<2x128x128xf32, #tpu.memory_space<vmem>> -> memref<1x128x128xf32, #tpu.memory_space<vmem>>
      %dma_wait3A_80 = tpu.memref_squeeze %dma_wait3A_79 : memref<1x128x128xf32, #tpu.memory_space<vmem>> -> memref<128x128xf32, #tpu.memory_space<vmem>>
      %dma_wait3A_81 = arith.constant 0 : i32
      %dma_wait3A_82 = tpu.memref_slice %arg11[%add3A_39, %dma_wait3A_81] : memref<10240x128xf32, #tpu.memory_space<vmem_shared>> -> memref<128x128xf32, #tpu.memory_space<vmem_shared>>
      tpu.wait_dma2 semaphore(%run_scoped3A_60 : memref<!tpu.dma_semaphore, #tpu.memory_space<semaphore_mem>>) src(%dma_wait3A_82 : memref<128x128xf32, #tpu.memory_space<vmem_shared>>) dst(%dma_wait3A_80 : memref<128x128xf32, #tpu.memory_space<vmem>>)
      tpu.yield
    }) : () -> ()
    %run_scoped3A_41 = arith.constant 0 : i32
    "tpu.region"() ({
      %run_scoped3A_60 = tpu.sem_alloc : memref<!tpu.dma_semaphore, #tpu.memory_space<semaphore_mem>>
      %dma_start3A = arith.constant 0 : i32
      %dma_start3A_61 = arith.constant 0 : i32
      %dma_start3A_62 = tpu.memref_slice %arg9[%run_scoped3A_41, %dma_start3A, %dma_start3A_61] : memref<2x128x128xf32, #tpu.memory_space<vmem>> -> memref<1x128x128xf32, #tpu.memory_space<vmem>>
      %dma_start3A_63 = tpu.memref_squeeze %dma_start3A_62 : memref<1x128x128xf32, #tpu.memory_space<vmem>> -> memref<128x128xf32, #tpu.memory_space<vmem>>
      %dma_start3A_64 = arith.constant 0 : i32
      %dma_start3A_65 = tpu.memref_slice %arg6[%arg0, %add3A_39, %dma_start3A_64] : memref<2x10240x128xf32, #tpu.memory_space<hbm>> -> memref<1x128x128xf32, #tpu.memory_space<hbm>>
      %dma_start3A_66 = tpu.memref_squeeze %dma_start3A_65 : memref<1x128x128xf32, #tpu.memory_space<hbm>> -> memref<128x128xf32, #tpu.memory_space<hbm>>
      %dma_start3A_67 = arith.constant 0 : i32
      %dma_start3A_68 = tpu.memref_slice %arg6[%arg0, %add3A_39, %dma_start3A_67] : memref<2x10240x128xf32, #tpu.memory_space<hbm>> -> memref<1x128x128xf32, #tpu.memory_space<hbm>>
      %dma_start3A_69 = tpu.memref_squeeze %dma_start3A_68 : memref<1x128x128xf32, #tpu.memory_space<hbm>> -> memref<128x128xf32, #tpu.memory_space<hbm>>
      %dma_start3A_70 = arith.constant 0 : i32
      %dma_start3A_71 = arith.constant 0 : i32
      %dma_start3A_72 = tpu.memref_slice %arg9[%run_scoped3A_41, %dma_start3A_70, %dma_start3A_71] : memref<2x128x128xf32, #tpu.memory_space<vmem>> -> memref<1x128x128xf32, #tpu.memory_space<vmem>>
      %dma_start3A_73 = tpu.memref_squeeze %dma_start3A_72 : memref<1x128x128xf32, #tpu.memory_space<vmem>> -> memref<128x128xf32, #tpu.memory_space<vmem>>
      tpu.enqueue_dma source(%dma_start3A_73 : memref<128x128xf32, #tpu.memory_space<vmem>>) target(%dma_start3A_69 : memref<128x128xf32, #tpu.memory_space<hbm>>) target_semaphore(%run_scoped3A_60 : memref<!tpu.dma_semaphore, #tpu.memory_space<semaphore_mem>>)
      %dma_wait3A = arith.constant 0 : i32
      %dma_wait3A_74 = arith.constant 0 : i32
      %dma_wait3A_75 = tpu.memref_slice %arg9[%run_scoped3A_41, %dma_wait3A, %dma_wait3A_74] : memref<2x128x128xf32, #tpu.memory_space<vmem>> -> memref<1x128x128xf32, #tpu.memory_space<vmem>>
      %dma_wait3A_76 = tpu.memref_squeeze %dma_wait3A_75 : memref<1x128x128xf32, #tpu.memory_space<vmem>> -> memref<128x128xf32, #tpu.memory_space<vmem>>
      %dma_wait3A_77 = arith.constant 0 : i32
      %dma_wait3A_78 = tpu.memref_slice %arg6[%arg0, %add3A_39, %dma_wait3A_77] : memref<2x10240x128xf32, #tpu.memory_space<hbm>> -> memref<1x128x128xf32, #tpu.memory_space<hbm>>
      %dma_wait3A_79 = tpu.memref_squeeze %dma_wait3A_78 : memref<1x128x128xf32, #tpu.memory_space<hbm>> -> memref<128x128xf32, #tpu.memory_space<hbm>>
      %dma_wait3A_80 = arith.constant 0 : i32
      %dma_wait3A_81 = tpu.memref_slice %arg6[%arg0, %add3A_39, %dma_wait3A_80] : memref<2x10240x128xf32, #tpu.memory_space<hbm>> -> memref<1x128x128xf32, #tpu.memory_space<hbm>>
      %dma_wait3A_82 = tpu.memref_squeeze %dma_wait3A_81 : memref<1x128x128xf32, #tpu.memory_space<hbm>> -> memref<128x128xf32, #tpu.memory_space<hbm>>
      %dma_wait3A_83 = arith.constant 0 : i32
      %dma_wait3A_84 = arith.constant 0 : i32
      %dma_wait3A_85 = tpu.memref_slice %arg9[%run_scoped3A_41, %dma_wait3A_83, %dma_wait3A_84] : memref<2x128x128xf32, #tpu.memory_space<vmem>> -> memref<1x128x128xf32, #tpu.memory_space<vmem>>
      %dma_wait3A_86 = tpu.memref_squeeze %dma_wait3A_85 : memref<1x128x128xf32, #tpu.memory_space<vmem>> -> memref<128x128xf32, #tpu.memory_space<vmem>>
      tpu.wait_dma2 semaphore(%run_scoped3A_60 : memref<!tpu.dma_semaphore, #tpu.memory_space<semaphore_mem>>) src(%dma_wait3A_86 : memref<128x128xf32, #tpu.memory_space<vmem>>) dst(%dma_wait3A_82 : memref<128x128xf32, #tpu.memory_space<hbm>>)
      tpu.yield
    }) : () -> ()
    %mul3A_42 = arith.constant 640 : i32
    %mul3A_43 = arith.muli %arg1, %mul3A_42 : i32
    %add3A_44 = arith.constant 256 : i32
    %add3A_45 = arith.addi %mul3A_43, %add3A_44 : i32
    %run_scoped3A_46 = arith.constant 0 : i32
    "tpu.region"() ({
      %run_scoped3A_60 = tpu.sem_alloc : memref<!tpu.dma_semaphore, #tpu.memory_space<semaphore_mem>>
      %dma_start3A = arith.constant 0 : i32
      %dma_start3A_61 = arith.constant 0 : i32
      %dma_start3A_62 = tpu.memref_slice %arg9[%run_scoped3A_46, %dma_start3A, %dma_start3A_61] : memref<2x128x128xf32, #tpu.memory_space<vmem>> -> memref<1x128x128xf32, #tpu.memory_space<vmem>>
      %dma_start3A_63 = tpu.memref_squeeze %dma_start3A_62 : memref<1x128x128xf32, #tpu.memory_space<vmem>> -> memref<128x128xf32, #tpu.memory_space<vmem>>
      %dma_start3A_64 = arith.constant 0 : i32
      %dma_start3A_65 = tpu.memref_slice %arg11[%add3A_45, %dma_start3A_64] : memref<10240x128xf32, #tpu.memory_space<vmem_shared>> -> memref<128x128xf32, #tpu.memory_space<vmem_shared>>
      %dma_start3A_66 = arith.constant 0 : i32
      %dma_start3A_67 = arith.constant 0 : i32
      %dma_start3A_68 = tpu.memref_slice %arg9[%run_scoped3A_46, %dma_start3A_66, %dma_start3A_67] : memref<2x128x128xf32, #tpu.memory_space<vmem>> -> memref<1x128x128xf32, #tpu.memory_space<vmem>>
      %dma_start3A_69 = tpu.memref_squeeze %dma_start3A_68 : memref<1x128x128xf32, #tpu.memory_space<vmem>> -> memref<128x128xf32, #tpu.memory_space<vmem>>
      %dma_start3A_70 = arith.constant 0 : i32
      %dma_start3A_71 = tpu.memref_slice %arg11[%add3A_45, %dma_start3A_70] : memref<10240x128xf32, #tpu.memory_space<vmem_shared>> -> memref<128x128xf32, #tpu.memory_space<vmem_shared>>
      tpu.enqueue_dma source(%dma_start3A_71 : memref<128x128xf32, #tpu.memory_space<vmem_shared>>) target(%dma_start3A_69 : memref<128x128xf32, #tpu.memory_space<vmem>>) target_semaphore(%run_scoped3A_60 : memref<!tpu.dma_semaphore, #tpu.memory_space<semaphore_mem>>)
      %dma_wait3A = arith.constant 0 : i32
      %dma_wait3A_72 = arith.constant 0 : i32
      %dma_wait3A_73 = tpu.memref_slice %arg9[%run_scoped3A_46, %dma_wait3A, %dma_wait3A_72] : memref<2x128x128xf32, #tpu.memory_space<vmem>> -> memref<1x128x128xf32, #tpu.memory_space<vmem>>
      %dma_wait3A_74 = tpu.memref_squeeze %dma_wait3A_73 : memref<1x128x128xf32, #tpu.memory_space<vmem>> -> memref<128x128xf32, #tpu.memory_space<vmem>>
      %dma_wait3A_75 = arith.constant 0 : i32
      %dma_wait3A_76 = tpu.memref_slice %arg11[%add3A_45, %dma_wait3A_75] : memref<10240x128xf32, #tpu.memory_space<vmem_shared>> -> memref<128x128xf32, #tpu.memory_space<vmem_shared>>
      %dma_wait3A_77 = arith.constant 0 : i32
      %dma_wait3A_78 = arith.constant 0 : i32
      %dma_wait3A_79 = tpu.memref_slice %arg9[%run_scoped3A_46, %dma_wait3A_77, %dma_wait3A_78] : memref<2x128x128xf32, #tpu.memory_space<vmem>> -> memref<1x128x128xf32, #tpu.memory_space<vmem>>
      %dma_wait3A_80 = tpu.memref_squeeze %dma_wait3A_79 : memref<1x128x128xf32, #tpu.memory_space<vmem>> -> memref<128x128xf32, #tpu.memory_space<vmem>>
      %dma_wait3A_81 = arith.constant 0 : i32
      %dma_wait3A_82 = tpu.memref_slice %arg11[%add3A_45, %dma_wait3A_81] : memref<10240x128xf32, #tpu.memory_space<vmem_shared>> -> memref<128x128xf32, #tpu.memory_space<vmem_shared>>
      tpu.wait_dma2 semaphore(%run_scoped3A_60 : memref<!tpu.dma_semaphore, #tpu.memory_space<semaphore_mem>>) src(%dma_wait3A_82 : memref<128x128xf32, #tpu.memory_space<vmem_shared>>) dst(%dma_wait3A_80 : memref<128x128xf32, #tpu.memory_space<vmem>>)
      tpu.yield
    }) : () -> ()
    %run_scoped3A_47 = arith.constant 0 : i32
    "tpu.region"() ({
      %run_scoped3A_60 = tpu.sem_alloc : memref<!tpu.dma_semaphore, #tpu.memory_space<semaphore_mem>>
      %dma_start3A = arith.constant 0 : i32
      %dma_start3A_61 = arith.constant 0 : i32
      %dma_start3A_62 = tpu.memref_slice %arg9[%run_scoped3A_47, %dma_start3A, %dma_start3A_61] : memref<2x128x128xf32, #tpu.memory_space<vmem>> -> memref<1x128x128xf32, #tpu.memory_space<vmem>>
      %dma_start3A_63 = tpu.memref_squeeze %dma_start3A_62 : memref<1x128x128xf32, #tpu.memory_space<vmem>> -> memref<128x128xf32, #tpu.memory_space<vmem>>
      %dma_start3A_64 = arith.constant 0 : i32
      %dma_start3A_65 = tpu.memref_slice %arg6[%arg0, %add3A_45, %dma_start3A_64] : memref<2x10240x128xf32, #tpu.memory_space<hbm>> -> memref<1x128x128xf32, #tpu.memory_space<hbm>>
      %dma_start3A_66 = tpu.memref_squeeze %dma_start3A_65 : memref<1x128x128xf32, #tpu.memory_space<hbm>> -> memref<128x128xf32, #tpu.memory_space<hbm>>
      %dma_start3A_67 = arith.constant 0 : i32
      %dma_start3A_68 = tpu.memref_slice %arg6[%arg0, %add3A_45, %dma_start3A_67] : memref<2x10240x128xf32, #tpu.memory_space<hbm>> -> memref<1x128x128xf32, #tpu.memory_space<hbm>>
      %dma_start3A_69 = tpu.memref_squeeze %dma_start3A_68 : memref<1x128x128xf32, #tpu.memory_space<hbm>> -> memref<128x128xf32, #tpu.memory_space<hbm>>
      %dma_start3A_70 = arith.constant 0 : i32
      %dma_start3A_71 = arith.constant 0 : i32
      %dma_start3A_72 = tpu.memref_slice %arg9[%run_scoped3A_47, %dma_start3A_70, %dma_start3A_71] : memref<2x128x128xf32, #tpu.memory_space<vmem>> -> memref<1x128x128xf32, #tpu.memory_space<vmem>>
      %dma_start3A_73 = tpu.memref_squeeze %dma_start3A_72 : memref<1x128x128xf32, #tpu.memory_space<vmem>> -> memref<128x128xf32, #tpu.memory_space<vmem>>
      tpu.enqueue_dma source(%dma_start3A_73 : memref<128x128xf32, #tpu.memory_space<vmem>>) target(%dma_start3A_69 : memref<128x128xf32, #tpu.memory_space<hbm>>) target_semaphore(%run_scoped3A_60 : memref<!tpu.dma_semaphore, #tpu.memory_space<semaphore_mem>>)
      %dma_wait3A = arith.constant 0 : i32
      %dma_wait3A_74 = arith.constant 0 : i32
      %dma_wait3A_75 = tpu.memref_slice %arg9[%run_scoped3A_47, %dma_wait3A, %dma_wait3A_74] : memref<2x128x128xf32, #tpu.memory_space<vmem>> -> memref<1x128x128xf32, #tpu.memory_space<vmem>>
      %dma_wait3A_76 = tpu.memref_squeeze %dma_wait3A_75 : memref<1x128x128xf32, #tpu.memory_space<vmem>> -> memref<128x128xf32, #tpu.memory_space<vmem>>
      %dma_wait3A_77 = arith.constant 0 : i32
      %dma_wait3A_78 = tpu.memref_slice %arg6[%arg0, %add3A_45, %dma_wait3A_77] : memref<2x10240x128xf32, #tpu.memory_space<hbm>> -> memref<1x128x128xf32, #tpu.memory_space<hbm>>
      %dma_wait3A_79 = tpu.memref_squeeze %dma_wait3A_78 : memref<1x128x128xf32, #tpu.memory_space<hbm>> -> memref<128x128xf32, #tpu.memory_space<hbm>>
      %dma_wait3A_80 = arith.constant 0 : i32
      %dma_wait3A_81 = tpu.memref_slice %arg6[%arg0, %add3A_45, %dma_wait3A_80] : memref<2x10240x128xf32, #tpu.memory_space<hbm>> -> memref<1x128x128xf32, #tpu.memory_space<hbm>>
      %dma_wait3A_82 = tpu.memref_squeeze %dma_wait3A_81 : memref<1x128x128xf32, #tpu.memory_space<hbm>> -> memref<128x128xf32, #tpu.memory_space<hbm>>
      %dma_wait3A_83 = arith.constant 0 : i32
      %dma_wait3A_84 = arith.constant 0 : i32
      %dma_wait3A_85 = tpu.memref_slice %arg9[%run_scoped3A_47, %dma_wait3A_83, %dma_wait3A_84] : memref<2x128x128xf32, #tpu.memory_space<vmem>> -> memref<1x128x128xf32, #tpu.memory_space<vmem>>
      %dma_wait3A_86 = tpu.memref_squeeze %dma_wait3A_85 : memref<1x128x128xf32, #tpu.memory_space<vmem>> -> memref<128x128xf32, #tpu.memory_space<vmem>>
      tpu.wait_dma2 semaphore(%run_scoped3A_60 : memref<!tpu.dma_semaphore, #tpu.memory_space<semaphore_mem>>) src(%dma_wait3A_86 : memref<128x128xf32, #tpu.memory_space<vmem>>) dst(%dma_wait3A_82 : memref<128x128xf32, #tpu.memory_space<hbm>>)
      tpu.yield
    }) : () -> ()
    %mul3A_48 = arith.constant 640 : i32
    %mul3A_49 = arith.muli %arg1, %mul3A_48 : i32
    %add3A_50 = arith.constant 384 : i32
    %add3A_51 = arith.addi %mul3A_49, %add3A_50 : i32
    %run_scoped3A_52 = arith.constant 0 : i32
    "tpu.region"() ({
      %run_scoped3A_60 = tpu.sem_alloc : memref<!tpu.dma_semaphore, #tpu.memory_space<semaphore_mem>>
      %dma_start3A = arith.constant 0 : i32
      %dma_start3A_61 = arith.constant 0 : i32
      %dma_start3A_62 = tpu.memref_slice %arg9[%run_scoped3A_52, %dma_start3A, %dma_start3A_61] : memref<2x128x128xf32, #tpu.memory_space<vmem>> -> memref<1x128x128xf32, #tpu.memory_space<vmem>>
      %dma_start3A_63 = tpu.memref_squeeze %dma_start3A_62 : memref<1x128x128xf32, #tpu.memory_space<vmem>> -> memref<128x128xf32, #tpu.memory_space<vmem>>
      %dma_start3A_64 = arith.constant 0 : i32
      %dma_start3A_65 = tpu.memref_slice %arg11[%add3A_51, %dma_start3A_64] : memref<10240x128xf32, #tpu.memory_space<vmem_shared>> -> memref<128x128xf32, #tpu.memory_space<vmem_shared>>
      %dma_start3A_66 = arith.constant 0 : i32
      %dma_start3A_67 = arith.constant 0 : i32
      %dma_start3A_68 = tpu.memref_slice %arg9[%run_scoped3A_52, %dma_start3A_66, %dma_start3A_67] : memref<2x128x128xf32, #tpu.memory_space<vmem>> -> memref<1x128x128xf32, #tpu.memory_space<vmem>>
      %dma_start3A_69 = tpu.memref_squeeze %dma_start3A_68 : memref<1x128x128xf32, #tpu.memory_space<vmem>> -> memref<128x128xf32, #tpu.memory_space<vmem>>
      %dma_start3A_70 = arith.constant 0 : i32
      %dma_start3A_71 = tpu.memref_slice %arg11[%add3A_51, %dma_start3A_70] : memref<10240x128xf32, #tpu.memory_space<vmem_shared>> -> memref<128x128xf32, #tpu.memory_space<vmem_shared>>
      tpu.enqueue_dma source(%dma_start3A_71 : memref<128x128xf32, #tpu.memory_space<vmem_shared>>) target(%dma_start3A_69 : memref<128x128xf32, #tpu.memory_space<vmem>>) target_semaphore(%run_scoped3A_60 : memref<!tpu.dma_semaphore, #tpu.memory_space<semaphore_mem>>)
      %dma_wait3A = arith.constant 0 : i32
      %dma_wait3A_72 = arith.constant 0 : i32
      %dma_wait3A_73 = tpu.memref_slice %arg9[%run_scoped3A_52, %dma_wait3A, %dma_wait3A_72] : memref<2x128x128xf32, #tpu.memory_space<vmem>> -> memref<1x128x128xf32, #tpu.memory_space<vmem>>
      %dma_wait3A_74 = tpu.memref_squeeze %dma_wait3A_73 : memref<1x128x128xf32, #tpu.memory_space<vmem>> -> memref<128x128xf32, #tpu.memory_space<vmem>>
      %dma_wait3A_75 = arith.constant 0 : i32
      %dma_wait3A_76 = tpu.memref_slice %arg11[%add3A_51, %dma_wait3A_75] : memref<10240x128xf32, #tpu.memory_space<vmem_shared>> -> memref<128x128xf32, #tpu.memory_space<vmem_shared>>
      %dma_wait3A_77 = arith.constant 0 : i32
      %dma_wait3A_78 = arith.constant 0 : i32
      %dma_wait3A_79 = tpu.memref_slice %arg9[%run_scoped3A_52, %dma_wait3A_77, %dma_wait3A_78] : memref<2x128x128xf32, #tpu.memory_space<vmem>> -> memref<1x128x128xf32, #tpu.memory_space<vmem>>
      %dma_wait3A_80 = tpu.memref_squeeze %dma_wait3A_79 : memref<1x128x128xf32, #tpu.memory_space<vmem>> -> memref<128x128xf32, #tpu.memory_space<vmem>>
      %dma_wait3A_81 = arith.constant 0 : i32
      %dma_wait3A_82 = tpu.memref_slice %arg11[%add3A_51, %dma_wait3A_81] : memref<10240x128xf32, #tpu.memory_space<vmem_shared>> -> memref<128x128xf32, #tpu.memory_space<vmem_shared>>
      tpu.wait_dma2 semaphore(%run_scoped3A_60 : memref<!tpu.dma_semaphore, #tpu.memory_space<semaphore_mem>>) src(%dma_wait3A_82 : memref<128x128xf32, #tpu.memory_space<vmem_shared>>) dst(%dma_wait3A_80 : memref<128x128xf32, #tpu.memory_space<vmem>>)
      tpu.yield
    }) : () -> ()
    %run_scoped3A_53 = arith.constant 0 : i32
    "tpu.region"() ({
      %run_scoped3A_60 = tpu.sem_alloc : memref<!tpu.dma_semaphore, #tpu.memory_space<semaphore_mem>>
      %dma_start3A = arith.constant 0 : i32
      %dma_start3A_61 = arith.constant 0 : i32
      %dma_start3A_62 = tpu.memref_slice %arg9[%run_scoped3A_53, %dma_start3A, %dma_start3A_61] : memref<2x128x128xf32, #tpu.memory_space<vmem>> -> memref<1x128x128xf32, #tpu.memory_space<vmem>>
      %dma_start3A_63 = tpu.memref_squeeze %dma_start3A_62 : memref<1x128x128xf32, #tpu.memory_space<vmem>> -> memref<128x128xf32, #tpu.memory_space<vmem>>
      %dma_start3A_64 = arith.constant 0 : i32
      %dma_start3A_65 = tpu.memref_slice %arg6[%arg0, %add3A_51, %dma_start3A_64] : memref<2x10240x128xf32, #tpu.memory_space<hbm>> -> memref<1x128x128xf32, #tpu.memory_space<hbm>>
      %dma_start3A_66 = tpu.memref_squeeze %dma_start3A_65 : memref<1x128x128xf32, #tpu.memory_space<hbm>> -> memref<128x128xf32, #tpu.memory_space<hbm>>
      %dma_start3A_67 = arith.constant 0 : i32
      %dma_start3A_68 = tpu.memref_slice %arg6[%arg0, %add3A_51, %dma_start3A_67] : memref<2x10240x128xf32, #tpu.memory_space<hbm>> -> memref<1x128x128xf32, #tpu.memory_space<hbm>>
      %dma_start3A_69 = tpu.memref_squeeze %dma_start3A_68 : memref<1x128x128xf32, #tpu.memory_space<hbm>> -> memref<128x128xf32, #tpu.memory_space<hbm>>
      %dma_start3A_70 = arith.constant 0 : i32
      %dma_start3A_71 = arith.constant 0 : i32
      %dma_start3A_72 = tpu.memref_slice %arg9[%run_scoped3A_53, %dma_start3A_70, %dma_start3A_71] : memref<2x128x128xf32, #tpu.memory_space<vmem>> -> memref<1x128x128xf32, #tpu.memory_space<vmem>>
      %dma_start3A_73 = tpu.memref_squeeze %dma_start3A_72 : memref<1x128x128xf32, #tpu.memory_space<vmem>> -> memref<128x128xf32, #tpu.memory_space<vmem>>
      tpu.enqueue_dma source(%dma_start3A_73 : memref<128x128xf32, #tpu.memory_space<vmem>>) target(%dma_start3A_69 : memref<128x128xf32, #tpu.memory_space<hbm>>) target_semaphore(%run_scoped3A_60 : memref<!tpu.dma_semaphore, #tpu.memory_space<semaphore_mem>>)
      %dma_wait3A = arith.constant 0 : i32
      %dma_wait3A_74 = arith.constant 0 : i32
      %dma_wait3A_75 = tpu.memref_slice %arg9[%run_scoped3A_53, %dma_wait3A, %dma_wait3A_74] : memref<2x128x128xf32, #tpu.memory_space<vmem>> -> memref<1x128x128xf32, #tpu.memory_space<vmem>>
      %dma_wait3A_76 = tpu.memref_squeeze %dma_wait3A_75 : memref<1x128x128xf32, #tpu.memory_space<vmem>> -> memref<128x128xf32, #tpu.memory_space<vmem>>
      %dma_wait3A_77 = arith.constant 0 : i32
      %dma_wait3A_78 = tpu.memref_slice %arg6[%arg0, %add3A_51, %dma_wait3A_77] : memref<2x10240x128xf32, #tpu.memory_space<hbm>> -> memref<1x128x128xf32, #tpu.memory_space<hbm>>
      %dma_wait3A_79 = tpu.memref_squeeze %dma_wait3A_78 : memref<1x128x128xf32, #tpu.memory_space<hbm>> -> memref<128x128xf32, #tpu.memory_space<hbm>>
      %dma_wait3A_80 = arith.constant 0 : i32
      %dma_wait3A_81 = tpu.memref_slice %arg6[%arg0, %add3A_51, %dma_wait3A_80] : memref<2x10240x128xf32, #tpu.memory_space<hbm>> -> memref<1x128x128xf32, #tpu.memory_space<hbm>>
      %dma_wait3A_82 = tpu.memref_squeeze %dma_wait3A_81 : memref<1x128x128xf32, #tpu.memory_space<hbm>> -> memref<128x128xf32, #tpu.memory_space<hbm>>
      %dma_wait3A_83 = arith.constant 0 : i32
      %dma_wait3A_84 = arith.constant 0 : i32
      %dma_wait3A_85 = tpu.memref_slice %arg9[%run_scoped3A_53, %dma_wait3A_83, %dma_wait3A_84] : memref<2x128x128xf32, #tpu.memory_space<vmem>> -> memref<1x128x128xf32, #tpu.memory_space<vmem>>
      %dma_wait3A_86 = tpu.memref_squeeze %dma_wait3A_85 : memref<1x128x128xf32, #tpu.memory_space<vmem>> -> memref<128x128xf32, #tpu.memory_space<vmem>>
      tpu.wait_dma2 semaphore(%run_scoped3A_60 : memref<!tpu.dma_semaphore, #tpu.memory_space<semaphore_mem>>) src(%dma_wait3A_86 : memref<128x128xf32, #tpu.memory_space<vmem>>) dst(%dma_wait3A_82 : memref<128x128xf32, #tpu.memory_space<hbm>>)
      tpu.yield
    }) : () -> ()
    %mul3A_54 = arith.constant 640 : i32
    %mul3A_55 = arith.muli %arg1, %mul3A_54 : i32
    %add3A_56 = arith.constant 512 : i32
    %add3A_57 = arith.addi %mul3A_55, %add3A_56 : i32
    %run_scoped3A_58 = arith.constant 0 : i32
    "tpu.region"() ({
      %run_scoped3A_60 = tpu.sem_alloc : memref<!tpu.dma_semaphore, #tpu.memory_space<semaphore_mem>>
      %dma_start3A = arith.constant 0 : i32
      %dma_start3A_61 = arith.constant 0 : i32
      %dma_start3A_62 = tpu.memref_slice %arg9[%run_scoped3A_58, %dma_start3A, %dma_start3A_61] : memref<2x128x128xf32, #tpu.memory_space<vmem>> -> memref<1x128x128xf32, #tpu.memory_space<vmem>>
      %dma_start3A_63 = tpu.memref_squeeze %dma_start3A_62 : memref<1x128x128xf32, #tpu.memory_space<vmem>> -> memref<128x128xf32, #tpu.memory_space<vmem>>
      %dma_start3A_64 = arith.constant 0 : i32
      %dma_start3A_65 = tpu.memref_slice %arg11[%add3A_57, %dma_start3A_64] : memref<10240x128xf32, #tpu.memory_space<vmem_shared>> -> memref<128x128xf32, #tpu.memory_space<vmem_shared>>
      %dma_start3A_66 = arith.constant 0 : i32
      %dma_start3A_67 = arith.constant 0 : i32
      %dma_start3A_68 = tpu.memref_slice %arg9[%run_scoped3A_58, %dma_start3A_66, %dma_start3A_67] : memref<2x128x128xf32, #tpu.memory_space<vmem>> -> memref<1x128x128xf32, #tpu.memory_space<vmem>>
      %dma_start3A_69 = tpu.memref_squeeze %dma_start3A_68 : memref<1x128x128xf32, #tpu.memory_space<vmem>> -> memref<128x128xf32, #tpu.memory_space<vmem>>
      %dma_start3A_70 = arith.constant 0 : i32
      %dma_start3A_71 = tpu.memref_slice %arg11[%add3A_57, %dma_start3A_70] : memref<10240x128xf32, #tpu.memory_space<vmem_shared>> -> memref<128x128xf32, #tpu.memory_space<vmem_shared>>
      tpu.enqueue_dma source(%dma_start3A_71 : memref<128x128xf32, #tpu.memory_space<vmem_shared>>) target(%dma_start3A_69 : memref<128x128xf32, #tpu.memory_space<vmem>>) target_semaphore(%run_scoped3A_60 : memref<!tpu.dma_semaphore, #tpu.memory_space<semaphore_mem>>)
      %dma_wait3A = arith.constant 0 : i32
      %dma_wait3A_72 = arith.constant 0 : i32
      %dma_wait3A_73 = tpu.memref_slice %arg9[%run_scoped3A_58, %dma_wait3A, %dma_wait3A_72] : memref<2x128x128xf32, #tpu.memory_space<vmem>> -> memref<1x128x128xf32, #tpu.memory_space<vmem>>
      %dma_wait3A_74 = tpu.memref_squeeze %dma_wait3A_73 : memref<1x128x128xf32, #tpu.memory_space<vmem>> -> memref<128x128xf32, #tpu.memory_space<vmem>>
      %dma_wait3A_75 = arith.constant 0 : i32
      %dma_wait3A_76 = tpu.memref_slice %arg11[%add3A_57, %dma_wait3A_75] : memref<10240x128xf32, #tpu.memory_space<vmem_shared>> -> memref<128x128xf32, #tpu.memory_space<vmem_shared>>
      %dma_wait3A_77 = arith.constant 0 : i32
      %dma_wait3A_78 = arith.constant 0 : i32
      %dma_wait3A_79 = tpu.memref_slice %arg9[%run_scoped3A_58, %dma_wait3A_77, %dma_wait3A_78] : memref<2x128x128xf32, #tpu.memory_space<vmem>> -> memref<1x128x128xf32, #tpu.memory_space<vmem>>
      %dma_wait3A_80 = tpu.memref_squeeze %dma_wait3A_79 : memref<1x128x128xf32, #tpu.memory_space<vmem>> -> memref<128x128xf32, #tpu.memory_space<vmem>>
      %dma_wait3A_81 = arith.constant 0 : i32
      %dma_wait3A_82 = tpu.memref_slice %arg11[%add3A_57, %dma_wait3A_81] : memref<10240x128xf32, #tpu.memory_space<vmem_shared>> -> memref<128x128xf32, #tpu.memory_space<vmem_shared>>
      tpu.wait_dma2 semaphore(%run_scoped3A_60 : memref<!tpu.dma_semaphore, #tpu.memory_space<semaphore_mem>>) src(%dma_wait3A_82 : memref<128x128xf32, #tpu.memory_space<vmem_shared>>) dst(%dma_wait3A_80 : memref<128x128xf32, #tpu.memory_space<vmem>>)
      tpu.yield
    }) : () -> ()
    %run_scoped3A_59 = arith.constant 0 : i32
    "tpu.region"() ({
      %run_scoped3A_60 = tpu.sem_alloc : memref<!tpu.dma_semaphore, #tpu.memory_space<semaphore_mem>>
      %dma_start3A = arith.constant 0 : i32
      %dma_start3A_61 = arith.constant 0 : i32
      %dma_start3A_62 = tpu.memref_slice %arg9[%run_scoped3A_59, %dma_start3A, %dma_start3A_61] : memref<2x128x128xf32, #tpu.memory_space<vmem>> -> memref<1x128x128xf32, #tpu.memory_space<vmem>>
      %dma_start3A_63 = tpu.memref_squeeze %dma_start3A_62 : memref<1x128x128xf32, #tpu.memory_space<vmem>> -> memref<128x128xf32, #tpu.memory_space<vmem>>
      %dma_start3A_64 = arith.constant 0 : i32
      %dma_start3A_65 = tpu.memref_slice %arg6[%arg0, %add3A_57, %dma_start3A_64] : memref<2x10240x128xf32, #tpu.memory_space<hbm>> -> memref<1x128x128xf32, #tpu.memory_space<hbm>>
      %dma_start3A_66 = tpu.memref_squeeze %dma_start3A_65 : memref<1x128x128xf32, #tpu.memory_space<hbm>> -> memref<128x128xf32, #tpu.memory_space<hbm>>
      %dma_start3A_67 = arith.constant 0 : i32
      %dma_start3A_68 = tpu.memref_slice %arg6[%arg0, %add3A_57, %dma_start3A_67] : memref<2x10240x128xf32, #tpu.memory_space<hbm>> -> memref<1x128x128xf32, #tpu.memory_space<hbm>>
      %dma_start3A_69 = tpu.memref_squeeze %dma_start3A_68 : memref<1x128x128xf32, #tpu.memory_space<hbm>> -> memref<128x128xf32, #tpu.memory_space<hbm>>
      %dma_start3A_70 = arith.constant 0 : i32
      %dma_start3A_71 = arith.constant 0 : i32
      %dma_start3A_72 = tpu.memref_slice %arg9[%run_scoped3A_59, %dma_start3A_70, %dma_start3A_71] : memref<2x128x128xf32, #tpu.memory_space<vmem>> -> memref<1x128x128xf32, #tpu.memory_space<vmem>>
      %dma_start3A_73 = tpu.memref_squeeze %dma_start3A_72 : memref<1x128x128xf32, #tpu.memory_space<vmem>> -> memref<128x128xf32, #tpu.memory_space<vmem>>
      tpu.enqueue_dma source(%dma_start3A_73 : memref<128x128xf32, #tpu.memory_space<vmem>>) target(%dma_start3A_69 : memref<128x128xf32, #tpu.memory_space<hbm>>) target_semaphore(%run_scoped3A_60 : memref<!tpu.dma_semaphore, #tpu.memory_space<semaphore_mem>>)
      %dma_wait3A = arith.constant 0 : i32
      %dma_wait3A_74 = arith.constant 0 : i32
      %dma_wait3A_75 = tpu.memref_slice %arg9[%run_scoped3A_59, %dma_wait3A, %dma_wait3A_74] : memref<2x128x128xf32, #tpu.memory_space<vmem>> -> memref<1x128x128xf32, #tpu.memory_space<vmem>>
      %dma_wait3A_76 = tpu.memref_squeeze %dma_wait3A_75 : memref<1x128x128xf32, #tpu.memory_space<vmem>> -> memref<128x128xf32, #tpu.memory_space<vmem>>
      %dma_wait3A_77 = arith.constant 0 : i32
      %dma_wait3A_78 = tpu.memref_slice %arg6[%arg0, %add3A_57, %dma_wait3A_77] : memref<2x10240x128xf32, #tpu.memory_space<hbm>> -> memref<1x128x128xf32, #tpu.memory_space<hbm>>
      %dma_wait3A_79 = tpu.memref_squeeze %dma_wait3A_78 : memref<1x128x128xf32, #tpu.memory_space<hbm>> -> memref<128x128xf32, #tpu.memory_space<hbm>>
      %dma_wait3A_80 = arith.constant 0 : i32
      %dma_wait3A_81 = tpu.memref_slice %arg6[%arg0, %add3A_57, %dma_wait3A_80] : memref<2x10240x128xf32, #tpu.memory_space<hbm>> -> memref<1x128x128xf32, #tpu.memory_space<hbm>>
      %dma_wait3A_82 = tpu.memref_squeeze %dma_wait3A_81 : memref<1x128x128xf32, #tpu.memory_space<hbm>> -> memref<128x128xf32, #tpu.memory_space<hbm>>
      %dma_wait3A_83 = arith.constant 0 : i32
      %dma_wait3A_84 = arith.constant 0 : i32
      %dma_wait3A_85 = tpu.memref_slice %arg9[%run_scoped3A_59, %dma_wait3A_83, %dma_wait3A_84] : memref<2x128x128xf32, #tpu.memory_space<vmem>> -> memref<1x128x128xf32, #tpu.memory_space<vmem>>
      %dma_wait3A_86 = tpu.memref_squeeze %dma_wait3A_85 : memref<1x128x128xf32, #tpu.memory_space<vmem>> -> memref<128x128xf32, #tpu.memory_space<vmem>>
      tpu.wait_dma2 semaphore(%run_scoped3A_60 : memref<!tpu.dma_semaphore, #tpu.memory_space<semaphore_mem>>) src(%dma_wait3A_86 : memref<128x128xf32, #tpu.memory_space<vmem>>) dst(%dma_wait3A_82 : memref<128x128xf32, #tpu.memory_space<hbm>>)
      tpu.yield
    }) : () -> ()
    return
  }
}

#map = affine_map<(d0, d1) -> (0, 0, 0, 0)>
#map1 = affine_map<(d0, d1) -> (0, 0)>
#map2 = affine_map<(d0, d1) -> (0, 0, 0)>
module attributes {stable_mosaic.version = 14 : i64} {
  func.func @_sc_degree(%arg0: i32, %arg1: i32, %arg2: memref<2x16x80x128xi32, #tpu.memory_space<hbm>>, %arg3: memref<128x128xf32, #tpu.memory_space<hbm>>, %arg4: memref<128x128xf32, #tpu.memory_space<hbm>>, %arg5: memref<2x10240x128xf32, #tpu.memory_space<hbm>>, %arg6: memref<80x128xi32, #tpu.memory_space<vmem>>, %arg7: memref<128x128xf32, #tpu.memory_space<vmem>>, %arg8: memref<10240x128xf32, #tpu.memory_space<vmem_shared>>) attributes {dimension_semantics = [#tpu.dimension_semantics<core_parallel>, #tpu.dimension_semantics<subcore_parallel>], iteration_bounds = array<i64: 2, 16>, scalar_prefetch = 0 : i64, scratch_operands = 3 : i64, tpu.core_type = #tpu.core_type<sc_vector_subcore>, window_params = [{transform_indices = #map}, {transform_indices = #map1}, {transform_indices = #map1}, {transform_indices = #map2}]} {
    "tpu.region"() ({
      %run_scoped3A = tpu.sem_alloc : memref<!tpu.dma_semaphore, #tpu.memory_space<semaphore_mem>>
      tpu.enqueue_dma source(%arg4 : memref<128x128xf32, #tpu.memory_space<hbm>>) target(%arg7 : memref<128x128xf32, #tpu.memory_space<vmem>>) target_semaphore(%run_scoped3A : memref<!tpu.dma_semaphore, #tpu.memory_space<semaphore_mem>>)
      tpu.wait_dma2 semaphore(%run_scoped3A : memref<!tpu.dma_semaphore, #tpu.memory_space<semaphore_mem>>) src(%arg4 : memref<128x128xf32, #tpu.memory_space<hbm>>) dst(%arg7 : memref<128x128xf32, #tpu.memory_space<vmem>>)
      tpu.yield
    }) : () -> ()
    %mul3A = arith.constant 640 : i32
    %mul3A_0 = arith.muli %arg1, %mul3A : i32
    %add3A = arith.constant 0 : i32
    %add3A_1 = arith.addi %mul3A_0, %add3A : i32
    "tpu.region"() ({
      %run_scoped3A = tpu.sem_alloc : memref<!tpu.dma_semaphore, #tpu.memory_space<semaphore_mem>>
      %dma_start3A = arith.constant 0 : i32
      %dma_start3A_44 = tpu.memref_slice %arg8[%add3A_1, %dma_start3A] : memref<10240x128xf32, #tpu.memory_space<vmem_shared>> -> memref<128x128xf32, #tpu.memory_space<vmem_shared>>
      %dma_start3A_45 = arith.constant 0 : i32
      %dma_start3A_46 = tpu.memref_slice %arg8[%add3A_1, %dma_start3A_45] : memref<10240x128xf32, #tpu.memory_space<vmem_shared>> -> memref<128x128xf32, #tpu.memory_space<vmem_shared>>
      tpu.enqueue_dma source(%arg7 : memref<128x128xf32, #tpu.memory_space<vmem>>) target(%dma_start3A_46 : memref<128x128xf32, #tpu.memory_space<vmem_shared>>) target_semaphore(%run_scoped3A : memref<!tpu.dma_semaphore, #tpu.memory_space<semaphore_mem>>)
      %dma_wait3A = arith.constant 0 : i32
      %dma_wait3A_47 = tpu.memref_slice %arg8[%add3A_1, %dma_wait3A] : memref<10240x128xf32, #tpu.memory_space<vmem_shared>> -> memref<128x128xf32, #tpu.memory_space<vmem_shared>>
      %dma_wait3A_48 = arith.constant 0 : i32
      %dma_wait3A_49 = tpu.memref_slice %arg8[%add3A_1, %dma_wait3A_48] : memref<10240x128xf32, #tpu.memory_space<vmem_shared>> -> memref<128x128xf32, #tpu.memory_space<vmem_shared>>
      tpu.wait_dma2 semaphore(%run_scoped3A : memref<!tpu.dma_semaphore, #tpu.memory_space<semaphore_mem>>) src(%arg7 : memref<128x128xf32, #tpu.memory_space<vmem>>) dst(%dma_wait3A_49 : memref<128x128xf32, #tpu.memory_space<vmem_shared>>)
      tpu.yield
    }) : () -> ()
    %mul3A_2 = arith.constant 640 : i32
    %mul3A_3 = arith.muli %arg1, %mul3A_2 : i32
    %add3A_4 = arith.constant 128 : i32
    %add3A_5 = arith.addi %mul3A_3, %add3A_4 : i32
    "tpu.region"() ({
      %run_scoped3A = tpu.sem_alloc : memref<!tpu.dma_semaphore, #tpu.memory_space<semaphore_mem>>
      %dma_start3A = arith.constant 0 : i32
      %dma_start3A_44 = tpu.memref_slice %arg8[%add3A_5, %dma_start3A] : memref<10240x128xf32, #tpu.memory_space<vmem_shared>> -> memref<128x128xf32, #tpu.memory_space<vmem_shared>>
      %dma_start3A_45 = arith.constant 0 : i32
      %dma_start3A_46 = tpu.memref_slice %arg8[%add3A_5, %dma_start3A_45] : memref<10240x128xf32, #tpu.memory_space<vmem_shared>> -> memref<128x128xf32, #tpu.memory_space<vmem_shared>>
      tpu.enqueue_dma source(%arg7 : memref<128x128xf32, #tpu.memory_space<vmem>>) target(%dma_start3A_46 : memref<128x128xf32, #tpu.memory_space<vmem_shared>>) target_semaphore(%run_scoped3A : memref<!tpu.dma_semaphore, #tpu.memory_space<semaphore_mem>>)
      %dma_wait3A = arith.constant 0 : i32
      %dma_wait3A_47 = tpu.memref_slice %arg8[%add3A_5, %dma_wait3A] : memref<10240x128xf32, #tpu.memory_space<vmem_shared>> -> memref<128x128xf32, #tpu.memory_space<vmem_shared>>
      %dma_wait3A_48 = arith.constant 0 : i32
      %dma_wait3A_49 = tpu.memref_slice %arg8[%add3A_5, %dma_wait3A_48] : memref<10240x128xf32, #tpu.memory_space<vmem_shared>> -> memref<128x128xf32, #tpu.memory_space<vmem_shared>>
      tpu.wait_dma2 semaphore(%run_scoped3A : memref<!tpu.dma_semaphore, #tpu.memory_space<semaphore_mem>>) src(%arg7 : memref<128x128xf32, #tpu.memory_space<vmem>>) dst(%dma_wait3A_49 : memref<128x128xf32, #tpu.memory_space<vmem_shared>>)
      tpu.yield
    }) : () -> ()
    %mul3A_6 = arith.constant 640 : i32
    %mul3A_7 = arith.muli %arg1, %mul3A_6 : i32
    %add3A_8 = arith.constant 256 : i32
    %add3A_9 = arith.addi %mul3A_7, %add3A_8 : i32
    "tpu.region"() ({
      %run_scoped3A = tpu.sem_alloc : memref<!tpu.dma_semaphore, #tpu.memory_space<semaphore_mem>>
      %dma_start3A = arith.constant 0 : i32
      %dma_start3A_44 = tpu.memref_slice %arg8[%add3A_9, %dma_start3A] : memref<10240x128xf32, #tpu.memory_space<vmem_shared>> -> memref<128x128xf32, #tpu.memory_space<vmem_shared>>
      %dma_start3A_45 = arith.constant 0 : i32
      %dma_start3A_46 = tpu.memref_slice %arg8[%add3A_9, %dma_start3A_45] : memref<10240x128xf32, #tpu.memory_space<vmem_shared>> -> memref<128x128xf32, #tpu.memory_space<vmem_shared>>
      tpu.enqueue_dma source(%arg7 : memref<128x128xf32, #tpu.memory_space<vmem>>) target(%dma_start3A_46 : memref<128x128xf32, #tpu.memory_space<vmem_shared>>) target_semaphore(%run_scoped3A : memref<!tpu.dma_semaphore, #tpu.memory_space<semaphore_mem>>)
      %dma_wait3A = arith.constant 0 : i32
      %dma_wait3A_47 = tpu.memref_slice %arg8[%add3A_9, %dma_wait3A] : memref<10240x128xf32, #tpu.memory_space<vmem_shared>> -> memref<128x128xf32, #tpu.memory_space<vmem_shared>>
      %dma_wait3A_48 = arith.constant 0 : i32
      %dma_wait3A_49 = tpu.memref_slice %arg8[%add3A_9, %dma_wait3A_48] : memref<10240x128xf32, #tpu.memory_space<vmem_shared>> -> memref<128x128xf32, #tpu.memory_space<vmem_shared>>
      tpu.wait_dma2 semaphore(%run_scoped3A : memref<!tpu.dma_semaphore, #tpu.memory_space<semaphore_mem>>) src(%arg7 : memref<128x128xf32, #tpu.memory_space<vmem>>) dst(%dma_wait3A_49 : memref<128x128xf32, #tpu.memory_space<vmem_shared>>)
      tpu.yield
    }) : () -> ()
    %mul3A_10 = arith.constant 640 : i32
    %mul3A_11 = arith.muli %arg1, %mul3A_10 : i32
    %add3A_12 = arith.constant 384 : i32
    %add3A_13 = arith.addi %mul3A_11, %add3A_12 : i32
    "tpu.region"() ({
      %run_scoped3A = tpu.sem_alloc : memref<!tpu.dma_semaphore, #tpu.memory_space<semaphore_mem>>
      %dma_start3A = arith.constant 0 : i32
      %dma_start3A_44 = tpu.memref_slice %arg8[%add3A_13, %dma_start3A] : memref<10240x128xf32, #tpu.memory_space<vmem_shared>> -> memref<128x128xf32, #tpu.memory_space<vmem_shared>>
      %dma_start3A_45 = arith.constant 0 : i32
      %dma_start3A_46 = tpu.memref_slice %arg8[%add3A_13, %dma_start3A_45] : memref<10240x128xf32, #tpu.memory_space<vmem_shared>> -> memref<128x128xf32, #tpu.memory_space<vmem_shared>>
      tpu.enqueue_dma source(%arg7 : memref<128x128xf32, #tpu.memory_space<vmem>>) target(%dma_start3A_46 : memref<128x128xf32, #tpu.memory_space<vmem_shared>>) target_semaphore(%run_scoped3A : memref<!tpu.dma_semaphore, #tpu.memory_space<semaphore_mem>>)
      %dma_wait3A = arith.constant 0 : i32
      %dma_wait3A_47 = tpu.memref_slice %arg8[%add3A_13, %dma_wait3A] : memref<10240x128xf32, #tpu.memory_space<vmem_shared>> -> memref<128x128xf32, #tpu.memory_space<vmem_shared>>
      %dma_wait3A_48 = arith.constant 0 : i32
      %dma_wait3A_49 = tpu.memref_slice %arg8[%add3A_13, %dma_wait3A_48] : memref<10240x128xf32, #tpu.memory_space<vmem_shared>> -> memref<128x128xf32, #tpu.memory_space<vmem_shared>>
      tpu.wait_dma2 semaphore(%run_scoped3A : memref<!tpu.dma_semaphore, #tpu.memory_space<semaphore_mem>>) src(%arg7 : memref<128x128xf32, #tpu.memory_space<vmem>>) dst(%dma_wait3A_49 : memref<128x128xf32, #tpu.memory_space<vmem_shared>>)
      tpu.yield
    }) : () -> ()
    %mul3A_14 = arith.constant 640 : i32
    %mul3A_15 = arith.muli %arg1, %mul3A_14 : i32
    %add3A_16 = arith.constant 512 : i32
    %add3A_17 = arith.addi %mul3A_15, %add3A_16 : i32
    "tpu.region"() ({
      %run_scoped3A = tpu.sem_alloc : memref<!tpu.dma_semaphore, #tpu.memory_space<semaphore_mem>>
      %dma_start3A = arith.constant 0 : i32
      %dma_start3A_44 = tpu.memref_slice %arg8[%add3A_17, %dma_start3A] : memref<10240x128xf32, #tpu.memory_space<vmem_shared>> -> memref<128x128xf32, #tpu.memory_space<vmem_shared>>
      %dma_start3A_45 = arith.constant 0 : i32
      %dma_start3A_46 = tpu.memref_slice %arg8[%add3A_17, %dma_start3A_45] : memref<10240x128xf32, #tpu.memory_space<vmem_shared>> -> memref<128x128xf32, #tpu.memory_space<vmem_shared>>
      tpu.enqueue_dma source(%arg7 : memref<128x128xf32, #tpu.memory_space<vmem>>) target(%dma_start3A_46 : memref<128x128xf32, #tpu.memory_space<vmem_shared>>) target_semaphore(%run_scoped3A : memref<!tpu.dma_semaphore, #tpu.memory_space<semaphore_mem>>)
      %dma_wait3A = arith.constant 0 : i32
      %dma_wait3A_47 = tpu.memref_slice %arg8[%add3A_17, %dma_wait3A] : memref<10240x128xf32, #tpu.memory_space<vmem_shared>> -> memref<128x128xf32, #tpu.memory_space<vmem_shared>>
      %dma_wait3A_48 = arith.constant 0 : i32
      %dma_wait3A_49 = tpu.memref_slice %arg8[%add3A_17, %dma_wait3A_48] : memref<10240x128xf32, #tpu.memory_space<vmem_shared>> -> memref<128x128xf32, #tpu.memory_space<vmem_shared>>
      tpu.wait_dma2 semaphore(%run_scoped3A : memref<!tpu.dma_semaphore, #tpu.memory_space<semaphore_mem>>) src(%arg7 : memref<128x128xf32, #tpu.memory_space<vmem>>) dst(%dma_wait3A_49 : memref<128x128xf32, #tpu.memory_space<vmem_shared>>)
      tpu.yield
    }) : () -> ()
    "tpu.region"() ({
      %run_scoped3A = tpu.sem_alloc : memref<!tpu.dma_semaphore, #tpu.memory_space<semaphore_mem>>
      tpu.enqueue_dma source(%arg3 : memref<128x128xf32, #tpu.memory_space<hbm>>) target(%arg7 : memref<128x128xf32, #tpu.memory_space<vmem>>) target_semaphore(%run_scoped3A : memref<!tpu.dma_semaphore, #tpu.memory_space<semaphore_mem>>)
      tpu.wait_dma2 semaphore(%run_scoped3A : memref<!tpu.dma_semaphore, #tpu.memory_space<semaphore_mem>>) src(%arg3 : memref<128x128xf32, #tpu.memory_space<hbm>>) dst(%arg7 : memref<128x128xf32, #tpu.memory_space<vmem>>)
      tpu.yield
    }) : () -> ()
    %barrier3A = arith.constant 0 : index
    tpu.barrier barrier_id(%barrier3A)
    "tpu.region"() ({
      %run_scoped3A = tpu.sem_alloc : memref<!tpu.dma_semaphore, #tpu.memory_space<semaphore_mem>>
      %dma_start3A = arith.constant 0 : i32
      %dma_start3A_44 = arith.constant 0 : i32
      %dma_start3A_45 = tpu.memref_slice %arg2[%arg0, %arg1, %dma_start3A, %dma_start3A_44] : memref<2x16x80x128xi32, #tpu.memory_space<hbm>> -> memref<1x1x80x128xi32, #tpu.memory_space<hbm>>
      %dma_start3A_46 = tpu.memref_squeeze %dma_start3A_45 : memref<1x1x80x128xi32, #tpu.memory_space<hbm>> -> memref<80x128xi32, #tpu.memory_space<hbm>>
      %dma_start3A_47 = arith.constant 0 : i32
      %dma_start3A_48 = arith.constant 0 : i32
      %dma_start3A_49 = tpu.memref_slice %arg2[%arg0, %arg1, %dma_start3A_47, %dma_start3A_48] : memref<2x16x80x128xi32, #tpu.memory_space<hbm>> -> memref<1x1x80x128xi32, #tpu.memory_space<hbm>>
      %dma_start3A_50 = tpu.memref_squeeze %dma_start3A_49 : memref<1x1x80x128xi32, #tpu.memory_space<hbm>> -> memref<80x128xi32, #tpu.memory_space<hbm>>
      tpu.enqueue_dma source(%dma_start3A_50 : memref<80x128xi32, #tpu.memory_space<hbm>>) target(%arg6 : memref<80x128xi32, #tpu.memory_space<vmem>>) target_semaphore(%run_scoped3A : memref<!tpu.dma_semaphore, #tpu.memory_space<semaphore_mem>>)
      %dma_wait3A = arith.constant 0 : i32
      %dma_wait3A_51 = arith.constant 0 : i32
      %dma_wait3A_52 = tpu.memref_slice %arg2[%arg0, %arg1, %dma_wait3A, %dma_wait3A_51] : memref<2x16x80x128xi32, #tpu.memory_space<hbm>> -> memref<1x1x80x128xi32, #tpu.memory_space<hbm>>
      %dma_wait3A_53 = tpu.memref_squeeze %dma_wait3A_52 : memref<1x1x80x128xi32, #tpu.memory_space<hbm>> -> memref<80x128xi32, #tpu.memory_space<hbm>>
      %dma_wait3A_54 = arith.constant 0 : i32
      %dma_wait3A_55 = arith.constant 0 : i32
      %dma_wait3A_56 = tpu.memref_slice %arg2[%arg0, %arg1, %dma_wait3A_54, %dma_wait3A_55] : memref<2x16x80x128xi32, #tpu.memory_space<hbm>> -> memref<1x1x80x128xi32, #tpu.memory_space<hbm>>
      %dma_wait3A_57 = tpu.memref_squeeze %dma_wait3A_56 : memref<1x1x80x128xi32, #tpu.memory_space<hbm>> -> memref<80x128xi32, #tpu.memory_space<hbm>>
      tpu.wait_dma2 semaphore(%run_scoped3A : memref<!tpu.dma_semaphore, #tpu.memory_space<semaphore_mem>>) src(%dma_wait3A_57 : memref<80x128xi32, #tpu.memory_space<hbm>>) dst(%arg6 : memref<80x128xi32, #tpu.memory_space<vmem>>)
      tpu.yield
    }) : () -> ()
    %scan3A = arith.constant 0 : i32
    %scan3A_18 = arith.constant 0 : i32
    %scan3A_19 = arith.constant 80 : i32
    %scan3A_20 = arith.addi %scan3A_18, %scan3A_19 : i32
    %scan3A_21 = arith.constant 1 : i32
    scf.for %scan3A_44 = %scan3A_18 to %scan3A_20 step %scan3A_21  : i32 {
      "tpu.region"() ({
        %run_scoped3A = tpu.sem_alloc : memref<!tpu.dma_semaphore, #tpu.memory_space<semaphore_mem>>
        %dma_start3A = arith.constant 0 : i32
        %dma_start3A_45 = tpu.memref_slice %arg6[%scan3A_44, %dma_start3A] : memref<80x128xi32, #tpu.memory_space<vmem>> -> memref<1x128xi32, #tpu.memory_space<vmem>>
        %dma_start3A_46 = tpu.memref_squeeze %dma_start3A_45 : memref<1x128xi32, #tpu.memory_space<vmem>> -> memref<128xi32, #tpu.memory_space<vmem>>
        %dma_start3A_47 = arith.constant 0 : i32
        %dma_start3A_48 = arith.constant 0 : i32
        %dma_start3A_49 = tpu.memref_slice %arg8[%dma_start3A_47, %dma_start3A_48] : memref<10240x128xf32, #tpu.memory_space<vmem_shared>> -> memref<10240x128xf32, #tpu.memory_space<vmem_shared>>
        tpu.enqueue_indirect_dma source(%arg7 : memref<128x128xf32, #tpu.memory_space<vmem>>) target(%dma_start3A_49 : memref<10240x128xf32, #tpu.memory_space<vmem_shared>>) offsets(%dma_start3A_46 : memref<128xi32, #tpu.memory_space<vmem>>) semaphore(%run_scoped3A : memref<!tpu.dma_semaphore, #tpu.memory_space<semaphore_mem>>) {add = true}
        %dma_wait3A = arith.constant 0 : i32
        %dma_wait3A_50 = tpu.memref_slice %arg6[%scan3A_44, %dma_wait3A] : memref<80x128xi32, #tpu.memory_space<vmem>> -> memref<1x128xi32, #tpu.memory_space<vmem>>
        %dma_wait3A_51 = tpu.memref_squeeze %dma_wait3A_50 : memref<1x128xi32, #tpu.memory_space<vmem>> -> memref<128xi32, #tpu.memory_space<vmem>>
        %dma_wait3A_52 = arith.constant 0 : i32
        %dma_wait3A_53 = arith.constant 0 : i32
        %dma_wait3A_54 = tpu.memref_slice %arg8[%dma_wait3A_52, %dma_wait3A_53] : memref<10240x128xf32, #tpu.memory_space<vmem_shared>> -> memref<10240x128xf32, #tpu.memory_space<vmem_shared>>
        tpu.wait_indirect_dma semaphore(%run_scoped3A : memref<!tpu.dma_semaphore, #tpu.memory_space<semaphore_mem>>) src(%arg7 : memref<128x128xf32, #tpu.memory_space<vmem>>) dst(%dma_wait3A_54 : memref<10240x128xf32, #tpu.memory_space<vmem_shared>>)
        tpu.yield
      }) : () -> ()
    }
    %scan3A_22 = arith.constant 80 : i32
    %barrier3A_23 = arith.constant 0 : index
    tpu.barrier barrier_id(%barrier3A_23)
    %mul3A_24 = arith.constant 640 : i32
    %mul3A_25 = arith.muli %arg1, %mul3A_24 : i32
    %add3A_26 = arith.constant 0 : i32
    %add3A_27 = arith.addi %mul3A_25, %add3A_26 : i32
    "tpu.region"() ({
      %run_scoped3A = tpu.sem_alloc : memref<!tpu.dma_semaphore, #tpu.memory_space<semaphore_mem>>
      %dma_start3A = arith.constant 0 : i32
      %dma_start3A_44 = tpu.memref_slice %arg8[%add3A_27, %dma_start3A] : memref<10240x128xf32, #tpu.memory_space<vmem_shared>> -> memref<128x128xf32, #tpu.memory_space<vmem_shared>>
      %dma_start3A_45 = arith.constant 0 : i32
      %dma_start3A_46 = tpu.memref_slice %arg8[%add3A_27, %dma_start3A_45] : memref<10240x128xf32, #tpu.memory_space<vmem_shared>> -> memref<128x128xf32, #tpu.memory_space<vmem_shared>>
      tpu.enqueue_dma source(%dma_start3A_46 : memref<128x128xf32, #tpu.memory_space<vmem_shared>>) target(%arg7 : memref<128x128xf32, #tpu.memory_space<vmem>>) target_semaphore(%run_scoped3A : memref<!tpu.dma_semaphore, #tpu.memory_space<semaphore_mem>>)
      %dma_wait3A = arith.constant 0 : i32
      %dma_wait3A_47 = tpu.memref_slice %arg8[%add3A_27, %dma_wait3A] : memref<10240x128xf32, #tpu.memory_space<vmem_shared>> -> memref<128x128xf32, #tpu.memory_space<vmem_shared>>
      %dma_wait3A_48 = arith.constant 0 : i32
      %dma_wait3A_49 = tpu.memref_slice %arg8[%add3A_27, %dma_wait3A_48] : memref<10240x128xf32, #tpu.memory_space<vmem_shared>> -> memref<128x128xf32, #tpu.memory_space<vmem_shared>>
      tpu.wait_dma2 semaphore(%run_scoped3A : memref<!tpu.dma_semaphore, #tpu.memory_space<semaphore_mem>>) src(%dma_wait3A_49 : memref<128x128xf32, #tpu.memory_space<vmem_shared>>) dst(%arg7 : memref<128x128xf32, #tpu.memory_space<vmem>>)
      tpu.yield
    }) : () -> ()
    "tpu.region"() ({
      %run_scoped3A = tpu.sem_alloc : memref<!tpu.dma_semaphore, #tpu.memory_space<semaphore_mem>>
      %dma_start3A = arith.constant 0 : i32
      %dma_start3A_44 = tpu.memref_slice %arg5[%arg0, %add3A_27, %dma_start3A] : memref<2x10240x128xf32, #tpu.memory_space<hbm>> -> memref<1x128x128xf32, #tpu.memory_space<hbm>>
      %dma_start3A_45 = tpu.memref_squeeze %dma_start3A_44 : memref<1x128x128xf32, #tpu.memory_space<hbm>> -> memref<128x128xf32, #tpu.memory_space<hbm>>
      %dma_start3A_46 = arith.constant 0 : i32
      %dma_start3A_47 = tpu.memref_slice %arg5[%arg0, %add3A_27, %dma_start3A_46] : memref<2x10240x128xf32, #tpu.memory_space<hbm>> -> memref<1x128x128xf32, #tpu.memory_space<hbm>>
      %dma_start3A_48 = tpu.memref_squeeze %dma_start3A_47 : memref<1x128x128xf32, #tpu.memory_space<hbm>> -> memref<128x128xf32, #tpu.memory_space<hbm>>
      tpu.enqueue_dma source(%arg7 : memref<128x128xf32, #tpu.memory_space<vmem>>) target(%dma_start3A_48 : memref<128x128xf32, #tpu.memory_space<hbm>>) target_semaphore(%run_scoped3A : memref<!tpu.dma_semaphore, #tpu.memory_space<semaphore_mem>>)
      %dma_wait3A = arith.constant 0 : i32
      %dma_wait3A_49 = tpu.memref_slice %arg5[%arg0, %add3A_27, %dma_wait3A] : memref<2x10240x128xf32, #tpu.memory_space<hbm>> -> memref<1x128x128xf32, #tpu.memory_space<hbm>>
      %dma_wait3A_50 = tpu.memref_squeeze %dma_wait3A_49 : memref<1x128x128xf32, #tpu.memory_space<hbm>> -> memref<128x128xf32, #tpu.memory_space<hbm>>
      %dma_wait3A_51 = arith.constant 0 : i32
      %dma_wait3A_52 = tpu.memref_slice %arg5[%arg0, %add3A_27, %dma_wait3A_51] : memref<2x10240x128xf32, #tpu.memory_space<hbm>> -> memref<1x128x128xf32, #tpu.memory_space<hbm>>
      %dma_wait3A_53 = tpu.memref_squeeze %dma_wait3A_52 : memref<1x128x128xf32, #tpu.memory_space<hbm>> -> memref<128x128xf32, #tpu.memory_space<hbm>>
      tpu.wait_dma2 semaphore(%run_scoped3A : memref<!tpu.dma_semaphore, #tpu.memory_space<semaphore_mem>>) src(%arg7 : memref<128x128xf32, #tpu.memory_space<vmem>>) dst(%dma_wait3A_53 : memref<128x128xf32, #tpu.memory_space<hbm>>)
      tpu.yield
    }) : () -> ()
    %mul3A_28 = arith.constant 640 : i32
    %mul3A_29 = arith.muli %arg1, %mul3A_28 : i32
    %add3A_30 = arith.constant 128 : i32
    %add3A_31 = arith.addi %mul3A_29, %add3A_30 : i32
    "tpu.region"() ({
      %run_scoped3A = tpu.sem_alloc : memref<!tpu.dma_semaphore, #tpu.memory_space<semaphore_mem>>
      %dma_start3A = arith.constant 0 : i32
      %dma_start3A_44 = tpu.memref_slice %arg8[%add3A_31, %dma_start3A] : memref<10240x128xf32, #tpu.memory_space<vmem_shared>> -> memref<128x128xf32, #tpu.memory_space<vmem_shared>>
      %dma_start3A_45 = arith.constant 0 : i32
      %dma_start3A_46 = tpu.memref_slice %arg8[%add3A_31, %dma_start3A_45] : memref<10240x128xf32, #tpu.memory_space<vmem_shared>> -> memref<128x128xf32, #tpu.memory_space<vmem_shared>>
      tpu.enqueue_dma source(%dma_start3A_46 : memref<128x128xf32, #tpu.memory_space<vmem_shared>>) target(%arg7 : memref<128x128xf32, #tpu.memory_space<vmem>>) target_semaphore(%run_scoped3A : memref<!tpu.dma_semaphore, #tpu.memory_space<semaphore_mem>>)
      %dma_wait3A = arith.constant 0 : i32
      %dma_wait3A_47 = tpu.memref_slice %arg8[%add3A_31, %dma_wait3A] : memref<10240x128xf32, #tpu.memory_space<vmem_shared>> -> memref<128x128xf32, #tpu.memory_space<vmem_shared>>
      %dma_wait3A_48 = arith.constant 0 : i32
      %dma_wait3A_49 = tpu.memref_slice %arg8[%add3A_31, %dma_wait3A_48] : memref<10240x128xf32, #tpu.memory_space<vmem_shared>> -> memref<128x128xf32, #tpu.memory_space<vmem_shared>>
      tpu.wait_dma2 semaphore(%run_scoped3A : memref<!tpu.dma_semaphore, #tpu.memory_space<semaphore_mem>>) src(%dma_wait3A_49 : memref<128x128xf32, #tpu.memory_space<vmem_shared>>) dst(%arg7 : memref<128x128xf32, #tpu.memory_space<vmem>>)
      tpu.yield
    }) : () -> ()
    "tpu.region"() ({
      %run_scoped3A = tpu.sem_alloc : memref<!tpu.dma_semaphore, #tpu.memory_space<semaphore_mem>>
      %dma_start3A = arith.constant 0 : i32
      %dma_start3A_44 = tpu.memref_slice %arg5[%arg0, %add3A_31, %dma_start3A] : memref<2x10240x128xf32, #tpu.memory_space<hbm>> -> memref<1x128x128xf32, #tpu.memory_space<hbm>>
      %dma_start3A_45 = tpu.memref_squeeze %dma_start3A_44 : memref<1x128x128xf32, #tpu.memory_space<hbm>> -> memref<128x128xf32, #tpu.memory_space<hbm>>
      %dma_start3A_46 = arith.constant 0 : i32
      %dma_start3A_47 = tpu.memref_slice %arg5[%arg0, %add3A_31, %dma_start3A_46] : memref<2x10240x128xf32, #tpu.memory_space<hbm>> -> memref<1x128x128xf32, #tpu.memory_space<hbm>>
      %dma_start3A_48 = tpu.memref_squeeze %dma_start3A_47 : memref<1x128x128xf32, #tpu.memory_space<hbm>> -> memref<128x128xf32, #tpu.memory_space<hbm>>
      tpu.enqueue_dma source(%arg7 : memref<128x128xf32, #tpu.memory_space<vmem>>) target(%dma_start3A_48 : memref<128x128xf32, #tpu.memory_space<hbm>>) target_semaphore(%run_scoped3A : memref<!tpu.dma_semaphore, #tpu.memory_space<semaphore_mem>>)
      %dma_wait3A = arith.constant 0 : i32
      %dma_wait3A_49 = tpu.memref_slice %arg5[%arg0, %add3A_31, %dma_wait3A] : memref<2x10240x128xf32, #tpu.memory_space<hbm>> -> memref<1x128x128xf32, #tpu.memory_space<hbm>>
      %dma_wait3A_50 = tpu.memref_squeeze %dma_wait3A_49 : memref<1x128x128xf32, #tpu.memory_space<hbm>> -> memref<128x128xf32, #tpu.memory_space<hbm>>
      %dma_wait3A_51 = arith.constant 0 : i32
      %dma_wait3A_52 = tpu.memref_slice %arg5[%arg0, %add3A_31, %dma_wait3A_51] : memref<2x10240x128xf32, #tpu.memory_space<hbm>> -> memref<1x128x128xf32, #tpu.memory_space<hbm>>
      %dma_wait3A_53 = tpu.memref_squeeze %dma_wait3A_52 : memref<1x128x128xf32, #tpu.memory_space<hbm>> -> memref<128x128xf32, #tpu.memory_space<hbm>>
      tpu.wait_dma2 semaphore(%run_scoped3A : memref<!tpu.dma_semaphore, #tpu.memory_space<semaphore_mem>>) src(%arg7 : memref<128x128xf32, #tpu.memory_space<vmem>>) dst(%dma_wait3A_53 : memref<128x128xf32, #tpu.memory_space<hbm>>)
      tpu.yield
    }) : () -> ()
    %mul3A_32 = arith.constant 640 : i32
    %mul3A_33 = arith.muli %arg1, %mul3A_32 : i32
    %add3A_34 = arith.constant 256 : i32
    %add3A_35 = arith.addi %mul3A_33, %add3A_34 : i32
    "tpu.region"() ({
      %run_scoped3A = tpu.sem_alloc : memref<!tpu.dma_semaphore, #tpu.memory_space<semaphore_mem>>
      %dma_start3A = arith.constant 0 : i32
      %dma_start3A_44 = tpu.memref_slice %arg8[%add3A_35, %dma_start3A] : memref<10240x128xf32, #tpu.memory_space<vmem_shared>> -> memref<128x128xf32, #tpu.memory_space<vmem_shared>>
      %dma_start3A_45 = arith.constant 0 : i32
      %dma_start3A_46 = tpu.memref_slice %arg8[%add3A_35, %dma_start3A_45] : memref<10240x128xf32, #tpu.memory_space<vmem_shared>> -> memref<128x128xf32, #tpu.memory_space<vmem_shared>>
      tpu.enqueue_dma source(%dma_start3A_46 : memref<128x128xf32, #tpu.memory_space<vmem_shared>>) target(%arg7 : memref<128x128xf32, #tpu.memory_space<vmem>>) target_semaphore(%run_scoped3A : memref<!tpu.dma_semaphore, #tpu.memory_space<semaphore_mem>>)
      %dma_wait3A = arith.constant 0 : i32
      %dma_wait3A_47 = tpu.memref_slice %arg8[%add3A_35, %dma_wait3A] : memref<10240x128xf32, #tpu.memory_space<vmem_shared>> -> memref<128x128xf32, #tpu.memory_space<vmem_shared>>
      %dma_wait3A_48 = arith.constant 0 : i32
      %dma_wait3A_49 = tpu.memref_slice %arg8[%add3A_35, %dma_wait3A_48] : memref<10240x128xf32, #tpu.memory_space<vmem_shared>> -> memref<128x128xf32, #tpu.memory_space<vmem_shared>>
      tpu.wait_dma2 semaphore(%run_scoped3A : memref<!tpu.dma_semaphore, #tpu.memory_space<semaphore_mem>>) src(%dma_wait3A_49 : memref<128x128xf32, #tpu.memory_space<vmem_shared>>) dst(%arg7 : memref<128x128xf32, #tpu.memory_space<vmem>>)
      tpu.yield
    }) : () -> ()
    "tpu.region"() ({
      %run_scoped3A = tpu.sem_alloc : memref<!tpu.dma_semaphore, #tpu.memory_space<semaphore_mem>>
      %dma_start3A = arith.constant 0 : i32
      %dma_start3A_44 = tpu.memref_slice %arg5[%arg0, %add3A_35, %dma_start3A] : memref<2x10240x128xf32, #tpu.memory_space<hbm>> -> memref<1x128x128xf32, #tpu.memory_space<hbm>>
      %dma_start3A_45 = tpu.memref_squeeze %dma_start3A_44 : memref<1x128x128xf32, #tpu.memory_space<hbm>> -> memref<128x128xf32, #tpu.memory_space<hbm>>
      %dma_start3A_46 = arith.constant 0 : i32
      %dma_start3A_47 = tpu.memref_slice %arg5[%arg0, %add3A_35, %dma_start3A_46] : memref<2x10240x128xf32, #tpu.memory_space<hbm>> -> memref<1x128x128xf32, #tpu.memory_space<hbm>>
      %dma_start3A_48 = tpu.memref_squeeze %dma_start3A_47 : memref<1x128x128xf32, #tpu.memory_space<hbm>> -> memref<128x128xf32, #tpu.memory_space<hbm>>
      tpu.enqueue_dma source(%arg7 : memref<128x128xf32, #tpu.memory_space<vmem>>) target(%dma_start3A_48 : memref<128x128xf32, #tpu.memory_space<hbm>>) target_semaphore(%run_scoped3A : memref<!tpu.dma_semaphore, #tpu.memory_space<semaphore_mem>>)
      %dma_wait3A = arith.constant 0 : i32
      %dma_wait3A_49 = tpu.memref_slice %arg5[%arg0, %add3A_35, %dma_wait3A] : memref<2x10240x128xf32, #tpu.memory_space<hbm>> -> memref<1x128x128xf32, #tpu.memory_space<hbm>>
      %dma_wait3A_50 = tpu.memref_squeeze %dma_wait3A_49 : memref<1x128x128xf32, #tpu.memory_space<hbm>> -> memref<128x128xf32, #tpu.memory_space<hbm>>
      %dma_wait3A_51 = arith.constant 0 : i32
      %dma_wait3A_52 = tpu.memref_slice %arg5[%arg0, %add3A_35, %dma_wait3A_51] : memref<2x10240x128xf32, #tpu.memory_space<hbm>> -> memref<1x128x128xf32, #tpu.memory_space<hbm>>
      %dma_wait3A_53 = tpu.memref_squeeze %dma_wait3A_52 : memref<1x128x128xf32, #tpu.memory_space<hbm>> -> memref<128x128xf32, #tpu.memory_space<hbm>>
      tpu.wait_dma2 semaphore(%run_scoped3A : memref<!tpu.dma_semaphore, #tpu.memory_space<semaphore_mem>>) src(%arg7 : memref<128x128xf32, #tpu.memory_space<vmem>>) dst(%dma_wait3A_53 : memref<128x128xf32, #tpu.memory_space<hbm>>)
      tpu.yield
    }) : () -> ()
    %mul3A_36 = arith.constant 640 : i32
    %mul3A_37 = arith.muli %arg1, %mul3A_36 : i32
    %add3A_38 = arith.constant 384 : i32
    %add3A_39 = arith.addi %mul3A_37, %add3A_38 : i32
    "tpu.region"() ({
      %run_scoped3A = tpu.sem_alloc : memref<!tpu.dma_semaphore, #tpu.memory_space<semaphore_mem>>
      %dma_start3A = arith.constant 0 : i32
      %dma_start3A_44 = tpu.memref_slice %arg8[%add3A_39, %dma_start3A] : memref<10240x128xf32, #tpu.memory_space<vmem_shared>> -> memref<128x128xf32, #tpu.memory_space<vmem_shared>>
      %dma_start3A_45 = arith.constant 0 : i32
      %dma_start3A_46 = tpu.memref_slice %arg8[%add3A_39, %dma_start3A_45] : memref<10240x128xf32, #tpu.memory_space<vmem_shared>> -> memref<128x128xf32, #tpu.memory_space<vmem_shared>>
      tpu.enqueue_dma source(%dma_start3A_46 : memref<128x128xf32, #tpu.memory_space<vmem_shared>>) target(%arg7 : memref<128x128xf32, #tpu.memory_space<vmem>>) target_semaphore(%run_scoped3A : memref<!tpu.dma_semaphore, #tpu.memory_space<semaphore_mem>>)
      %dma_wait3A = arith.constant 0 : i32
      %dma_wait3A_47 = tpu.memref_slice %arg8[%add3A_39, %dma_wait3A] : memref<10240x128xf32, #tpu.memory_space<vmem_shared>> -> memref<128x128xf32, #tpu.memory_space<vmem_shared>>
      %dma_wait3A_48 = arith.constant 0 : i32
      %dma_wait3A_49 = tpu.memref_slice %arg8[%add3A_39, %dma_wait3A_48] : memref<10240x128xf32, #tpu.memory_space<vmem_shared>> -> memref<128x128xf32, #tpu.memory_space<vmem_shared>>
      tpu.wait_dma2 semaphore(%run_scoped3A : memref<!tpu.dma_semaphore, #tpu.memory_space<semaphore_mem>>) src(%dma_wait3A_49 : memref<128x128xf32, #tpu.memory_space<vmem_shared>>) dst(%arg7 : memref<128x128xf32, #tpu.memory_space<vmem>>)
      tpu.yield
    }) : () -> ()
    "tpu.region"() ({
      %run_scoped3A = tpu.sem_alloc : memref<!tpu.dma_semaphore, #tpu.memory_space<semaphore_mem>>
      %dma_start3A = arith.constant 0 : i32
      %dma_start3A_44 = tpu.memref_slice %arg5[%arg0, %add3A_39, %dma_start3A] : memref<2x10240x128xf32, #tpu.memory_space<hbm>> -> memref<1x128x128xf32, #tpu.memory_space<hbm>>
      %dma_start3A_45 = tpu.memref_squeeze %dma_start3A_44 : memref<1x128x128xf32, #tpu.memory_space<hbm>> -> memref<128x128xf32, #tpu.memory_space<hbm>>
      %dma_start3A_46 = arith.constant 0 : i32
      %dma_start3A_47 = tpu.memref_slice %arg5[%arg0, %add3A_39, %dma_start3A_46] : memref<2x10240x128xf32, #tpu.memory_space<hbm>> -> memref<1x128x128xf32, #tpu.memory_space<hbm>>
      %dma_start3A_48 = tpu.memref_squeeze %dma_start3A_47 : memref<1x128x128xf32, #tpu.memory_space<hbm>> -> memref<128x128xf32, #tpu.memory_space<hbm>>
      tpu.enqueue_dma source(%arg7 : memref<128x128xf32, #tpu.memory_space<vmem>>) target(%dma_start3A_48 : memref<128x128xf32, #tpu.memory_space<hbm>>) target_semaphore(%run_scoped3A : memref<!tpu.dma_semaphore, #tpu.memory_space<semaphore_mem>>)
      %dma_wait3A = arith.constant 0 : i32
      %dma_wait3A_49 = tpu.memref_slice %arg5[%arg0, %add3A_39, %dma_wait3A] : memref<2x10240x128xf32, #tpu.memory_space<hbm>> -> memref<1x128x128xf32, #tpu.memory_space<hbm>>
      %dma_wait3A_50 = tpu.memref_squeeze %dma_wait3A_49 : memref<1x128x128xf32, #tpu.memory_space<hbm>> -> memref<128x128xf32, #tpu.memory_space<hbm>>
      %dma_wait3A_51 = arith.constant 0 : i32
      %dma_wait3A_52 = tpu.memref_slice %arg5[%arg0, %add3A_39, %dma_wait3A_51] : memref<2x10240x128xf32, #tpu.memory_space<hbm>> -> memref<1x128x128xf32, #tpu.memory_space<hbm>>
      %dma_wait3A_53 = tpu.memref_squeeze %dma_wait3A_52 : memref<1x128x128xf32, #tpu.memory_space<hbm>> -> memref<128x128xf32, #tpu.memory_space<hbm>>
      tpu.wait_dma2 semaphore(%run_scoped3A : memref<!tpu.dma_semaphore, #tpu.memory_space<semaphore_mem>>) src(%arg7 : memref<128x128xf32, #tpu.memory_space<vmem>>) dst(%dma_wait3A_53 : memref<128x128xf32, #tpu.memory_space<hbm>>)
      tpu.yield
    }) : () -> ()
    %mul3A_40 = arith.constant 640 : i32
    %mul3A_41 = arith.muli %arg1, %mul3A_40 : i32
    %add3A_42 = arith.constant 512 : i32
    %add3A_43 = arith.addi %mul3A_41, %add3A_42 : i32
    "tpu.region"() ({
      %run_scoped3A = tpu.sem_alloc : memref<!tpu.dma_semaphore, #tpu.memory_space<semaphore_mem>>
      %dma_start3A = arith.constant 0 : i32
      %dma_start3A_44 = tpu.memref_slice %arg8[%add3A_43, %dma_start3A] : memref<10240x128xf32, #tpu.memory_space<vmem_shared>> -> memref<128x128xf32, #tpu.memory_space<vmem_shared>>
      %dma_start3A_45 = arith.constant 0 : i32
      %dma_start3A_46 = tpu.memref_slice %arg8[%add3A_43, %dma_start3A_45] : memref<10240x128xf32, #tpu.memory_space<vmem_shared>> -> memref<128x128xf32, #tpu.memory_space<vmem_shared>>
      tpu.enqueue_dma source(%dma_start3A_46 : memref<128x128xf32, #tpu.memory_space<vmem_shared>>) target(%arg7 : memref<128x128xf32, #tpu.memory_space<vmem>>) target_semaphore(%run_scoped3A : memref<!tpu.dma_semaphore, #tpu.memory_space<semaphore_mem>>)
      %dma_wait3A = arith.constant 0 : i32
      %dma_wait3A_47 = tpu.memref_slice %arg8[%add3A_43, %dma_wait3A] : memref<10240x128xf32, #tpu.memory_space<vmem_shared>> -> memref<128x128xf32, #tpu.memory_space<vmem_shared>>
      %dma_wait3A_48 = arith.constant 0 : i32
      %dma_wait3A_49 = tpu.memref_slice %arg8[%add3A_43, %dma_wait3A_48] : memref<10240x128xf32, #tpu.memory_space<vmem_shared>> -> memref<128x128xf32, #tpu.memory_space<vmem_shared>>
      tpu.wait_dma2 semaphore(%run_scoped3A : memref<!tpu.dma_semaphore, #tpu.memory_space<semaphore_mem>>) src(%dma_wait3A_49 : memref<128x128xf32, #tpu.memory_space<vmem_shared>>) dst(%arg7 : memref<128x128xf32, #tpu.memory_space<vmem>>)
      tpu.yield
    }) : () -> ()
    "tpu.region"() ({
      %run_scoped3A = tpu.sem_alloc : memref<!tpu.dma_semaphore, #tpu.memory_space<semaphore_mem>>
      %dma_start3A = arith.constant 0 : i32
      %dma_start3A_44 = tpu.memref_slice %arg5[%arg0, %add3A_43, %dma_start3A] : memref<2x10240x128xf32, #tpu.memory_space<hbm>> -> memref<1x128x128xf32, #tpu.memory_space<hbm>>
      %dma_start3A_45 = tpu.memref_squeeze %dma_start3A_44 : memref<1x128x128xf32, #tpu.memory_space<hbm>> -> memref<128x128xf32, #tpu.memory_space<hbm>>
      %dma_start3A_46 = arith.constant 0 : i32
      %dma_start3A_47 = tpu.memref_slice %arg5[%arg0, %add3A_43, %dma_start3A_46] : memref<2x10240x128xf32, #tpu.memory_space<hbm>> -> memref<1x128x128xf32, #tpu.memory_space<hbm>>
      %dma_start3A_48 = tpu.memref_squeeze %dma_start3A_47 : memref<1x128x128xf32, #tpu.memory_space<hbm>> -> memref<128x128xf32, #tpu.memory_space<hbm>>
      tpu.enqueue_dma source(%arg7 : memref<128x128xf32, #tpu.memory_space<vmem>>) target(%dma_start3A_48 : memref<128x128xf32, #tpu.memory_space<hbm>>) target_semaphore(%run_scoped3A : memref<!tpu.dma_semaphore, #tpu.memory_space<semaphore_mem>>)
      %dma_wait3A = arith.constant 0 : i32
      %dma_wait3A_49 = tpu.memref_slice %arg5[%arg0, %add3A_43, %dma_wait3A] : memref<2x10240x128xf32, #tpu.memory_space<hbm>> -> memref<1x128x128xf32, #tpu.memory_space<hbm>>
      %dma_wait3A_50 = tpu.memref_squeeze %dma_wait3A_49 : memref<1x128x128xf32, #tpu.memory_space<hbm>> -> memref<128x128xf32, #tpu.memory_space<hbm>>
      %dma_wait3A_51 = arith.constant 0 : i32
      %dma_wait3A_52 = tpu.memref_slice %arg5[%arg0, %add3A_43, %dma_wait3A_51] : memref<2x10240x128xf32, #tpu.memory_space<hbm>> -> memref<1x128x128xf32, #tpu.memory_space<hbm>>
      %dma_wait3A_53 = tpu.memref_squeeze %dma_wait3A_52 : memref<1x128x128xf32, #tpu.memory_space<hbm>> -> memref<128x128xf32, #tpu.memory_space<hbm>>
      tpu.wait_dma2 semaphore(%run_scoped3A : memref<!tpu.dma_semaphore, #tpu.memory_space<semaphore_mem>>) src(%arg7 : memref<128x128xf32, #tpu.memory_space<vmem>>) dst(%dma_wait3A_53 : memref<128x128xf32, #tpu.memory_space<hbm>>)
      tpu.yield
    }) : () -> ()
    return
  }
}

#map = affine_map<(d0, d1) -> (0, 0)>
#map1 = affine_map<(d0, d1) -> (0, 0, 0)>
module attributes {stable_mosaic.version = 14 : i64} {
  func.func @_sc_scatter(%arg0: i32, %arg1: i32, %arg2: memref<10240x128xf32, #tpu.memory_space<hbm>>, %arg3: memref<2560x128xi32, #tpu.memory_space<hbm>>, %arg4: memref<2560x128xi32, #tpu.memory_space<hbm>>, %arg5: memref<128x128xf32, #tpu.memory_space<hbm>>, %arg6: memref<2x10240x128xf32, #tpu.memory_space<hbm>>, %arg7: memref<56x128xi32, #tpu.memory_space<vmem>>, %arg8: memref<56x128xi32, #tpu.memory_space<vmem>>, %arg9: memref<2x128x128xf32, #tpu.memory_space<vmem>>, %arg10: memref<!tpu.dma_semaphore, #tpu.memory_space<semaphore_mem>>, %arg11: memref<10240x128xf32, #tpu.memory_space<vmem_shared>>) attributes {dimension_semantics = [#tpu.dimension_semantics<core_parallel>, #tpu.dimension_semantics<subcore_parallel>], iteration_bounds = array<i64: 2, 16>, scalar_prefetch = 0 : i64, scratch_operands = 5 : i64, tpu.core_type = #tpu.core_type<sc_vector_subcore>, window_params = [{transform_indices = #map}, {transform_indices = #map}, {transform_indices = #map}, {transform_indices = #map}, {transform_indices = #map1}]} {
    %run_scoped3A = arith.constant 0 : i32
    "tpu.region"() ({
      %run_scoped3A_60 = tpu.sem_alloc : memref<!tpu.dma_semaphore, #tpu.memory_space<semaphore_mem>>
      %dma_start3A = arith.constant 0 : i32
      %dma_start3A_61 = arith.constant 0 : i32
      %dma_start3A_62 = tpu.memref_slice %arg9[%run_scoped3A, %dma_start3A, %dma_start3A_61] : memref<2x128x128xf32, #tpu.memory_space<vmem>> -> memref<1x128x128xf32, #tpu.memory_space<vmem>>
      %dma_start3A_63 = tpu.memref_squeeze %dma_start3A_62 : memref<1x128x128xf32, #tpu.memory_space<vmem>> -> memref<128x128xf32, #tpu.memory_space<vmem>>
      %dma_start3A_64 = arith.constant 0 : i32
      %dma_start3A_65 = arith.constant 0 : i32
      %dma_start3A_66 = tpu.memref_slice %arg9[%run_scoped3A, %dma_start3A_64, %dma_start3A_65] : memref<2x128x128xf32, #tpu.memory_space<vmem>> -> memref<1x128x128xf32, #tpu.memory_space<vmem>>
      %dma_start3A_67 = tpu.memref_squeeze %dma_start3A_66 : memref<1x128x128xf32, #tpu.memory_space<vmem>> -> memref<128x128xf32, #tpu.memory_space<vmem>>
      tpu.enqueue_dma source(%arg5 : memref<128x128xf32, #tpu.memory_space<hbm>>) target(%dma_start3A_67 : memref<128x128xf32, #tpu.memory_space<vmem>>) target_semaphore(%run_scoped3A_60 : memref<!tpu.dma_semaphore, #tpu.memory_space<semaphore_mem>>)
      %dma_wait3A = arith.constant 0 : i32
      %dma_wait3A_68 = arith.constant 0 : i32
      %dma_wait3A_69 = tpu.memref_slice %arg9[%run_scoped3A, %dma_wait3A, %dma_wait3A_68] : memref<2x128x128xf32, #tpu.memory_space<vmem>> -> memref<1x128x128xf32, #tpu.memory_space<vmem>>
      %dma_wait3A_70 = tpu.memref_squeeze %dma_wait3A_69 : memref<1x128x128xf32, #tpu.memory_space<vmem>> -> memref<128x128xf32, #tpu.memory_space<vmem>>
      %dma_wait3A_71 = arith.constant 0 : i32
      %dma_wait3A_72 = arith.constant 0 : i32
      %dma_wait3A_73 = tpu.memref_slice %arg9[%run_scoped3A, %dma_wait3A_71, %dma_wait3A_72] : memref<2x128x128xf32, #tpu.memory_space<vmem>> -> memref<1x128x128xf32, #tpu.memory_space<vmem>>
      %dma_wait3A_74 = tpu.memref_squeeze %dma_wait3A_73 : memref<1x128x128xf32, #tpu.memory_space<vmem>> -> memref<128x128xf32, #tpu.memory_space<vmem>>
      tpu.wait_dma2 semaphore(%run_scoped3A_60 : memref<!tpu.dma_semaphore, #tpu.memory_space<semaphore_mem>>) src(%arg5 : memref<128x128xf32, #tpu.memory_space<hbm>>) dst(%dma_wait3A_74 : memref<128x128xf32, #tpu.memory_space<vmem>>)
      tpu.yield
    }) : () -> ()
    %mul3A = arith.constant 640 : i32
    %mul3A_0 = arith.muli %arg1, %mul3A : i32
    %add3A = arith.constant 0 : i32
    %add3A_1 = arith.addi %mul3A_0, %add3A : i32
    %run_scoped3A_2 = arith.constant 0 : i32
    "tpu.region"() ({
      %run_scoped3A_60 = tpu.sem_alloc : memref<!tpu.dma_semaphore, #tpu.memory_space<semaphore_mem>>
      %dma_start3A = arith.constant 0 : i32
      %dma_start3A_61 = arith.constant 0 : i32
      %dma_start3A_62 = tpu.memref_slice %arg9[%run_scoped3A_2, %dma_start3A, %dma_start3A_61] : memref<2x128x128xf32, #tpu.memory_space<vmem>> -> memref<1x128x128xf32, #tpu.memory_space<vmem>>
      %dma_start3A_63 = tpu.memref_squeeze %dma_start3A_62 : memref<1x128x128xf32, #tpu.memory_space<vmem>> -> memref<128x128xf32, #tpu.memory_space<vmem>>
      %dma_start3A_64 = arith.constant 0 : i32
      %dma_start3A_65 = tpu.memref_slice %arg11[%add3A_1, %dma_start3A_64] : memref<10240x128xf32, #tpu.memory_space<vmem_shared>> -> memref<128x128xf32, #tpu.memory_space<vmem_shared>>
      %dma_start3A_66 = arith.constant 0 : i32
      %dma_start3A_67 = tpu.memref_slice %arg11[%add3A_1, %dma_start3A_66] : memref<10240x128xf32, #tpu.memory_space<vmem_shared>> -> memref<128x128xf32, #tpu.memory_space<vmem_shared>>
      %dma_start3A_68 = arith.constant 0 : i32
      %dma_start3A_69 = arith.constant 0 : i32
      %dma_start3A_70 = tpu.memref_slice %arg9[%run_scoped3A_2, %dma_start3A_68, %dma_start3A_69] : memref<2x128x128xf32, #tpu.memory_space<vmem>> -> memref<1x128x128xf32, #tpu.memory_space<vmem>>
      %dma_start3A_71 = tpu.memref_squeeze %dma_start3A_70 : memref<1x128x128xf32, #tpu.memory_space<vmem>> -> memref<128x128xf32, #tpu.memory_space<vmem>>
      tpu.enqueue_dma source(%dma_start3A_71 : memref<128x128xf32, #tpu.memory_space<vmem>>) target(%dma_start3A_67 : memref<128x128xf32, #tpu.memory_space<vmem_shared>>) target_semaphore(%run_scoped3A_60 : memref<!tpu.dma_semaphore, #tpu.memory_space<semaphore_mem>>)
      %dma_wait3A = arith.constant 0 : i32
      %dma_wait3A_72 = arith.constant 0 : i32
      %dma_wait3A_73 = tpu.memref_slice %arg9[%run_scoped3A_2, %dma_wait3A, %dma_wait3A_72] : memref<2x128x128xf32, #tpu.memory_space<vmem>> -> memref<1x128x128xf32, #tpu.memory_space<vmem>>
      %dma_wait3A_74 = tpu.memref_squeeze %dma_wait3A_73 : memref<1x128x128xf32, #tpu.memory_space<vmem>> -> memref<128x128xf32, #tpu.memory_space<vmem>>
      %dma_wait3A_75 = arith.constant 0 : i32
      %dma_wait3A_76 = tpu.memref_slice %arg11[%add3A_1, %dma_wait3A_75] : memref<10240x128xf32, #tpu.memory_space<vmem_shared>> -> memref<128x128xf32, #tpu.memory_space<vmem_shared>>
      %dma_wait3A_77 = arith.constant 0 : i32
      %dma_wait3A_78 = tpu.memref_slice %arg11[%add3A_1, %dma_wait3A_77] : memref<10240x128xf32, #tpu.memory_space<vmem_shared>> -> memref<128x128xf32, #tpu.memory_space<vmem_shared>>
      %dma_wait3A_79 = arith.constant 0 : i32
      %dma_wait3A_80 = arith.constant 0 : i32
      %dma_wait3A_81 = tpu.memref_slice %arg9[%run_scoped3A_2, %dma_wait3A_79, %dma_wait3A_80] : memref<2x128x128xf32, #tpu.memory_space<vmem>> -> memref<1x128x128xf32, #tpu.memory_space<vmem>>
      %dma_wait3A_82 = tpu.memref_squeeze %dma_wait3A_81 : memref<1x128x128xf32, #tpu.memory_space<vmem>> -> memref<128x128xf32, #tpu.memory_space<vmem>>
      tpu.wait_dma2 semaphore(%run_scoped3A_60 : memref<!tpu.dma_semaphore, #tpu.memory_space<semaphore_mem>>) src(%dma_wait3A_82 : memref<128x128xf32, #tpu.memory_space<vmem>>) dst(%dma_wait3A_78 : memref<128x128xf32, #tpu.memory_space<vmem_shared>>)
      tpu.yield
    }) : () -> ()
    %mul3A_3 = arith.constant 640 : i32
    %mul3A_4 = arith.muli %arg1, %mul3A_3 : i32
    %add3A_5 = arith.constant 128 : i32
    %add3A_6 = arith.addi %mul3A_4, %add3A_5 : i32
    %run_scoped3A_7 = arith.constant 0 : i32
    "tpu.region"() ({
      %run_scoped3A_60 = tpu.sem_alloc : memref<!tpu.dma_semaphore, #tpu.memory_space<semaphore_mem>>
      %dma_start3A = arith.constant 0 : i32
      %dma_start3A_61 = arith.constant 0 : i32
      %dma_start3A_62 = tpu.memref_slice %arg9[%run_scoped3A_7, %dma_start3A, %dma_start3A_61] : memref<2x128x128xf32, #tpu.memory_space<vmem>> -> memref<1x128x128xf32, #tpu.memory_space<vmem>>
      %dma_start3A_63 = tpu.memref_squeeze %dma_start3A_62 : memref<1x128x128xf32, #tpu.memory_space<vmem>> -> memref<128x128xf32, #tpu.memory_space<vmem>>
      %dma_start3A_64 = arith.constant 0 : i32
      %dma_start3A_65 = tpu.memref_slice %arg11[%add3A_6, %dma_start3A_64] : memref<10240x128xf32, #tpu.memory_space<vmem_shared>> -> memref<128x128xf32, #tpu.memory_space<vmem_shared>>
      %dma_start3A_66 = arith.constant 0 : i32
      %dma_start3A_67 = tpu.memref_slice %arg11[%add3A_6, %dma_start3A_66] : memref<10240x128xf32, #tpu.memory_space<vmem_shared>> -> memref<128x128xf32, #tpu.memory_space<vmem_shared>>
      %dma_start3A_68 = arith.constant 0 : i32
      %dma_start3A_69 = arith.constant 0 : i32
      %dma_start3A_70 = tpu.memref_slice %arg9[%run_scoped3A_7, %dma_start3A_68, %dma_start3A_69] : memref<2x128x128xf32, #tpu.memory_space<vmem>> -> memref<1x128x128xf32, #tpu.memory_space<vmem>>
      %dma_start3A_71 = tpu.memref_squeeze %dma_start3A_70 : memref<1x128x128xf32, #tpu.memory_space<vmem>> -> memref<128x128xf32, #tpu.memory_space<vmem>>
      tpu.enqueue_dma source(%dma_start3A_71 : memref<128x128xf32, #tpu.memory_space<vmem>>) target(%dma_start3A_67 : memref<128x128xf32, #tpu.memory_space<vmem_shared>>) target_semaphore(%run_scoped3A_60 : memref<!tpu.dma_semaphore, #tpu.memory_space<semaphore_mem>>)
      %dma_wait3A = arith.constant 0 : i32
      %dma_wait3A_72 = arith.constant 0 : i32
      %dma_wait3A_73 = tpu.memref_slice %arg9[%run_scoped3A_7, %dma_wait3A, %dma_wait3A_72] : memref<2x128x128xf32, #tpu.memory_space<vmem>> -> memref<1x128x128xf32, #tpu.memory_space<vmem>>
      %dma_wait3A_74 = tpu.memref_squeeze %dma_wait3A_73 : memref<1x128x128xf32, #tpu.memory_space<vmem>> -> memref<128x128xf32, #tpu.memory_space<vmem>>
      %dma_wait3A_75 = arith.constant 0 : i32
      %dma_wait3A_76 = tpu.memref_slice %arg11[%add3A_6, %dma_wait3A_75] : memref<10240x128xf32, #tpu.memory_space<vmem_shared>> -> memref<128x128xf32, #tpu.memory_space<vmem_shared>>
      %dma_wait3A_77 = arith.constant 0 : i32
      %dma_wait3A_78 = tpu.memref_slice %arg11[%add3A_6, %dma_wait3A_77] : memref<10240x128xf32, #tpu.memory_space<vmem_shared>> -> memref<128x128xf32, #tpu.memory_space<vmem_shared>>
      %dma_wait3A_79 = arith.constant 0 : i32
      %dma_wait3A_80 = arith.constant 0 : i32
      %dma_wait3A_81 = tpu.memref_slice %arg9[%run_scoped3A_7, %dma_wait3A_79, %dma_wait3A_80] : memref<2x128x128xf32, #tpu.memory_space<vmem>> -> memref<1x128x128xf32, #tpu.memory_space<vmem>>
      %dma_wait3A_82 = tpu.memref_squeeze %dma_wait3A_81 : memref<1x128x128xf32, #tpu.memory_space<vmem>> -> memref<128x128xf32, #tpu.memory_space<vmem>>
      tpu.wait_dma2 semaphore(%run_scoped3A_60 : memref<!tpu.dma_semaphore, #tpu.memory_space<semaphore_mem>>) src(%dma_wait3A_82 : memref<128x128xf32, #tpu.memory_space<vmem>>) dst(%dma_wait3A_78 : memref<128x128xf32, #tpu.memory_space<vmem_shared>>)
      tpu.yield
    }) : () -> ()
    %mul3A_8 = arith.constant 640 : i32
    %mul3A_9 = arith.muli %arg1, %mul3A_8 : i32
    %add3A_10 = arith.constant 256 : i32
    %add3A_11 = arith.addi %mul3A_9, %add3A_10 : i32
    %run_scoped3A_12 = arith.constant 0 : i32
    "tpu.region"() ({
      %run_scoped3A_60 = tpu.sem_alloc : memref<!tpu.dma_semaphore, #tpu.memory_space<semaphore_mem>>
      %dma_start3A = arith.constant 0 : i32
      %dma_start3A_61 = arith.constant 0 : i32
      %dma_start3A_62 = tpu.memref_slice %arg9[%run_scoped3A_12, %dma_start3A, %dma_start3A_61] : memref<2x128x128xf32, #tpu.memory_space<vmem>> -> memref<1x128x128xf32, #tpu.memory_space<vmem>>
      %dma_start3A_63 = tpu.memref_squeeze %dma_start3A_62 : memref<1x128x128xf32, #tpu.memory_space<vmem>> -> memref<128x128xf32, #tpu.memory_space<vmem>>
      %dma_start3A_64 = arith.constant 0 : i32
      %dma_start3A_65 = tpu.memref_slice %arg11[%add3A_11, %dma_start3A_64] : memref<10240x128xf32, #tpu.memory_space<vmem_shared>> -> memref<128x128xf32, #tpu.memory_space<vmem_shared>>
      %dma_start3A_66 = arith.constant 0 : i32
      %dma_start3A_67 = tpu.memref_slice %arg11[%add3A_11, %dma_start3A_66] : memref<10240x128xf32, #tpu.memory_space<vmem_shared>> -> memref<128x128xf32, #tpu.memory_space<vmem_shared>>
      %dma_start3A_68 = arith.constant 0 : i32
      %dma_start3A_69 = arith.constant 0 : i32
      %dma_start3A_70 = tpu.memref_slice %arg9[%run_scoped3A_12, %dma_start3A_68, %dma_start3A_69] : memref<2x128x128xf32, #tpu.memory_space<vmem>> -> memref<1x128x128xf32, #tpu.memory_space<vmem>>
      %dma_start3A_71 = tpu.memref_squeeze %dma_start3A_70 : memref<1x128x128xf32, #tpu.memory_space<vmem>> -> memref<128x128xf32, #tpu.memory_space<vmem>>
      tpu.enqueue_dma source(%dma_start3A_71 : memref<128x128xf32, #tpu.memory_space<vmem>>) target(%dma_start3A_67 : memref<128x128xf32, #tpu.memory_space<vmem_shared>>) target_semaphore(%run_scoped3A_60 : memref<!tpu.dma_semaphore, #tpu.memory_space<semaphore_mem>>)
      %dma_wait3A = arith.constant 0 : i32
      %dma_wait3A_72 = arith.constant 0 : i32
      %dma_wait3A_73 = tpu.memref_slice %arg9[%run_scoped3A_12, %dma_wait3A, %dma_wait3A_72] : memref<2x128x128xf32, #tpu.memory_space<vmem>> -> memref<1x128x128xf32, #tpu.memory_space<vmem>>
      %dma_wait3A_74 = tpu.memref_squeeze %dma_wait3A_73 : memref<1x128x128xf32, #tpu.memory_space<vmem>> -> memref<128x128xf32, #tpu.memory_space<vmem>>
      %dma_wait3A_75 = arith.constant 0 : i32
      %dma_wait3A_76 = tpu.memref_slice %arg11[%add3A_11, %dma_wait3A_75] : memref<10240x128xf32, #tpu.memory_space<vmem_shared>> -> memref<128x128xf32, #tpu.memory_space<vmem_shared>>
      %dma_wait3A_77 = arith.constant 0 : i32
      %dma_wait3A_78 = tpu.memref_slice %arg11[%add3A_11, %dma_wait3A_77] : memref<10240x128xf32, #tpu.memory_space<vmem_shared>> -> memref<128x128xf32, #tpu.memory_space<vmem_shared>>
      %dma_wait3A_79 = arith.constant 0 : i32
      %dma_wait3A_80 = arith.constant 0 : i32
      %dma_wait3A_81 = tpu.memref_slice %arg9[%run_scoped3A_12, %dma_wait3A_79, %dma_wait3A_80] : memref<2x128x128xf32, #tpu.memory_space<vmem>> -> memref<1x128x128xf32, #tpu.memory_space<vmem>>
      %dma_wait3A_82 = tpu.memref_squeeze %dma_wait3A_81 : memref<1x128x128xf32, #tpu.memory_space<vmem>> -> memref<128x128xf32, #tpu.memory_space<vmem>>
      tpu.wait_dma2 semaphore(%run_scoped3A_60 : memref<!tpu.dma_semaphore, #tpu.memory_space<semaphore_mem>>) src(%dma_wait3A_82 : memref<128x128xf32, #tpu.memory_space<vmem>>) dst(%dma_wait3A_78 : memref<128x128xf32, #tpu.memory_space<vmem_shared>>)
      tpu.yield
    }) : () -> ()
    %mul3A_13 = arith.constant 640 : i32
    %mul3A_14 = arith.muli %arg1, %mul3A_13 : i32
    %add3A_15 = arith.constant 384 : i32
    %add3A_16 = arith.addi %mul3A_14, %add3A_15 : i32
    %run_scoped3A_17 = arith.constant 0 : i32
    "tpu.region"() ({
      %run_scoped3A_60 = tpu.sem_alloc : memref<!tpu.dma_semaphore, #tpu.memory_space<semaphore_mem>>
      %dma_start3A = arith.constant 0 : i32
      %dma_start3A_61 = arith.constant 0 : i32
      %dma_start3A_62 = tpu.memref_slice %arg9[%run_scoped3A_17, %dma_start3A, %dma_start3A_61] : memref<2x128x128xf32, #tpu.memory_space<vmem>> -> memref<1x128x128xf32, #tpu.memory_space<vmem>>
      %dma_start3A_63 = tpu.memref_squeeze %dma_start3A_62 : memref<1x128x128xf32, #tpu.memory_space<vmem>> -> memref<128x128xf32, #tpu.memory_space<vmem>>
      %dma_start3A_64 = arith.constant 0 : i32
      %dma_start3A_65 = tpu.memref_slice %arg11[%add3A_16, %dma_start3A_64] : memref<10240x128xf32, #tpu.memory_space<vmem_shared>> -> memref<128x128xf32, #tpu.memory_space<vmem_shared>>
      %dma_start3A_66 = arith.constant 0 : i32
      %dma_start3A_67 = tpu.memref_slice %arg11[%add3A_16, %dma_start3A_66] : memref<10240x128xf32, #tpu.memory_space<vmem_shared>> -> memref<128x128xf32, #tpu.memory_space<vmem_shared>>
      %dma_start3A_68 = arith.constant 0 : i32
      %dma_start3A_69 = arith.constant 0 : i32
      %dma_start3A_70 = tpu.memref_slice %arg9[%run_scoped3A_17, %dma_start3A_68, %dma_start3A_69] : memref<2x128x128xf32, #tpu.memory_space<vmem>> -> memref<1x128x128xf32, #tpu.memory_space<vmem>>
      %dma_start3A_71 = tpu.memref_squeeze %dma_start3A_70 : memref<1x128x128xf32, #tpu.memory_space<vmem>> -> memref<128x128xf32, #tpu.memory_space<vmem>>
      tpu.enqueue_dma source(%dma_start3A_71 : memref<128x128xf32, #tpu.memory_space<vmem>>) target(%dma_start3A_67 : memref<128x128xf32, #tpu.memory_space<vmem_shared>>) target_semaphore(%run_scoped3A_60 : memref<!tpu.dma_semaphore, #tpu.memory_space<semaphore_mem>>)
      %dma_wait3A = arith.constant 0 : i32
      %dma_wait3A_72 = arith.constant 0 : i32
      %dma_wait3A_73 = tpu.memref_slice %arg9[%run_scoped3A_17, %dma_wait3A, %dma_wait3A_72] : memref<2x128x128xf32, #tpu.memory_space<vmem>> -> memref<1x128x128xf32, #tpu.memory_space<vmem>>
      %dma_wait3A_74 = tpu.memref_squeeze %dma_wait3A_73 : memref<1x128x128xf32, #tpu.memory_space<vmem>> -> memref<128x128xf32, #tpu.memory_space<vmem>>
      %dma_wait3A_75 = arith.constant 0 : i32
      %dma_wait3A_76 = tpu.memref_slice %arg11[%add3A_16, %dma_wait3A_75] : memref<10240x128xf32, #tpu.memory_space<vmem_shared>> -> memref<128x128xf32, #tpu.memory_space<vmem_shared>>
      %dma_wait3A_77 = arith.constant 0 : i32
      %dma_wait3A_78 = tpu.memref_slice %arg11[%add3A_16, %dma_wait3A_77] : memref<10240x128xf32, #tpu.memory_space<vmem_shared>> -> memref<128x128xf32, #tpu.memory_space<vmem_shared>>
      %dma_wait3A_79 = arith.constant 0 : i32
      %dma_wait3A_80 = arith.constant 0 : i32
      %dma_wait3A_81 = tpu.memref_slice %arg9[%run_scoped3A_17, %dma_wait3A_79, %dma_wait3A_80] : memref<2x128x128xf32, #tpu.memory_space<vmem>> -> memref<1x128x128xf32, #tpu.memory_space<vmem>>
      %dma_wait3A_82 = tpu.memref_squeeze %dma_wait3A_81 : memref<1x128x128xf32, #tpu.memory_space<vmem>> -> memref<128x128xf32, #tpu.memory_space<vmem>>
      tpu.wait_dma2 semaphore(%run_scoped3A_60 : memref<!tpu.dma_semaphore, #tpu.memory_space<semaphore_mem>>) src(%dma_wait3A_82 : memref<128x128xf32, #tpu.memory_space<vmem>>) dst(%dma_wait3A_78 : memref<128x128xf32, #tpu.memory_space<vmem_shared>>)
      tpu.yield
    }) : () -> ()
    %mul3A_18 = arith.constant 640 : i32
    %mul3A_19 = arith.muli %arg1, %mul3A_18 : i32
    %add3A_20 = arith.constant 512 : i32
    %add3A_21 = arith.addi %mul3A_19, %add3A_20 : i32
    %run_scoped3A_22 = arith.constant 0 : i32
    "tpu.region"() ({
      %run_scoped3A_60 = tpu.sem_alloc : memref<!tpu.dma_semaphore, #tpu.memory_space<semaphore_mem>>
      %dma_start3A = arith.constant 0 : i32
      %dma_start3A_61 = arith.constant 0 : i32
      %dma_start3A_62 = tpu.memref_slice %arg9[%run_scoped3A_22, %dma_start3A, %dma_start3A_61] : memref<2x128x128xf32, #tpu.memory_space<vmem>> -> memref<1x128x128xf32, #tpu.memory_space<vmem>>
      %dma_start3A_63 = tpu.memref_squeeze %dma_start3A_62 : memref<1x128x128xf32, #tpu.memory_space<vmem>> -> memref<128x128xf32, #tpu.memory_space<vmem>>
      %dma_start3A_64 = arith.constant 0 : i32
      %dma_start3A_65 = tpu.memref_slice %arg11[%add3A_21, %dma_start3A_64] : memref<10240x128xf32, #tpu.memory_space<vmem_shared>> -> memref<128x128xf32, #tpu.memory_space<vmem_shared>>
      %dma_start3A_66 = arith.constant 0 : i32
      %dma_start3A_67 = tpu.memref_slice %arg11[%add3A_21, %dma_start3A_66] : memref<10240x128xf32, #tpu.memory_space<vmem_shared>> -> memref<128x128xf32, #tpu.memory_space<vmem_shared>>
      %dma_start3A_68 = arith.constant 0 : i32
      %dma_start3A_69 = arith.constant 0 : i32
      %dma_start3A_70 = tpu.memref_slice %arg9[%run_scoped3A_22, %dma_start3A_68, %dma_start3A_69] : memref<2x128x128xf32, #tpu.memory_space<vmem>> -> memref<1x128x128xf32, #tpu.memory_space<vmem>>
      %dma_start3A_71 = tpu.memref_squeeze %dma_start3A_70 : memref<1x128x128xf32, #tpu.memory_space<vmem>> -> memref<128x128xf32, #tpu.memory_space<vmem>>
      tpu.enqueue_dma source(%dma_start3A_71 : memref<128x128xf32, #tpu.memory_space<vmem>>) target(%dma_start3A_67 : memref<128x128xf32, #tpu.memory_space<vmem_shared>>) target_semaphore(%run_scoped3A_60 : memref<!tpu.dma_semaphore, #tpu.memory_space<semaphore_mem>>)
      %dma_wait3A = arith.constant 0 : i32
      %dma_wait3A_72 = arith.constant 0 : i32
      %dma_wait3A_73 = tpu.memref_slice %arg9[%run_scoped3A_22, %dma_wait3A, %dma_wait3A_72] : memref<2x128x128xf32, #tpu.memory_space<vmem>> -> memref<1x128x128xf32, #tpu.memory_space<vmem>>
      %dma_wait3A_74 = tpu.memref_squeeze %dma_wait3A_73 : memref<1x128x128xf32, #tpu.memory_space<vmem>> -> memref<128x128xf32, #tpu.memory_space<vmem>>
      %dma_wait3A_75 = arith.constant 0 : i32
      %dma_wait3A_76 = tpu.memref_slice %arg11[%add3A_21, %dma_wait3A_75] : memref<10240x128xf32, #tpu.memory_space<vmem_shared>> -> memref<128x128xf32, #tpu.memory_space<vmem_shared>>
      %dma_wait3A_77 = arith.constant 0 : i32
      %dma_wait3A_78 = tpu.memref_slice %arg11[%add3A_21, %dma_wait3A_77] : memref<10240x128xf32, #tpu.memory_space<vmem_shared>> -> memref<128x128xf32, #tpu.memory_space<vmem_shared>>
      %dma_wait3A_79 = arith.constant 0 : i32
      %dma_wait3A_80 = arith.constant 0 : i32
      %dma_wait3A_81 = tpu.memref_slice %arg9[%run_scoped3A_22, %dma_wait3A_79, %dma_wait3A_80] : memref<2x128x128xf32, #tpu.memory_space<vmem>> -> memref<1x128x128xf32, #tpu.memory_space<vmem>>
      %dma_wait3A_82 = tpu.memref_squeeze %dma_wait3A_81 : memref<1x128x128xf32, #tpu.memory_space<vmem>> -> memref<128x128xf32, #tpu.memory_space<vmem>>
      tpu.wait_dma2 semaphore(%run_scoped3A_60 : memref<!tpu.dma_semaphore, #tpu.memory_space<semaphore_mem>>) src(%dma_wait3A_82 : memref<128x128xf32, #tpu.memory_space<vmem>>) dst(%dma_wait3A_78 : memref<128x128xf32, #tpu.memory_space<vmem_shared>>)
      tpu.yield
    }) : () -> ()
    %barrier3A = arith.constant 0 : index
    tpu.barrier barrier_id(%barrier3A)
    %eq3A = arith.constant 1 : i32
    %eq3A_23 = arith.cmpi eq, %arg0, %eq3A : i32
    %convert_element_type3A = arith.extui %eq3A_23 : i1 to i32
    %cond3A = arith.constant 0 : i32
    %cond3A_24 = arith.cmpi ne, %convert_element_type3A, %cond3A : i32
    scf.if %cond3A_24 {
      %mul3A_60 = arith.constant 144 : i32
      %mul3A_61 = arith.muli %arg1, %mul3A_60 : i32
      %add3A_62 = arith.constant 0 : i32
      %add3A_63 = arith.addi %mul3A_61, %add3A_62 : i32
      "tpu.region"() ({
        %run_scoped3A_120 = tpu.sem_alloc : memref<!tpu.dma_semaphore, #tpu.memory_space<semaphore_mem>>
        %dma_start3A_121 = arith.constant 0 : i32
        %dma_start3A_122 = arith.constant 0 : i32
        %dma_start3A_123 = tpu.memref_slice %arg7[%dma_start3A_121, %dma_start3A_122] : memref<56x128xi32, #tpu.memory_space<vmem>> -> memref<56x128xi32, #tpu.memory_space<vmem>>
        %dma_start3A_124 = arith.constant 0 : i32
        %dma_start3A_125 = tpu.memref_slice %arg3[%add3A_63, %dma_start3A_124] : memref<2560x128xi32, #tpu.memory_space<hbm>> -> memref<56x128xi32, #tpu.memory_space<hbm>>
        %dma_start3A_126 = arith.constant 0 : i32
        %dma_start3A_127 = arith.constant 0 : i32
        %dma_start3A_128 = tpu.memref_slice %arg7[%dma_start3A_126, %dma_start3A_127] : memref<56x128xi32, #tpu.memory_space<vmem>> -> memref<56x128xi32, #tpu.memory_space<vmem>>
        %dma_start3A_129 = arith.constant 0 : i32
        %dma_start3A_130 = tpu.memref_slice %arg3[%add3A_63, %dma_start3A_129] : memref<2560x128xi32, #tpu.memory_space<hbm>> -> memref<56x128xi32, #tpu.memory_space<hbm>>
        tpu.enqueue_dma source(%dma_start3A_130 : memref<56x128xi32, #tpu.memory_space<hbm>>) target(%dma_start3A_128 : memref<56x128xi32, #tpu.memory_space<vmem>>) target_semaphore(%run_scoped3A_120 : memref<!tpu.dma_semaphore, #tpu.memory_space<semaphore_mem>>)
        %dma_wait3A = arith.constant 0 : i32
        %dma_wait3A_131 = arith.constant 0 : i32
        %dma_wait3A_132 = tpu.memref_slice %arg7[%dma_wait3A, %dma_wait3A_131] : memref<56x128xi32, #tpu.memory_space<vmem>> -> memref<56x128xi32, #tpu.memory_space<vmem>>
        %dma_wait3A_133 = arith.constant 0 : i32
        %dma_wait3A_134 = tpu.memref_slice %arg3[%add3A_63, %dma_wait3A_133] : memref<2560x128xi32, #tpu.memory_space<hbm>> -> memref<56x128xi32, #tpu.memory_space<hbm>>
        %dma_wait3A_135 = arith.constant 0 : i32
        %dma_wait3A_136 = arith.constant 0 : i32
        %dma_wait3A_137 = tpu.memref_slice %arg7[%dma_wait3A_135, %dma_wait3A_136] : memref<56x128xi32, #tpu.memory_space<vmem>> -> memref<56x128xi32, #tpu.memory_space<vmem>>
        %dma_wait3A_138 = arith.constant 0 : i32
        %dma_wait3A_139 = tpu.memref_slice %arg3[%add3A_63, %dma_wait3A_138] : memref<2560x128xi32, #tpu.memory_space<hbm>> -> memref<56x128xi32, #tpu.memory_space<hbm>>
        tpu.wait_dma2 semaphore(%run_scoped3A_120 : memref<!tpu.dma_semaphore, #tpu.memory_space<semaphore_mem>>) src(%dma_wait3A_139 : memref<56x128xi32, #tpu.memory_space<hbm>>) dst(%dma_wait3A_137 : memref<56x128xi32, #tpu.memory_space<vmem>>)
        tpu.yield
      }) : () -> ()
      "tpu.region"() ({
        %run_scoped3A_120 = tpu.sem_alloc : memref<!tpu.dma_semaphore, #tpu.memory_space<semaphore_mem>>
        %dma_start3A_121 = arith.constant 0 : i32
        %dma_start3A_122 = arith.constant 0 : i32
        %dma_start3A_123 = tpu.memref_slice %arg8[%dma_start3A_121, %dma_start3A_122] : memref<56x128xi32, #tpu.memory_space<vmem>> -> memref<56x128xi32, #tpu.memory_space<vmem>>
        %dma_start3A_124 = arith.constant 0 : i32
        %dma_start3A_125 = tpu.memref_slice %arg4[%add3A_63, %dma_start3A_124] : memref<2560x128xi32, #tpu.memory_space<hbm>> -> memref<56x128xi32, #tpu.memory_space<hbm>>
        %dma_start3A_126 = arith.constant 0 : i32
        %dma_start3A_127 = arith.constant 0 : i32
        %dma_start3A_128 = tpu.memref_slice %arg8[%dma_start3A_126, %dma_start3A_127] : memref<56x128xi32, #tpu.memory_space<vmem>> -> memref<56x128xi32, #tpu.memory_space<vmem>>
        %dma_start3A_129 = arith.constant 0 : i32
        %dma_start3A_130 = tpu.memref_slice %arg4[%add3A_63, %dma_start3A_129] : memref<2560x128xi32, #tpu.memory_space<hbm>> -> memref<56x128xi32, #tpu.memory_space<hbm>>
        tpu.enqueue_dma source(%dma_start3A_130 : memref<56x128xi32, #tpu.memory_space<hbm>>) target(%dma_start3A_128 : memref<56x128xi32, #tpu.memory_space<vmem>>) target_semaphore(%run_scoped3A_120 : memref<!tpu.dma_semaphore, #tpu.memory_space<semaphore_mem>>)
        %dma_wait3A = arith.constant 0 : i32
        %dma_wait3A_131 = arith.constant 0 : i32
        %dma_wait3A_132 = tpu.memref_slice %arg8[%dma_wait3A, %dma_wait3A_131] : memref<56x128xi32, #tpu.memory_space<vmem>> -> memref<56x128xi32, #tpu.memory_space<vmem>>
        %dma_wait3A_133 = arith.constant 0 : i32
        %dma_wait3A_134 = tpu.memref_slice %arg4[%add3A_63, %dma_wait3A_133] : memref<2560x128xi32, #tpu.memory_space<hbm>> -> memref<56x128xi32, #tpu.memory_space<hbm>>
        %dma_wait3A_135 = arith.constant 0 : i32
        %dma_wait3A_136 = arith.constant 0 : i32
        %dma_wait3A_137 = tpu.memref_slice %arg8[%dma_wait3A_135, %dma_wait3A_136] : memref<56x128xi32, #tpu.memory_space<vmem>> -> memref<56x128xi32, #tpu.memory_space<vmem>>
        %dma_wait3A_138 = arith.constant 0 : i32
        %dma_wait3A_139 = tpu.memref_slice %arg4[%add3A_63, %dma_wait3A_138] : memref<2560x128xi32, #tpu.memory_space<hbm>> -> memref<56x128xi32, #tpu.memory_space<hbm>>
        tpu.wait_dma2 semaphore(%run_scoped3A_120 : memref<!tpu.dma_semaphore, #tpu.memory_space<semaphore_mem>>) src(%dma_wait3A_139 : memref<56x128xi32, #tpu.memory_space<hbm>>) dst(%dma_wait3A_137 : memref<56x128xi32, #tpu.memory_space<vmem>>)
        tpu.yield
      }) : () -> ()
      %dma_start3A = arith.constant 0 : i32
      %dma_start3A_64 = arith.constant 0 : i32
      %dma_start3A_65 = arith.constant 0 : i32
      %dma_start3A_66 = arith.constant 0 : i32
      %dma_start3A_67 = tpu.memref_slice %arg9[%dma_start3A_64, %dma_start3A_65, %dma_start3A_66] : memref<2x128x128xf32, #tpu.memory_space<vmem>> -> memref<1x128x128xf32, #tpu.memory_space<vmem>>
      %dma_start3A_68 = tpu.memref_squeeze %dma_start3A_67 : memref<1x128x128xf32, #tpu.memory_space<vmem>> -> memref<128x128xf32, #tpu.memory_space<vmem>>
      %dma_start3A_69 = arith.constant 0 : i32
      %dma_start3A_70 = tpu.memref_slice %arg7[%dma_start3A, %dma_start3A_69] : memref<56x128xi32, #tpu.memory_space<vmem>> -> memref<1x128xi32, #tpu.memory_space<vmem>>
      %dma_start3A_71 = tpu.memref_squeeze %dma_start3A_70 : memref<1x128xi32, #tpu.memory_space<vmem>> -> memref<128xi32, #tpu.memory_space<vmem>>
      %dma_start3A_72 = arith.constant 0 : i32
      %dma_start3A_73 = arith.constant 0 : i32
      %dma_start3A_74 = tpu.memref_slice %arg2[%dma_start3A_72, %dma_start3A_73] : memref<10240x128xf32, #tpu.memory_space<hbm>> -> memref<10240x128xf32, #tpu.memory_space<hbm>>
      tpu.enqueue_indirect_dma source(%dma_start3A_74 : memref<10240x128xf32, #tpu.memory_space<hbm>>) target(%dma_start3A_68 : memref<128x128xf32, #tpu.memory_space<vmem>>) offsets(%dma_start3A_71 : memref<128xi32, #tpu.memory_space<vmem>>) semaphore(%arg10 : memref<!tpu.dma_semaphore, #tpu.memory_space<semaphore_mem>>)
      %scan3A = arith.constant 0 : i32
      %scan3A_75 = arith.constant 0 : i32
      %scan3A_76 = arith.constant 56 : i32
      %scan3A_77 = arith.addi %scan3A_75, %scan3A_76 : i32
      %scan3A_78 = arith.constant 1 : i32
      scf.for %scan3A_120 = %scan3A_75 to %scan3A_77 step %scan3A_78  : i32 {
        %rem3A = arith.constant 2 : i32
        %rem3A_121 = arith.remsi %scan3A_120, %rem3A : i32
        %dma_wait3A = arith.constant 0 : i32
        %dma_wait3A_122 = arith.constant 0 : i32
        %dma_wait3A_123 = tpu.memref_slice %arg9[%rem3A_121, %dma_wait3A, %dma_wait3A_122] : memref<2x128x128xf32, #tpu.memory_space<vmem>> -> memref<1x128x128xf32, #tpu.memory_space<vmem>>
        %dma_wait3A_124 = tpu.memref_squeeze %dma_wait3A_123 : memref<1x128x128xf32, #tpu.memory_space<vmem>> -> memref<128x128xf32, #tpu.memory_space<vmem>>
        %dma_wait3A_125 = arith.constant 0 : i32
        %dma_wait3A_126 = tpu.memref_slice %arg7[%scan3A_120, %dma_wait3A_125] : memref<56x128xi32, #tpu.memory_space<vmem>> -> memref<1x128xi32, #tpu.memory_space<vmem>>
        %dma_wait3A_127 = tpu.memref_squeeze %dma_wait3A_126 : memref<1x128xi32, #tpu.memory_space<vmem>> -> memref<128xi32, #tpu.memory_space<vmem>>
        %dma_wait3A_128 = arith.constant 0 : i32
        %dma_wait3A_129 = arith.constant 0 : i32
        %dma_wait3A_130 = tpu.memref_slice %arg2[%dma_wait3A_128, %dma_wait3A_129] : memref<10240x128xf32, #tpu.memory_space<hbm>> -> memref<10240x128xf32, #tpu.memory_space<hbm>>
        tpu.wait_indirect_dma semaphore(%arg10 : memref<!tpu.dma_semaphore, #tpu.memory_space<semaphore_mem>>) src(%dma_wait3A_130 : memref<10240x128xf32, #tpu.memory_space<hbm>>) dst(%dma_wait3A_124 : memref<128x128xf32, #tpu.memory_space<vmem>>)
        %lt3A = arith.constant 55 : i32
        %lt3A_131 = arith.cmpi slt, %scan3A_120, %lt3A : i32
        %convert_element_type3A_132 = arith.extui %lt3A_131 : i1 to i32
        %cond3A_133 = arith.constant 0 : i32
        %cond3A_134 = arith.cmpi ne, %convert_element_type3A_132, %cond3A_133 : i32
        scf.if %cond3A_134 {
          %add3A_135 = arith.constant 1 : i32
          %add3A_136 = arith.addi %scan3A_120, %add3A_135 : i32
          %sub3A = arith.constant 1 : i32
          %sub3A_137 = arith.subi %sub3A, %rem3A_121 : i32
          %dma_start3A_138 = arith.constant 0 : i32
          %dma_start3A_139 = arith.constant 0 : i32
          %dma_start3A_140 = tpu.memref_slice %arg9[%sub3A_137, %dma_start3A_138, %dma_start3A_139] : memref<2x128x128xf32, #tpu.memory_space<vmem>> -> memref<1x128x128xf32, #tpu.memory_space<vmem>>
          %dma_start3A_141 = tpu.memref_squeeze %dma_start3A_140 : memref<1x128x128xf32, #tpu.memory_space<vmem>> -> memref<128x128xf32, #tpu.memory_space<vmem>>
          %dma_start3A_142 = arith.constant 0 : i32
          %dma_start3A_143 = tpu.memref_slice %arg7[%add3A_136, %dma_start3A_142] : memref<56x128xi32, #tpu.memory_space<vmem>> -> memref<1x128xi32, #tpu.memory_space<vmem>>
          %dma_start3A_144 = tpu.memref_squeeze %dma_start3A_143 : memref<1x128xi32, #tpu.memory_space<vmem>> -> memref<128xi32, #tpu.memory_space<vmem>>
          %dma_start3A_145 = arith.constant 0 : i32
          %dma_start3A_146 = arith.constant 0 : i32
          %dma_start3A_147 = tpu.memref_slice %arg2[%dma_start3A_145, %dma_start3A_146] : memref<10240x128xf32, #tpu.memory_space<hbm>> -> memref<10240x128xf32, #tpu.memory_space<hbm>>
          tpu.enqueue_indirect_dma source(%dma_start3A_147 : memref<10240x128xf32, #tpu.memory_space<hbm>>) target(%dma_start3A_141 : memref<128x128xf32, #tpu.memory_space<vmem>>) offsets(%dma_start3A_144 : memref<128xi32, #tpu.memory_space<vmem>>) semaphore(%arg10 : memref<!tpu.dma_semaphore, #tpu.memory_space<semaphore_mem>>)
        } else {
        }
        "tpu.region"() ({
          %run_scoped3A_135 = tpu.sem_alloc : memref<!tpu.dma_semaphore, #tpu.memory_space<semaphore_mem>>
          %dma_start3A_136 = arith.constant 0 : i32
          %dma_start3A_137 = arith.constant 0 : i32
          %dma_start3A_138 = tpu.memref_slice %arg9[%rem3A_121, %dma_start3A_136, %dma_start3A_137] : memref<2x128x128xf32, #tpu.memory_space<vmem>> -> memref<1x128x128xf32, #tpu.memory_space<vmem>>
          %dma_start3A_139 = tpu.memref_squeeze %dma_start3A_138 : memref<1x128x128xf32, #tpu.memory_space<vmem>> -> memref<128x128xf32, #tpu.memory_space<vmem>>
          %dma_start3A_140 = arith.constant 0 : i32
          %dma_start3A_141 = tpu.memref_slice %arg8[%scan3A_120, %dma_start3A_140] : memref<56x128xi32, #tpu.memory_space<vmem>> -> memref<1x128xi32, #tpu.memory_space<vmem>>
          %dma_start3A_142 = tpu.memref_squeeze %dma_start3A_141 : memref<1x128xi32, #tpu.memory_space<vmem>> -> memref<128xi32, #tpu.memory_space<vmem>>
          %dma_start3A_143 = arith.constant 0 : i32
          %dma_start3A_144 = arith.constant 0 : i32
          %dma_start3A_145 = tpu.memref_slice %arg11[%dma_start3A_143, %dma_start3A_144] : memref<10240x128xf32, #tpu.memory_space<vmem_shared>> -> memref<10240x128xf32, #tpu.memory_space<vmem_shared>>
          tpu.enqueue_indirect_dma source(%dma_start3A_139 : memref<128x128xf32, #tpu.memory_space<vmem>>) target(%dma_start3A_145 : memref<10240x128xf32, #tpu.memory_space<vmem_shared>>) offsets(%dma_start3A_142 : memref<128xi32, #tpu.memory_space<vmem>>) semaphore(%run_scoped3A_135 : memref<!tpu.dma_semaphore, #tpu.memory_space<semaphore_mem>>) {add = true}
          %dma_wait3A_146 = arith.constant 0 : i32
          %dma_wait3A_147 = arith.constant 0 : i32
          %dma_wait3A_148 = tpu.memref_slice %arg9[%rem3A_121, %dma_wait3A_146, %dma_wait3A_147] : memref<2x128x128xf32, #tpu.memory_space<vmem>> -> memref<1x128x128xf32, #tpu.memory_space<vmem>>
          %dma_wait3A_149 = tpu.memref_squeeze %dma_wait3A_148 : memref<1x128x128xf32, #tpu.memory_space<vmem>> -> memref<128x128xf32, #tpu.memory_space<vmem>>
          %dma_wait3A_150 = arith.constant 0 : i32
          %dma_wait3A_151 = tpu.memref_slice %arg8[%scan3A_120, %dma_wait3A_150] : memref<56x128xi32, #tpu.memory_space<vmem>> -> memref<1x128xi32, #tpu.memory_space<vmem>>
          %dma_wait3A_152 = tpu.memref_squeeze %dma_wait3A_151 : memref<1x128xi32, #tpu.memory_space<vmem>> -> memref<128xi32, #tpu.memory_space<vmem>>
          %dma_wait3A_153 = arith.constant 0 : i32
          %dma_wait3A_154 = arith.constant 0 : i32
          %dma_wait3A_155 = tpu.memref_slice %arg11[%dma_wait3A_153, %dma_wait3A_154] : memref<10240x128xf32, #tpu.memory_space<vmem_shared>> -> memref<10240x128xf32, #tpu.memory_space<vmem_shared>>
          tpu.wait_indirect_dma semaphore(%run_scoped3A_135 : memref<!tpu.dma_semaphore, #tpu.memory_space<semaphore_mem>>) src(%dma_wait3A_149 : memref<128x128xf32, #tpu.memory_space<vmem>>) dst(%dma_wait3A_155 : memref<10240x128xf32, #tpu.memory_space<vmem_shared>>)
          tpu.yield
        }) : () -> ()
      }
      %scan3A_79 = arith.constant 56 : i32
      %add3A_80 = arith.constant 56 : i32
      %add3A_81 = arith.addi %mul3A_61, %add3A_80 : i32
      "tpu.region"() ({
        %run_scoped3A_120 = tpu.sem_alloc : memref<!tpu.dma_semaphore, #tpu.memory_space<semaphore_mem>>
        %dma_start3A_121 = arith.constant 0 : i32
        %dma_start3A_122 = arith.constant 0 : i32
        %dma_start3A_123 = tpu.memref_slice %arg7[%dma_start3A_121, %dma_start3A_122] : memref<56x128xi32, #tpu.memory_space<vmem>> -> memref<56x128xi32, #tpu.memory_space<vmem>>
        %dma_start3A_124 = arith.constant 0 : i32
        %dma_start3A_125 = tpu.memref_slice %arg3[%add3A_81, %dma_start3A_124] : memref<2560x128xi32, #tpu.memory_space<hbm>> -> memref<56x128xi32, #tpu.memory_space<hbm>>
        %dma_start3A_126 = arith.constant 0 : i32
        %dma_start3A_127 = arith.constant 0 : i32
        %dma_start3A_128 = tpu.memref_slice %arg7[%dma_start3A_126, %dma_start3A_127] : memref<56x128xi32, #tpu.memory_space<vmem>> -> memref<56x128xi32, #tpu.memory_space<vmem>>
        %dma_start3A_129 = arith.constant 0 : i32
        %dma_start3A_130 = tpu.memref_slice %arg3[%add3A_81, %dma_start3A_129] : memref<2560x128xi32, #tpu.memory_space<hbm>> -> memref<56x128xi32, #tpu.memory_space<hbm>>
        tpu.enqueue_dma source(%dma_start3A_130 : memref<56x128xi32, #tpu.memory_space<hbm>>) target(%dma_start3A_128 : memref<56x128xi32, #tpu.memory_space<vmem>>) target_semaphore(%run_scoped3A_120 : memref<!tpu.dma_semaphore, #tpu.memory_space<semaphore_mem>>)
        %dma_wait3A = arith.constant 0 : i32
        %dma_wait3A_131 = arith.constant 0 : i32
        %dma_wait3A_132 = tpu.memref_slice %arg7[%dma_wait3A, %dma_wait3A_131] : memref<56x128xi32, #tpu.memory_space<vmem>> -> memref<56x128xi32, #tpu.memory_space<vmem>>
        %dma_wait3A_133 = arith.constant 0 : i32
        %dma_wait3A_134 = tpu.memref_slice %arg3[%add3A_81, %dma_wait3A_133] : memref<2560x128xi32, #tpu.memory_space<hbm>> -> memref<56x128xi32, #tpu.memory_space<hbm>>
        %dma_wait3A_135 = arith.constant 0 : i32
        %dma_wait3A_136 = arith.constant 0 : i32
        %dma_wait3A_137 = tpu.memref_slice %arg7[%dma_wait3A_135, %dma_wait3A_136] : memref<56x128xi32, #tpu.memory_space<vmem>> -> memref<56x128xi32, #tpu.memory_space<vmem>>
        %dma_wait3A_138 = arith.constant 0 : i32
        %dma_wait3A_139 = tpu.memref_slice %arg3[%add3A_81, %dma_wait3A_138] : memref<2560x128xi32, #tpu.memory_space<hbm>> -> memref<56x128xi32, #tpu.memory_space<hbm>>
        tpu.wait_dma2 semaphore(%run_scoped3A_120 : memref<!tpu.dma_semaphore, #tpu.memory_space<semaphore_mem>>) src(%dma_wait3A_139 : memref<56x128xi32, #tpu.memory_space<hbm>>) dst(%dma_wait3A_137 : memref<56x128xi32, #tpu.memory_space<vmem>>)
        tpu.yield
      }) : () -> ()
      "tpu.region"() ({
        %run_scoped3A_120 = tpu.sem_alloc : memref<!tpu.dma_semaphore, #tpu.memory_space<semaphore_mem>>
        %dma_start3A_121 = arith.constant 0 : i32
        %dma_start3A_122 = arith.constant 0 : i32
        %dma_start3A_123 = tpu.memref_slice %arg8[%dma_start3A_121, %dma_start3A_122] : memref<56x128xi32, #tpu.memory_space<vmem>> -> memref<56x128xi32, #tpu.memory_space<vmem>>
        %dma_start3A_124 = arith.constant 0 : i32
        %dma_start3A_125 = tpu.memref_slice %arg4[%add3A_81, %dma_start3A_124] : memref<2560x128xi32, #tpu.memory_space<hbm>> -> memref<56x128xi32, #tpu.memory_space<hbm>>
        %dma_start3A_126 = arith.constant 0 : i32
        %dma_start3A_127 = arith.constant 0 : i32
        %dma_start3A_128 = tpu.memref_slice %arg8[%dma_start3A_126, %dma_start3A_127] : memref<56x128xi32, #tpu.memory_space<vmem>> -> memref<56x128xi32, #tpu.memory_space<vmem>>
        %dma_start3A_129 = arith.constant 0 : i32
        %dma_start3A_130 = tpu.memref_slice %arg4[%add3A_81, %dma_start3A_129] : memref<2560x128xi32, #tpu.memory_space<hbm>> -> memref<56x128xi32, #tpu.memory_space<hbm>>
        tpu.enqueue_dma source(%dma_start3A_130 : memref<56x128xi32, #tpu.memory_space<hbm>>) target(%dma_start3A_128 : memref<56x128xi32, #tpu.memory_space<vmem>>) target_semaphore(%run_scoped3A_120 : memref<!tpu.dma_semaphore, #tpu.memory_space<semaphore_mem>>)
        %dma_wait3A = arith.constant 0 : i32
        %dma_wait3A_131 = arith.constant 0 : i32
        %dma_wait3A_132 = tpu.memref_slice %arg8[%dma_wait3A, %dma_wait3A_131] : memref<56x128xi32, #tpu.memory_space<vmem>> -> memref<56x128xi32, #tpu.memory_space<vmem>>
        %dma_wait3A_133 = arith.constant 0 : i32
        %dma_wait3A_134 = tpu.memref_slice %arg4[%add3A_81, %dma_wait3A_133] : memref<2560x128xi32, #tpu.memory_space<hbm>> -> memref<56x128xi32, #tpu.memory_space<hbm>>
        %dma_wait3A_135 = arith.constant 0 : i32
        %dma_wait3A_136 = arith.constant 0 : i32
        %dma_wait3A_137 = tpu.memref_slice %arg8[%dma_wait3A_135, %dma_wait3A_136] : memref<56x128xi32, #tpu.memory_space<vmem>> -> memref<56x128xi32, #tpu.memory_space<vmem>>
        %dma_wait3A_138 = arith.constant 0 : i32
        %dma_wait3A_139 = tpu.memref_slice %arg4[%add3A_81, %dma_wait3A_138] : memref<2560x128xi32, #tpu.memory_space<hbm>> -> memref<56x128xi32, #tpu.memory_space<hbm>>
        tpu.wait_dma2 semaphore(%run_scoped3A_120 : memref<!tpu.dma_semaphore, #tpu.memory_space<semaphore_mem>>) src(%dma_wait3A_139 : memref<56x128xi32, #tpu.memory_space<hbm>>) dst(%dma_wait3A_137 : memref<56x128xi32, #tpu.memory_space<vmem>>)
        tpu.yield
      }) : () -> ()
      %dma_start3A_82 = arith.constant 0 : i32
      %dma_start3A_83 = arith.constant 0 : i32
      %dma_start3A_84 = arith.constant 0 : i32
      %dma_start3A_85 = arith.constant 0 : i32
      %dma_start3A_86 = tpu.memref_slice %arg9[%dma_start3A_83, %dma_start3A_84, %dma_start3A_85] : memref<2x128x128xf32, #tpu.memory_space<vmem>> -> memref<1x128x128xf32, #tpu.memory_space<vmem>>
      %dma_start3A_87 = tpu.memref_squeeze %dma_start3A_86 : memref<1x128x128xf32, #tpu.memory_space<vmem>> -> memref<128x128xf32, #tpu.memory_space<vmem>>
      %dma_start3A_88 = arith.constant 0 : i32
      %dma_start3A_89 = tpu.memref_slice %arg7[%dma_start3A_82, %dma_start3A_88] : memref<56x128xi32, #tpu.memory_space<vmem>> -> memref<1x128xi32, #tpu.memory_space<vmem>>
      %dma_start3A_90 = tpu.memref_squeeze %dma_start3A_89 : memref<1x128xi32, #tpu.memory_space<vmem>> -> memref<128xi32, #tpu.memory_space<vmem>>
      %dma_start3A_91 = arith.constant 0 : i32
      %dma_start3A_92 = arith.constant 0 : i32
      %dma_start3A_93 = tpu.memref_slice %arg2[%dma_start3A_91, %dma_start3A_92] : memref<10240x128xf32, #tpu.memory_space<hbm>> -> memref<10240x128xf32, #tpu.memory_space<hbm>>
      tpu.enqueue_indirect_dma source(%dma_start3A_93 : memref<10240x128xf32, #tpu.memory_space<hbm>>) target(%dma_start3A_87 : memref<128x128xf32, #tpu.memory_space<vmem>>) offsets(%dma_start3A_90 : memref<128xi32, #tpu.memory_space<vmem>>) semaphore(%arg10 : memref<!tpu.dma_semaphore, #tpu.memory_space<semaphore_mem>>)
      %scan3A_94 = arith.constant 0 : i32
      %scan3A_95 = arith.constant 0 : i32
      %scan3A_96 = arith.constant 56 : i32
      %scan3A_97 = arith.addi %scan3A_95, %scan3A_96 : i32
      %scan3A_98 = arith.constant 1 : i32
      scf.for %scan3A_120 = %scan3A_95 to %scan3A_97 step %scan3A_98  : i32 {
        %rem3A = arith.constant 2 : i32
        %rem3A_121 = arith.remsi %scan3A_120, %rem3A : i32
        %dma_wait3A = arith.constant 0 : i32
        %dma_wait3A_122 = arith.constant 0 : i32
        %dma_wait3A_123 = tpu.memref_slice %arg9[%rem3A_121, %dma_wait3A, %dma_wait3A_122] : memref<2x128x128xf32, #tpu.memory_space<vmem>> -> memref<1x128x128xf32, #tpu.memory_space<vmem>>
        %dma_wait3A_124 = tpu.memref_squeeze %dma_wait3A_123 : memref<1x128x128xf32, #tpu.memory_space<vmem>> -> memref<128x128xf32, #tpu.memory_space<vmem>>
        %dma_wait3A_125 = arith.constant 0 : i32
        %dma_wait3A_126 = tpu.memref_slice %arg7[%scan3A_120, %dma_wait3A_125] : memref<56x128xi32, #tpu.memory_space<vmem>> -> memref<1x128xi32, #tpu.memory_space<vmem>>
        %dma_wait3A_127 = tpu.memref_squeeze %dma_wait3A_126 : memref<1x128xi32, #tpu.memory_space<vmem>> -> memref<128xi32, #tpu.memory_space<vmem>>
        %dma_wait3A_128 = arith.constant 0 : i32
        %dma_wait3A_129 = arith.constant 0 : i32
        %dma_wait3A_130 = tpu.memref_slice %arg2[%dma_wait3A_128, %dma_wait3A_129] : memref<10240x128xf32, #tpu.memory_space<hbm>> -> memref<10240x128xf32, #tpu.memory_space<hbm>>
        tpu.wait_indirect_dma semaphore(%arg10 : memref<!tpu.dma_semaphore, #tpu.memory_space<semaphore_mem>>) src(%dma_wait3A_130 : memref<10240x128xf32, #tpu.memory_space<hbm>>) dst(%dma_wait3A_124 : memref<128x128xf32, #tpu.memory_space<vmem>>)
        %lt3A = arith.constant 55 : i32
        %lt3A_131 = arith.cmpi slt, %scan3A_120, %lt3A : i32
        %convert_element_type3A_132 = arith.extui %lt3A_131 : i1 to i32
        %cond3A_133 = arith.constant 0 : i32
        %cond3A_134 = arith.cmpi ne, %convert_element_type3A_132, %cond3A_133 : i32
        scf.if %cond3A_134 {
          %add3A_135 = arith.constant 1 : i32
          %add3A_136 = arith.addi %scan3A_120, %add3A_135 : i32
          %sub3A = arith.constant 1 : i32
          %sub3A_137 = arith.subi %sub3A, %rem3A_121 : i32
          %dma_start3A_138 = arith.constant 0 : i32
          %dma_start3A_139 = arith.constant 0 : i32
          %dma_start3A_140 = tpu.memref_slice %arg9[%sub3A_137, %dma_start3A_138, %dma_start3A_139] : memref<2x128x128xf32, #tpu.memory_space<vmem>> -> memref<1x128x128xf32, #tpu.memory_space<vmem>>
          %dma_start3A_141 = tpu.memref_squeeze %dma_start3A_140 : memref<1x128x128xf32, #tpu.memory_space<vmem>> -> memref<128x128xf32, #tpu.memory_space<vmem>>
          %dma_start3A_142 = arith.constant 0 : i32
          %dma_start3A_143 = tpu.memref_slice %arg7[%add3A_136, %dma_start3A_142] : memref<56x128xi32, #tpu.memory_space<vmem>> -> memref<1x128xi32, #tpu.memory_space<vmem>>
          %dma_start3A_144 = tpu.memref_squeeze %dma_start3A_143 : memref<1x128xi32, #tpu.memory_space<vmem>> -> memref<128xi32, #tpu.memory_space<vmem>>
          %dma_start3A_145 = arith.constant 0 : i32
          %dma_start3A_146 = arith.constant 0 : i32
          %dma_start3A_147 = tpu.memref_slice %arg2[%dma_start3A_145, %dma_start3A_146] : memref<10240x128xf32, #tpu.memory_space<hbm>> -> memref<10240x128xf32, #tpu.memory_space<hbm>>
          tpu.enqueue_indirect_dma source(%dma_start3A_147 : memref<10240x128xf32, #tpu.memory_space<hbm>>) target(%dma_start3A_141 : memref<128x128xf32, #tpu.memory_space<vmem>>) offsets(%dma_start3A_144 : memref<128xi32, #tpu.memory_space<vmem>>) semaphore(%arg10 : memref<!tpu.dma_semaphore, #tpu.memory_space<semaphore_mem>>)
        } else {
        }
        "tpu.region"() ({
          %run_scoped3A_135 = tpu.sem_alloc : memref<!tpu.dma_semaphore, #tpu.memory_space<semaphore_mem>>
          %dma_start3A_136 = arith.constant 0 : i32
          %dma_start3A_137 = arith.constant 0 : i32
          %dma_start3A_138 = tpu.memref_slice %arg9[%rem3A_121, %dma_start3A_136, %dma_start3A_137] : memref<2x128x128xf32, #tpu.memory_space<vmem>> -> memref<1x128x128xf32, #tpu.memory_space<vmem>>
          %dma_start3A_139 = tpu.memref_squeeze %dma_start3A_138 : memref<1x128x128xf32, #tpu.memory_space<vmem>> -> memref<128x128xf32, #tpu.memory_space<vmem>>
          %dma_start3A_140 = arith.constant 0 : i32
          %dma_start3A_141 = tpu.memref_slice %arg8[%scan3A_120, %dma_start3A_140] : memref<56x128xi32, #tpu.memory_space<vmem>> -> memref<1x128xi32, #tpu.memory_space<vmem>>
          %dma_start3A_142 = tpu.memref_squeeze %dma_start3A_141 : memref<1x128xi32, #tpu.memory_space<vmem>> -> memref<128xi32, #tpu.memory_space<vmem>>
          %dma_start3A_143 = arith.constant 0 : i32
          %dma_start3A_144 = arith.constant 0 : i32
          %dma_start3A_145 = tpu.memref_slice %arg11[%dma_start3A_143, %dma_start3A_144] : memref<10240x128xf32, #tpu.memory_space<vmem_shared>> -> memref<10240x128xf32, #tpu.memory_space<vmem_shared>>
          tpu.enqueue_indirect_dma source(%dma_start3A_139 : memref<128x128xf32, #tpu.memory_space<vmem>>) target(%dma_start3A_145 : memref<10240x128xf32, #tpu.memory_space<vmem_shared>>) offsets(%dma_start3A_142 : memref<128xi32, #tpu.memory_space<vmem>>) semaphore(%run_scoped3A_135 : memref<!tpu.dma_semaphore, #tpu.memory_space<semaphore_mem>>) {add = true}
          %dma_wait3A_146 = arith.constant 0 : i32
          %dma_wait3A_147 = arith.constant 0 : i32
          %dma_wait3A_148 = tpu.memref_slice %arg9[%rem3A_121, %dma_wait3A_146, %dma_wait3A_147] : memref<2x128x128xf32, #tpu.memory_space<vmem>> -> memref<1x128x128xf32, #tpu.memory_space<vmem>>
          %dma_wait3A_149 = tpu.memref_squeeze %dma_wait3A_148 : memref<1x128x128xf32, #tpu.memory_space<vmem>> -> memref<128x128xf32, #tpu.memory_space<vmem>>
          %dma_wait3A_150 = arith.constant 0 : i32
          %dma_wait3A_151 = tpu.memref_slice %arg8[%scan3A_120, %dma_wait3A_150] : memref<56x128xi32, #tpu.memory_space<vmem>> -> memref<1x128xi32, #tpu.memory_space<vmem>>
          %dma_wait3A_152 = tpu.memref_squeeze %dma_wait3A_151 : memref<1x128xi32, #tpu.memory_space<vmem>> -> memref<128xi32, #tpu.memory_space<vmem>>
          %dma_wait3A_153 = arith.constant 0 : i32
          %dma_wait3A_154 = arith.constant 0 : i32
          %dma_wait3A_155 = tpu.memref_slice %arg11[%dma_wait3A_153, %dma_wait3A_154] : memref<10240x128xf32, #tpu.memory_space<vmem_shared>> -> memref<10240x128xf32, #tpu.memory_space<vmem_shared>>
          tpu.wait_indirect_dma semaphore(%run_scoped3A_135 : memref<!tpu.dma_semaphore, #tpu.memory_space<semaphore_mem>>) src(%dma_wait3A_149 : memref<128x128xf32, #tpu.memory_space<vmem>>) dst(%dma_wait3A_155 : memref<10240x128xf32, #tpu.memory_space<vmem_shared>>)
          tpu.yield
        }) : () -> ()
      }
      %scan3A_99 = arith.constant 56 : i32
      %add3A_100 = arith.constant 112 : i32
      %add3A_101 = arith.addi %mul3A_61, %add3A_100 : i32
      "tpu.region"() ({
        %run_scoped3A_120 = tpu.sem_alloc : memref<!tpu.dma_semaphore, #tpu.memory_space<semaphore_mem>>
        %dma_start3A_121 = arith.constant 0 : i32
        %dma_start3A_122 = arith.constant 0 : i32
        %dma_start3A_123 = tpu.memref_slice %arg7[%dma_start3A_121, %dma_start3A_122] : memref<56x128xi32, #tpu.memory_space<vmem>> -> memref<32x128xi32, #tpu.memory_space<vmem>>
        %dma_start3A_124 = arith.constant 0 : i32
        %dma_start3A_125 = tpu.memref_slice %arg3[%add3A_101, %dma_start3A_124] : memref<2560x128xi32, #tpu.memory_space<hbm>> -> memref<32x128xi32, #tpu.memory_space<hbm>>
        %dma_start3A_126 = arith.constant 0 : i32
        %dma_start3A_127 = arith.constant 0 : i32
        %dma_start3A_128 = tpu.memref_slice %arg7[%dma_start3A_126, %dma_start3A_127] : memref<56x128xi32, #tpu.memory_space<vmem>> -> memref<32x128xi32, #tpu.memory_space<vmem>>
        %dma_start3A_129 = arith.constant 0 : i32
        %dma_start3A_130 = tpu.memref_slice %arg3[%add3A_101, %dma_start3A_129] : memref<2560x128xi32, #tpu.memory_space<hbm>> -> memref<32x128xi32, #tpu.memory_space<hbm>>
        tpu.enqueue_dma source(%dma_start3A_130 : memref<32x128xi32, #tpu.memory_space<hbm>>) target(%dma_start3A_128 : memref<32x128xi32, #tpu.memory_space<vmem>>) target_semaphore(%run_scoped3A_120 : memref<!tpu.dma_semaphore, #tpu.memory_space<semaphore_mem>>)
        %dma_wait3A = arith.constant 0 : i32
        %dma_wait3A_131 = arith.constant 0 : i32
        %dma_wait3A_132 = tpu.memref_slice %arg7[%dma_wait3A, %dma_wait3A_131] : memref<56x128xi32, #tpu.memory_space<vmem>> -> memref<32x128xi32, #tpu.memory_space<vmem>>
        %dma_wait3A_133 = arith.constant 0 : i32
        %dma_wait3A_134 = tpu.memref_slice %arg3[%add3A_101, %dma_wait3A_133] : memref<2560x128xi32, #tpu.memory_space<hbm>> -> memref<32x128xi32, #tpu.memory_space<hbm>>
        %dma_wait3A_135 = arith.constant 0 : i32
        %dma_wait3A_136 = arith.constant 0 : i32
        %dma_wait3A_137 = tpu.memref_slice %arg7[%dma_wait3A_135, %dma_wait3A_136] : memref<56x128xi32, #tpu.memory_space<vmem>> -> memref<32x128xi32, #tpu.memory_space<vmem>>
        %dma_wait3A_138 = arith.constant 0 : i32
        %dma_wait3A_139 = tpu.memref_slice %arg3[%add3A_101, %dma_wait3A_138] : memref<2560x128xi32, #tpu.memory_space<hbm>> -> memref<32x128xi32, #tpu.memory_space<hbm>>
        tpu.wait_dma2 semaphore(%run_scoped3A_120 : memref<!tpu.dma_semaphore, #tpu.memory_space<semaphore_mem>>) src(%dma_wait3A_139 : memref<32x128xi32, #tpu.memory_space<hbm>>) dst(%dma_wait3A_137 : memref<32x128xi32, #tpu.memory_space<vmem>>)
        tpu.yield
      }) : () -> ()
      "tpu.region"() ({
        %run_scoped3A_120 = tpu.sem_alloc : memref<!tpu.dma_semaphore, #tpu.memory_space<semaphore_mem>>
        %dma_start3A_121 = arith.constant 0 : i32
        %dma_start3A_122 = arith.constant 0 : i32
        %dma_start3A_123 = tpu.memref_slice %arg8[%dma_start3A_121, %dma_start3A_122] : memref<56x128xi32, #tpu.memory_space<vmem>> -> memref<32x128xi32, #tpu.memory_space<vmem>>
        %dma_start3A_124 = arith.constant 0 : i32
        %dma_start3A_125 = tpu.memref_slice %arg4[%add3A_101, %dma_start3A_124] : memref<2560x128xi32, #tpu.memory_space<hbm>> -> memref<32x128xi32, #tpu.memory_space<hbm>>
        %dma_start3A_126 = arith.constant 0 : i32
        %dma_start3A_127 = arith.constant 0 : i32
        %dma_start3A_128 = tpu.memref_slice %arg8[%dma_start3A_126, %dma_start3A_127] : memref<56x128xi32, #tpu.memory_space<vmem>> -> memref<32x128xi32, #tpu.memory_space<vmem>>
        %dma_start3A_129 = arith.constant 0 : i32
        %dma_start3A_130 = tpu.memref_slice %arg4[%add3A_101, %dma_start3A_129] : memref<2560x128xi32, #tpu.memory_space<hbm>> -> memref<32x128xi32, #tpu.memory_space<hbm>>
        tpu.enqueue_dma source(%dma_start3A_130 : memref<32x128xi32, #tpu.memory_space<hbm>>) target(%dma_start3A_128 : memref<32x128xi32, #tpu.memory_space<vmem>>) target_semaphore(%run_scoped3A_120 : memref<!tpu.dma_semaphore, #tpu.memory_space<semaphore_mem>>)
        %dma_wait3A = arith.constant 0 : i32
        %dma_wait3A_131 = arith.constant 0 : i32
        %dma_wait3A_132 = tpu.memref_slice %arg8[%dma_wait3A, %dma_wait3A_131] : memref<56x128xi32, #tpu.memory_space<vmem>> -> memref<32x128xi32, #tpu.memory_space<vmem>>
        %dma_wait3A_133 = arith.constant 0 : i32
        %dma_wait3A_134 = tpu.memref_slice %arg4[%add3A_101, %dma_wait3A_133] : memref<2560x128xi32, #tpu.memory_space<hbm>> -> memref<32x128xi32, #tpu.memory_space<hbm>>
        %dma_wait3A_135 = arith.constant 0 : i32
        %dma_wait3A_136 = arith.constant 0 : i32
        %dma_wait3A_137 = tpu.memref_slice %arg8[%dma_wait3A_135, %dma_wait3A_136] : memref<56x128xi32, #tpu.memory_space<vmem>> -> memref<32x128xi32, #tpu.memory_space<vmem>>
        %dma_wait3A_138 = arith.constant 0 : i32
        %dma_wait3A_139 = tpu.memref_slice %arg4[%add3A_101, %dma_wait3A_138] : memref<2560x128xi32, #tpu.memory_space<hbm>> -> memref<32x128xi32, #tpu.memory_space<hbm>>
        tpu.wait_dma2 semaphore(%run_scoped3A_120 : memref<!tpu.dma_semaphore, #tpu.memory_space<semaphore_mem>>) src(%dma_wait3A_139 : memref<32x128xi32, #tpu.memory_space<hbm>>) dst(%dma_wait3A_137 : memref<32x128xi32, #tpu.memory_space<vmem>>)
        tpu.yield
      }) : () -> ()
      %dma_start3A_102 = arith.constant 0 : i32
      %dma_start3A_103 = arith.constant 0 : i32
      %dma_start3A_104 = arith.constant 0 : i32
      %dma_start3A_105 = arith.constant 0 : i32
      %dma_start3A_106 = tpu.memref_slice %arg9[%dma_start3A_103, %dma_start3A_104, %dma_start3A_105] : memref<2x128x128xf32, #tpu.memory_space<vmem>> -> memref<1x128x128xf32, #tpu.memory_space<vmem>>
      %dma_start3A_107 = tpu.memref_squeeze %dma_start3A_106 : memref<1x128x128xf32, #tpu.memory_space<vmem>> -> memref<128x128xf32, #tpu.memory_space<vmem>>
      %dma_start3A_108 = arith.constant 0 : i32
      %dma_start3A_109 = tpu.memref_slice %arg7[%dma_start3A_102, %dma_start3A_108] : memref<56x128xi32, #tpu.memory_space<vmem>> -> memref<1x128xi32, #tpu.memory_space<vmem>>
      %dma_start3A_110 = tpu.memref_squeeze %dma_start3A_109 : memref<1x128xi32, #tpu.memory_space<vmem>> -> memref<128xi32, #tpu.memory_space<vmem>>
      %dma_start3A_111 = arith.constant 0 : i32
      %dma_start3A_112 = arith.constant 0 : i32
      %dma_start3A_113 = tpu.memref_slice %arg2[%dma_start3A_111, %dma_start3A_112] : memref<10240x128xf32, #tpu.memory_space<hbm>> -> memref<10240x128xf32, #tpu.memory_space<hbm>>
      tpu.enqueue_indirect_dma source(%dma_start3A_113 : memref<10240x128xf32, #tpu.memory_space<hbm>>) target(%dma_start3A_107 : memref<128x128xf32, #tpu.memory_space<vmem>>) offsets(%dma_start3A_110 : memref<128xi32, #tpu.memory_space<vmem>>) semaphore(%arg10 : memref<!tpu.dma_semaphore, #tpu.memory_space<semaphore_mem>>)
      %scan3A_114 = arith.constant 0 : i32
      %scan3A_115 = arith.constant 0 : i32
      %scan3A_116 = arith.constant 32 : i32
      %scan3A_117 = arith.addi %scan3A_115, %scan3A_116 : i32
      %scan3A_118 = arith.constant 1 : i32
      scf.for %scan3A_120 = %scan3A_115 to %scan3A_117 step %scan3A_118  : i32 {
        %rem3A = arith.constant 2 : i32
        %rem3A_121 = arith.remsi %scan3A_120, %rem3A : i32
        %dma_wait3A = arith.constant 0 : i32
        %dma_wait3A_122 = arith.constant 0 : i32
        %dma_wait3A_123 = tpu.memref_slice %arg9[%rem3A_121, %dma_wait3A, %dma_wait3A_122] : memref<2x128x128xf32, #tpu.memory_space<vmem>> -> memref<1x128x128xf32, #tpu.memory_space<vmem>>
        %dma_wait3A_124 = tpu.memref_squeeze %dma_wait3A_123 : memref<1x128x128xf32, #tpu.memory_space<vmem>> -> memref<128x128xf32, #tpu.memory_space<vmem>>
        %dma_wait3A_125 = arith.constant 0 : i32
        %dma_wait3A_126 = tpu.memref_slice %arg7[%scan3A_120, %dma_wait3A_125] : memref<56x128xi32, #tpu.memory_space<vmem>> -> memref<1x128xi32, #tpu.memory_space<vmem>>
        %dma_wait3A_127 = tpu.memref_squeeze %dma_wait3A_126 : memref<1x128xi32, #tpu.memory_space<vmem>> -> memref<128xi32, #tpu.memory_space<vmem>>
        %dma_wait3A_128 = arith.constant 0 : i32
        %dma_wait3A_129 = arith.constant 0 : i32
        %dma_wait3A_130 = tpu.memref_slice %arg2[%dma_wait3A_128, %dma_wait3A_129] : memref<10240x128xf32, #tpu.memory_space<hbm>> -> memref<10240x128xf32, #tpu.memory_space<hbm>>
        tpu.wait_indirect_dma semaphore(%arg10 : memref<!tpu.dma_semaphore, #tpu.memory_space<semaphore_mem>>) src(%dma_wait3A_130 : memref<10240x128xf32, #tpu.memory_space<hbm>>) dst(%dma_wait3A_124 : memref<128x128xf32, #tpu.memory_space<vmem>>)
        %lt3A = arith.constant 31 : i32
        %lt3A_131 = arith.cmpi slt, %scan3A_120, %lt3A : i32
        %convert_element_type3A_132 = arith.extui %lt3A_131 : i1 to i32
        %cond3A_133 = arith.constant 0 : i32
        %cond3A_134 = arith.cmpi ne, %convert_element_type3A_132, %cond3A_133 : i32
        scf.if %cond3A_134 {
          %add3A_135 = arith.constant 1 : i32
          %add3A_136 = arith.addi %scan3A_120, %add3A_135 : i32
          %sub3A = arith.constant 1 : i32
          %sub3A_137 = arith.subi %sub3A, %rem3A_121 : i32
          %dma_start3A_138 = arith.constant 0 : i32
          %dma_start3A_139 = arith.constant 0 : i32
          %dma_start3A_140 = tpu.memref_slice %arg9[%sub3A_137, %dma_start3A_138, %dma_start3A_139] : memref<2x128x128xf32, #tpu.memory_space<vmem>> -> memref<1x128x128xf32, #tpu.memory_space<vmem>>
          %dma_start3A_141 = tpu.memref_squeeze %dma_start3A_140 : memref<1x128x128xf32, #tpu.memory_space<vmem>> -> memref<128x128xf32, #tpu.memory_space<vmem>>
          %dma_start3A_142 = arith.constant 0 : i32
          %dma_start3A_143 = tpu.memref_slice %arg7[%add3A_136, %dma_start3A_142] : memref<56x128xi32, #tpu.memory_space<vmem>> -> memref<1x128xi32, #tpu.memory_space<vmem>>
          %dma_start3A_144 = tpu.memref_squeeze %dma_start3A_143 : memref<1x128xi32, #tpu.memory_space<vmem>> -> memref<128xi32, #tpu.memory_space<vmem>>
          %dma_start3A_145 = arith.constant 0 : i32
          %dma_start3A_146 = arith.constant 0 : i32
          %dma_start3A_147 = tpu.memref_slice %arg2[%dma_start3A_145, %dma_start3A_146] : memref<10240x128xf32, #tpu.memory_space<hbm>> -> memref<10240x128xf32, #tpu.memory_space<hbm>>
          tpu.enqueue_indirect_dma source(%dma_start3A_147 : memref<10240x128xf32, #tpu.memory_space<hbm>>) target(%dma_start3A_141 : memref<128x128xf32, #tpu.memory_space<vmem>>) offsets(%dma_start3A_144 : memref<128xi32, #tpu.memory_space<vmem>>) semaphore(%arg10 : memref<!tpu.dma_semaphore, #tpu.memory_space<semaphore_mem>>)
        } else {
        }
        "tpu.region"() ({
          %run_scoped3A_135 = tpu.sem_alloc : memref<!tpu.dma_semaphore, #tpu.memory_space<semaphore_mem>>
          %dma_start3A_136 = arith.constant 0 : i32
          %dma_start3A_137 = arith.constant 0 : i32
          %dma_start3A_138 = tpu.memref_slice %arg9[%rem3A_121, %dma_start3A_136, %dma_start3A_137] : memref<2x128x128xf32, #tpu.memory_space<vmem>> -> memref<1x128x128xf32, #tpu.memory_space<vmem>>
          %dma_start3A_139 = tpu.memref_squeeze %dma_start3A_138 : memref<1x128x128xf32, #tpu.memory_space<vmem>> -> memref<128x128xf32, #tpu.memory_space<vmem>>
          %dma_start3A_140 = arith.constant 0 : i32
          %dma_start3A_141 = tpu.memref_slice %arg8[%scan3A_120, %dma_start3A_140] : memref<56x128xi32, #tpu.memory_space<vmem>> -> memref<1x128xi32, #tpu.memory_space<vmem>>
          %dma_start3A_142 = tpu.memref_squeeze %dma_start3A_141 : memref<1x128xi32, #tpu.memory_space<vmem>> -> memref<128xi32, #tpu.memory_space<vmem>>
          %dma_start3A_143 = arith.constant 0 : i32
          %dma_start3A_144 = arith.constant 0 : i32
          %dma_start3A_145 = tpu.memref_slice %arg11[%dma_start3A_143, %dma_start3A_144] : memref<10240x128xf32, #tpu.memory_space<vmem_shared>> -> memref<10240x128xf32, #tpu.memory_space<vmem_shared>>
          tpu.enqueue_indirect_dma source(%dma_start3A_139 : memref<128x128xf32, #tpu.memory_space<vmem>>) target(%dma_start3A_145 : memref<10240x128xf32, #tpu.memory_space<vmem_shared>>) offsets(%dma_start3A_142 : memref<128xi32, #tpu.memory_space<vmem>>) semaphore(%run_scoped3A_135 : memref<!tpu.dma_semaphore, #tpu.memory_space<semaphore_mem>>) {add = true}
          %dma_wait3A_146 = arith.constant 0 : i32
          %dma_wait3A_147 = arith.constant 0 : i32
          %dma_wait3A_148 = tpu.memref_slice %arg9[%rem3A_121, %dma_wait3A_146, %dma_wait3A_147] : memref<2x128x128xf32, #tpu.memory_space<vmem>> -> memref<1x128x128xf32, #tpu.memory_space<vmem>>
          %dma_wait3A_149 = tpu.memref_squeeze %dma_wait3A_148 : memref<1x128x128xf32, #tpu.memory_space<vmem>> -> memref<128x128xf32, #tpu.memory_space<vmem>>
          %dma_wait3A_150 = arith.constant 0 : i32
          %dma_wait3A_151 = tpu.memref_slice %arg8[%scan3A_120, %dma_wait3A_150] : memref<56x128xi32, #tpu.memory_space<vmem>> -> memref<1x128xi32, #tpu.memory_space<vmem>>
          %dma_wait3A_152 = tpu.memref_squeeze %dma_wait3A_151 : memref<1x128xi32, #tpu.memory_space<vmem>> -> memref<128xi32, #tpu.memory_space<vmem>>
          %dma_wait3A_153 = arith.constant 0 : i32
          %dma_wait3A_154 = arith.constant 0 : i32
          %dma_wait3A_155 = tpu.memref_slice %arg11[%dma_wait3A_153, %dma_wait3A_154] : memref<10240x128xf32, #tpu.memory_space<vmem_shared>> -> memref<10240x128xf32, #tpu.memory_space<vmem_shared>>
          tpu.wait_indirect_dma semaphore(%run_scoped3A_135 : memref<!tpu.dma_semaphore, #tpu.memory_space<semaphore_mem>>) src(%dma_wait3A_149 : memref<128x128xf32, #tpu.memory_space<vmem>>) dst(%dma_wait3A_155 : memref<10240x128xf32, #tpu.memory_space<vmem_shared>>)
          tpu.yield
        }) : () -> ()
      }
      %scan3A_119 = arith.constant 32 : i32
    } else {
    }
    %ne3A = arith.constant 1 : i32
    %ne3A_25 = arith.cmpi ne, %arg0, %ne3A : i32
    %convert_element_type3A_26 = arith.extui %ne3A_25 : i1 to i32
    %cond3A_27 = arith.constant 0 : i32
    %cond3A_28 = arith.cmpi ne, %convert_element_type3A_26, %cond3A_27 : i32
    scf.if %cond3A_28 {
      %mul3A_60 = arith.constant 16 : i32
      %mul3A_61 = arith.muli %arg1, %mul3A_60 : i32
      %add3A_62 = arith.constant 2304 : i32
      %add3A_63 = arith.addi %add3A_62, %mul3A_61 : i32
      %add3A_64 = arith.constant 0 : i32
      %add3A_65 = arith.addi %add3A_63, %add3A_64 : i32
      "tpu.region"() ({
        %run_scoped3A_82 = tpu.sem_alloc : memref<!tpu.dma_semaphore, #tpu.memory_space<semaphore_mem>>
        %dma_start3A_83 = arith.constant 0 : i32
        %dma_start3A_84 = arith.constant 0 : i32
        %dma_start3A_85 = tpu.memref_slice %arg7[%dma_start3A_83, %dma_start3A_84] : memref<56x128xi32, #tpu.memory_space<vmem>> -> memref<16x128xi32, #tpu.memory_space<vmem>>
        %dma_start3A_86 = arith.constant 0 : i32
        %dma_start3A_87 = tpu.memref_slice %arg3[%add3A_65, %dma_start3A_86] : memref<2560x128xi32, #tpu.memory_space<hbm>> -> memref<16x128xi32, #tpu.memory_space<hbm>>
        %dma_start3A_88 = arith.constant 0 : i32
        %dma_start3A_89 = arith.constant 0 : i32
        %dma_start3A_90 = tpu.memref_slice %arg7[%dma_start3A_88, %dma_start3A_89] : memref<56x128xi32, #tpu.memory_space<vmem>> -> memref<16x128xi32, #tpu.memory_space<vmem>>
        %dma_start3A_91 = arith.constant 0 : i32
        %dma_start3A_92 = tpu.memref_slice %arg3[%add3A_65, %dma_start3A_91] : memref<2560x128xi32, #tpu.memory_space<hbm>> -> memref<16x128xi32, #tpu.memory_space<hbm>>
        tpu.enqueue_dma source(%dma_start3A_92 : memref<16x128xi32, #tpu.memory_space<hbm>>) target(%dma_start3A_90 : memref<16x128xi32, #tpu.memory_space<vmem>>) target_semaphore(%run_scoped3A_82 : memref<!tpu.dma_semaphore, #tpu.memory_space<semaphore_mem>>)
        %dma_wait3A = arith.constant 0 : i32
        %dma_wait3A_93 = arith.constant 0 : i32
        %dma_wait3A_94 = tpu.memref_slice %arg7[%dma_wait3A, %dma_wait3A_93] : memref<56x128xi32, #tpu.memory_space<vmem>> -> memref<16x128xi32, #tpu.memory_space<vmem>>
        %dma_wait3A_95 = arith.constant 0 : i32
        %dma_wait3A_96 = tpu.memref_slice %arg3[%add3A_65, %dma_wait3A_95] : memref<2560x128xi32, #tpu.memory_space<hbm>> -> memref<16x128xi32, #tpu.memory_space<hbm>>
        %dma_wait3A_97 = arith.constant 0 : i32
        %dma_wait3A_98 = arith.constant 0 : i32
        %dma_wait3A_99 = tpu.memref_slice %arg7[%dma_wait3A_97, %dma_wait3A_98] : memref<56x128xi32, #tpu.memory_space<vmem>> -> memref<16x128xi32, #tpu.memory_space<vmem>>
        %dma_wait3A_100 = arith.constant 0 : i32
        %dma_wait3A_101 = tpu.memref_slice %arg3[%add3A_65, %dma_wait3A_100] : memref<2560x128xi32, #tpu.memory_space<hbm>> -> memref<16x128xi32, #tpu.memory_space<hbm>>
        tpu.wait_dma2 semaphore(%run_scoped3A_82 : memref<!tpu.dma_semaphore, #tpu.memory_space<semaphore_mem>>) src(%dma_wait3A_101 : memref<16x128xi32, #tpu.memory_space<hbm>>) dst(%dma_wait3A_99 : memref<16x128xi32, #tpu.memory_space<vmem>>)
        tpu.yield
      }) : () -> ()
      "tpu.region"() ({
        %run_scoped3A_82 = tpu.sem_alloc : memref<!tpu.dma_semaphore, #tpu.memory_space<semaphore_mem>>
        %dma_start3A_83 = arith.constant 0 : i32
        %dma_start3A_84 = arith.constant 0 : i32
        %dma_start3A_85 = tpu.memref_slice %arg8[%dma_start3A_83, %dma_start3A_84] : memref<56x128xi32, #tpu.memory_space<vmem>> -> memref<16x128xi32, #tpu.memory_space<vmem>>
        %dma_start3A_86 = arith.constant 0 : i32
        %dma_start3A_87 = tpu.memref_slice %arg4[%add3A_65, %dma_start3A_86] : memref<2560x128xi32, #tpu.memory_space<hbm>> -> memref<16x128xi32, #tpu.memory_space<hbm>>
        %dma_start3A_88 = arith.constant 0 : i32
        %dma_start3A_89 = arith.constant 0 : i32
        %dma_start3A_90 = tpu.memref_slice %arg8[%dma_start3A_88, %dma_start3A_89] : memref<56x128xi32, #tpu.memory_space<vmem>> -> memref<16x128xi32, #tpu.memory_space<vmem>>
        %dma_start3A_91 = arith.constant 0 : i32
        %dma_start3A_92 = tpu.memref_slice %arg4[%add3A_65, %dma_start3A_91] : memref<2560x128xi32, #tpu.memory_space<hbm>> -> memref<16x128xi32, #tpu.memory_space<hbm>>
        tpu.enqueue_dma source(%dma_start3A_92 : memref<16x128xi32, #tpu.memory_space<hbm>>) target(%dma_start3A_90 : memref<16x128xi32, #tpu.memory_space<vmem>>) target_semaphore(%run_scoped3A_82 : memref<!tpu.dma_semaphore, #tpu.memory_space<semaphore_mem>>)
        %dma_wait3A = arith.constant 0 : i32
        %dma_wait3A_93 = arith.constant 0 : i32
        %dma_wait3A_94 = tpu.memref_slice %arg8[%dma_wait3A, %dma_wait3A_93] : memref<56x128xi32, #tpu.memory_space<vmem>> -> memref<16x128xi32, #tpu.memory_space<vmem>>
        %dma_wait3A_95 = arith.constant 0 : i32
        %dma_wait3A_96 = tpu.memref_slice %arg4[%add3A_65, %dma_wait3A_95] : memref<2560x128xi32, #tpu.memory_space<hbm>> -> memref<16x128xi32, #tpu.memory_space<hbm>>
        %dma_wait3A_97 = arith.constant 0 : i32
        %dma_wait3A_98 = arith.constant 0 : i32
        %dma_wait3A_99 = tpu.memref_slice %arg8[%dma_wait3A_97, %dma_wait3A_98] : memref<56x128xi32, #tpu.memory_space<vmem>> -> memref<16x128xi32, #tpu.memory_space<vmem>>
        %dma_wait3A_100 = arith.constant 0 : i32
        %dma_wait3A_101 = tpu.memref_slice %arg4[%add3A_65, %dma_wait3A_100] : memref<2560x128xi32, #tpu.memory_space<hbm>> -> memref<16x128xi32, #tpu.memory_space<hbm>>
        tpu.wait_dma2 semaphore(%run_scoped3A_82 : memref<!tpu.dma_semaphore, #tpu.memory_space<semaphore_mem>>) src(%dma_wait3A_101 : memref<16x128xi32, #tpu.memory_space<hbm>>) dst(%dma_wait3A_99 : memref<16x128xi32, #tpu.memory_space<vmem>>)
        tpu.yield
      }) : () -> ()
      %dma_start3A = arith.constant 0 : i32
      %dma_start3A_66 = arith.constant 0 : i32
      %dma_start3A_67 = arith.constant 0 : i32
      %dma_start3A_68 = arith.constant 0 : i32
      %dma_start3A_69 = tpu.memref_slice %arg9[%dma_start3A_66, %dma_start3A_67, %dma_start3A_68] : memref<2x128x128xf32, #tpu.memory_space<vmem>> -> memref<1x128x128xf32, #tpu.memory_space<vmem>>
      %dma_start3A_70 = tpu.memref_squeeze %dma_start3A_69 : memref<1x128x128xf32, #tpu.memory_space<vmem>> -> memref<128x128xf32, #tpu.memory_space<vmem>>
      %dma_start3A_71 = arith.constant 0 : i32
      %dma_start3A_72 = tpu.memref_slice %arg7[%dma_start3A, %dma_start3A_71] : memref<56x128xi32, #tpu.memory_space<vmem>> -> memref<1x128xi32, #tpu.memory_space<vmem>>
      %dma_start3A_73 = tpu.memref_squeeze %dma_start3A_72 : memref<1x128xi32, #tpu.memory_space<vmem>> -> memref<128xi32, #tpu.memory_space<vmem>>
      %dma_start3A_74 = arith.constant 0 : i32
      %dma_start3A_75 = arith.constant 0 : i32
      %dma_start3A_76 = tpu.memref_slice %arg2[%dma_start3A_74, %dma_start3A_75] : memref<10240x128xf32, #tpu.memory_space<hbm>> -> memref<10240x128xf32, #tpu.memory_space<hbm>>
      tpu.enqueue_indirect_dma source(%dma_start3A_76 : memref<10240x128xf32, #tpu.memory_space<hbm>>) target(%dma_start3A_70 : memref<128x128xf32, #tpu.memory_space<vmem>>) offsets(%dma_start3A_73 : memref<128xi32, #tpu.memory_space<vmem>>) semaphore(%arg10 : memref<!tpu.dma_semaphore, #tpu.memory_space<semaphore_mem>>)
      %scan3A = arith.constant 0 : i32
      %scan3A_77 = arith.constant 0 : i32
      %scan3A_78 = arith.constant 16 : i32
      %scan3A_79 = arith.addi %scan3A_77, %scan3A_78 : i32
      %scan3A_80 = arith.constant 1 : i32
      scf.for %scan3A_82 = %scan3A_77 to %scan3A_79 step %scan3A_80  : i32 {
        %rem3A = arith.constant 2 : i32
        %rem3A_83 = arith.remsi %scan3A_82, %rem3A : i32
        %dma_wait3A = arith.constant 0 : i32
        %dma_wait3A_84 = arith.constant 0 : i32
        %dma_wait3A_85 = tpu.memref_slice %arg9[%rem3A_83, %dma_wait3A, %dma_wait3A_84] : memref<2x128x128xf32, #tpu.memory_space<vmem>> -> memref<1x128x128xf32, #tpu.memory_space<vmem>>
        %dma_wait3A_86 = tpu.memref_squeeze %dma_wait3A_85 : memref<1x128x128xf32, #tpu.memory_space<vmem>> -> memref<128x128xf32, #tpu.memory_space<vmem>>
        %dma_wait3A_87 = arith.constant 0 : i32
        %dma_wait3A_88 = tpu.memref_slice %arg7[%scan3A_82, %dma_wait3A_87] : memref<56x128xi32, #tpu.memory_space<vmem>> -> memref<1x128xi32, #tpu.memory_space<vmem>>
        %dma_wait3A_89 = tpu.memref_squeeze %dma_wait3A_88 : memref<1x128xi32, #tpu.memory_space<vmem>> -> memref<128xi32, #tpu.memory_space<vmem>>
        %dma_wait3A_90 = arith.constant 0 : i32
        %dma_wait3A_91 = arith.constant 0 : i32
        %dma_wait3A_92 = tpu.memref_slice %arg2[%dma_wait3A_90, %dma_wait3A_91] : memref<10240x128xf32, #tpu.memory_space<hbm>> -> memref<10240x128xf32, #tpu.memory_space<hbm>>
        tpu.wait_indirect_dma semaphore(%arg10 : memref<!tpu.dma_semaphore, #tpu.memory_space<semaphore_mem>>) src(%dma_wait3A_92 : memref<10240x128xf32, #tpu.memory_space<hbm>>) dst(%dma_wait3A_86 : memref<128x128xf32, #tpu.memory_space<vmem>>)
        %lt3A = arith.constant 15 : i32
        %lt3A_93 = arith.cmpi slt, %scan3A_82, %lt3A : i32
        %convert_element_type3A_94 = arith.extui %lt3A_93 : i1 to i32
        %cond3A_95 = arith.constant 0 : i32
        %cond3A_96 = arith.cmpi ne, %convert_element_type3A_94, %cond3A_95 : i32
        scf.if %cond3A_96 {
          %add3A_97 = arith.constant 1 : i32
          %add3A_98 = arith.addi %scan3A_82, %add3A_97 : i32
          %sub3A = arith.constant 1 : i32
          %sub3A_99 = arith.subi %sub3A, %rem3A_83 : i32
          %dma_start3A_100 = arith.constant 0 : i32
          %dma_start3A_101 = arith.constant 0 : i32
          %dma_start3A_102 = tpu.memref_slice %arg9[%sub3A_99, %dma_start3A_100, %dma_start3A_101] : memref<2x128x128xf32, #tpu.memory_space<vmem>> -> memref<1x128x128xf32, #tpu.memory_space<vmem>>
          %dma_start3A_103 = tpu.memref_squeeze %dma_start3A_102 : memref<1x128x128xf32, #tpu.memory_space<vmem>> -> memref<128x128xf32, #tpu.memory_space<vmem>>
          %dma_start3A_104 = arith.constant 0 : i32
          %dma_start3A_105 = tpu.memref_slice %arg7[%add3A_98, %dma_start3A_104] : memref<56x128xi32, #tpu.memory_space<vmem>> -> memref<1x128xi32, #tpu.memory_space<vmem>>
          %dma_start3A_106 = tpu.memref_squeeze %dma_start3A_105 : memref<1x128xi32, #tpu.memory_space<vmem>> -> memref<128xi32, #tpu.memory_space<vmem>>
          %dma_start3A_107 = arith.constant 0 : i32
          %dma_start3A_108 = arith.constant 0 : i32
          %dma_start3A_109 = tpu.memref_slice %arg2[%dma_start3A_107, %dma_start3A_108] : memref<10240x128xf32, #tpu.memory_space<hbm>> -> memref<10240x128xf32, #tpu.memory_space<hbm>>
          tpu.enqueue_indirect_dma source(%dma_start3A_109 : memref<10240x128xf32, #tpu.memory_space<hbm>>) target(%dma_start3A_103 : memref<128x128xf32, #tpu.memory_space<vmem>>) offsets(%dma_start3A_106 : memref<128xi32, #tpu.memory_space<vmem>>) semaphore(%arg10 : memref<!tpu.dma_semaphore, #tpu.memory_space<semaphore_mem>>)
        } else {
        }
        "tpu.region"() ({
          %run_scoped3A_97 = tpu.sem_alloc : memref<!tpu.dma_semaphore, #tpu.memory_space<semaphore_mem>>
          %dma_start3A_98 = arith.constant 0 : i32
          %dma_start3A_99 = arith.constant 0 : i32
          %dma_start3A_100 = tpu.memref_slice %arg9[%rem3A_83, %dma_start3A_98, %dma_start3A_99] : memref<2x128x128xf32, #tpu.memory_space<vmem>> -> memref<1x128x128xf32, #tpu.memory_space<vmem>>
          %dma_start3A_101 = tpu.memref_squeeze %dma_start3A_100 : memref<1x128x128xf32, #tpu.memory_space<vmem>> -> memref<128x128xf32, #tpu.memory_space<vmem>>
          %dma_start3A_102 = arith.constant 0 : i32
          %dma_start3A_103 = tpu.memref_slice %arg8[%scan3A_82, %dma_start3A_102] : memref<56x128xi32, #tpu.memory_space<vmem>> -> memref<1x128xi32, #tpu.memory_space<vmem>>
          %dma_start3A_104 = tpu.memref_squeeze %dma_start3A_103 : memref<1x128xi32, #tpu.memory_space<vmem>> -> memref<128xi32, #tpu.memory_space<vmem>>
          %dma_start3A_105 = arith.constant 0 : i32
          %dma_start3A_106 = arith.constant 0 : i32
          %dma_start3A_107 = tpu.memref_slice %arg11[%dma_start3A_105, %dma_start3A_106] : memref<10240x128xf32, #tpu.memory_space<vmem_shared>> -> memref<10240x128xf32, #tpu.memory_space<vmem_shared>>
          tpu.enqueue_indirect_dma source(%dma_start3A_101 : memref<128x128xf32, #tpu.memory_space<vmem>>) target(%dma_start3A_107 : memref<10240x128xf32, #tpu.memory_space<vmem_shared>>) offsets(%dma_start3A_104 : memref<128xi32, #tpu.memory_space<vmem>>) semaphore(%run_scoped3A_97 : memref<!tpu.dma_semaphore, #tpu.memory_space<semaphore_mem>>) {add = true}
          %dma_wait3A_108 = arith.constant 0 : i32
          %dma_wait3A_109 = arith.constant 0 : i32
          %dma_wait3A_110 = tpu.memref_slice %arg9[%rem3A_83, %dma_wait3A_108, %dma_wait3A_109] : memref<2x128x128xf32, #tpu.memory_space<vmem>> -> memref<1x128x128xf32, #tpu.memory_space<vmem>>
          %dma_wait3A_111 = tpu.memref_squeeze %dma_wait3A_110 : memref<1x128x128xf32, #tpu.memory_space<vmem>> -> memref<128x128xf32, #tpu.memory_space<vmem>>
          %dma_wait3A_112 = arith.constant 0 : i32
          %dma_wait3A_113 = tpu.memref_slice %arg8[%scan3A_82, %dma_wait3A_112] : memref<56x128xi32, #tpu.memory_space<vmem>> -> memref<1x128xi32, #tpu.memory_space<vmem>>
          %dma_wait3A_114 = tpu.memref_squeeze %dma_wait3A_113 : memref<1x128xi32, #tpu.memory_space<vmem>> -> memref<128xi32, #tpu.memory_space<vmem>>
          %dma_wait3A_115 = arith.constant 0 : i32
          %dma_wait3A_116 = arith.constant 0 : i32
          %dma_wait3A_117 = tpu.memref_slice %arg11[%dma_wait3A_115, %dma_wait3A_116] : memref<10240x128xf32, #tpu.memory_space<vmem_shared>> -> memref<10240x128xf32, #tpu.memory_space<vmem_shared>>
          tpu.wait_indirect_dma semaphore(%run_scoped3A_97 : memref<!tpu.dma_semaphore, #tpu.memory_space<semaphore_mem>>) src(%dma_wait3A_111 : memref<128x128xf32, #tpu.memory_space<vmem>>) dst(%dma_wait3A_117 : memref<10240x128xf32, #tpu.memory_space<vmem_shared>>)
          tpu.yield
        }) : () -> ()
      }
      %scan3A_81 = arith.constant 16 : i32
    } else {
    }
    %barrier3A_29 = arith.constant 0 : index
    tpu.barrier barrier_id(%barrier3A_29)
    %mul3A_30 = arith.constant 640 : i32
    %mul3A_31 = arith.muli %arg1, %mul3A_30 : i32
    %add3A_32 = arith.constant 0 : i32
    %add3A_33 = arith.addi %mul3A_31, %add3A_32 : i32
    %run_scoped3A_34 = arith.constant 0 : i32
    "tpu.region"() ({
      %run_scoped3A_60 = tpu.sem_alloc : memref<!tpu.dma_semaphore, #tpu.memory_space<semaphore_mem>>
      %dma_start3A = arith.constant 0 : i32
      %dma_start3A_61 = arith.constant 0 : i32
      %dma_start3A_62 = tpu.memref_slice %arg9[%run_scoped3A_34, %dma_start3A, %dma_start3A_61] : memref<2x128x128xf32, #tpu.memory_space<vmem>> -> memref<1x128x128xf32, #tpu.memory_space<vmem>>
      %dma_start3A_63 = tpu.memref_squeeze %dma_start3A_62 : memref<1x128x128xf32, #tpu.memory_space<vmem>> -> memref<128x128xf32, #tpu.memory_space<vmem>>
      %dma_start3A_64 = arith.constant 0 : i32
      %dma_start3A_65 = tpu.memref_slice %arg11[%add3A_33, %dma_start3A_64] : memref<10240x128xf32, #tpu.memory_space<vmem_shared>> -> memref<128x128xf32, #tpu.memory_space<vmem_shared>>
      %dma_start3A_66 = arith.constant 0 : i32
      %dma_start3A_67 = arith.constant 0 : i32
      %dma_start3A_68 = tpu.memref_slice %arg9[%run_scoped3A_34, %dma_start3A_66, %dma_start3A_67] : memref<2x128x128xf32, #tpu.memory_space<vmem>> -> memref<1x128x128xf32, #tpu.memory_space<vmem>>
      %dma_start3A_69 = tpu.memref_squeeze %dma_start3A_68 : memref<1x128x128xf32, #tpu.memory_space<vmem>> -> memref<128x128xf32, #tpu.memory_space<vmem>>
      %dma_start3A_70 = arith.constant 0 : i32
      %dma_start3A_71 = tpu.memref_slice %arg11[%add3A_33, %dma_start3A_70] : memref<10240x128xf32, #tpu.memory_space<vmem_shared>> -> memref<128x128xf32, #tpu.memory_space<vmem_shared>>
      tpu.enqueue_dma source(%dma_start3A_71 : memref<128x128xf32, #tpu.memory_space<vmem_shared>>) target(%dma_start3A_69 : memref<128x128xf32, #tpu.memory_space<vmem>>) target_semaphore(%run_scoped3A_60 : memref<!tpu.dma_semaphore, #tpu.memory_space<semaphore_mem>>)
      %dma_wait3A = arith.constant 0 : i32
      %dma_wait3A_72 = arith.constant 0 : i32
      %dma_wait3A_73 = tpu.memref_slice %arg9[%run_scoped3A_34, %dma_wait3A, %dma_wait3A_72] : memref<2x128x128xf32, #tpu.memory_space<vmem>> -> memref<1x128x128xf32, #tpu.memory_space<vmem>>
      %dma_wait3A_74 = tpu.memref_squeeze %dma_wait3A_73 : memref<1x128x128xf32, #tpu.memory_space<vmem>> -> memref<128x128xf32, #tpu.memory_space<vmem>>
      %dma_wait3A_75 = arith.constant 0 : i32
      %dma_wait3A_76 = tpu.memref_slice %arg11[%add3A_33, %dma_wait3A_75] : memref<10240x128xf32, #tpu.memory_space<vmem_shared>> -> memref<128x128xf32, #tpu.memory_space<vmem_shared>>
      %dma_wait3A_77 = arith.constant 0 : i32
      %dma_wait3A_78 = arith.constant 0 : i32
      %dma_wait3A_79 = tpu.memref_slice %arg9[%run_scoped3A_34, %dma_wait3A_77, %dma_wait3A_78] : memref<2x128x128xf32, #tpu.memory_space<vmem>> -> memref<1x128x128xf32, #tpu.memory_space<vmem>>
      %dma_wait3A_80 = tpu.memref_squeeze %dma_wait3A_79 : memref<1x128x128xf32, #tpu.memory_space<vmem>> -> memref<128x128xf32, #tpu.memory_space<vmem>>
      %dma_wait3A_81 = arith.constant 0 : i32
      %dma_wait3A_82 = tpu.memref_slice %arg11[%add3A_33, %dma_wait3A_81] : memref<10240x128xf32, #tpu.memory_space<vmem_shared>> -> memref<128x128xf32, #tpu.memory_space<vmem_shared>>
      tpu.wait_dma2 semaphore(%run_scoped3A_60 : memref<!tpu.dma_semaphore, #tpu.memory_space<semaphore_mem>>) src(%dma_wait3A_82 : memref<128x128xf32, #tpu.memory_space<vmem_shared>>) dst(%dma_wait3A_80 : memref<128x128xf32, #tpu.memory_space<vmem>>)
      tpu.yield
    }) : () -> ()
    %run_scoped3A_35 = arith.constant 0 : i32
    "tpu.region"() ({
      %run_scoped3A_60 = tpu.sem_alloc : memref<!tpu.dma_semaphore, #tpu.memory_space<semaphore_mem>>
      %dma_start3A = arith.constant 0 : i32
      %dma_start3A_61 = arith.constant 0 : i32
      %dma_start3A_62 = tpu.memref_slice %arg9[%run_scoped3A_35, %dma_start3A, %dma_start3A_61] : memref<2x128x128xf32, #tpu.memory_space<vmem>> -> memref<1x128x128xf32, #tpu.memory_space<vmem>>
      %dma_start3A_63 = tpu.memref_squeeze %dma_start3A_62 : memref<1x128x128xf32, #tpu.memory_space<vmem>> -> memref<128x128xf32, #tpu.memory_space<vmem>>
      %dma_start3A_64 = arith.constant 0 : i32
      %dma_start3A_65 = tpu.memref_slice %arg6[%arg0, %add3A_33, %dma_start3A_64] : memref<2x10240x128xf32, #tpu.memory_space<hbm>> -> memref<1x128x128xf32, #tpu.memory_space<hbm>>
      %dma_start3A_66 = tpu.memref_squeeze %dma_start3A_65 : memref<1x128x128xf32, #tpu.memory_space<hbm>> -> memref<128x128xf32, #tpu.memory_space<hbm>>
      %dma_start3A_67 = arith.constant 0 : i32
      %dma_start3A_68 = tpu.memref_slice %arg6[%arg0, %add3A_33, %dma_start3A_67] : memref<2x10240x128xf32, #tpu.memory_space<hbm>> -> memref<1x128x128xf32, #tpu.memory_space<hbm>>
      %dma_start3A_69 = tpu.memref_squeeze %dma_start3A_68 : memref<1x128x128xf32, #tpu.memory_space<hbm>> -> memref<128x128xf32, #tpu.memory_space<hbm>>
      %dma_start3A_70 = arith.constant 0 : i32
      %dma_start3A_71 = arith.constant 0 : i32
      %dma_start3A_72 = tpu.memref_slice %arg9[%run_scoped3A_35, %dma_start3A_70, %dma_start3A_71] : memref<2x128x128xf32, #tpu.memory_space<vmem>> -> memref<1x128x128xf32, #tpu.memory_space<vmem>>
      %dma_start3A_73 = tpu.memref_squeeze %dma_start3A_72 : memref<1x128x128xf32, #tpu.memory_space<vmem>> -> memref<128x128xf32, #tpu.memory_space<vmem>>
      tpu.enqueue_dma source(%dma_start3A_73 : memref<128x128xf32, #tpu.memory_space<vmem>>) target(%dma_start3A_69 : memref<128x128xf32, #tpu.memory_space<hbm>>) target_semaphore(%run_scoped3A_60 : memref<!tpu.dma_semaphore, #tpu.memory_space<semaphore_mem>>)
      %dma_wait3A = arith.constant 0 : i32
      %dma_wait3A_74 = arith.constant 0 : i32
      %dma_wait3A_75 = tpu.memref_slice %arg9[%run_scoped3A_35, %dma_wait3A, %dma_wait3A_74] : memref<2x128x128xf32, #tpu.memory_space<vmem>> -> memref<1x128x128xf32, #tpu.memory_space<vmem>>
      %dma_wait3A_76 = tpu.memref_squeeze %dma_wait3A_75 : memref<1x128x128xf32, #tpu.memory_space<vmem>> -> memref<128x128xf32, #tpu.memory_space<vmem>>
      %dma_wait3A_77 = arith.constant 0 : i32
      %dma_wait3A_78 = tpu.memref_slice %arg6[%arg0, %add3A_33, %dma_wait3A_77] : memref<2x10240x128xf32, #tpu.memory_space<hbm>> -> memref<1x128x128xf32, #tpu.memory_space<hbm>>
      %dma_wait3A_79 = tpu.memref_squeeze %dma_wait3A_78 : memref<1x128x128xf32, #tpu.memory_space<hbm>> -> memref<128x128xf32, #tpu.memory_space<hbm>>
      %dma_wait3A_80 = arith.constant 0 : i32
      %dma_wait3A_81 = tpu.memref_slice %arg6[%arg0, %add3A_33, %dma_wait3A_80] : memref<2x10240x128xf32, #tpu.memory_space<hbm>> -> memref<1x128x128xf32, #tpu.memory_space<hbm>>
      %dma_wait3A_82 = tpu.memref_squeeze %dma_wait3A_81 : memref<1x128x128xf32, #tpu.memory_space<hbm>> -> memref<128x128xf32, #tpu.memory_space<hbm>>
      %dma_wait3A_83 = arith.constant 0 : i32
      %dma_wait3A_84 = arith.constant 0 : i32
      %dma_wait3A_85 = tpu.memref_slice %arg9[%run_scoped3A_35, %dma_wait3A_83, %dma_wait3A_84] : memref<2x128x128xf32, #tpu.memory_space<vmem>> -> memref<1x128x128xf32, #tpu.memory_space<vmem>>
      %dma_wait3A_86 = tpu.memref_squeeze %dma_wait3A_85 : memref<1x128x128xf32, #tpu.memory_space<vmem>> -> memref<128x128xf32, #tpu.memory_space<vmem>>
      tpu.wait_dma2 semaphore(%run_scoped3A_60 : memref<!tpu.dma_semaphore, #tpu.memory_space<semaphore_mem>>) src(%dma_wait3A_86 : memref<128x128xf32, #tpu.memory_space<vmem>>) dst(%dma_wait3A_82 : memref<128x128xf32, #tpu.memory_space<hbm>>)
      tpu.yield
    }) : () -> ()
    %mul3A_36 = arith.constant 640 : i32
    %mul3A_37 = arith.muli %arg1, %mul3A_36 : i32
    %add3A_38 = arith.constant 128 : i32
    %add3A_39 = arith.addi %mul3A_37, %add3A_38 : i32
    %run_scoped3A_40 = arith.constant 0 : i32
    "tpu.region"() ({
      %run_scoped3A_60 = tpu.sem_alloc : memref<!tpu.dma_semaphore, #tpu.memory_space<semaphore_mem>>
      %dma_start3A = arith.constant 0 : i32
      %dma_start3A_61 = arith.constant 0 : i32
      %dma_start3A_62 = tpu.memref_slice %arg9[%run_scoped3A_40, %dma_start3A, %dma_start3A_61] : memref<2x128x128xf32, #tpu.memory_space<vmem>> -> memref<1x128x128xf32, #tpu.memory_space<vmem>>
      %dma_start3A_63 = tpu.memref_squeeze %dma_start3A_62 : memref<1x128x128xf32, #tpu.memory_space<vmem>> -> memref<128x128xf32, #tpu.memory_space<vmem>>
      %dma_start3A_64 = arith.constant 0 : i32
      %dma_start3A_65 = tpu.memref_slice %arg11[%add3A_39, %dma_start3A_64] : memref<10240x128xf32, #tpu.memory_space<vmem_shared>> -> memref<128x128xf32, #tpu.memory_space<vmem_shared>>
      %dma_start3A_66 = arith.constant 0 : i32
      %dma_start3A_67 = arith.constant 0 : i32
      %dma_start3A_68 = tpu.memref_slice %arg9[%run_scoped3A_40, %dma_start3A_66, %dma_start3A_67] : memref<2x128x128xf32, #tpu.memory_space<vmem>> -> memref<1x128x128xf32, #tpu.memory_space<vmem>>
      %dma_start3A_69 = tpu.memref_squeeze %dma_start3A_68 : memref<1x128x128xf32, #tpu.memory_space<vmem>> -> memref<128x128xf32, #tpu.memory_space<vmem>>
      %dma_start3A_70 = arith.constant 0 : i32
      %dma_start3A_71 = tpu.memref_slice %arg11[%add3A_39, %dma_start3A_70] : memref<10240x128xf32, #tpu.memory_space<vmem_shared>> -> memref<128x128xf32, #tpu.memory_space<vmem_shared>>
      tpu.enqueue_dma source(%dma_start3A_71 : memref<128x128xf32, #tpu.memory_space<vmem_shared>>) target(%dma_start3A_69 : memref<128x128xf32, #tpu.memory_space<vmem>>) target_semaphore(%run_scoped3A_60 : memref<!tpu.dma_semaphore, #tpu.memory_space<semaphore_mem>>)
      %dma_wait3A = arith.constant 0 : i32
      %dma_wait3A_72 = arith.constant 0 : i32
      %dma_wait3A_73 = tpu.memref_slice %arg9[%run_scoped3A_40, %dma_wait3A, %dma_wait3A_72] : memref<2x128x128xf32, #tpu.memory_space<vmem>> -> memref<1x128x128xf32, #tpu.memory_space<vmem>>
      %dma_wait3A_74 = tpu.memref_squeeze %dma_wait3A_73 : memref<1x128x128xf32, #tpu.memory_space<vmem>> -> memref<128x128xf32, #tpu.memory_space<vmem>>
      %dma_wait3A_75 = arith.constant 0 : i32
      %dma_wait3A_76 = tpu.memref_slice %arg11[%add3A_39, %dma_wait3A_75] : memref<10240x128xf32, #tpu.memory_space<vmem_shared>> -> memref<128x128xf32, #tpu.memory_space<vmem_shared>>
      %dma_wait3A_77 = arith.constant 0 : i32
      %dma_wait3A_78 = arith.constant 0 : i32
      %dma_wait3A_79 = tpu.memref_slice %arg9[%run_scoped3A_40, %dma_wait3A_77, %dma_wait3A_78] : memref<2x128x128xf32, #tpu.memory_space<vmem>> -> memref<1x128x128xf32, #tpu.memory_space<vmem>>
      %dma_wait3A_80 = tpu.memref_squeeze %dma_wait3A_79 : memref<1x128x128xf32, #tpu.memory_space<vmem>> -> memref<128x128xf32, #tpu.memory_space<vmem>>
      %dma_wait3A_81 = arith.constant 0 : i32
      %dma_wait3A_82 = tpu.memref_slice %arg11[%add3A_39, %dma_wait3A_81] : memref<10240x128xf32, #tpu.memory_space<vmem_shared>> -> memref<128x128xf32, #tpu.memory_space<vmem_shared>>
      tpu.wait_dma2 semaphore(%run_scoped3A_60 : memref<!tpu.dma_semaphore, #tpu.memory_space<semaphore_mem>>) src(%dma_wait3A_82 : memref<128x128xf32, #tpu.memory_space<vmem_shared>>) dst(%dma_wait3A_80 : memref<128x128xf32, #tpu.memory_space<vmem>>)
      tpu.yield
    }) : () -> ()
    %run_scoped3A_41 = arith.constant 0 : i32
    "tpu.region"() ({
      %run_scoped3A_60 = tpu.sem_alloc : memref<!tpu.dma_semaphore, #tpu.memory_space<semaphore_mem>>
      %dma_start3A = arith.constant 0 : i32
      %dma_start3A_61 = arith.constant 0 : i32
      %dma_start3A_62 = tpu.memref_slice %arg9[%run_scoped3A_41, %dma_start3A, %dma_start3A_61] : memref<2x128x128xf32, #tpu.memory_space<vmem>> -> memref<1x128x128xf32, #tpu.memory_space<vmem>>
      %dma_start3A_63 = tpu.memref_squeeze %dma_start3A_62 : memref<1x128x128xf32, #tpu.memory_space<vmem>> -> memref<128x128xf32, #tpu.memory_space<vmem>>
      %dma_start3A_64 = arith.constant 0 : i32
      %dma_start3A_65 = tpu.memref_slice %arg6[%arg0, %add3A_39, %dma_start3A_64] : memref<2x10240x128xf32, #tpu.memory_space<hbm>> -> memref<1x128x128xf32, #tpu.memory_space<hbm>>
      %dma_start3A_66 = tpu.memref_squeeze %dma_start3A_65 : memref<1x128x128xf32, #tpu.memory_space<hbm>> -> memref<128x128xf32, #tpu.memory_space<hbm>>
      %dma_start3A_67 = arith.constant 0 : i32
      %dma_start3A_68 = tpu.memref_slice %arg6[%arg0, %add3A_39, %dma_start3A_67] : memref<2x10240x128xf32, #tpu.memory_space<hbm>> -> memref<1x128x128xf32, #tpu.memory_space<hbm>>
      %dma_start3A_69 = tpu.memref_squeeze %dma_start3A_68 : memref<1x128x128xf32, #tpu.memory_space<hbm>> -> memref<128x128xf32, #tpu.memory_space<hbm>>
      %dma_start3A_70 = arith.constant 0 : i32
      %dma_start3A_71 = arith.constant 0 : i32
      %dma_start3A_72 = tpu.memref_slice %arg9[%run_scoped3A_41, %dma_start3A_70, %dma_start3A_71] : memref<2x128x128xf32, #tpu.memory_space<vmem>> -> memref<1x128x128xf32, #tpu.memory_space<vmem>>
      %dma_start3A_73 = tpu.memref_squeeze %dma_start3A_72 : memref<1x128x128xf32, #tpu.memory_space<vmem>> -> memref<128x128xf32, #tpu.memory_space<vmem>>
      tpu.enqueue_dma source(%dma_start3A_73 : memref<128x128xf32, #tpu.memory_space<vmem>>) target(%dma_start3A_69 : memref<128x128xf32, #tpu.memory_space<hbm>>) target_semaphore(%run_scoped3A_60 : memref<!tpu.dma_semaphore, #tpu.memory_space<semaphore_mem>>)
      %dma_wait3A = arith.constant 0 : i32
      %dma_wait3A_74 = arith.constant 0 : i32
      %dma_wait3A_75 = tpu.memref_slice %arg9[%run_scoped3A_41, %dma_wait3A, %dma_wait3A_74] : memref<2x128x128xf32, #tpu.memory_space<vmem>> -> memref<1x128x128xf32, #tpu.memory_space<vmem>>
      %dma_wait3A_76 = tpu.memref_squeeze %dma_wait3A_75 : memref<1x128x128xf32, #tpu.memory_space<vmem>> -> memref<128x128xf32, #tpu.memory_space<vmem>>
      %dma_wait3A_77 = arith.constant 0 : i32
      %dma_wait3A_78 = tpu.memref_slice %arg6[%arg0, %add3A_39, %dma_wait3A_77] : memref<2x10240x128xf32, #tpu.memory_space<hbm>> -> memref<1x128x128xf32, #tpu.memory_space<hbm>>
      %dma_wait3A_79 = tpu.memref_squeeze %dma_wait3A_78 : memref<1x128x128xf32, #tpu.memory_space<hbm>> -> memref<128x128xf32, #tpu.memory_space<hbm>>
      %dma_wait3A_80 = arith.constant 0 : i32
      %dma_wait3A_81 = tpu.memref_slice %arg6[%arg0, %add3A_39, %dma_wait3A_80] : memref<2x10240x128xf32, #tpu.memory_space<hbm>> -> memref<1x128x128xf32, #tpu.memory_space<hbm>>
      %dma_wait3A_82 = tpu.memref_squeeze %dma_wait3A_81 : memref<1x128x128xf32, #tpu.memory_space<hbm>> -> memref<128x128xf32, #tpu.memory_space<hbm>>
      %dma_wait3A_83 = arith.constant 0 : i32
      %dma_wait3A_84 = arith.constant 0 : i32
      %dma_wait3A_85 = tpu.memref_slice %arg9[%run_scoped3A_41, %dma_wait3A_83, %dma_wait3A_84] : memref<2x128x128xf32, #tpu.memory_space<vmem>> -> memref<1x128x128xf32, #tpu.memory_space<vmem>>
      %dma_wait3A_86 = tpu.memref_squeeze %dma_wait3A_85 : memref<1x128x128xf32, #tpu.memory_space<vmem>> -> memref<128x128xf32, #tpu.memory_space<vmem>>
      tpu.wait_dma2 semaphore(%run_scoped3A_60 : memref<!tpu.dma_semaphore, #tpu.memory_space<semaphore_mem>>) src(%dma_wait3A_86 : memref<128x128xf32, #tpu.memory_space<vmem>>) dst(%dma_wait3A_82 : memref<128x128xf32, #tpu.memory_space<hbm>>)
      tpu.yield
    }) : () -> ()
    %mul3A_42 = arith.constant 640 : i32
    %mul3A_43 = arith.muli %arg1, %mul3A_42 : i32
    %add3A_44 = arith.constant 256 : i32
    %add3A_45 = arith.addi %mul3A_43, %add3A_44 : i32
    %run_scoped3A_46 = arith.constant 0 : i32
    "tpu.region"() ({
      %run_scoped3A_60 = tpu.sem_alloc : memref<!tpu.dma_semaphore, #tpu.memory_space<semaphore_mem>>
      %dma_start3A = arith.constant 0 : i32
      %dma_start3A_61 = arith.constant 0 : i32
      %dma_start3A_62 = tpu.memref_slice %arg9[%run_scoped3A_46, %dma_start3A, %dma_start3A_61] : memref<2x128x128xf32, #tpu.memory_space<vmem>> -> memref<1x128x128xf32, #tpu.memory_space<vmem>>
      %dma_start3A_63 = tpu.memref_squeeze %dma_start3A_62 : memref<1x128x128xf32, #tpu.memory_space<vmem>> -> memref<128x128xf32, #tpu.memory_space<vmem>>
      %dma_start3A_64 = arith.constant 0 : i32
      %dma_start3A_65 = tpu.memref_slice %arg11[%add3A_45, %dma_start3A_64] : memref<10240x128xf32, #tpu.memory_space<vmem_shared>> -> memref<128x128xf32, #tpu.memory_space<vmem_shared>>
      %dma_start3A_66 = arith.constant 0 : i32
      %dma_start3A_67 = arith.constant 0 : i32
      %dma_start3A_68 = tpu.memref_slice %arg9[%run_scoped3A_46, %dma_start3A_66, %dma_start3A_67] : memref<2x128x128xf32, #tpu.memory_space<vmem>> -> memref<1x128x128xf32, #tpu.memory_space<vmem>>
      %dma_start3A_69 = tpu.memref_squeeze %dma_start3A_68 : memref<1x128x128xf32, #tpu.memory_space<vmem>> -> memref<128x128xf32, #tpu.memory_space<vmem>>
      %dma_start3A_70 = arith.constant 0 : i32
      %dma_start3A_71 = tpu.memref_slice %arg11[%add3A_45, %dma_start3A_70] : memref<10240x128xf32, #tpu.memory_space<vmem_shared>> -> memref<128x128xf32, #tpu.memory_space<vmem_shared>>
      tpu.enqueue_dma source(%dma_start3A_71 : memref<128x128xf32, #tpu.memory_space<vmem_shared>>) target(%dma_start3A_69 : memref<128x128xf32, #tpu.memory_space<vmem>>) target_semaphore(%run_scoped3A_60 : memref<!tpu.dma_semaphore, #tpu.memory_space<semaphore_mem>>)
      %dma_wait3A = arith.constant 0 : i32
      %dma_wait3A_72 = arith.constant 0 : i32
      %dma_wait3A_73 = tpu.memref_slice %arg9[%run_scoped3A_46, %dma_wait3A, %dma_wait3A_72] : memref<2x128x128xf32, #tpu.memory_space<vmem>> -> memref<1x128x128xf32, #tpu.memory_space<vmem>>
      %dma_wait3A_74 = tpu.memref_squeeze %dma_wait3A_73 : memref<1x128x128xf32, #tpu.memory_space<vmem>> -> memref<128x128xf32, #tpu.memory_space<vmem>>
      %dma_wait3A_75 = arith.constant 0 : i32
      %dma_wait3A_76 = tpu.memref_slice %arg11[%add3A_45, %dma_wait3A_75] : memref<10240x128xf32, #tpu.memory_space<vmem_shared>> -> memref<128x128xf32, #tpu.memory_space<vmem_shared>>
      %dma_wait3A_77 = arith.constant 0 : i32
      %dma_wait3A_78 = arith.constant 0 : i32
      %dma_wait3A_79 = tpu.memref_slice %arg9[%run_scoped3A_46, %dma_wait3A_77, %dma_wait3A_78] : memref<2x128x128xf32, #tpu.memory_space<vmem>> -> memref<1x128x128xf32, #tpu.memory_space<vmem>>
      %dma_wait3A_80 = tpu.memref_squeeze %dma_wait3A_79 : memref<1x128x128xf32, #tpu.memory_space<vmem>> -> memref<128x128xf32, #tpu.memory_space<vmem>>
      %dma_wait3A_81 = arith.constant 0 : i32
      %dma_wait3A_82 = tpu.memref_slice %arg11[%add3A_45, %dma_wait3A_81] : memref<10240x128xf32, #tpu.memory_space<vmem_shared>> -> memref<128x128xf32, #tpu.memory_space<vmem_shared>>
      tpu.wait_dma2 semaphore(%run_scoped3A_60 : memref<!tpu.dma_semaphore, #tpu.memory_space<semaphore_mem>>) src(%dma_wait3A_82 : memref<128x128xf32, #tpu.memory_space<vmem_shared>>) dst(%dma_wait3A_80 : memref<128x128xf32, #tpu.memory_space<vmem>>)
      tpu.yield
    }) : () -> ()
    %run_scoped3A_47 = arith.constant 0 : i32
    "tpu.region"() ({
      %run_scoped3A_60 = tpu.sem_alloc : memref<!tpu.dma_semaphore, #tpu.memory_space<semaphore_mem>>
      %dma_start3A = arith.constant 0 : i32
      %dma_start3A_61 = arith.constant 0 : i32
      %dma_start3A_62 = tpu.memref_slice %arg9[%run_scoped3A_47, %dma_start3A, %dma_start3A_61] : memref<2x128x128xf32, #tpu.memory_space<vmem>> -> memref<1x128x128xf32, #tpu.memory_space<vmem>>
      %dma_start3A_63 = tpu.memref_squeeze %dma_start3A_62 : memref<1x128x128xf32, #tpu.memory_space<vmem>> -> memref<128x128xf32, #tpu.memory_space<vmem>>
      %dma_start3A_64 = arith.constant 0 : i32
      %dma_start3A_65 = tpu.memref_slice %arg6[%arg0, %add3A_45, %dma_start3A_64] : memref<2x10240x128xf32, #tpu.memory_space<hbm>> -> memref<1x128x128xf32, #tpu.memory_space<hbm>>
      %dma_start3A_66 = tpu.memref_squeeze %dma_start3A_65 : memref<1x128x128xf32, #tpu.memory_space<hbm>> -> memref<128x128xf32, #tpu.memory_space<hbm>>
      %dma_start3A_67 = arith.constant 0 : i32
      %dma_start3A_68 = tpu.memref_slice %arg6[%arg0, %add3A_45, %dma_start3A_67] : memref<2x10240x128xf32, #tpu.memory_space<hbm>> -> memref<1x128x128xf32, #tpu.memory_space<hbm>>
      %dma_start3A_69 = tpu.memref_squeeze %dma_start3A_68 : memref<1x128x128xf32, #tpu.memory_space<hbm>> -> memref<128x128xf32, #tpu.memory_space<hbm>>
      %dma_start3A_70 = arith.constant 0 : i32
      %dma_start3A_71 = arith.constant 0 : i32
      %dma_start3A_72 = tpu.memref_slice %arg9[%run_scoped3A_47, %dma_start3A_70, %dma_start3A_71] : memref<2x128x128xf32, #tpu.memory_space<vmem>> -> memref<1x128x128xf32, #tpu.memory_space<vmem>>
      %dma_start3A_73 = tpu.memref_squeeze %dma_start3A_72 : memref<1x128x128xf32, #tpu.memory_space<vmem>> -> memref<128x128xf32, #tpu.memory_space<vmem>>
      tpu.enqueue_dma source(%dma_start3A_73 : memref<128x128xf32, #tpu.memory_space<vmem>>) target(%dma_start3A_69 : memref<128x128xf32, #tpu.memory_space<hbm>>) target_semaphore(%run_scoped3A_60 : memref<!tpu.dma_semaphore, #tpu.memory_space<semaphore_mem>>)
      %dma_wait3A = arith.constant 0 : i32
      %dma_wait3A_74 = arith.constant 0 : i32
      %dma_wait3A_75 = tpu.memref_slice %arg9[%run_scoped3A_47, %dma_wait3A, %dma_wait3A_74] : memref<2x128x128xf32, #tpu.memory_space<vmem>> -> memref<1x128x128xf32, #tpu.memory_space<vmem>>
      %dma_wait3A_76 = tpu.memref_squeeze %dma_wait3A_75 : memref<1x128x128xf32, #tpu.memory_space<vmem>> -> memref<128x128xf32, #tpu.memory_space<vmem>>
      %dma_wait3A_77 = arith.constant 0 : i32
      %dma_wait3A_78 = tpu.memref_slice %arg6[%arg0, %add3A_45, %dma_wait3A_77] : memref<2x10240x128xf32, #tpu.memory_space<hbm>> -> memref<1x128x128xf32, #tpu.memory_space<hbm>>
      %dma_wait3A_79 = tpu.memref_squeeze %dma_wait3A_78 : memref<1x128x128xf32, #tpu.memory_space<hbm>> -> memref<128x128xf32, #tpu.memory_space<hbm>>
      %dma_wait3A_80 = arith.constant 0 : i32
      %dma_wait3A_81 = tpu.memref_slice %arg6[%arg0, %add3A_45, %dma_wait3A_80] : memref<2x10240x128xf32, #tpu.memory_space<hbm>> -> memref<1x128x128xf32, #tpu.memory_space<hbm>>
      %dma_wait3A_82 = tpu.memref_squeeze %dma_wait3A_81 : memref<1x128x128xf32, #tpu.memory_space<hbm>> -> memref<128x128xf32, #tpu.memory_space<hbm>>
      %dma_wait3A_83 = arith.constant 0 : i32
      %dma_wait3A_84 = arith.constant 0 : i32
      %dma_wait3A_85 = tpu.memref_slice %arg9[%run_scoped3A_47, %dma_wait3A_83, %dma_wait3A_84] : memref<2x128x128xf32, #tpu.memory_space<vmem>> -> memref<1x128x128xf32, #tpu.memory_space<vmem>>
      %dma_wait3A_86 = tpu.memref_squeeze %dma_wait3A_85 : memref<1x128x128xf32, #tpu.memory_space<vmem>> -> memref<128x128xf32, #tpu.memory_space<vmem>>
      tpu.wait_dma2 semaphore(%run_scoped3A_60 : memref<!tpu.dma_semaphore, #tpu.memory_space<semaphore_mem>>) src(%dma_wait3A_86 : memref<128x128xf32, #tpu.memory_space<vmem>>) dst(%dma_wait3A_82 : memref<128x128xf32, #tpu.memory_space<hbm>>)
      tpu.yield
    }) : () -> ()
    %mul3A_48 = arith.constant 640 : i32
    %mul3A_49 = arith.muli %arg1, %mul3A_48 : i32
    %add3A_50 = arith.constant 384 : i32
    %add3A_51 = arith.addi %mul3A_49, %add3A_50 : i32
    %run_scoped3A_52 = arith.constant 0 : i32
    "tpu.region"() ({
      %run_scoped3A_60 = tpu.sem_alloc : memref<!tpu.dma_semaphore, #tpu.memory_space<semaphore_mem>>
      %dma_start3A = arith.constant 0 : i32
      %dma_start3A_61 = arith.constant 0 : i32
      %dma_start3A_62 = tpu.memref_slice %arg9[%run_scoped3A_52, %dma_start3A, %dma_start3A_61] : memref<2x128x128xf32, #tpu.memory_space<vmem>> -> memref<1x128x128xf32, #tpu.memory_space<vmem>>
      %dma_start3A_63 = tpu.memref_squeeze %dma_start3A_62 : memref<1x128x128xf32, #tpu.memory_space<vmem>> -> memref<128x128xf32, #tpu.memory_space<vmem>>
      %dma_start3A_64 = arith.constant 0 : i32
      %dma_start3A_65 = tpu.memref_slice %arg11[%add3A_51, %dma_start3A_64] : memref<10240x128xf32, #tpu.memory_space<vmem_shared>> -> memref<128x128xf32, #tpu.memory_space<vmem_shared>>
      %dma_start3A_66 = arith.constant 0 : i32
      %dma_start3A_67 = arith.constant 0 : i32
      %dma_start3A_68 = tpu.memref_slice %arg9[%run_scoped3A_52, %dma_start3A_66, %dma_start3A_67] : memref<2x128x128xf32, #tpu.memory_space<vmem>> -> memref<1x128x128xf32, #tpu.memory_space<vmem>>
      %dma_start3A_69 = tpu.memref_squeeze %dma_start3A_68 : memref<1x128x128xf32, #tpu.memory_space<vmem>> -> memref<128x128xf32, #tpu.memory_space<vmem>>
      %dma_start3A_70 = arith.constant 0 : i32
      %dma_start3A_71 = tpu.memref_slice %arg11[%add3A_51, %dma_start3A_70] : memref<10240x128xf32, #tpu.memory_space<vmem_shared>> -> memref<128x128xf32, #tpu.memory_space<vmem_shared>>
      tpu.enqueue_dma source(%dma_start3A_71 : memref<128x128xf32, #tpu.memory_space<vmem_shared>>) target(%dma_start3A_69 : memref<128x128xf32, #tpu.memory_space<vmem>>) target_semaphore(%run_scoped3A_60 : memref<!tpu.dma_semaphore, #tpu.memory_space<semaphore_mem>>)
      %dma_wait3A = arith.constant 0 : i32
      %dma_wait3A_72 = arith.constant 0 : i32
      %dma_wait3A_73 = tpu.memref_slice %arg9[%run_scoped3A_52, %dma_wait3A, %dma_wait3A_72] : memref<2x128x128xf32, #tpu.memory_space<vmem>> -> memref<1x128x128xf32, #tpu.memory_space<vmem>>
      %dma_wait3A_74 = tpu.memref_squeeze %dma_wait3A_73 : memref<1x128x128xf32, #tpu.memory_space<vmem>> -> memref<128x128xf32, #tpu.memory_space<vmem>>
      %dma_wait3A_75 = arith.constant 0 : i32
      %dma_wait3A_76 = tpu.memref_slice %arg11[%add3A_51, %dma_wait3A_75] : memref<10240x128xf32, #tpu.memory_space<vmem_shared>> -> memref<128x128xf32, #tpu.memory_space<vmem_shared>>
      %dma_wait3A_77 = arith.constant 0 : i32
      %dma_wait3A_78 = arith.constant 0 : i32
      %dma_wait3A_79 = tpu.memref_slice %arg9[%run_scoped3A_52, %dma_wait3A_77, %dma_wait3A_78] : memref<2x128x128xf32, #tpu.memory_space<vmem>> -> memref<1x128x128xf32, #tpu.memory_space<vmem>>
      %dma_wait3A_80 = tpu.memref_squeeze %dma_wait3A_79 : memref<1x128x128xf32, #tpu.memory_space<vmem>> -> memref<128x128xf32, #tpu.memory_space<vmem>>
      %dma_wait3A_81 = arith.constant 0 : i32
      %dma_wait3A_82 = tpu.memref_slice %arg11[%add3A_51, %dma_wait3A_81] : memref<10240x128xf32, #tpu.memory_space<vmem_shared>> -> memref<128x128xf32, #tpu.memory_space<vmem_shared>>
      tpu.wait_dma2 semaphore(%run_scoped3A_60 : memref<!tpu.dma_semaphore, #tpu.memory_space<semaphore_mem>>) src(%dma_wait3A_82 : memref<128x128xf32, #tpu.memory_space<vmem_shared>>) dst(%dma_wait3A_80 : memref<128x128xf32, #tpu.memory_space<vmem>>)
      tpu.yield
    }) : () -> ()
    %run_scoped3A_53 = arith.constant 0 : i32
    "tpu.region"() ({
      %run_scoped3A_60 = tpu.sem_alloc : memref<!tpu.dma_semaphore, #tpu.memory_space<semaphore_mem>>
      %dma_start3A = arith.constant 0 : i32
      %dma_start3A_61 = arith.constant 0 : i32
      %dma_start3A_62 = tpu.memref_slice %arg9[%run_scoped3A_53, %dma_start3A, %dma_start3A_61] : memref<2x128x128xf32, #tpu.memory_space<vmem>> -> memref<1x128x128xf32, #tpu.memory_space<vmem>>
      %dma_start3A_63 = tpu.memref_squeeze %dma_start3A_62 : memref<1x128x128xf32, #tpu.memory_space<vmem>> -> memref<128x128xf32, #tpu.memory_space<vmem>>
      %dma_start3A_64 = arith.constant 0 : i32
      %dma_start3A_65 = tpu.memref_slice %arg6[%arg0, %add3A_51, %dma_start3A_64] : memref<2x10240x128xf32, #tpu.memory_space<hbm>> -> memref<1x128x128xf32, #tpu.memory_space<hbm>>
      %dma_start3A_66 = tpu.memref_squeeze %dma_start3A_65 : memref<1x128x128xf32, #tpu.memory_space<hbm>> -> memref<128x128xf32, #tpu.memory_space<hbm>>
      %dma_start3A_67 = arith.constant 0 : i32
      %dma_start3A_68 = tpu.memref_slice %arg6[%arg0, %add3A_51, %dma_start3A_67] : memref<2x10240x128xf32, #tpu.memory_space<hbm>> -> memref<1x128x128xf32, #tpu.memory_space<hbm>>
      %dma_start3A_69 = tpu.memref_squeeze %dma_start3A_68 : memref<1x128x128xf32, #tpu.memory_space<hbm>> -> memref<128x128xf32, #tpu.memory_space<hbm>>
      %dma_start3A_70 = arith.constant 0 : i32
      %dma_start3A_71 = arith.constant 0 : i32
      %dma_start3A_72 = tpu.memref_slice %arg9[%run_scoped3A_53, %dma_start3A_70, %dma_start3A_71] : memref<2x128x128xf32, #tpu.memory_space<vmem>> -> memref<1x128x128xf32, #tpu.memory_space<vmem>>
      %dma_start3A_73 = tpu.memref_squeeze %dma_start3A_72 : memref<1x128x128xf32, #tpu.memory_space<vmem>> -> memref<128x128xf32, #tpu.memory_space<vmem>>
      tpu.enqueue_dma source(%dma_start3A_73 : memref<128x128xf32, #tpu.memory_space<vmem>>) target(%dma_start3A_69 : memref<128x128xf32, #tpu.memory_space<hbm>>) target_semaphore(%run_scoped3A_60 : memref<!tpu.dma_semaphore, #tpu.memory_space<semaphore_mem>>)
      %dma_wait3A = arith.constant 0 : i32
      %dma_wait3A_74 = arith.constant 0 : i32
      %dma_wait3A_75 = tpu.memref_slice %arg9[%run_scoped3A_53, %dma_wait3A, %dma_wait3A_74] : memref<2x128x128xf32, #tpu.memory_space<vmem>> -> memref<1x128x128xf32, #tpu.memory_space<vmem>>
      %dma_wait3A_76 = tpu.memref_squeeze %dma_wait3A_75 : memref<1x128x128xf32, #tpu.memory_space<vmem>> -> memref<128x128xf32, #tpu.memory_space<vmem>>
      %dma_wait3A_77 = arith.constant 0 : i32
      %dma_wait3A_78 = tpu.memref_slice %arg6[%arg0, %add3A_51, %dma_wait3A_77] : memref<2x10240x128xf32, #tpu.memory_space<hbm>> -> memref<1x128x128xf32, #tpu.memory_space<hbm>>
      %dma_wait3A_79 = tpu.memref_squeeze %dma_wait3A_78 : memref<1x128x128xf32, #tpu.memory_space<hbm>> -> memref<128x128xf32, #tpu.memory_space<hbm>>
      %dma_wait3A_80 = arith.constant 0 : i32
      %dma_wait3A_81 = tpu.memref_slice %arg6[%arg0, %add3A_51, %dma_wait3A_80] : memref<2x10240x128xf32, #tpu.memory_space<hbm>> -> memref<1x128x128xf32, #tpu.memory_space<hbm>>
      %dma_wait3A_82 = tpu.memref_squeeze %dma_wait3A_81 : memref<1x128x128xf32, #tpu.memory_space<hbm>> -> memref<128x128xf32, #tpu.memory_space<hbm>>
      %dma_wait3A_83 = arith.constant 0 : i32
      %dma_wait3A_84 = arith.constant 0 : i32
      %dma_wait3A_85 = tpu.memref_slice %arg9[%run_scoped3A_53, %dma_wait3A_83, %dma_wait3A_84] : memref<2x128x128xf32, #tpu.memory_space<vmem>> -> memref<1x128x128xf32, #tpu.memory_space<vmem>>
      %dma_wait3A_86 = tpu.memref_squeeze %dma_wait3A_85 : memref<1x128x128xf32, #tpu.memory_space<vmem>> -> memref<128x128xf32, #tpu.memory_space<vmem>>
      tpu.wait_dma2 semaphore(%run_scoped3A_60 : memref<!tpu.dma_semaphore, #tpu.memory_space<semaphore_mem>>) src(%dma_wait3A_86 : memref<128x128xf32, #tpu.memory_space<vmem>>) dst(%dma_wait3A_82 : memref<128x128xf32, #tpu.memory_space<hbm>>)
      tpu.yield
    }) : () -> ()
    %mul3A_54 = arith.constant 640 : i32
    %mul3A_55 = arith.muli %arg1, %mul3A_54 : i32
    %add3A_56 = arith.constant 512 : i32
    %add3A_57 = arith.addi %mul3A_55, %add3A_56 : i32
    %run_scoped3A_58 = arith.constant 0 : i32
    "tpu.region"() ({
      %run_scoped3A_60 = tpu.sem_alloc : memref<!tpu.dma_semaphore, #tpu.memory_space<semaphore_mem>>
      %dma_start3A = arith.constant 0 : i32
      %dma_start3A_61 = arith.constant 0 : i32
      %dma_start3A_62 = tpu.memref_slice %arg9[%run_scoped3A_58, %dma_start3A, %dma_start3A_61] : memref<2x128x128xf32, #tpu.memory_space<vmem>> -> memref<1x128x128xf32, #tpu.memory_space<vmem>>
      %dma_start3A_63 = tpu.memref_squeeze %dma_start3A_62 : memref<1x128x128xf32, #tpu.memory_space<vmem>> -> memref<128x128xf32, #tpu.memory_space<vmem>>
      %dma_start3A_64 = arith.constant 0 : i32
      %dma_start3A_65 = tpu.memref_slice %arg11[%add3A_57, %dma_start3A_64] : memref<10240x128xf32, #tpu.memory_space<vmem_shared>> -> memref<128x128xf32, #tpu.memory_space<vmem_shared>>
      %dma_start3A_66 = arith.constant 0 : i32
      %dma_start3A_67 = arith.constant 0 : i32
      %dma_start3A_68 = tpu.memref_slice %arg9[%run_scoped3A_58, %dma_start3A_66, %dma_start3A_67] : memref<2x128x128xf32, #tpu.memory_space<vmem>> -> memref<1x128x128xf32, #tpu.memory_space<vmem>>
      %dma_start3A_69 = tpu.memref_squeeze %dma_start3A_68 : memref<1x128x128xf32, #tpu.memory_space<vmem>> -> memref<128x128xf32, #tpu.memory_space<vmem>>
      %dma_start3A_70 = arith.constant 0 : i32
      %dma_start3A_71 = tpu.memref_slice %arg11[%add3A_57, %dma_start3A_70] : memref<10240x128xf32, #tpu.memory_space<vmem_shared>> -> memref<128x128xf32, #tpu.memory_space<vmem_shared>>
      tpu.enqueue_dma source(%dma_start3A_71 : memref<128x128xf32, #tpu.memory_space<vmem_shared>>) target(%dma_start3A_69 : memref<128x128xf32, #tpu.memory_space<vmem>>) target_semaphore(%run_scoped3A_60 : memref<!tpu.dma_semaphore, #tpu.memory_space<semaphore_mem>>)
      %dma_wait3A = arith.constant 0 : i32
      %dma_wait3A_72 = arith.constant 0 : i32
      %dma_wait3A_73 = tpu.memref_slice %arg9[%run_scoped3A_58, %dma_wait3A, %dma_wait3A_72] : memref<2x128x128xf32, #tpu.memory_space<vmem>> -> memref<1x128x128xf32, #tpu.memory_space<vmem>>
      %dma_wait3A_74 = tpu.memref_squeeze %dma_wait3A_73 : memref<1x128x128xf32, #tpu.memory_space<vmem>> -> memref<128x128xf32, #tpu.memory_space<vmem>>
      %dma_wait3A_75 = arith.constant 0 : i32
      %dma_wait3A_76 = tpu.memref_slice %arg11[%add3A_57, %dma_wait3A_75] : memref<10240x128xf32, #tpu.memory_space<vmem_shared>> -> memref<128x128xf32, #tpu.memory_space<vmem_shared>>
      %dma_wait3A_77 = arith.constant 0 : i32
      %dma_wait3A_78 = arith.constant 0 : i32
      %dma_wait3A_79 = tpu.memref_slice %arg9[%run_scoped3A_58, %dma_wait3A_77, %dma_wait3A_78] : memref<2x128x128xf32, #tpu.memory_space<vmem>> -> memref<1x128x128xf32, #tpu.memory_space<vmem>>
      %dma_wait3A_80 = tpu.memref_squeeze %dma_wait3A_79 : memref<1x128x128xf32, #tpu.memory_space<vmem>> -> memref<128x128xf32, #tpu.memory_space<vmem>>
      %dma_wait3A_81 = arith.constant 0 : i32
      %dma_wait3A_82 = tpu.memref_slice %arg11[%add3A_57, %dma_wait3A_81] : memref<10240x128xf32, #tpu.memory_space<vmem_shared>> -> memref<128x128xf32, #tpu.memory_space<vmem_shared>>
      tpu.wait_dma2 semaphore(%run_scoped3A_60 : memref<!tpu.dma_semaphore, #tpu.memory_space<semaphore_mem>>) src(%dma_wait3A_82 : memref<128x128xf32, #tpu.memory_space<vmem_shared>>) dst(%dma_wait3A_80 : memref<128x128xf32, #tpu.memory_space<vmem>>)
      tpu.yield
    }) : () -> ()
    %run_scoped3A_59 = arith.constant 0 : i32
    "tpu.region"() ({
      %run_scoped3A_60 = tpu.sem_alloc : memref<!tpu.dma_semaphore, #tpu.memory_space<semaphore_mem>>
      %dma_start3A = arith.constant 0 : i32
      %dma_start3A_61 = arith.constant 0 : i32
      %dma_start3A_62 = tpu.memref_slice %arg9[%run_scoped3A_59, %dma_start3A, %dma_start3A_61] : memref<2x128x128xf32, #tpu.memory_space<vmem>> -> memref<1x128x128xf32, #tpu.memory_space<vmem>>
      %dma_start3A_63 = tpu.memref_squeeze %dma_start3A_62 : memref<1x128x128xf32, #tpu.memory_space<vmem>> -> memref<128x128xf32, #tpu.memory_space<vmem>>
      %dma_start3A_64 = arith.constant 0 : i32
      %dma_start3A_65 = tpu.memref_slice %arg6[%arg0, %add3A_57, %dma_start3A_64] : memref<2x10240x128xf32, #tpu.memory_space<hbm>> -> memref<1x128x128xf32, #tpu.memory_space<hbm>>
      %dma_start3A_66 = tpu.memref_squeeze %dma_start3A_65 : memref<1x128x128xf32, #tpu.memory_space<hbm>> -> memref<128x128xf32, #tpu.memory_space<hbm>>
      %dma_start3A_67 = arith.constant 0 : i32
      %dma_start3A_68 = tpu.memref_slice %arg6[%arg0, %add3A_57, %dma_start3A_67] : memref<2x10240x128xf32, #tpu.memory_space<hbm>> -> memref<1x128x128xf32, #tpu.memory_space<hbm>>
      %dma_start3A_69 = tpu.memref_squeeze %dma_start3A_68 : memref<1x128x128xf32, #tpu.memory_space<hbm>> -> memref<128x128xf32, #tpu.memory_space<hbm>>
      %dma_start3A_70 = arith.constant 0 : i32
      %dma_start3A_71 = arith.constant 0 : i32
      %dma_start3A_72 = tpu.memref_slice %arg9[%run_scoped3A_59, %dma_start3A_70, %dma_start3A_71] : memref<2x128x128xf32, #tpu.memory_space<vmem>> -> memref<1x128x128xf32, #tpu.memory_space<vmem>>
      %dma_start3A_73 = tpu.memref_squeeze %dma_start3A_72 : memref<1x128x128xf32, #tpu.memory_space<vmem>> -> memref<128x128xf32, #tpu.memory_space<vmem>>
      tpu.enqueue_dma source(%dma_start3A_73 : memref<128x128xf32, #tpu.memory_space<vmem>>) target(%dma_start3A_69 : memref<128x128xf32, #tpu.memory_space<hbm>>) target_semaphore(%run_scoped3A_60 : memref<!tpu.dma_semaphore, #tpu.memory_space<semaphore_mem>>)
      %dma_wait3A = arith.constant 0 : i32
      %dma_wait3A_74 = arith.constant 0 : i32
      %dma_wait3A_75 = tpu.memref_slice %arg9[%run_scoped3A_59, %dma_wait3A, %dma_wait3A_74] : memref<2x128x128xf32, #tpu.memory_space<vmem>> -> memref<1x128x128xf32, #tpu.memory_space<vmem>>
      %dma_wait3A_76 = tpu.memref_squeeze %dma_wait3A_75 : memref<1x128x128xf32, #tpu.memory_space<vmem>> -> memref<128x128xf32, #tpu.memory_space<vmem>>
      %dma_wait3A_77 = arith.constant 0 : i32
      %dma_wait3A_78 = tpu.memref_slice %arg6[%arg0, %add3A_57, %dma_wait3A_77] : memref<2x10240x128xf32, #tpu.memory_space<hbm>> -> memref<1x128x128xf32, #tpu.memory_space<hbm>>
      %dma_wait3A_79 = tpu.memref_squeeze %dma_wait3A_78 : memref<1x128x128xf32, #tpu.memory_space<hbm>> -> memref<128x128xf32, #tpu.memory_space<hbm>>
      %dma_wait3A_80 = arith.constant 0 : i32
      %dma_wait3A_81 = tpu.memref_slice %arg6[%arg0, %add3A_57, %dma_wait3A_80] : memref<2x10240x128xf32, #tpu.memory_space<hbm>> -> memref<1x128x128xf32, #tpu.memory_space<hbm>>
      %dma_wait3A_82 = tpu.memref_squeeze %dma_wait3A_81 : memref<1x128x128xf32, #tpu.memory_space<hbm>> -> memref<128x128xf32, #tpu.memory_space<hbm>>
      %dma_wait3A_83 = arith.constant 0 : i32
      %dma_wait3A_84 = arith.constant 0 : i32
      %dma_wait3A_85 = tpu.memref_slice %arg9[%run_scoped3A_59, %dma_wait3A_83, %dma_wait3A_84] : memref<2x128x128xf32, #tpu.memory_space<vmem>> -> memref<1x128x128xf32, #tpu.memory_space<vmem>>
      %dma_wait3A_86 = tpu.memref_squeeze %dma_wait3A_85 : memref<1x128x128xf32, #tpu.memory_space<vmem>> -> memref<128x128xf32, #tpu.memory_space<vmem>>
      tpu.wait_dma2 semaphore(%run_scoped3A_60 : memref<!tpu.dma_semaphore, #tpu.memory_space<semaphore_mem>>) src(%dma_wait3A_86 : memref<128x128xf32, #tpu.memory_space<vmem>>) dst(%dma_wait3A_82 : memref<128x128xf32, #tpu.memory_space<hbm>>)
      tpu.yield
    }) : () -> ()
    return
  }
}

module attributes {stable_mosaic.version = 14 : i64} {
  func.func @_tc_combine_matmul_kernel(%arg0: i32, %arg1: memref<2x256x128xf32, #tpu.memory_space<vmem>>, %arg2: memref<256x128xf32, #tpu.memory_space<vmem>>, %arg3: memref<2x256x128xf32, #tpu.memory_space<vmem>>, %arg4: memref<1x128xf32, #tpu.memory_space<vmem>>, %arg5: memref<128x128xf32, #tpu.memory_space<vmem>>, %arg6: memref<256x128xf32, #tpu.memory_space<vmem>>) attributes {dimension_semantics = [#tpu.dimension_semantics<arbitrary>], iteration_bounds = array<i64: 40>, scalar_prefetch = 0 : i64, scratch_operands = 0 : i64, tpu.core_type = #tpu.core_type<tc>, window_params = [{transform_indices = @transform_0, window_bounds = array<i64: 2, 256, 128>}, {transform_indices = @transform_1, window_bounds = array<i64: 256, 128>}, {transform_indices = @transform_2, window_bounds = array<i64: 2, 256, 128>}, {pipeline_mode = #tpu.pipeline_mode<synchronous>, transform_indices = @transform_3, window_bounds = array<i64: 1, 128>}, {pipeline_mode = #tpu.pipeline_mode<synchronous>, transform_indices = @transform_4, window_bounds = array<i64: 128, 128>}, {transform_indices = @transform_5, window_bounds = array<i64: 256, 128>}]} {
    %get3A = arith.constant 0 : index
    %get3A_0 = arith.constant 0 : index
    %get3A_1 = arith.constant 0 : index
    %get3A_2 = vector.load %arg3[%get3A, %get3A_0, %get3A_1] : memref<2x256x128xf32, #tpu.memory_space<vmem>>, vector<2x256x128xf32>
    %slice3A = vector.extract_strided_slice %get3A_2 {offsets = [0, 0, 0], sizes = [1, 256, 1], strides = [1, 1, 1]} : vector<2x256x128xf32> to vector<1x256x1xf32>
    %squeeze3A = vector.shape_cast %slice3A : vector<1x256x1xf32> to vector<256xf32>
    %slice3A_3 = vector.extract_strided_slice %get3A_2 {offsets = [1, 0, 0], sizes = [1, 256, 1], strides = [1, 1, 1]} : vector<2x256x128xf32> to vector<1x256x1xf32>
    %squeeze3A_4 = vector.shape_cast %slice3A_3 : vector<1x256x1xf32> to vector<256xf32>
    %add3A = arith.addf %squeeze3A, %squeeze3A_4 : vector<256xf32>
    %add3A_5 = arith.constant 1.000000e+00 : f32
    %add3A_6 = vector.broadcast %add3A_5 : f32 to vector<256xf32>
    %add3A_7 = arith.addf %add3A, %add3A_6 : vector<256xf32>
    %rsqrt3A = math.rsqrt %add3A_7 : vector<256xf32>
    %get3A_8 = arith.constant 0 : index
    %get3A_9 = arith.constant 0 : index
    %get3A_10 = arith.constant 0 : index
    %get3A_11 = vector.load %arg1[%get3A_8, %get3A_9, %get3A_10] : memref<2x256x128xf32, #tpu.memory_space<vmem>>, vector<2x256x128xf32>
    %broadcast_in_dim3A = vector.shape_cast %rsqrt3A : vector<256xf32> to vector<256x1xf32>
    %slice3A_12 = vector.extract_strided_slice %get3A_11 {offsets = [0, 0, 0], sizes = [1, 256, 128], strides = [1, 1, 1]} : vector<2x256x128xf32> to vector<1x256x128xf32>
    %squeeze3A_13 = vector.shape_cast %slice3A_12 : vector<1x256x128xf32> to vector<256x128xf32>
    %slice3A_14 = vector.extract_strided_slice %get3A_11 {offsets = [1, 0, 0], sizes = [1, 256, 128], strides = [1, 1, 1]} : vector<2x256x128xf32> to vector<1x256x128xf32>
    %squeeze3A_15 = vector.shape_cast %slice3A_14 : vector<1x256x128xf32> to vector<256x128xf32>
    %add3A_16 = arith.addf %squeeze3A_13, %squeeze3A_15 : vector<256x128xf32>
    %get3A_17 = arith.constant 0 : index
    %get3A_18 = arith.constant 0 : index
    %get3A_19 = vector.load %arg2[%get3A_17, %get3A_18] : memref<256x128xf32, #tpu.memory_space<vmem>>, vector<256x128xf32>
    %add3A_20 = arith.addf %add3A_16, %get3A_19 : vector<256x128xf32>
    %mul3A = vector.broadcast %broadcast_in_dim3A : vector<256x1xf32> to vector<256x128xf32>
    %mul3A_21 = arith.mulf %mul3A, %add3A_20 : vector<256x128xf32>
    %get3A_22 = arith.constant 0 : index
    %get3A_23 = arith.constant 0 : index
    %get3A_24 = vector.load %arg4[%get3A_22, %get3A_23] : memref<1x128xf32, #tpu.memory_space<vmem>>, vector<1x128xf32>
    %add3A_25 = vector.broadcast %get3A_24 : vector<1x128xf32> to vector<256x128xf32>
    %add3A_26 = arith.addf %mul3A_21, %add3A_25 : vector<256x128xf32>
    %max3A = arith.constant 0.000000e+00 : f32
    %max3A_27 = vector.broadcast %max3A : f32 to vector<256x128xf32>
    %max3A_28 = arith.maximumf %add3A_26, %max3A_27 : vector<256x128xf32>
    %broadcast_in_dim3A_29 = vector.shape_cast %rsqrt3A : vector<256xf32> to vector<256x1xf32>
    %get3A_30 = arith.constant 0 : index
    %get3A_31 = arith.constant 0 : index
    %get3A_32 = vector.load %arg5[%get3A_30, %get3A_31] : memref<128x128xf32, #tpu.memory_space<vmem>>, vector<128x128xf32>
    %dot_general3A = arith.constant dense<0.000000e+00> : vector<256x128xf32>
    %dot_general3A_33 = tpu.matmul %max3A_28, %get3A_32, %dot_general3A {dimension_numbers = #tpu.dot_dimension_numbers<[1], [0], [0], [1], [0, 0, 1, 1], [], []>, transpose_lhs_hint = false} : vector<256x128xf32>, vector<128x128xf32>, vector<256x128xf32> -> vector<256x128xf32>
    %mul3A_34 = vector.broadcast %broadcast_in_dim3A_29 : vector<256x1xf32> to vector<256x128xf32>
    %mul3A_35 = arith.mulf %mul3A_34, %dot_general3A_33 : vector<256x128xf32>
    %swap3A = arith.constant 0 : index
    %swap3A_36 = arith.constant 0 : index
    %swap3A_37 = vector.load %arg6[%swap3A, %swap3A_36] : memref<256x128xf32, #tpu.memory_space<vmem>>, vector<256x128xf32>
    tpu.vector_store %arg6[%swap3A, %swap3A_36], %mul3A_35 {strides = array<i32>} : memref<256x128xf32, #tpu.memory_space<vmem>>, vector<256x128xf32>,
    return
  }
  func.func @transform_0(%arg0: i32) -> (i32, i32, i32) {
    %c0_i32 = arith.constant 0 : i32
    %c0_i32_0 = arith.constant 0 : i32
    %c0_i32_1 = arith.constant 0 : i32
    return %c0_i32, %arg0, %c0_i32_0 : i32, i32, i32
  }
  func.func @transform_1(%arg0: i32) -> (i32, i32) {
    %c0_i32 = arith.constant 0 : i32
    %c0_i32_0 = arith.constant 0 : i32
    return %arg0, %c0_i32 : i32, i32
  }
  func.func @transform_2(%arg0: i32) -> (i32, i32, i32) {
    %c0_i32 = arith.constant 0 : i32
    %c0_i32_0 = arith.constant 0 : i32
    %c0_i32_1 = arith.constant 0 : i32
    return %c0_i32, %arg0, %c0_i32_0 : i32, i32, i32
  }
  func.func @transform_3(%arg0: i32) -> (i32, i32) {
    %c0_i32 = arith.constant 0 : i32
    %c0_i32_0 = arith.constant 0 : i32
    %c0_i32_1 = arith.constant 0 : i32
    return %c0_i32, %c0_i32_0 : i32, i32
  }
  func.func @transform_4(%arg0: i32) -> (i32, i32) {
    %c0_i32 = arith.constant 0 : i32
    %c0_i32_0 = arith.constant 0 : i32
    %c0_i32_1 = arith.constant 0 : i32
    return %c0_i32, %c0_i32_0 : i32, i32
  }
  func.func @transform_5(%arg0: i32) -> (i32, i32) {
    %c0_i32 = arith.constant 0 : i32
    %c0_i32_0 = arith.constant 0 : i32
    return %arg0, %c0_i32 : i32, i32
  }
}

module attributes {stable_mosaic.version = 14 : i64} {
  func.func @_tc_scale_matmul_kernel(%arg0: i32, %arg1: memref<256x128xf32, #tpu.memory_space<vmem>>, %arg2: memref<128x128xf32, #tpu.memory_space<vmem>>, %arg3: memref<2x256x128xf32, #tpu.memory_space<vmem>>, %arg4: memref<256x128xf32, #tpu.memory_space<vmem>>) attributes {dimension_semantics = [#tpu.dimension_semantics<arbitrary>], iteration_bounds = array<i64: 40>, scalar_prefetch = 0 : i64, scratch_operands = 0 : i64, tpu.core_type = #tpu.core_type<tc>, window_params = [{transform_indices = @transform_0, window_bounds = array<i64: 256, 128>}, {pipeline_mode = #tpu.pipeline_mode<synchronous>, transform_indices = @transform_1, window_bounds = array<i64: 128, 128>}, {transform_indices = @transform_2, window_bounds = array<i64: 2, 256, 128>}, {transform_indices = @transform_3, window_bounds = array<i64: 256, 128>}]} {
    %get3A = arith.constant 0 : index
    %get3A_0 = arith.constant 0 : index
    %get3A_1 = arith.constant 0 : index
    %get3A_2 = vector.load %arg3[%get3A, %get3A_0, %get3A_1] : memref<2x256x128xf32, #tpu.memory_space<vmem>>, vector<2x256x128xf32>
    %slice3A = vector.extract_strided_slice %get3A_2 {offsets = [0, 0, 0], sizes = [1, 256, 1], strides = [1, 1, 1]} : vector<2x256x128xf32> to vector<1x256x1xf32>
    %squeeze3A = vector.shape_cast %slice3A : vector<1x256x1xf32> to vector<256xf32>
    %slice3A_3 = vector.extract_strided_slice %get3A_2 {offsets = [1, 0, 0], sizes = [1, 256, 1], strides = [1, 1, 1]} : vector<2x256x128xf32> to vector<1x256x1xf32>
    %squeeze3A_4 = vector.shape_cast %slice3A_3 : vector<1x256x1xf32> to vector<256xf32>
    %add3A = arith.addf %squeeze3A, %squeeze3A_4 : vector<256xf32>
    %add3A_5 = arith.constant 1.000000e+00 : f32
    %add3A_6 = vector.broadcast %add3A_5 : f32 to vector<256xf32>
    %add3A_7 = arith.addf %add3A, %add3A_6 : vector<256xf32>
    %rsqrt3A = math.rsqrt %add3A_7 : vector<256xf32>
    %broadcast_in_dim3A = vector.shape_cast %rsqrt3A : vector<256xf32> to vector<256x1xf32>
    %get3A_8 = arith.constant 0 : index
    %get3A_9 = arith.constant 0 : index
    %get3A_10 = vector.load %arg1[%get3A_8, %get3A_9] : memref<256x128xf32, #tpu.memory_space<vmem>>, vector<256x128xf32>
    %get3A_11 = arith.constant 0 : index
    %get3A_12 = arith.constant 0 : index
    %get3A_13 = vector.load %arg2[%get3A_11, %get3A_12] : memref<128x128xf32, #tpu.memory_space<vmem>>, vector<128x128xf32>
    %dot_general3A = arith.constant dense<0.000000e+00> : vector<256x128xf32>
    %dot_general3A_14 = tpu.matmul %get3A_10, %get3A_13, %dot_general3A {dimension_numbers = #tpu.dot_dimension_numbers<[1], [0], [0], [1], [0, 0, 1, 1], [], []>, transpose_lhs_hint = false} : vector<256x128xf32>, vector<128x128xf32>, vector<256x128xf32> -> vector<256x128xf32>
    %mul3A = vector.broadcast %broadcast_in_dim3A : vector<256x1xf32> to vector<256x128xf32>
    %mul3A_15 = arith.mulf %mul3A, %dot_general3A_14 : vector<256x128xf32>
    %swap3A = arith.constant 0 : index
    %swap3A_16 = arith.constant 0 : index
    %swap3A_17 = vector.load %arg4[%swap3A, %swap3A_16] : memref<256x128xf32, #tpu.memory_space<vmem>>, vector<256x128xf32>
    tpu.vector_store %arg4[%swap3A, %swap3A_16], %mul3A_15 {strides = array<i32>} : memref<256x128xf32, #tpu.memory_space<vmem>>, vector<256x128xf32>,
    return
  }
  func.func @transform_0(%arg0: i32) -> (i32, i32) {
    %c0_i32 = arith.constant 0 : i32
    %c0_i32_0 = arith.constant 0 : i32
    return %arg0, %c0_i32 : i32, i32
  }
  func.func @transform_1(%arg0: i32) -> (i32, i32) {
    %c0_i32 = arith.constant 0 : i32
    %c0_i32_0 = arith.constant 0 : i32
    %c0_i32_1 = arith.constant 0 : i32
    return %c0_i32, %c0_i32_0 : i32, i32
  }
  func.func @transform_2(%arg0: i32) -> (i32, i32, i32) {
    %c0_i32 = arith.constant 0 : i32
    %c0_i32_0 = arith.constant 0 : i32
    %c0_i32_1 = arith.constant 0 : i32
    return %c0_i32, %arg0, %c0_i32_0 : i32, i32, i32
  }
  func.func @transform_3(%arg0: i32) -> (i32, i32) {
    %c0_i32 = arith.constant 0 : i32
    %c0_i32_0 = arith.constant 0 : i32
    return %arg0, %c0_i32 : i32, i32
  }
}

module attributes {stable_mosaic.version = 14 : i64} {
  func.func @_tc_pool_kernel(%arg0: i32, %arg1: memref<2x256x128xf32, #tpu.memory_space<vmem>>, %arg2: memref<256x128xf32, #tpu.memory_space<vmem>>, %arg3: memref<2x256x128xf32, #tpu.memory_space<vmem>>, %arg4: memref<1x128xf32, #tpu.memory_space<vmem>>, %arg5: memref<1x1x256xi32, #tpu.memory_space<vmem>>, %arg6: memref<128x2xf32, #tpu.memory_space<vmem>>, %arg7: memref<1x2xf32, #tpu.memory_space<vmem>>, %arg8: memref<64x2xf32, #tpu.memory_space<vmem>>, %arg9: memref<64x128xf32, #tpu.memory_space<vmem>>, %arg10: memref<64x128xf32, #tpu.memory_space<vmem>>) attributes {dimension_semantics = [#tpu.dimension_semantics<arbitrary>], iteration_bounds = array<i64: 40>, scalar_prefetch = 0 : i64, scratch_operands = 2 : i64, tpu.core_type = #tpu.core_type<tc>, window_params = [{transform_indices = @transform_0, window_bounds = array<i64: 2, 256, 128>}, {transform_indices = @transform_1, window_bounds = array<i64: 256, 128>}, {transform_indices = @transform_2, window_bounds = array<i64: 2, 256, 128>}, {pipeline_mode = #tpu.pipeline_mode<synchronous>, transform_indices = @transform_3, window_bounds = array<i64: 1, 128>}, {transform_indices = @transform_4, window_bounds = array<i64: 1, 1, 256>}, {pipeline_mode = #tpu.pipeline_mode<synchronous>, transform_indices = @transform_5, window_bounds = array<i64: 128, 2>}, {pipeline_mode = #tpu.pipeline_mode<synchronous>, transform_indices = @transform_6, window_bounds = array<i64: 1, 2>}, {pipeline_mode = #tpu.pipeline_mode<synchronous>, transform_indices = @transform_7, window_bounds = array<i64: 64, 2>}]} {
    %eq3A = arith.constant 0 : i32
    %eq3A_0 = arith.cmpi eq, %arg0, %eq3A : i32
    %convert_element_type3A = arith.extui %eq3A_0 : i1 to i32
    %cond3A = arith.constant 0 : i32
    %cond3A_1 = arith.cmpi ne, %convert_element_type3A, %cond3A : i32
    scf.if %cond3A_1 {
      %broadcast_in_dim3A_64 = arith.constant 0.000000e+00 : f32
      %broadcast_in_dim3A_65 = vector.broadcast %broadcast_in_dim3A_64 : f32 to vector<64x128xf32>
      %swap3A_66 = arith.constant 0 : index
      %swap3A_67 = arith.constant 0 : index
      %swap3A_68 = vector.load %arg9[%swap3A_66, %swap3A_67] : memref<64x128xf32, #tpu.memory_space<vmem>>, vector<64x128xf32>
      tpu.vector_store %arg9[%swap3A_66, %swap3A_67], %broadcast_in_dim3A_65 {strides = array<i32>} : memref<64x128xf32, #tpu.memory_space<vmem>>, vector<64x128xf32>,
      %broadcast_in_dim3A_69 = arith.constant 0.000000e+00 : f32
      %broadcast_in_dim3A_70 = vector.broadcast %broadcast_in_dim3A_69 : f32 to vector<64x128xf32>
      %swap3A_71 = arith.constant 0 : index
      %swap3A_72 = arith.constant 0 : index
      %swap3A_73 = vector.load %arg10[%swap3A_71, %swap3A_72] : memref<64x128xf32, #tpu.memory_space<vmem>>, vector<64x128xf32>
      tpu.vector_store %arg10[%swap3A_71, %swap3A_72], %broadcast_in_dim3A_70 {strides = array<i32>} : memref<64x128xf32, #tpu.memory_space<vmem>>, vector<64x128xf32>,
    } else {
    }
    %get3A = arith.constant 0 : index
    %get3A_2 = arith.constant 0 : index
    %get3A_3 = arith.constant 0 : index
    %get3A_4 = vector.load %arg3[%get3A, %get3A_2, %get3A_3] : memref<2x256x128xf32, #tpu.memory_space<vmem>>, vector<2x256x128xf32>
    %slice3A = vector.extract_strided_slice %get3A_4 {offsets = [0, 0, 0], sizes = [1, 256, 1], strides = [1, 1, 1]} : vector<2x256x128xf32> to vector<1x256x1xf32>
    %squeeze3A = vector.shape_cast %slice3A : vector<1x256x1xf32> to vector<256xf32>
    %slice3A_5 = vector.extract_strided_slice %get3A_4 {offsets = [1, 0, 0], sizes = [1, 256, 1], strides = [1, 1, 1]} : vector<2x256x128xf32> to vector<1x256x1xf32>
    %squeeze3A_6 = vector.shape_cast %slice3A_5 : vector<1x256x1xf32> to vector<256xf32>
    %add3A = arith.addf %squeeze3A, %squeeze3A_6 : vector<256xf32>
    %add3A_7 = arith.constant 1.000000e+00 : f32
    %add3A_8 = vector.broadcast %add3A_7 : f32 to vector<256xf32>
    %add3A_9 = arith.addf %add3A, %add3A_8 : vector<256xf32>
    %rsqrt3A = math.rsqrt %add3A_9 : vector<256xf32>
    %get3A_10 = arith.constant 0 : index
    %get3A_11 = arith.constant 0 : index
    %get3A_12 = arith.constant 0 : index
    %get3A_13 = vector.load %arg1[%get3A_10, %get3A_11, %get3A_12] : memref<2x256x128xf32, #tpu.memory_space<vmem>>, vector<2x256x128xf32>
    %broadcast_in_dim3A = vector.shape_cast %rsqrt3A : vector<256xf32> to vector<256x1xf32>
    %slice3A_14 = vector.extract_strided_slice %get3A_13 {offsets = [0, 0, 0], sizes = [1, 256, 128], strides = [1, 1, 1]} : vector<2x256x128xf32> to vector<1x256x128xf32>
    %squeeze3A_15 = vector.shape_cast %slice3A_14 : vector<1x256x128xf32> to vector<256x128xf32>
    %slice3A_16 = vector.extract_strided_slice %get3A_13 {offsets = [1, 0, 0], sizes = [1, 256, 128], strides = [1, 1, 1]} : vector<2x256x128xf32> to vector<1x256x128xf32>
    %squeeze3A_17 = vector.shape_cast %slice3A_16 : vector<1x256x128xf32> to vector<256x128xf32>
    %add3A_18 = arith.addf %squeeze3A_15, %squeeze3A_17 : vector<256x128xf32>
    %get3A_19 = arith.constant 0 : index
    %get3A_20 = arith.constant 0 : index
    %get3A_21 = vector.load %arg2[%get3A_19, %get3A_20] : memref<256x128xf32, #tpu.memory_space<vmem>>, vector<256x128xf32>
    %add3A_22 = arith.addf %add3A_18, %get3A_21 : vector<256x128xf32>
    %mul3A = vector.broadcast %broadcast_in_dim3A : vector<256x1xf32> to vector<256x128xf32>
    %mul3A_23 = arith.mulf %mul3A, %add3A_22 : vector<256x128xf32>
    %get3A_24 = arith.constant 0 : index
    %get3A_25 = arith.constant 0 : index
    %get3A_26 = vector.load %arg4[%get3A_24, %get3A_25] : memref<1x128xf32, #tpu.memory_space<vmem>>, vector<1x128xf32>
    %add3A_27 = vector.broadcast %get3A_26 : vector<1x128xf32> to vector<256x128xf32>
    %add3A_28 = arith.addf %mul3A_23, %add3A_27 : vector<256x128xf32>
    %max3A = arith.constant 0.000000e+00 : f32
    %max3A_29 = vector.broadcast %max3A : f32 to vector<256x128xf32>
    %max3A_30 = arith.maximumf %add3A_28, %max3A_29 : vector<256x128xf32>
    %get3A_31 = arith.constant 0 : index
    %get3A_32 = arith.constant 0 : index
    %get3A_33 = arith.constant 0 : index
    %get3A_34 = vector.load %arg5[%get3A_31, %get3A_32, %get3A_33] : memref<1x1x256xi32, #tpu.memory_space<vmem>>, vector<1x1x256xi32>
    %get3A_35 = vector.shape_cast %get3A_34 : vector<1x1x256xi32> to vector<1x256xi32>
    %iota3A = tpu.iota {dimensions = array<i32: 0>} : vector<64x256xi32>
    %broadcast_in_dim3A_36 = vector.shape_cast %get3A_35 : vector<1x256xi32> to vector<1x256xi32>
    %broadcast_in_dim3A_37 = vector.broadcast %broadcast_in_dim3A_36 : vector<1x256xi32> to vector<64x256xi32>
    %eq3A_38 = arith.cmpi eq, %broadcast_in_dim3A_37, %iota3A : vector<64x256xi32>
    %convert_element_type3A_39 = arith.extui %eq3A_38 : vector<64x256xi1> to vector<64x256xi32>
    %convert_element_type3A_40 = arith.sitofp %convert_element_type3A_39 : vector<64x256xi32> to vector<64x256xf32>
    %get3A_41 = arith.constant 0 : index
    %get3A_42 = arith.constant 0 : index
    %get3A_43 = vector.load %arg9[%get3A_41, %get3A_42] : memref<64x128xf32, #tpu.memory_space<vmem>>, vector<64x128xf32>
    %dot_general3A = arith.constant dense<0.000000e+00> : vector<64x128xf32>
    %dot_general3A_44 = tpu.matmul %convert_element_type3A_40, %max3A_30, %dot_general3A {dimension_numbers = #tpu.dot_dimension_numbers<[1], [0], [0], [1], [0, 0, 1, 1], [], []>, transpose_lhs_hint = false} : vector<64x256xf32>, vector<256x128xf32>, vector<64x128xf32> -> vector<64x128xf32>
    %add3A_45 = arith.addf %get3A_43, %dot_general3A_44 : vector<64x128xf32>
    %swap3A = arith.constant 0 : index
    %swap3A_46 = arith.constant 0 : index
    %swap3A_47 = vector.load %arg9[%swap3A, %swap3A_46] : memref<64x128xf32, #tpu.memory_space<vmem>>, vector<64x128xf32>
    tpu.vector_store %arg9[%swap3A, %swap3A_46], %add3A_45 {strides = array<i32>} : memref<64x128xf32, #tpu.memory_space<vmem>>, vector<64x128xf32>,
    %get3A_48 = arith.constant 0 : index
    %get3A_49 = arith.constant 0 : index
    %get3A_50 = vector.load %arg10[%get3A_48, %get3A_49] : memref<64x128xf32, #tpu.memory_space<vmem>>, vector<64x128xf32>
    %reduce_sum3A = arith.constant dense<0.000000e+00> : vector<64xf32>
    %reduce_sum3A_51 = vector.multi_reduction <add>, %convert_element_type3A_40, %reduce_sum3A [1] : vector<64x256xf32> to vector<64xf32>
    %broadcast_in_dim3A_52 = vector.shape_cast %reduce_sum3A_51 : vector<64xf32> to vector<64x1xf32>
    %broadcast_in_dim3A_53 = vector.shape_cast %broadcast_in_dim3A_52 : vector<64x1xf32> to vector<64x1xf32>
    %broadcast_in_dim3A_54 = vector.broadcast %broadcast_in_dim3A_53 : vector<64x1xf32> to vector<64x128xf32>
    %add3A_55 = arith.addf %get3A_50, %broadcast_in_dim3A_54 : vector<64x128xf32>
    %swap3A_56 = arith.constant 0 : index
    %swap3A_57 = arith.constant 0 : index
    %swap3A_58 = vector.load %arg10[%swap3A_56, %swap3A_57] : memref<64x128xf32, #tpu.memory_space<vmem>>, vector<64x128xf32>
    tpu.vector_store %arg10[%swap3A_56, %swap3A_57], %add3A_55 {strides = array<i32>} : memref<64x128xf32, #tpu.memory_space<vmem>>, vector<64x128xf32>,
    %eq3A_59 = arith.constant 39 : i32
    %eq3A_60 = arith.cmpi eq, %arg0, %eq3A_59 : i32
    %convert_element_type3A_61 = arith.extui %eq3A_60 : i1 to i32
    %cond3A_62 = arith.constant 0 : i32
    %cond3A_63 = arith.cmpi ne, %convert_element_type3A_61, %cond3A_62 : i32
    scf.if %cond3A_63 {
      %get3A_64 = arith.constant 0 : index
      %get3A_65 = arith.constant 0 : index
      %get3A_66 = vector.load %arg9[%get3A_64, %get3A_65] : memref<64x128xf32, #tpu.memory_space<vmem>>, vector<64x128xf32>
      %get3A_67 = arith.constant 0 : index
      %get3A_68 = arith.constant 0 : index
      %get3A_69 = vector.load %arg10[%get3A_67, %get3A_68] : memref<64x128xf32, #tpu.memory_space<vmem>>, vector<64x128xf32>
      %max3A_70 = arith.constant 1.000000e+00 : f32
      %max3A_71 = vector.broadcast %max3A_70 : f32 to vector<64x128xf32>
      %max3A_72 = arith.maximumf %get3A_69, %max3A_71 : vector<64x128xf32>
      %div3A = arith.divf %get3A_66, %max3A_72 : vector<64x128xf32>
      %get3A_73 = arith.constant 0 : index
      %get3A_74 = arith.constant 0 : index
      %get3A_75 = vector.load %arg6[%get3A_73, %get3A_74] : memref<128x2xf32, #tpu.memory_space<vmem>>, vector<128x2xf32>
      %dot_general3A_76 = arith.constant dense<0.000000e+00> : vector<64x2xf32>
      %dot_general3A_77 = tpu.matmul %div3A, %get3A_75, %dot_general3A_76 {dimension_numbers = #tpu.dot_dimension_numbers<[1], [0], [0], [1], [0, 0, 1, 1], [], []>, transpose_lhs_hint = false} : vector<64x128xf32>, vector<128x2xf32>, vector<64x2xf32> -> vector<64x2xf32>
      %get3A_78 = arith.constant 0 : index
      %get3A_79 = arith.constant 0 : index
      %get3A_80 = vector.load %arg7[%get3A_78, %get3A_79] : memref<1x2xf32, #tpu.memory_space<vmem>>, vector<1x2xf32>
      %add3A_81 = vector.broadcast %get3A_80 : vector<1x2xf32> to vector<64x2xf32>
      %add3A_82 = arith.addf %dot_general3A_77, %add3A_81 : vector<64x2xf32>
      %swap3A_83 = arith.constant 0 : index
      %swap3A_84 = arith.constant 0 : index
      %swap3A_85 = vector.load %arg8[%swap3A_83, %swap3A_84] : memref<64x2xf32, #tpu.memory_space<vmem>>, vector<64x2xf32>
      tpu.vector_store %arg8[%swap3A_83, %swap3A_84], %add3A_82 {strides = array<i32>} : memref<64x2xf32, #tpu.memory_space<vmem>>, vector<64x2xf32>,
    } else {
    }
    return
  }
  func.func @transform_0(%arg0: i32) -> (i32, i32, i32) {
    %c0_i32 = arith.constant 0 : i32
    %c0_i32_0 = arith.constant 0 : i32
    %c0_i32_1 = arith.constant 0 : i32
    return %c0_i32, %arg0, %c0_i32_0 : i32, i32, i32
  }
  func.func @transform_1(%arg0: i32) -> (i32, i32) {
    %c0_i32 = arith.constant 0 : i32
    %c0_i32_0 = arith.constant 0 : i32
    return %arg0, %c0_i32 : i32, i32
  }
  func.func @transform_2(%arg0: i32) -> (i32, i32, i32) {
    %c0_i32 = arith.constant 0 : i32
    %c0_i32_0 = arith.constant 0 : i32
    %c0_i32_1 = arith.constant 0 : i32
    return %c0_i32, %arg0, %c0_i32_0 : i32, i32, i32
  }
  func.func @transform_3(%arg0: i32) -> (i32, i32) {
    %c0_i32 = arith.constant 0 : i32
    %c0_i32_0 = arith.constant 0 : i32
    %c0_i32_1 = arith.constant 0 : i32
    return %c0_i32, %c0_i32_0 : i32, i32
  }
  func.func @transform_4(%arg0: i32) -> (i32, i32, i32) {
    %c0_i32 = arith.constant 0 : i32
    %c0_i32_0 = arith.constant 0 : i32
    %c0_i32_1 = arith.constant 0 : i32
    return %arg0, %c0_i32, %c0_i32_0 : i32, i32, i32
  }
  func.func @transform_5(%arg0: i32) -> (i32, i32) {
    %c0_i32 = arith.constant 0 : i32
    %c0_i32_0 = arith.constant 0 : i32
    %c0_i32_1 = arith.constant 0 : i32
    return %c0_i32, %c0_i32_0 : i32, i32
  }
  func.func @transform_6(%arg0: i32) -> (i32, i32) {
    %c0_i32 = arith.constant 0 : i32
    %c0_i32_0 = arith.constant 0 : i32
    %c0_i32_1 = arith.constant 0 : i32
    return %c0_i32, %c0_i32_0 : i32, i32
  }
  func.func @transform_7(%arg0: i32) -> (i32, i32) {
    %c0_i32 = arith.constant 0 : i32
    %c0_i32_0 = arith.constant 0 : i32
    %c0_i32_1 = arith.constant 0 : i32
    return %c0_i32, %c0_i32_0 : i32, i32
  }
}

</mosaic_0001>

<sc_bundles>
// kernel: kernel.11.cloned.1.call-start
scs
__scs_entry_jumppad:
0x0: {  	(pc) =	sbr.rel $0x88, $3  }
0x1: {  	(tag) =	ssettag $0x0;
	lr =	simm.s32 $0x1  }
0x2: {  	[smem:$0x3F98] =	sst lr;
	_ =	strace $0xD0000000  }
0x3: {  	_ = 	snop  }
0x4: {  	_ = 	snop  }
0x5: {  	_ = 	snop  }
0x6: {  	_ = 	snop  }
0x7: {  	_ = 	snop  }
__scs_overlays_trampoline_lowered:
0x8: {  	[smem:$0x3FA7] =	sst s0  }
0x9: {  	[smem:$0x3FA8] =	sst s1  }
0xa: {  	[smem:$0x3FA9] =	sst s2  }
0xb: {  	[smem:$0x3FAA] =	sst s3  }
0xc: {  	[smem:$0x3FAB] =	sst s4  }
0xd: {  	[smem:$0x3FAC] =	sst s5  }
0xe: {  	[smem:$0x3FAD] =	sst s6  }
0xf: {  	[smem:$0x3FAE] =	sst s7  }
0x10: {  	[smem:$0x3FAF] =	sst s8  }
0x11: {  	[smem:$0x3FB0] =	sst s9;
	s0 =	simm.s32 @!p0 $0x0  }
0x12: {  	s1 =	sld [smem:$0x3F96];
	s0 =	simm.s32 @p0 $0x1  }
0x13: {  	[smem:$0x3FB1] =	sst s0;
	s0 =	simm.s32 @!p1 $0x0  }
0x14: {  	s2 =	sld [smem:$0x3F95];
	s0 =	simm.s32 @p1 $0x1  }
0x15: {  	[smem:$0x3FB2] =	sst s0;
	s0 =	simm.s32 @!p2 $0x0  }
0x16: {  	s3 =	sld [smem:$0x3FDB];
	s0 =	simm.s32 @p2 $0x1  }
0x17: {  	s4 =	simm.s32 $0x1BF5;
	[smem:$0x3FB4] =	sst s0  }
0x18: {  	s0 =	sld [smem:$0x3F97];
	_ =	swait.ge [sflag:s4], $0x0  }
0x19: {  	s7 =	sld [smem:$0x3F98]  }
0x1a: {  	s8 =	sadd.s32 $0xFFFFE003, lr  }
0x1b: {  	s9 =	sadd.s32 $0xFFFFFEF7, lr;
	s5 =	simm.s32 $0xFFFFFFFF;
	p2 =	slt.u32 s8, $0xFFFFF086  }
0x1c: {  	p1 =	slt.u32 s9, $0xF7A;
	s5 =	simm.s32 @!p2 $0x0  }
0x1d: {  	s5 =	simm.s32 @p1 $0x1;
	p0 =	seq.s32 s7, s2  }
0x1e: {  	s7 =	smul.u32 @!p0 $0xF7A, s2;
	p2 =	seq.s32 @!p0 s5, $0x0  }
0x1f: {  	s9 =	smul.u32 $0xF7A, s1;
	s8 =	simm.s32 @!p0 $0x1BF5;
	p2 =	por !p2, p0  }
0x20: {  	[sflag:s8] =	ssyncset.s32 @!p0 $0xFFFFF086;
	s6 =	sadd.s32 @!p0 s3, s7;
	s7 =	simm.s32 @!p0 $0x108  }
0x21: {  	s3 =	sadd.s32 s3, s9;
	s6 =	sadd.s32 @!p0 $0x88, s6;
	s7 =	simm.s32 @p2 $0x1082  }
0x22: {  	[simem:s7], [sflag:s8] =	dma.local @!p0 [hbm:s6], $0xF7A  }
0x23: {  	s9 =	sor.u32 $0xD0000000, s2;
	s6 =	simm.s32 $0x108;
	_ =	swait.ge @!p0 [sflag:s8], $0x0  }
0x24: {  	s3 =	sadd.s32 $0x88, s3;
	s6 =	simm.s32 @!p1 $0x1082;
	[sflag:s4] =	ssyncset.s32 $0xFFFFF086  }
0x25: {  	[simem:s6], [sflag:s4] =	dma.local [hbm:s3], $0xF7A  }
0x26: {  	[smem:$0x3F98] =	sst s1;
	(tag) =	ssettag s2;
	_ =	strace s9  }
0x27: {  	s1 =	sld [smem:$0x3FA8]  }
0x28: {  	s2 =	sld [smem:$0x3FA9]  }
0x29: {  	s4 =	sld [smem:$0x3FAB]  }
0x2a: {  	p0 =	seq.s32 s5, $0x0;
	s5 =	sld [smem:$0x3FAC]  }
0x2b: {  	s6 =	sld [smem:$0x3FAD]  }
0x2c: {  	s7 =	sld [smem:$0x3FAE]  }
0x2d: {  	s3 =	simm.s32 $0x108;
	s8 =	sld [smem:$0x3FAF]  }
0x2e: {  	s3 =	simm.s32 @!p0 $0x1082;
	s9 =	sld [smem:$0x3FB0]  }
0x2f: {  	lr =	sadd.s32 s0, s3;
	s0 =	sld [smem:$0x3FA7]  }
0x30: {  	s3 =	sld [smem:$0x3FAA]  }
0x31: {  	[smem:$0x3FB3] =	sst s10  }
0x32: {  	s10 =	sld [smem:$0x3FB1];
	_ =	sdelay $0x3  }
0x33: {  	p0 =	seq.s32 s10, $0x1;
	s10 =	sld [smem:$0x3FB3];
	_ =	sdelay $0x3  }
0x34: {  	[smem:$0x3FB3] =	sst s10  }
0x35: {  	s10 =	sld [smem:$0x3FB2];
	_ =	sdelay $0x3  }
0x36: {  	p1 =	seq.s32 s10, $0x1;
	s10 =	sld [smem:$0x3FB3];
	_ =	sdelay $0x3  }
0x37: {  	[smem:$0x3FB3] =	sst s10  }
0x38: {  	s10 =	sld [smem:$0x3FB4]  }
0x39: {  	_ = 	snop;
	(pc) =	sbr.ind lr, $3  }
0x3a: {  	_ = 	snop  }
0x3b: {  	_ = 	snop  }
0x3c: {  	p2 =	seq.s32 s10, $0x1;
	s10 =	sld [smem:$0x3FB3]  }
0x3d: {  	_ =	shalt  }
0x3e: {  	_ =	shalt  }
0x3f: {  	_ =	shalt  }
0x40: {  	_ =	shalt  }
0x41: {  	_ =	shalt  }
0x42: {  	_ =	shalt  }
0x43: {  	_ =	shalt  }
0x44: {  	_ =	shalt  }
0x45: {  	_ =	shalt  }
0x46: {  	_ =	shalt  }
0x47: {  	_ =	shalt  }
0x48: {  	_ =	shalt  }
0x49: {  	_ =	shalt  }
0x4a: {  	_ =	shalt  }
0x4b: {  	_ =	shalt  }
0x4c: {  	_ =	shalt  }
0x4d: {  	_ =	shalt  }
0x4e: {  	_ =	shalt  }
0x4f: {  	_ =	shalt  }
0x50: {  	_ =	shalt  }
0x51: {  	_ =	shalt  }
0x52: {  	_ =	shalt  }
0x53: {  	_ =	shalt  }
0x54: {  	_ =	shalt  }
0x55: {  	_ =	shalt  }
0x56: {  	_ =	shalt  }
0x57: {  	_ =	shalt  }
0x58: {  	_ =	shalt  }
0x59: {  	_ =	shalt  }
0x5a: {  	_ =	shalt  }
0x5b: {  	_ =	shalt  }
0x5c: {  	_ =	shalt  }
0x5d: {  	_ =	shalt  }
0x5e: {  	_ =	shalt  }
0x5f: {  	_ =	shalt  }
0x60: {  	_ =	shalt  }
0x61: {  	_ =	shalt  }
0x62: {  	_ =	shalt  }
0x63: {  	_ =	shalt  }
0x64: {  	_ =	shalt  }
0x65: {  	_ =	shalt  }
0x66: {  	_ =	shalt  }
0x67: {  	_ =	shalt  }
0x68: {  	_ =	shalt  }
0x69: {  	_ =	shalt  }
0x6a: {  	_ =	shalt  }
0x6b: {  	_ =	shalt  }
0x6c: {  	_ =	shalt  }
0x6d: {  	_ =	shalt  }
0x6e: {  	_ =	shalt  }
0x6f: {  	_ =	shalt  }
0x70: {  	_ =	shalt  }
0x71: {  	_ =	shalt  }
0x72: {  	_ =	shalt  }
0x73: {  	_ =	shalt  }
0x74: {  	_ =	shalt  }
0x75: {  	_ =	shalt  }
0x76: {  	_ =	shalt  }
0x77: {  	_ =	shalt  }
0x78: {  	_ =	shalt  }
0x79: {  	_ =	shalt  }
0x7a: {  	_ =	shalt  }
0x7b: {  	_ =	shalt  }
0x7c: {  	_ =	shalt  }
0x7d: {  	_ =	shalt  }
0x7e: {  	_ =	shalt  }
0x7f: {  	_ =	shalt  }
0x80: {  	_ =	shalt  }
0x81: {  	_ =	shalt  }
0x82: {  	_ =	shalt  }
0x83: {  	_ =	shalt  }
0x84: {  	_ =	shalt  }
0x85: {  	_ =	shalt  }
0x86: {  	_ =	shalt  }
0x87: {  	_ =	shalt  }
.Lfunc_end0:
.L_simem_size_0:
called_computation.1_lowered:
.L_overlay_start_0:
0x88: {  	s2 =	sld [smem:$0x3FD9]  }
0x89: {  	s3 =	sld [smem:$0x3FFE];
	_ =	sdelay $0x1  }
0x8a: {  	s1 =	srdreg.scid  }
0x8b: {  	s0 =	sand.u32 $0x1, s1  }
0x8c: {  	s16 =	sshll.u32 s0, $0xA;
	s2 =	sadd.s32 s3, s2  }
0x8d: {  	s2 =	sadd.s32 s2, s16  }
0x8e: {  	[smem:$0x3FBF] =	sst s2  }
0x8f: {  	_ = 	snop  }
0x90: {  	(tm) =	ssettm $0x1  }
0x91: {  	s17 =	sld [smem:$0x3FFB];
	_ =	sdelay $0x3  }
0x92: {  	_ =	strace s17  }
0x93: {  	s2 =	sld [smem:$0x3FFC];
	_ =	sdelay $0x3  }
0x94: {  	_ =	strace s2  }
0x95: {  	s2 =	sld [smem:$0x3FFD];
	_ =	sdelay $0x3  }
0x96: {  	_ =	strace s2  }
0x97: {  	_ =	strace $0x8FFFFFFF  }
0x98: {  	s18 =	sld [smem:$0x3FDB];
	_ =	sdelay $0x1  }
0x99: {  	s19 =	simm.s32 $_scs_section_size  }
0x9a: {  	s4 =	simm.s32 $_size__tile_overlayer_lowered;
	s5 =	simm.s32 $_tile_overlayer_lowered  }
0x9b: {  	s22 =	simm.s32 $0x1BFF;
	s21 =	sshll.u32 s5, $0x1;
	s2 =	sadd.s32 s19, s18  }
0x9c: {  	s6 =	simm.s32 $0x0;
	s20 =	sshll.u32 s4, $0x1;
	s4 =	sadd.s32 s21, s2  }
0x9d: {  	[timem:s6], [sflag:s22] =	dma.local [hbm:s4], s20  }
0x9e: {  	_ =	swait.ge [sflag:s22], s20  }
0x9f: {  	s3 =	ssub.s32 $0x0, s20;
	[sflag:s22] =	ssyncset.done $0x0  }
0xa0: {  	[sflag:s22] =	ssyncadd.s32 s3;
	_ =	sdelay $0x1  }
0xa1: {  	s23 =	simm.s32 $0x1B8B  }
0xa2: {  	_ =	swait.ge [sflag:s23], $0x1  }
0xa3: {  	[sflag:s23] =	ssyncset.done $0x0  }
0xa4: {  	s25 =	simm.s32 $0x1B8E;
	s24 =	sld [smem:$0x3FFE];
	[sflag:s23] =	ssyncadd.s32 $0xFFFFFFFF  }
0xa5: {  	s26 =	simm.s32 $execute0_lowered;
	[smem:$0x3FD2] =	sst s25  }
0xa6: {  	s4 =	sshll.u32 s26, $0x1;
	_ =	strace $0x80000049;
	[dreg:$0x1] =	wrdreg $0xFFFFFFFF  }
0xa7: {  	s28 =	simm.s32 $_size_execute0_lowered;
	s2 =	sadd.s32 s2, s4;
	[dreg:$0x0] =	wrdreg $0x0  }
0xa8: {  	s4 =	sshll.u32 s28, $0x1;
	[dreg:$0x2] =	wrdreg s2  }
0xa9: {  	[dreg:$0x3] =	wrdreg s4  }
0xaa: {  	[dreg:$0x4] =	wrdreg $0xC0  }
0xab: {  	_ =	task [dreg:s6], $0x5FFFF  }
0xac: {  	[dreg:$0x1] =	wrdreg $0xFFFFFFFF  }
0xad: {  	[dreg:$0x0] =	wrdreg $0x60  }
0xae: {  	[dreg:$0x2] =	wrdreg s24  }
0xaf: {  	[dreg:$0x3] =	wrdreg $0xB8000  }
0xb0: {  	[dreg:$0x4] =	wrdreg $0x9  }
0xb1: {  	_ =	task.clear_ibuf [dreg:s6], $0x5FFFF;
	_ =	strace $0x90000049  }
0xb2: {  	s29 =	simm.s32 $0x9;
	_ =	strace $0x8000004B  }
0xb3: {  	_ =	swait.ge [sflag:s29], $0x1  }
0xb4: {  	[sflag:s29] =	ssyncadd.s32 $0xFFFFFFFF  }
0xb5: {  	_ =	strace $0x9000004B  }
0xb6: {  	_ =	sfence  }
0xb7: {  	s30 =	sld [smem:$0x0];
	_ =	sdelay $0x2  }
0xb8: {  	s31 =	sshll.u32 s1, $0xD;
	s1 =	sshrl.u32 s1, $0x2  }
0xb9: {  	s3 =	sand.u32 $0x4000, s31;
	s1 =	sadd.s32 s1, s30  }
0xba: {  	s0 =	sor.u32 s3, s0;
	s1 =	sshll.u32 s1, $0x11  }
0xbb: {  	s0 =	sor.u32 s1, s0  }
0xbc: {  	s0 =	sadd.s32 $0x8F2B, s0  }
0xbd: {  	[sflag:s0] =	ssyncadd.remote.s32 $0x1  }
0xbe: {  	_ =	sfence.sel $0xFFFF  }
0xbf: {  	[dreg:$0x0] =	wrdreg $0xFFFFFFFF;
	(pc) =	sbr.abs _section_cstart, $3  }
0xc0: {  	[dreg:$0x1] =	wrdreg $0xFFFFFFFF  }
0xc1: {  	_ =	task.clear_ibuf [dreg:s6], $0x2FFFF;
	_ =	strace $0x9FFFFFFF  }
0xc2: {  	(tm) =	ssettm $0x7FFFFFFF  }
0xc3: {  	_ =	shalt  }
tec
execute0_lowered:
.L_overlay_start_1:
0x0: {  	(tag) =	ssettag $0x1  }
0x1: {  	s0 =	rddreg [dreg:$0x0]  }
0x2: {  	s1 =	rddreg [dreg:$0x1];
	s3 =	simm.s32 $0x0;
	s2 =	srdreg.scid  }
0x3: {  	s12 =	stileid.u32;
	s28 =	simm.s32 $0x1;
	s29 =	simm.s32 $0x80  }
0x4: {  	s31 =	simm.s32 $0x7800;
	s30 =	simm.s32 $0x0;
	[smem:$0x7FF] =	sst s3  }
0x5: {  	s4 =	sadd.s32 $0x68000, s0;
	s2 =	sand.u32 $0x1, s2;
	s5 =	smul.u32 $0x50000, s12  }
0x6: {  	s11 =	sadd.s32 $0xD000, s0;
	s10 =	smul.u32 $0x14000, s12;
	s16 =	sadd.s32 $0x9A000, s0  }
0x7: {  	s8 =	smul.u32 $0x4800, s12;
	_ =	strace $0x8000004A;
	s6 =	ssub.s32 $0x2, s2  }
0x8: {  	p0 =	seq.s32 s2, $0x0;
	s7 =	sshrl.u32 s6, $0x1;
	s5 =	sshrl.u32 s5, $0x2  }
0x9: {  	s20 =	sadd.s32 $0x4000, s10;
	s21 =	sadd.s32 $0x8000, s10;
	s8 =	sshrl.u32 s8, $0x3  }
0xa: {  	s22 =	sadd.s32 $0xC000, s10;
	s23 =	sadd.s32 $0x10000, s10;
	s24 =	ssub.s32 s6, s7  }
0xb: {  	s7 =	smul.u32 $0x900, s12;
	s13 =	sadd.s32 $0x380, s8;
	s17 =	sadd.s32 $0x700, s8  }
0xc: {  	s12 =	sshll.u32 s12, $0x8;
	s14 =	sadd.s32 s4, s13;
	s15 =	sadd.s32 s11, s13  }
0xd: {  	s8 =	sadd.s32 s4, s17;
	s12 =	sor.u32 $0x9000, s12;
	[dreg:$0x5] =	wrdreg s14  }
0xe: {  	s24 =	smax.u32 s24, $0x1;
	s9 =	sadd.s32 s4, s7;
	[dreg:$0x6] =	wrdreg s15  }
0xf: {  	s6 =	sadd.s32 s11, s7;
	s14 =	smul.u32 $0x140000, s2;
	[dreg:$0x3] =	wrdreg s9  }
0x10: {  	[dreg:$0x4] =	wrdreg s6;
	s9 =	sadd.s32 s11, s17;
	s11 =	sadd.s32 s11, s12  }
0x11: {  	s13 =	sadd.s32 s10, s14;
	s15 =	sadd.s32 s14, s20;
	s10 =	sadd.s32 s4, s12  }
0x12: {  	s25 =	sadd.s32 s14, s21;
	s26 =	sadd.s32 s14, s22;
	s14 =	sadd.s32 s14, s23  }
0x13: {  	s20 =	sadd.s32 s20, s1;
	s21 =	sadd.s32 s21, s1;
	s22 =	sadd.s32 s22, s1  }
0x14: {  	s23 =	sadd.s32 s23, s1;
	s18 =	sshrl.u32 s13, $0x3;
	s19 =	sshrl.u32 s15, $0x3  }
.Ltmp0:
0x15: {  	s4 =	sshrl.u32 s25, $0x3;
	s15 =	sshrl.u32 s26, $0x3;
	(pc) =	sbr.rel .LBB2_1-.Ltmp0, $4  }
0x16: {  	s17 =	sshrl.u32 s14, $0x3;
	s25 =	simm.s32 $0x3800;
	s26 =	simm.s32 $0x2  }
0x17: {  	s12 =	sadd.s32 s16, s18;
	s13 =	sadd.s32 s16, s19;
	s14 =	sadd.s32 s16, s4  }
0x18: {  	s15 =	sadd.s32 s16, s15;
	s16 =	sadd.s32 s16, s17;
	s17 =	sadd.s32 $0x72000, s0  }
0x19: {  	s18 =	sadd.s32 $0x17000, s0;
	s19 =	sadd.s32 s5, s1;
	s0 =	simm.s32 $0x3780  }
.LBB2_11:
0x1a: {  	[sflag:s26] =	ssyncadd.s32 $0xFFFFC000  }
0x1b: {  	_ =	swait.ge [sflag:s28], $0x4000  }
0x1c: {  	[sflag:s28] =	ssyncset.done $0x0  }
0x1d: {  	s2 =	simm.s32 $0x2380;
	[sflag:s28] =	ssyncadd.s32 $0xFFFFC000  }
0x1e: {  	[spmem:s1] =	stream.indirect.scatter.add.f32 [tilespmem:s31], [sflag:$0x2], $0x80, s2, s29, $0xb8;
	[tilespmem:$0x1F800] =	vst v63  }
.LBB2_12:
0x1f: {  	_ =	swait.ge [sflag:s26], $0x4000  }
0x20: {  	[sflag:s26] =	ssyncset.done $0x0  }
0x21: {  	[sflag:s26] =	ssyncadd.s32 $0xFFFFC000  }
0x22: {  	[bflag:$0x0] =	sbarrier.arrive $0xFFFF  }
0x23: {  	[tilespmem:s25], [sflag:$0x2] =	stream.linear.gather [spmem:s19], $0x4000, $0x38;
	[tilespmem:$0x1F800] =	vst v63  }
0x24: {  	_ =	swait.ge [sflag:s26], $0x4000  }
0x25: {  	[sflag:s26] =	ssyncset.done $0x0  }
0x26: {  	[sflag:s26] =	ssyncadd.s32 $0xFFFFC000  }
0x27: {  	[hbm4b:s12+s3] =	stream.linear.scatter [tilespmem:s25], [sflag:$0x2], $0x4000, $0x38;
	[tilespmem:$0x1F800] =	vst v63  }
0x28: {  	_ =	swait.ge [sflag:s26], $0x4000  }
0x29: {  	[sflag:s26] =	ssyncset.done $0x0  }
0x2a: {  	[sflag:s26] =	ssyncadd.s32 $0xFFFFC000  }
0x2b: {  	[tilespmem:s25], [sflag:$0x2] =	stream.linear.gather [spmem:s20], $0x4000, $0x38;
	[tilespmem:$0x1F800] =	vst v63  }
0x2c: {  	_ =	swait.ge [sflag:s26], $0x4000  }
0x2d: {  	[sflag:s26] =	ssyncset.done $0x0  }
0x2e: {  	[sflag:s26] =	ssyncadd.s32 $0xFFFFC000  }
0x2f: {  	[hbm4b:s13+s3] =	stream.linear.scatter [tilespmem:s25], [sflag:$0x2], $0x4000, $0x38;
	[tilespmem:$0x1F800] =	vst v63  }
0x30: {  	_ =	swait.ge [sflag:s26], $0x4000  }
0x31: {  	[sflag:s26] =	ssyncset.done $0x0  }
0x32: {  	[sflag:s26] =	ssyncadd.s32 $0xFFFFC000  }
0x33: {  	[tilespmem:s25], [sflag:$0x2] =	stream.linear.gather [spmem:s21], $0x4000, $0x38;
	[tilespmem:$0x1F800] =	vst v63  }
0x34: {  	_ =	swait.ge [sflag:s26], $0x4000  }
0x35: {  	[sflag:s26] =	ssyncset.done $0x0  }
0x36: {  	[sflag:s26] =	ssyncadd.s32 $0xFFFFC000  }
0x37: {  	[hbm4b:s14+s3] =	stream.linear.scatter [tilespmem:s25], [sflag:$0x2], $0x4000, $0x38;
	[tilespmem:$0x1F800] =	vst v63  }
0x38: {  	_ =	swait.ge [sflag:s26], $0x4000  }
0x39: {  	[sflag:s26] =	ssyncset.done $0x0  }
0x3a: {  	[sflag:s26] =	ssyncadd.s32 $0xFFFFC000  }
0x3b: {  	[tilespmem:s25], [sflag:$0x2] =	stream.linear.gather [spmem:s22], $0x4000, $0x38;
	[tilespmem:$0x1F800] =	vst v63  }
0x3c: {  	_ =	swait.ge [sflag:s26], $0x4000  }
0x3d: {  	[sflag:s26] =	ssyncset.done $0x0  }
0x3e: {  	[sflag:s26] =	ssyncadd.s32 $0xFFFFC000  }
0x3f: {  	[hbm4b:s15+s3] =	stream.linear.scatter [tilespmem:s25], [sflag:$0x2], $0x4000, $0x38;
	[tilespmem:$0x1F800] =	vst v63  }
0x40: {  	_ =	swait.ge [sflag:s26], $0x4000  }
0x41: {  	[sflag:s26] =	ssyncset.done $0x0  }
0x42: {  	[sflag:s26] =	ssyncadd.s32 $0xFFFFC000  }
0x43: {  	[tilespmem:s25], [sflag:$0x2] =	stream.linear.gather [spmem:s23], $0x4000, $0x38;
	[tilespmem:$0x1F800] =	vst v63  }
0x44: {  	s30 =	sadd.s32 $0x1, s30;
	_ =	swait.ge [sflag:s26], $0x4000  }
0x45: {  	p1 =	sne.s32 s30, s24;
	[sflag:s26] =	ssyncset.done $0x0  }
.Ltmp1:
0x46: {  	[sflag:s26] =	ssyncadd.s32 $0xFFFFC000;
	(pc) =	sbr.rel @!p1 .LBB2_13-.Ltmp1, $4  }
0x47: {  	[hbm4b:s16+s3] =	stream.linear.scatter [tilespmem:s25], [sflag:$0x2], $0x4000, $0x38;
	[tilespmem:$0x1F800] =	vst v63  }
0x48: {  	_ =	swait.ge [sflag:s26], $0x4000  }
0x49: {  	[sflag:s26] =	ssyncset.done $0x0  }
0x4a: {  	[sflag:s26] =	ssyncadd.s32 $0xFFFFC000  }
.LBB2_1:
0x4b: {  	[tilespmem:s25], [sflag:$0x2] =	stream.linear.gather [hbm4b:s18+s3], $0x4000, $0x38;
	[tilespmem:$0x1F800] =	vst v63  }
0x4c: {  	_ =	swait.ge [sflag:s26], $0x4000  }
0x4d: {  	[sflag:s26] =	ssyncset.done $0x0  }
0x4e: {  	[sflag:s26] =	ssyncadd.s32 $0xFFFFC000  }
0x4f: {  	[spmem:s19] =	stream.linear.scatter [tilespmem:s25], [sflag:$0x2], $0x4000, $0x38;
	[tilespmem:$0x1F800] =	vst v63  }
0x50: {  	_ =	swait.ge [sflag:s26], $0x4000  }
0x51: {  	[sflag:s26] =	ssyncset.done $0x0  }
0x52: {  	[sflag:s26] =	ssyncadd.s32 $0xFFFFC000  }
0x53: {  	[spmem:s20] =	stream.linear.scatter [tilespmem:s25], [sflag:$0x2], $0x4000, $0x38;
	[tilespmem:$0x1F800] =	vst v63  }
0x54: {  	_ =	swait.ge [sflag:s26], $0x4000  }
0x55: {  	[sflag:s26] =	ssyncset.done $0x0  }
0x56: {  	[sflag:s26] =	ssyncadd.s32 $0xFFFFC000  }
0x57: {  	[spmem:s21] =	stream.linear.scatter [tilespmem:s25], [sflag:$0x2], $0x4000, $0x38;
	[tilespmem:$0x1F800] =	vst v63  }
0x58: {  	_ =	swait.ge [sflag:s26], $0x4000  }
0x59: {  	[sflag:s26] =	ssyncset.done $0x0  }
0x5a: {  	[sflag:s26] =	ssyncadd.s32 $0xFFFFC000  }
0x5b: {  	[spmem:s22] =	stream.linear.scatter [tilespmem:s25], [sflag:$0x2], $0x4000, $0x38;
	[tilespmem:$0x1F800] =	vst v63  }
0x5c: {  	_ =	swait.ge [sflag:s26], $0x4000  }
0x5d: {  	[sflag:s26] =	ssyncset.done $0x0  }
0x5e: {  	[sflag:s26] =	ssyncadd.s32 $0xFFFFC000  }
0x5f: {  	[spmem:s23] =	stream.linear.scatter [tilespmem:s25], [sflag:$0x2], $0x4000, $0x38;
	[tilespmem:$0x1F800] =	vst v63  }
.Ltmp2:
0x60: {  	_ =	swait.ge [sflag:s26], $0x4000;
	(pc) =	sbr.rel @!p0 .LBB2_2-.Ltmp2, $4  }
0x61: {  	[sflag:s26] =	ssyncset.done $0x0  }
0x62: {  	[sflag:s26] =	ssyncadd.s32 $0xFFFFC000  }
0x63: {  	[bflag:$0x0] =	sbarrier.arrive $0xFFFF  }
0x64: {  	s5 =	simm.s32 $0x0  }
0x65: {  	[tilespmem:s5], [sflag:$0x2] =	stream.linear.gather [hbm4b:s10+s5], $0x800, $0x38;
	[tilespmem:$0x1F800] =	vst v63  }
0x66: {  	_ =	swait.ge [sflag:s26], $0x800  }
0x67: {  	[sflag:s26] =	ssyncset.done $0x0  }
0x68: {  	s2 =	simm.s32 $0x1C00;
	[sflag:s26] =	ssyncadd.s32 $0xFFFFF800  }
0x69: {  	[tilespmem:s2], [sflag:$0x2] =	stream.linear.gather [hbm4b:s11+s5], $0x800, $0x38;
	[tilespmem:$0x1F800] =	vst v63  }
0x6a: {  	_ =	swait.ge [sflag:s26], $0x800  }
0x6b: {  	[sflag:s26] =	ssyncset.done $0x0  }
0x6c: {  	s4 =	simm.s32 $0x80;
	[sflag:s26] =	ssyncadd.s32 $0xFFFFF800  }
0x6d: {  	[tilespmem:s25], [sflag:$0x1] =	stream.indirect.gather [hbm4b:s17+s4], $0x80, s5, s4, $0xb8;
	[tilespmem:$0x1F800] =	vst v63  }
0x6e: {  	s7 =	simm.s32 $0x0;
	_ =	swait.ge [sflag:s28], $0x4000  }
0x6f: {  	s5 =	sand.u32 $0x4000, s7;
	[sflag:s28] =	ssyncset.done $0x0  }
0x70: {  	s6 =	sxor.u32 $0x7800, s5;
	[sflag:s28] =	ssyncadd.s32 $0xFFFFC000  }
0x71: {  	[tilespmem:s6], [sflag:$0x1] =	stream.indirect.gather [hbm4b:s17+s29], $0x80, s4, s29, $0xb8;
	[tilespmem:$0x1F800] =	vst v63  }
0x72: {  	s5 =	sor.u32 $0x3800, s5  }
0x73: {  	[spmem:s1] =	stream.indirect.scatter.add.f32 [tilespmem:s5], [sflag:$0x2], $0x80, s2, s29, $0xb8;
	[tilespmem:$0x1F800] =	vst v63  }
0x74: {  	_ =	swait.ge [sflag:s26], $0x4000  }
0x75: {  	s5 =	simm.s32 $0x1;
	[sflag:s26] =	ssyncset.done $0x0  }
.LBB2_10:
0x76: {  	[sflag:s26] =	ssyncadd.s32 $0xFFFFC000;
	s2 =	sadd.s32 $0x80, s2;
	s4 =	sadd.s32 $0x80, s4  }
0x77: {  	p1 =	sne.s32 s5, $0xE;
	s6 =	smov.u32 s5;
	s5 =	sadd.s32 $0x1, s5  }
0x78: {  	s6 =	sshll.u32 s6, $0xE;
	_ =	swait.ge [sflag:s28], $0x4000  }
0x79: {  	s6 =	sand.u32 $0x4000, s6;
	[sflag:s28] =	ssyncset.done $0x0  }
0x7a: {  	s7 =	sxor.u32 $0x7800, s6;
	[sflag:s28] =	ssyncadd.s32 $0xFFFFC000  }
0x7b: {  	[tilespmem:s7], [sflag:$0x1] =	stream.indirect.gather [hbm4b:s17+s29], $0x80, s4, s29, $0xb8;
	[tilespmem:$0x1F800] =	vst v63  }
.Ltmp3:
0x7c: {  	_ = 	snop;
	(pc) =	sbr.rel @p1 .LBB2_10-.Ltmp3, $4  }
0x7d: {  	s6 =	sor.u32 $0x3800, s6  }
0x7e: {  	[spmem:s1] =	stream.indirect.scatter.add.f32 [tilespmem:s6], [sflag:$0x2], $0x80, s2, s29, $0xb8;
	[tilespmem:$0x1F800] =	vst v63  }
0x7f: {  	_ =	swait.ge [sflag:s26], $0x4000  }
0x80: {  	[sflag:s26] =	ssyncset.done $0x0  }
.Ltmp4:
0x81: {  	_ = 	snop;
	(pc) =	sbr.rel .LBB2_11-.Ltmp4, $1  }
0x82: {  	_ =	sdelay $0x3  }
.LBB2_2:
0x83: {  	s2 =	rddreg [dreg:$0x3]  }
0x84: {  	[tilespmem:s5], [sflag:$0x2] =	stream.linear.gather [hbm4b:s2+s5], $0x1C00, $0x38;
	[tilespmem:$0x1F800] =	vst v63  }
0x85: {  	_ =	swait.ge [sflag:s26], $0x1C00  }
0x86: {  	[sflag:s26] =	ssyncset.done $0x0  }
0x87: {  	s2 =	simm.s32 $0x1C00;
	s4 =	rddreg [dreg:$0x4];
	[sflag:s26] =	ssyncadd.s32 $0xFFFFE400  }
0x88: {  	[tilespmem:s2], [sflag:$0x2] =	stream.linear.gather [hbm4b:s4+s5], $0x1C00, $0x38;
	[tilespmem:$0x1F800] =	vst v63  }
0x89: {  	_ =	swait.ge [sflag:s26], $0x1C00  }
0x8a: {  	[sflag:s26] =	ssyncset.done $0x0  }
0x8b: {  	s4 =	simm.s32 $0x80;
	[sflag:s26] =	ssyncadd.s32 $0xFFFFE400  }
0x8c: {  	[tilespmem:s25], [sflag:$0x1] =	stream.indirect.gather [hbm4b:s17+s4], $0x80, s5, s4, $0xb8;
	[tilespmem:$0x1F800] =	vst v63  }
0x8d: {  	s7 =	simm.s32 $0x0;
	_ =	swait.ge [sflag:s28], $0x4000  }
0x8e: {  	s5 =	sand.u32 $0x4000, s7;
	[sflag:s28] =	ssyncset.done $0x0  }
0x8f: {  	s6 =	sxor.u32 $0x7800, s5;
	[sflag:s28] =	ssyncadd.s32 $0xFFFFC000  }
0x90: {  	[tilespmem:s6], [sflag:$0x1] =	stream.indirect.gather [hbm4b:s17+s29], $0x80, s4, s29, $0xb8;
	[tilespmem:$0x1F800] =	vst v63  }
0x91: {  	s5 =	sor.u32 $0x3800, s5  }
0x92: {  	[spmem:s1] =	stream.indirect.scatter.add.f32 [tilespmem:s5], [sflag:$0x2], $0x80, s2, s29, $0xb8;
	[tilespmem:$0x1F800] =	vst v63  }
0x93: {  	_ =	swait.ge [sflag:s26], $0x4000  }
0x94: {  	s5 =	simm.s32 $0x1;
	[sflag:s26] =	ssyncset.done $0x0  }
.LBB2_3:
0x95: {  	[sflag:s26] =	ssyncadd.s32 $0xFFFFC000;
	s2 =	sadd.s32 $0x80, s2;
	s4 =	sadd.s32 $0x80, s4  }
0x96: {  	p1 =	sne.s32 s5, $0x36;
	s6 =	smov.u32 s5;
	s5 =	sadd.s32 $0x1, s5  }
0x97: {  	s6 =	sshll.u32 s6, $0xE;
	_ =	swait.ge [sflag:s28], $0x4000  }
0x98: {  	s6 =	sand.u32 $0x4000, s6;
	[sflag:s28] =	ssyncset.done $0x0  }
0x99: {  	s7 =	sxor.u32 $0x7800, s6;
	[sflag:s28] =	ssyncadd.s32 $0xFFFFC000  }
0x9a: {  	[tilespmem:s7], [sflag:$0x1] =	stream.indirect.gather [hbm4b:s17+s29], $0x80, s4, s29, $0xb8;
	[tilespmem:$0x1F800] =	vst v63  }
.Ltmp5:
0x9b: {  	_ = 	snop;
	(pc) =	sbr.rel @p1 .LBB2_3-.Ltmp5, $4  }
0x9c: {  	s6 =	sor.u32 $0x3800, s6  }
0x9d: {  	[spmem:s1] =	stream.indirect.scatter.add.f32 [tilespmem:s6], [sflag:$0x2], $0x80, s2, s29, $0xb8;
	[tilespmem:$0x1F800] =	vst v63  }
0x9e: {  	_ =	swait.ge [sflag:s26], $0x4000  }
0x9f: {  	[sflag:s26] =	ssyncset.done $0x0  }
0xa0: {  	[sflag:s26] =	ssyncadd.s32 $0xFFFFC000  }
0xa1: {  	_ =	swait.ge [sflag:s28], $0x4000  }
0xa2: {  	[sflag:s28] =	ssyncset.done $0x0  }
0xa3: {  	s2 =	simm.s32 $0x80;
	[sflag:s28] =	ssyncadd.s32 $0xFFFFC000  }
0xa4: {  	[spmem:s1] =	stream.indirect.scatter.add.f32 [tilespmem:s31], [sflag:$0x2], $0x80, s0, s2, $0xb8;
	[tilespmem:$0x1F800] =	vst v63  }
0xa5: {  	_ =	swait.ge [sflag:s26], $0x4000  }
0xa6: {  	[sflag:s26] =	ssyncset.done $0x0  }
0xa7: {  	s5 =	simm.s32 $0x0;
	s4 =	rddreg [dreg:$0x5];
	[sflag:s26] =	ssyncadd.s32 $0xFFFFC000  }
0xa8: {  	[tilespmem:s5], [sflag:$0x2] =	stream.linear.gather [hbm4b:s4+s5], $0x1C00, $0x38;
	[tilespmem:$0x1F800] =	vst v63  }
0xa9: {  	_ =	swait.ge [sflag:s26], $0x1C00  }
0xaa: {  	[sflag:s26] =	ssyncset.done $0x0  }
0xab: {  	s4 =	simm.s32 $0x1C00;
	s6 =	rddreg [dreg:$0x6];
	[sflag:s26] =	ssyncadd.s32 $0xFFFFE400  }
0xac: {  	[tilespmem:s4], [sflag:$0x2] =	stream.linear.gather [hbm4b:s6+s5], $0x1C00, $0x38;
	[tilespmem:$0x1F800] =	vst v63  }
0xad: {  	_ =	swait.ge [sflag:s26], $0x1C00  }
0xae: {  	[sflag:s26] =	ssyncset.done $0x0  }
0xaf: {  	[sflag:s26] =	ssyncadd.s32 $0xFFFFE400  }
0xb0: {  	[tilespmem:s25], [sflag:$0x1] =	stream.indirect.gather [hbm4b:s17+s2], $0x80, s5, s2, $0xb8;
	[tilespmem:$0x1F800] =	vst v63  }
0xb1: {  	s6 =	simm.s32 $0x0;
	_ =	swait.ge [sflag:s28], $0x4000  }
0xb2: {  	s5 =	sand.u32 $0x4000, s6;
	[sflag:s28] =	ssyncset.done $0x0  }
0xb3: {  	s7 =	sxor.u32 $0x7800, s5;
	[sflag:s28] =	ssyncadd.s32 $0xFFFFC000  }
0xb4: {  	[tilespmem:s7], [sflag:$0x1] =	stream.indirect.gather [hbm4b:s17+s29], $0x80, s2, s29, $0xb8;
	[tilespmem:$0x1F800] =	vst v63  }
0xb5: {  	s5 =	sor.u32 $0x3800, s5  }
0xb6: {  	[spmem:s1] =	stream.indirect.scatter.add.f32 [tilespmem:s5], [sflag:$0x2], $0x80, s4, s29, $0xb8;
	[tilespmem:$0x1F800] =	vst v63  }
0xb7: {  	_ =	swait.ge [sflag:s26], $0x4000  }
0xb8: {  	s5 =	simm.s32 $0x1;
	[sflag:s26] =	ssyncset.done $0x0  }
.LBB2_5:
0xb9: {  	[sflag:s26] =	ssyncadd.s32 $0xFFFFC000;
	s4 =	sadd.s32 $0x80, s4;
	s2 =	sadd.s32 $0x80, s2  }
0xba: {  	p1 =	sne.s32 s5, $0x36;
	s6 =	smov.u32 s5;
	s5 =	sadd.s32 $0x1, s5  }
0xbb: {  	s6 =	sshll.u32 s6, $0xE;
	_ =	swait.ge [sflag:s28], $0x4000  }
0xbc: {  	s6 =	sand.u32 $0x4000, s6;
	[sflag:s28] =	ssyncset.done $0x0  }
0xbd: {  	s7 =	sxor.u32 $0x7800, s6;
	[sflag:s28] =	ssyncadd.s32 $0xFFFFC000  }
0xbe: {  	[tilespmem:s7], [sflag:$0x1] =	stream.indirect.gather [hbm4b:s17+s29], $0x80, s2, s29, $0xb8;
	[tilespmem:$0x1F800] =	vst v63  }
.Ltmp6:
0xbf: {  	_ = 	snop;
	(pc) =	sbr.rel @p1 .LBB2_5-.Ltmp6, $4  }
0xc0: {  	s6 =	sor.u32 $0x3800, s6  }
0xc1: {  	[spmem:s1] =	stream.indirect.scatter.add.f32 [tilespmem:s6], [sflag:$0x2], $0x80, s4, s29, $0xb8;
	[tilespmem:$0x1F800] =	vst v63  }
0xc2: {  	_ =	swait.ge [sflag:s26], $0x4000  }
0xc3: {  	[sflag:s26] =	ssyncset.done $0x0  }
0xc4: {  	[sflag:s26] =	ssyncadd.s32 $0xFFFFC000  }
0xc5: {  	_ =	swait.ge [sflag:s28], $0x4000  }
0xc6: {  	[sflag:s28] =	ssyncset.done $0x0  }
0xc7: {  	s2 =	simm.s32 $0x80;
	[sflag:s28] =	ssyncadd.s32 $0xFFFFC000  }
0xc8: {  	[spmem:s1] =	stream.indirect.scatter.add.f32 [tilespmem:s31], [sflag:$0x2], $0x80, s0, s2, $0xb8;
	[tilespmem:$0x1F800] =	vst v63  }
0xc9: {  	_ =	swait.ge [sflag:s26], $0x4000  }
0xca: {  	[sflag:s26] =	ssyncset.done $0x0  }
0xcb: {  	s5 =	simm.s32 $0x0;
	[sflag:s26] =	ssyncadd.s32 $0xFFFFC000  }
0xcc: {  	[tilespmem:s5], [sflag:$0x2] =	stream.linear.gather [hbm4b:s8+s5], $0x1000, $0x38;
	[tilespmem:$0x1F800] =	vst v63  }
0xcd: {  	_ =	swait.ge [sflag:s26], $0x1000  }
0xce: {  	[sflag:s26] =	ssyncset.done $0x0  }
0xcf: {  	s4 =	simm.s32 $0x1C00;
	[sflag:s26] =	ssyncadd.s32 $0xFFFFF000  }
0xd0: {  	[tilespmem:s4], [sflag:$0x2] =	stream.linear.gather [hbm4b:s9+s5], $0x1000, $0x38;
	[tilespmem:$0x1F800] =	vst v63  }
0xd1: {  	_ =	swait.ge [sflag:s26], $0x1000  }
0xd2: {  	[sflag:s26] =	ssyncset.done $0x0  }
0xd3: {  	[sflag:s26] =	ssyncadd.s32 $0xFFFFF000  }
0xd4: {  	[tilespmem:s25], [sflag:$0x1] =	stream.indirect.gather [hbm4b:s17+s2], $0x80, s5, s2, $0xb8;
	[tilespmem:$0x1F800] =	vst v63  }
0xd5: {  	s7 =	simm.s32 $0x0;
	_ =	swait.ge [sflag:s28], $0x4000  }
0xd6: {  	s5 =	sand.u32 $0x4000, s7;
	[sflag:s28] =	ssyncset.done $0x0  }
0xd7: {  	s6 =	sxor.u32 $0x7800, s5;
	[sflag:s28] =	ssyncadd.s32 $0xFFFFC000  }
0xd8: {  	[tilespmem:s6], [sflag:$0x1] =	stream.indirect.gather [hbm4b:s17+s29], $0x80, s2, s29, $0xb8;
	[tilespmem:$0x1F800] =	vst v63  }
0xd9: {  	s5 =	sor.u32 $0x3800, s5  }
0xda: {  	[spmem:s1] =	stream.indirect.scatter.add.f32 [tilespmem:s5], [sflag:$0x2], $0x80, s4, s29, $0xb8;
	[tilespmem:$0x1F800] =	vst v63  }
0xdb: {  	_ =	swait.ge [sflag:s26], $0x4000  }
0xdc: {  	s5 =	simm.s32 $0x1;
	[sflag:s26] =	ssyncset.done $0x0  }
.LBB2_7:
0xdd: {  	[sflag:s26] =	ssyncadd.s32 $0xFFFFC000;
	s4 =	sadd.s32 $0x80, s4;
	s2 =	sadd.s32 $0x80, s2  }
0xde: {  	p1 =	seq.s32 s5, $0x1E;
	s6 =	smov.u32 s5;
	s5 =	sadd.s32 $0x1, s5  }
0xdf: {  	s6 =	sshll.u32 s6, $0xE;
	_ =	swait.ge [sflag:s28], $0x4000  }
0xe0: {  	s6 =	sand.u32 $0x4000, s6;
	[sflag:s28] =	ssyncset.done $0x0  }
0xe1: {  	s7 =	sxor.u32 $0x7800, s6;
	[sflag:s28] =	ssyncadd.s32 $0xFFFFC000  }
0xe2: {  	[tilespmem:s7], [sflag:$0x1] =	stream.indirect.gather [hbm4b:s17+s29], $0x80, s2, s29, $0xb8;
	[tilespmem:$0x1F800] =	vst v63  }
.Ltmp7:
0xe3: {  	_ = 	snop;
	(pc) =	sbr.rel @!p1 .LBB2_7-.Ltmp7, $4  }
0xe4: {  	s6 =	sor.u32 $0x3800, s6  }
0xe5: {  	[spmem:s1] =	stream.indirect.scatter.add.f32 [tilespmem:s6], [sflag:$0x2], $0x80, s4, s29, $0xb8;
	[tilespmem:$0x1F800] =	vst v63  }
0xe6: {  	_ =	swait.ge [sflag:s26], $0x4000  }
0xe7: {  	[sflag:s26] =	ssyncset.done $0x0  }
.Ltmp8:
0xe8: {  	[sflag:s26] =	ssyncadd.s32 $0xFFFFC000;
	(pc) =	sbr.rel .LBB2_12-.Ltmp8, $4  }
0xe9: {  	_ =	swait.ge [sflag:s28], $0x4000  }
0xea: {  	[sflag:s28] =	ssyncset.done $0x0  }
0xeb: {  	s2 =	simm.s32 $0x2B80;
	[sflag:s28] =	ssyncadd.s32 $0xFFFFC000  }
0xec: {  	[spmem:s1] =	stream.indirect.scatter.add.f32 [tilespmem:s31], [sflag:$0x2], $0x80, s2, s29, $0xb8;
	[tilespmem:$0x1F800] =	vst v63  }
.LBB2_13:
0xed: {  	_ =	sfence.sel $0x180000  }
0xee: {  	[bflag:$0x0] =	sbarrier.arrive $0xFFFF  }
0xef: {  	_ =	strace $0x9000004A  }
0xf0: {  	s0 =	stileid.u32;
	[bflag:$0x2] =	sbarrier.arrive $0xFFFF  }
0xf1: {  	p0 =	sne.s32 s0, $0x0;
	s0 =	rddreg [dreg:$0x2]  }
0xf2: {  	s0 =	sadd.s32 @!p0 $0x100000, s0  }
0xf3: {  	[sflag:s0] =	ssyncadd.tile.s32 @!p0 $0x1;
	_ =	shalt  }
.Lfunc_end2:
_tile_overlayer_lowered:
.L_overlay_start_2:
0xf4: {  	(tag) =	ssettag $0x2  }
0xf5: {  	s0 =	rddreg [dreg:$0x0];
	s2 =	stileid.u32  }
0xf6: {  	s1 =	rddreg [dreg:$0x1];
	p0 =	sne.s32 s2, $0x0  }
0xf7: {  	s3 =	rddreg [dreg:$0x2];
	[bflag:$0x3] =	sbarrier.arrive $0xFFFF;
	s2 =	simm.s32 @!p0 $0x1C02  }
0xf8: {  	[timem:s3], [sflag:s2] =	dma.local @!p0 [hbm:s0], s1  }
0xf9: {  	s0 =	simm.s32 @!p0 $0x2  }
0xfa: {  	_ =	swait.ge @!p0 [sflag:s0], s1  }
0xfb: {  	s1 =	ssub.s32 @!p0 $0x0, s1;
	[sflag:s0] =	ssyncset.done @!p0 $0x0  }
0xfc: {  	[sflag:s0] =	ssyncadd.s32 @!p0 s1  }
0xfd: {  	[bflag:$0x3] =	sbarrier.arrive $0xFFFF  }
0xfe: {  	_ =	shalt  }

// kernel: kernel.14.cloned.1.call-start
scs
__scs_entry_jumppad:
0x0: {  	(pc) =	sbr.rel $0x88, $3  }
0x1: {  	(tag) =	ssettag $0x0;
	lr =	simm.s32 $0x1  }
0x2: {  	[smem:$0x3F98] =	sst lr;
	_ =	strace $0xD0000000  }
0x3: {  	_ = 	snop  }
0x4: {  	_ = 	snop  }
0x5: {  	_ = 	snop  }
0x6: {  	_ = 	snop  }
0x7: {  	_ = 	snop  }
__scs_overlays_trampoline_lowered:
0x8: {  	[smem:$0x3FA7] =	sst s0  }
0x9: {  	[smem:$0x3FA8] =	sst s1  }
0xa: {  	[smem:$0x3FA9] =	sst s2  }
0xb: {  	[smem:$0x3FAA] =	sst s3  }
0xc: {  	[smem:$0x3FAB] =	sst s4  }
0xd: {  	[smem:$0x3FAC] =	sst s5  }
0xe: {  	[smem:$0x3FAD] =	sst s6  }
0xf: {  	[smem:$0x3FAE] =	sst s7  }
0x10: {  	[smem:$0x3FAF] =	sst s8  }
0x11: {  	[smem:$0x3FB0] =	sst s9;
	s0 =	simm.s32 @!p0 $0x0  }
0x12: {  	s1 =	sld [smem:$0x3F96];
	s0 =	simm.s32 @p0 $0x1  }
0x13: {  	[smem:$0x3FB1] =	sst s0;
	s0 =	simm.s32 @!p1 $0x0  }
0x14: {  	s2 =	sld [smem:$0x3F95];
	s0 =	simm.s32 @p1 $0x1  }
0x15: {  	[smem:$0x3FB2] =	sst s0;
	s0 =	simm.s32 @!p2 $0x0  }
0x16: {  	s3 =	sld [smem:$0x3FDB];
	s0 =	simm.s32 @p2 $0x1  }
0x17: {  	s4 =	simm.s32 $0x1BF5;
	[smem:$0x3FB4] =	sst s0  }
0x18: {  	s0 =	sld [smem:$0x3F97];
	_ =	swait.ge [sflag:s4], $0x0  }
0x19: {  	s7 =	sld [smem:$0x3F98]  }
0x1a: {  	s8 =	sadd.s32 $0xFFFFE003, lr  }
0x1b: {  	s9 =	sadd.s32 $0xFFFFFEF7, lr;
	s5 =	simm.s32 $0xFFFFFFFF;
	p2 =	slt.u32 s8, $0xFFFFF086  }
0x1c: {  	p1 =	slt.u32 s9, $0xF7A;
	s5 =	simm.s32 @!p2 $0x0  }
0x1d: {  	s5 =	simm.s32 @p1 $0x1;
	p0 =	seq.s32 s7, s2  }
0x1e: {  	s7 =	smul.u32 @!p0 $0xF7A, s2;
	p2 =	seq.s32 @!p0 s5, $0x0  }
0x1f: {  	s9 =	smul.u32 $0xF7A, s1;
	s8 =	simm.s32 @!p0 $0x1BF5;
	p2 =	por !p2, p0  }
0x20: {  	[sflag:s8] =	ssyncset.s32 @!p0 $0xFFFFF086;
	s6 =	sadd.s32 @!p0 s3, s7;
	s7 =	simm.s32 @!p0 $0x108  }
0x21: {  	s3 =	sadd.s32 s3, s9;
	s6 =	sadd.s32 @!p0 $0x88, s6;
	s7 =	simm.s32 @p2 $0x1082  }
0x22: {  	[simem:s7], [sflag:s8] =	dma.local @!p0 [hbm:s6], $0xF7A  }
0x23: {  	s9 =	sor.u32 $0xD0000000, s2;
	s6 =	simm.s32 $0x108;
	_ =	swait.ge @!p0 [sflag:s8], $0x0  }
0x24: {  	s3 =	sadd.s32 $0x88, s3;
	s6 =	simm.s32 @!p1 $0x1082;
	[sflag:s4] =	ssyncset.s32 $0xFFFFF086  }
0x25: {  	[simem:s6], [sflag:s4] =	dma.local [hbm:s3], $0xF7A  }
0x26: {  	[smem:$0x3F98] =	sst s1;
	(tag) =	ssettag s2;
	_ =	strace s9  }
0x27: {  	s1 =	sld [smem:$0x3FA8]  }
0x28: {  	s2 =	sld [smem:$0x3FA9]  }
0x29: {  	s4 =	sld [smem:$0x3FAB]  }
0x2a: {  	p0 =	seq.s32 s5, $0x0;
	s5 =	sld [smem:$0x3FAC]  }
0x2b: {  	s6 =	sld [smem:$0x3FAD]  }
0x2c: {  	s7 =	sld [smem:$0x3FAE]  }
0x2d: {  	s3 =	simm.s32 $0x108;
	s8 =	sld [smem:$0x3FAF]  }
0x2e: {  	s3 =	simm.s32 @!p0 $0x1082;
	s9 =	sld [smem:$0x3FB0]  }
0x2f: {  	lr =	sadd.s32 s0, s3;
	s0 =	sld [smem:$0x3FA7]  }
0x30: {  	s3 =	sld [smem:$0x3FAA]  }
0x31: {  	[smem:$0x3FB3] =	sst s10  }
0x32: {  	s10 =	sld [smem:$0x3FB1];
	_ =	sdelay $0x3  }
0x33: {  	p0 =	seq.s32 s10, $0x1;
	s10 =	sld [smem:$0x3FB3];
	_ =	sdelay $0x3  }
0x34: {  	[smem:$0x3FB3] =	sst s10  }
0x35: {  	s10 =	sld [smem:$0x3FB2];
	_ =	sdelay $0x3  }
0x36: {  	p1 =	seq.s32 s10, $0x1;
	s10 =	sld [smem:$0x3FB3];
	_ =	sdelay $0x3  }
0x37: {  	[smem:$0x3FB3] =	sst s10  }
0x38: {  	s10 =	sld [smem:$0x3FB4]  }
0x39: {  	_ = 	snop;
	(pc) =	sbr.ind lr, $3  }
0x3a: {  	_ = 	snop  }
0x3b: {  	_ = 	snop  }
0x3c: {  	p2 =	seq.s32 s10, $0x1;
	s10 =	sld [smem:$0x3FB3]  }
0x3d: {  	_ =	shalt  }
0x3e: {  	_ =	shalt  }
0x3f: {  	_ =	shalt  }
0x40: {  	_ =	shalt  }
0x41: {  	_ =	shalt  }
0x42: {  	_ =	shalt  }
0x43: {  	_ =	shalt  }
0x44: {  	_ =	shalt  }
0x45: {  	_ =	shalt  }
0x46: {  	_ =	shalt  }
0x47: {  	_ =	shalt  }
0x48: {  	_ =	shalt  }
0x49: {  	_ =	shalt  }
0x4a: {  	_ =	shalt  }
0x4b: {  	_ =	shalt  }
0x4c: {  	_ =	shalt  }
0x4d: {  	_ =	shalt  }
0x4e: {  	_ =	shalt  }
0x4f: {  	_ =	shalt  }
0x50: {  	_ =	shalt  }
0x51: {  	_ =	shalt  }
0x52: {  	_ =	shalt  }
0x53: {  	_ =	shalt  }
0x54: {  	_ =	shalt  }
0x55: {  	_ =	shalt  }
0x56: {  	_ =	shalt  }
0x57: {  	_ =	shalt  }
0x58: {  	_ =	shalt  }
0x59: {  	_ =	shalt  }
0x5a: {  	_ =	shalt  }
0x5b: {  	_ =	shalt  }
0x5c: {  	_ =	shalt  }
0x5d: {  	_ =	shalt  }
0x5e: {  	_ =	shalt  }
0x5f: {  	_ =	shalt  }
0x60: {  	_ =	shalt  }
0x61: {  	_ =	shalt  }
0x62: {  	_ =	shalt  }
0x63: {  	_ =	shalt  }
0x64: {  	_ =	shalt  }
0x65: {  	_ =	shalt  }
0x66: {  	_ =	shalt  }
0x67: {  	_ =	shalt  }
0x68: {  	_ =	shalt  }
0x69: {  	_ =	shalt  }
0x6a: {  	_ =	shalt  }
0x6b: {  	_ =	shalt  }
0x6c: {  	_ =	shalt  }
0x6d: {  	_ =	shalt  }
0x6e: {  	_ =	shalt  }
0x6f: {  	_ =	shalt  }
0x70: {  	_ =	shalt  }
0x71: {  	_ =	shalt  }
0x72: {  	_ =	shalt  }
0x73: {  	_ =	shalt  }
0x74: {  	_ =	shalt  }
0x75: {  	_ =	shalt  }
0x76: {  	_ =	shalt  }
0x77: {  	_ =	shalt  }
0x78: {  	_ =	shalt  }
0x79: {  	_ =	shalt  }
0x7a: {  	_ =	shalt  }
0x7b: {  	_ =	shalt  }
0x7c: {  	_ =	shalt  }
0x7d: {  	_ =	shalt  }
0x7e: {  	_ =	shalt  }
0x7f: {  	_ =	shalt  }
0x80: {  	_ =	shalt  }
0x81: {  	_ =	shalt  }
0x82: {  	_ =	shalt  }
0x83: {  	_ =	shalt  }
0x84: {  	_ =	shalt  }
0x85: {  	_ =	shalt  }
0x86: {  	_ =	shalt  }
0x87: {  	_ =	shalt  }
.Lfunc_end0:
.L_simem_size_0:
called_computation.2_lowered:
.L_overlay_start_0:
0x88: {  	s2 =	sld [smem:$0x3FD9]  }
0x89: {  	s3 =	sld [smem:$0x3FFE];
	_ =	sdelay $0x1  }
0x8a: {  	s1 =	srdreg.scid  }
0x8b: {  	s0 =	sand.u32 $0x1, s1  }
0x8c: {  	s16 =	sshll.u32 s0, $0xA;
	s2 =	sadd.s32 s3, s2  }
0x8d: {  	s2 =	sadd.s32 s2, s16  }
0x8e: {  	[smem:$0x3FBF] =	sst s2  }
0x8f: {  	_ = 	snop  }
0x90: {  	(tm) =	ssettm $0x1  }
0x91: {  	s17 =	sld [smem:$0x3FFB];
	_ =	sdelay $0x3  }
0x92: {  	_ =	strace s17  }
0x93: {  	s2 =	sld [smem:$0x3FFC];
	_ =	sdelay $0x3  }
0x94: {  	_ =	strace s2  }
0x95: {  	s2 =	sld [smem:$0x3FFD];
	_ =	sdelay $0x3  }
0x96: {  	_ =	strace s2  }
0x97: {  	_ =	strace $0x8FFFFFFF  }
0x98: {  	s18 =	sld [smem:$0x3FDB];
	_ =	sdelay $0x1  }
0x99: {  	s19 =	simm.s32 $_scs_section_size  }
0x9a: {  	s4 =	simm.s32 $_size__tile_overlayer_lowered;
	s5 =	simm.s32 $_tile_overlayer_lowered  }
0x9b: {  	s22 =	simm.s32 $0x1BFF;
	s21 =	sshll.u32 s5, $0x1;
	s2 =	sadd.s32 s19, s18  }
0x9c: {  	s6 =	simm.s32 $0x0;
	s20 =	sshll.u32 s4, $0x1;
	s4 =	sadd.s32 s21, s2  }
0x9d: {  	[timem:s6], [sflag:s22] =	dma.local [hbm:s4], s20  }
0x9e: {  	_ =	swait.ge [sflag:s22], s20  }
0x9f: {  	s3 =	ssub.s32 $0x0, s20;
	[sflag:s22] =	ssyncset.done $0x0  }
0xa0: {  	[sflag:s22] =	ssyncadd.s32 s3;
	_ =	sdelay $0x1  }
0xa1: {  	s23 =	simm.s32 $0x1B8B  }
0xa2: {  	_ =	swait.ge [sflag:s23], $0x1  }
0xa3: {  	[sflag:s23] =	ssyncset.done $0x0  }
0xa4: {  	s25 =	simm.s32 $0x1B8E;
	s24 =	sld [smem:$0x3FFE];
	[sflag:s23] =	ssyncadd.s32 $0xFFFFFFFF  }
0xa5: {  	s26 =	simm.s32 $execute0_lowered;
	[smem:$0x3FD2] =	sst s25  }
0xa6: {  	s4 =	sshll.u32 s26, $0x1;
	_ =	strace $0x8000004C;
	[dreg:$0x1] =	wrdreg $0xFFFFFFFF  }
0xa7: {  	s28 =	simm.s32 $_size_execute0_lowered;
	s2 =	sadd.s32 s2, s4;
	[dreg:$0x0] =	wrdreg $0x0  }
0xa8: {  	s4 =	sshll.u32 s28, $0x1;
	[dreg:$0x2] =	wrdreg s2  }
0xa9: {  	[dreg:$0x3] =	wrdreg s4  }
0xaa: {  	[dreg:$0x4] =	wrdreg $0xC0  }
0xab: {  	_ =	task [dreg:s6], $0x5FFFF  }
0xac: {  	[dreg:$0x1] =	wrdreg $0xFFFFFFFF  }
0xad: {  	[dreg:$0x0] =	wrdreg $0x60  }
0xae: {  	[dreg:$0x2] =	wrdreg s24  }
0xaf: {  	[dreg:$0x3] =	wrdreg $0xB8000  }
0xb0: {  	[dreg:$0x4] =	wrdreg $0x9  }
0xb1: {  	_ =	task.clear_ibuf [dreg:s6], $0x5FFFF;
	_ =	strace $0x9000004C  }
0xb2: {  	s29 =	simm.s32 $0x9;
	_ =	strace $0x8000004E  }
0xb3: {  	_ =	swait.ge [sflag:s29], $0x1  }
0xb4: {  	[sflag:s29] =	ssyncadd.s32 $0xFFFFFFFF  }
0xb5: {  	_ =	strace $0x9000004E  }
0xb6: {  	_ =	sfence  }
0xb7: {  	s30 =	sld [smem:$0x0];
	_ =	sdelay $0x2  }
0xb8: {  	s31 =	sshll.u32 s1, $0xD;
	s1 =	sshrl.u32 s1, $0x2  }
0xb9: {  	s3 =	sand.u32 $0x4000, s31;
	s1 =	sadd.s32 s1, s30  }
0xba: {  	s0 =	sor.u32 s3, s0;
	s1 =	sshll.u32 s1, $0x11  }
0xbb: {  	s0 =	sor.u32 s1, s0  }
0xbc: {  	s0 =	sadd.s32 $0x8F2B, s0  }
0xbd: {  	[sflag:s0] =	ssyncadd.remote.s32 $0x1  }
0xbe: {  	_ =	sfence.sel $0xFFFF  }
0xbf: {  	[dreg:$0x0] =	wrdreg $0xFFFFFFFF;
	(pc) =	sbr.abs _section_cstart, $3  }
0xc0: {  	[dreg:$0x1] =	wrdreg $0xFFFFFFFF  }
0xc1: {  	_ =	task.clear_ibuf [dreg:s6], $0x2FFFF;
	_ =	strace $0x9FFFFFFF  }
0xc2: {  	(tm) =	ssettm $0x7FFFFFFF  }
0xc3: {  	_ =	shalt  }
tec
execute0_lowered:
.L_overlay_start_1:
0x0: {  	(tag) =	ssettag $0x1  }
0x1: {  	s0 =	rddreg [dreg:$0x0]  }
0x2: {  	s1 =	rddreg [dreg:$0x1];
	s3 =	simm.s32 $0x0;
	s2 =	srdreg.scid  }
0x3: {  	s12 =	stileid.u32;
	s28 =	simm.s32 $0x1;
	s29 =	simm.s32 $0x80  }
0x4: {  	s31 =	simm.s32 $0x7800;
	s30 =	simm.s32 $0x0;
	[smem:$0x7FF] =	sst s3  }
0x5: {  	s4 =	sadd.s32 $0x68000, s0;
	s2 =	sand.u32 $0x1, s2;
	s5 =	smul.u32 $0x50000, s12  }
0x6: {  	s11 =	sadd.s32 $0xD000, s0;
	s10 =	smul.u32 $0x14000, s12;
	s16 =	sadd.s32 $0x9A000, s0  }
0x7: {  	s8 =	smul.u32 $0x4800, s12;
	_ =	strace $0x8000004D;
	s6 =	ssub.s32 $0x2, s2  }
0x8: {  	p0 =	seq.s32 s2, $0x0;
	s7 =	sshrl.u32 s6, $0x1;
	s5 =	sshrl.u32 s5, $0x2  }
0x9: {  	s20 =	sadd.s32 $0x4000, s10;
	s21 =	sadd.s32 $0x8000, s10;
	s8 =	sshrl.u32 s8, $0x3  }
0xa: {  	s22 =	sadd.s32 $0xC000, s10;
	s23 =	sadd.s32 $0x10000, s10;
	s24 =	ssub.s32 s6, s7  }
0xb: {  	s7 =	smul.u32 $0x900, s12;
	s13 =	sadd.s32 $0x380, s8;
	s17 =	sadd.s32 $0x700, s8  }
0xc: {  	s12 =	sshll.u32 s12, $0x8;
	s14 =	sadd.s32 s4, s13;
	s15 =	sadd.s32 s11, s13  }
0xd: {  	s8 =	sadd.s32 s4, s17;
	s12 =	sor.u32 $0x9000, s12;
	[dreg:$0x5] =	wrdreg s14  }
0xe: {  	s24 =	smax.u32 s24, $0x1;
	s9 =	sadd.s32 s4, s7;
	[dreg:$0x6] =	wrdreg s15  }
0xf: {  	s6 =	sadd.s32 s11, s7;
	s14 =	smul.u32 $0x140000, s2;
	[dreg:$0x3] =	wrdreg s9  }
0x10: {  	[dreg:$0x4] =	wrdreg s6;
	s9 =	sadd.s32 s11, s17;
	s11 =	sadd.s32 s11, s12  }
0x11: {  	s13 =	sadd.s32 s10, s14;
	s15 =	sadd.s32 s14, s20;
	s10 =	sadd.s32 s4, s12  }
0x12: {  	s25 =	sadd.s32 s14, s21;
	s26 =	sadd.s32 s14, s22;
	s14 =	sadd.s32 s14, s23  }
0x13: {  	s20 =	sadd.s32 s20, s1;
	s21 =	sadd.s32 s21, s1;
	s22 =	sadd.s32 s22, s1  }
0x14: {  	s23 =	sadd.s32 s23, s1;
	s18 =	sshrl.u32 s13, $0x3;
	s19 =	sshrl.u32 s15, $0x3  }
.Ltmp0:
0x15: {  	s4 =	sshrl.u32 s25, $0x3;
	s15 =	sshrl.u32 s26, $0x3;
	(pc) =	sbr.rel .LBB2_1-.Ltmp0, $4  }
0x16: {  	s17 =	sshrl.u32 s14, $0x3;
	s25 =	simm.s32 $0x3800;
	s26 =	simm.s32 $0x2  }
0x17: {  	s12 =	sadd.s32 s16, s18;
	s13 =	sadd.s32 s16, s19;
	s14 =	sadd.s32 s16, s4  }
0x18: {  	s15 =	sadd.s32 s16, s15;
	s16 =	sadd.s32 s16, s17;
	s17 =	sadd.s32 $0x72000, s0  }
0x19: {  	s18 =	sadd.s32 $0x17000, s0;
	s19 =	sadd.s32 s5, s1;
	s0 =	simm.s32 $0x3780  }
.LBB2_11:
0x1a: {  	[sflag:s26] =	ssyncadd.s32 $0xFFFFC000  }
0x1b: {  	_ =	swait.ge [sflag:s28], $0x4000  }
0x1c: {  	[sflag:s28] =	ssyncset.done $0x0  }
0x1d: {  	s2 =	simm.s32 $0x2380;
	[sflag:s28] =	ssyncadd.s32 $0xFFFFC000  }
0x1e: {  	[spmem:s1] =	stream.indirect.scatter.add.f32 [tilespmem:s31], [sflag:$0x2], $0x80, s2, s29, $0xb8;
	[tilespmem:$0x1F800] =	vst v63  }
.LBB2_12:
0x1f: {  	_ =	swait.ge [sflag:s26], $0x4000  }
0x20: {  	[sflag:s26] =	ssyncset.done $0x0  }
0x21: {  	[sflag:s26] =	ssyncadd.s32 $0xFFFFC000  }
0x22: {  	[bflag:$0x0] =	sbarrier.arrive $0xFFFF  }
0x23: {  	[tilespmem:s25], [sflag:$0x2] =	stream.linear.gather [spmem:s19], $0x4000, $0x38;
	[tilespmem:$0x1F800] =	vst v63  }
0x24: {  	_ =	swait.ge [sflag:s26], $0x4000  }
0x25: {  	[sflag:s26] =	ssyncset.done $0x0  }
0x26: {  	[sflag:s26] =	ssyncadd.s32 $0xFFFFC000  }
0x27: {  	[hbm4b:s12+s3] =	stream.linear.scatter [tilespmem:s25], [sflag:$0x2], $0x4000, $0x38;
	[tilespmem:$0x1F800] =	vst v63  }
0x28: {  	_ =	swait.ge [sflag:s26], $0x4000  }
0x29: {  	[sflag:s26] =	ssyncset.done $0x0  }
0x2a: {  	[sflag:s26] =	ssyncadd.s32 $0xFFFFC000  }
0x2b: {  	[tilespmem:s25], [sflag:$0x2] =	stream.linear.gather [spmem:s20], $0x4000, $0x38;
	[tilespmem:$0x1F800] =	vst v63  }
0x2c: {  	_ =	swait.ge [sflag:s26], $0x4000  }
0x2d: {  	[sflag:s26] =	ssyncset.done $0x0  }
0x2e: {  	[sflag:s26] =	ssyncadd.s32 $0xFFFFC000  }
0x2f: {  	[hbm4b:s13+s3] =	stream.linear.scatter [tilespmem:s25], [sflag:$0x2], $0x4000, $0x38;
	[tilespmem:$0x1F800] =	vst v63  }
0x30: {  	_ =	swait.ge [sflag:s26], $0x4000  }
0x31: {  	[sflag:s26] =	ssyncset.done $0x0  }
0x32: {  	[sflag:s26] =	ssyncadd.s32 $0xFFFFC000  }
0x33: {  	[tilespmem:s25], [sflag:$0x2] =	stream.linear.gather [spmem:s21], $0x4000, $0x38;
	[tilespmem:$0x1F800] =	vst v63  }
0x34: {  	_ =	swait.ge [sflag:s26], $0x4000  }
0x35: {  	[sflag:s26] =	ssyncset.done $0x0  }
0x36: {  	[sflag:s26] =	ssyncadd.s32 $0xFFFFC000  }
0x37: {  	[hbm4b:s14+s3] =	stream.linear.scatter [tilespmem:s25], [sflag:$0x2], $0x4000, $0x38;
	[tilespmem:$0x1F800] =	vst v63  }
0x38: {  	_ =	swait.ge [sflag:s26], $0x4000  }
0x39: {  	[sflag:s26] =	ssyncset.done $0x0  }
0x3a: {  	[sflag:s26] =	ssyncadd.s32 $0xFFFFC000  }
0x3b: {  	[tilespmem:s25], [sflag:$0x2] =	stream.linear.gather [spmem:s22], $0x4000, $0x38;
	[tilespmem:$0x1F800] =	vst v63  }
0x3c: {  	_ =	swait.ge [sflag:s26], $0x4000  }
0x3d: {  	[sflag:s26] =	ssyncset.done $0x0  }
0x3e: {  	[sflag:s26] =	ssyncadd.s32 $0xFFFFC000  }
0x3f: {  	[hbm4b:s15+s3] =	stream.linear.scatter [tilespmem:s25], [sflag:$0x2], $0x4000, $0x38;
	[tilespmem:$0x1F800] =	vst v63  }
0x40: {  	_ =	swait.ge [sflag:s26], $0x4000  }
0x41: {  	[sflag:s26] =	ssyncset.done $0x0  }
0x42: {  	[sflag:s26] =	ssyncadd.s32 $0xFFFFC000  }
0x43: {  	[tilespmem:s25], [sflag:$0x2] =	stream.linear.gather [spmem:s23], $0x4000, $0x38;
	[tilespmem:$0x1F800] =	vst v63  }
0x44: {  	s30 =	sadd.s32 $0x1, s30;
	_ =	swait.ge [sflag:s26], $0x4000  }
0x45: {  	p1 =	sne.s32 s30, s24;
	[sflag:s26] =	ssyncset.done $0x0  }
.Ltmp1:
0x46: {  	[sflag:s26] =	ssyncadd.s32 $0xFFFFC000;
	(pc) =	sbr.rel @!p1 .LBB2_13-.Ltmp1, $4  }
0x47: {  	[hbm4b:s16+s3] =	stream.linear.scatter [tilespmem:s25], [sflag:$0x2], $0x4000, $0x38;
	[tilespmem:$0x1F800] =	vst v63  }
0x48: {  	_ =	swait.ge [sflag:s26], $0x4000  }
0x49: {  	[sflag:s26] =	ssyncset.done $0x0  }
0x4a: {  	[sflag:s26] =	ssyncadd.s32 $0xFFFFC000  }
.LBB2_1:
0x4b: {  	[tilespmem:s25], [sflag:$0x2] =	stream.linear.gather [hbm4b:s18+s3], $0x4000, $0x38;
	[tilespmem:$0x1F800] =	vst v63  }
0x4c: {  	_ =	swait.ge [sflag:s26], $0x4000  }
0x4d: {  	[sflag:s26] =	ssyncset.done $0x0  }
0x4e: {  	[sflag:s26] =	ssyncadd.s32 $0xFFFFC000  }
0x4f: {  	[spmem:s19] =	stream.linear.scatter [tilespmem:s25], [sflag:$0x2], $0x4000, $0x38;
	[tilespmem:$0x1F800] =	vst v63  }
0x50: {  	_ =	swait.ge [sflag:s26], $0x4000  }
0x51: {  	[sflag:s26] =	ssyncset.done $0x0  }
0x52: {  	[sflag:s26] =	ssyncadd.s32 $0xFFFFC000  }
0x53: {  	[spmem:s20] =	stream.linear.scatter [tilespmem:s25], [sflag:$0x2], $0x4000, $0x38;
	[tilespmem:$0x1F800] =	vst v63  }
0x54: {  	_ =	swait.ge [sflag:s26], $0x4000  }
0x55: {  	[sflag:s26] =	ssyncset.done $0x0  }
0x56: {  	[sflag:s26] =	ssyncadd.s32 $0xFFFFC000  }
0x57: {  	[spmem:s21] =	stream.linear.scatter [tilespmem:s25], [sflag:$0x2], $0x4000, $0x38;
	[tilespmem:$0x1F800] =	vst v63  }
0x58: {  	_ =	swait.ge [sflag:s26], $0x4000  }
0x59: {  	[sflag:s26] =	ssyncset.done $0x0  }
0x5a: {  	[sflag:s26] =	ssyncadd.s32 $0xFFFFC000  }
0x5b: {  	[spmem:s22] =	stream.linear.scatter [tilespmem:s25], [sflag:$0x2], $0x4000, $0x38;
	[tilespmem:$0x1F800] =	vst v63  }
0x5c: {  	_ =	swait.ge [sflag:s26], $0x4000  }
0x5d: {  	[sflag:s26] =	ssyncset.done $0x0  }
0x5e: {  	[sflag:s26] =	ssyncadd.s32 $0xFFFFC000  }
0x5f: {  	[spmem:s23] =	stream.linear.scatter [tilespmem:s25], [sflag:$0x2], $0x4000, $0x38;
	[tilespmem:$0x1F800] =	vst v63  }
.Ltmp2:
0x60: {  	_ =	swait.ge [sflag:s26], $0x4000;
	(pc) =	sbr.rel @!p0 .LBB2_2-.Ltmp2, $4  }
0x61: {  	[sflag:s26] =	ssyncset.done $0x0  }
0x62: {  	[sflag:s26] =	ssyncadd.s32 $0xFFFFC000  }
0x63: {  	[bflag:$0x0] =	sbarrier.arrive $0xFFFF  }
0x64: {  	s5 =	simm.s32 $0x0  }
0x65: {  	[tilespmem:s5], [sflag:$0x2] =	stream.linear.gather [hbm4b:s10+s5], $0x800, $0x38;
	[tilespmem:$0x1F800] =	vst v63  }
0x66: {  	_ =	swait.ge [sflag:s26], $0x800  }
0x67: {  	[sflag:s26] =	ssyncset.done $0x0  }
0x68: {  	s2 =	simm.s32 $0x1C00;
	[sflag:s26] =	ssyncadd.s32 $0xFFFFF800  }
0x69: {  	[tilespmem:s2], [sflag:$0x2] =	stream.linear.gather [hbm4b:s11+s5], $0x800, $0x38;
	[tilespmem:$0x1F800] =	vst v63  }
0x6a: {  	_ =	swait.ge [sflag:s26], $0x800  }
0x6b: {  	[sflag:s26] =	ssyncset.done $0x0  }
0x6c: {  	s4 =	simm.s32 $0x80;
	[sflag:s26] =	ssyncadd.s32 $0xFFFFF800  }
0x6d: {  	[tilespmem:s25], [sflag:$0x1] =	stream.indirect.gather [hbm4b:s17+s4], $0x80, s5, s4, $0xb8;
	[tilespmem:$0x1F800] =	vst v63  }
0x6e: {  	s7 =	simm.s32 $0x0;
	_ =	swait.ge [sflag:s28], $0x4000  }
0x6f: {  	s5 =	sand.u32 $0x4000, s7;
	[sflag:s28] =	ssyncset.done $0x0  }
0x70: {  	s6 =	sxor.u32 $0x7800, s5;
	[sflag:s28] =	ssyncadd.s32 $0xFFFFC000  }
0x71: {  	[tilespmem:s6], [sflag:$0x1] =	stream.indirect.gather [hbm4b:s17+s29], $0x80, s4, s29, $0xb8;
	[tilespmem:$0x1F800] =	vst v63  }
0x72: {  	s5 =	sor.u32 $0x3800, s5  }
0x73: {  	[spmem:s1] =	stream.indirect.scatter.add.f32 [tilespmem:s5], [sflag:$0x2], $0x80, s2, s29, $0xb8;
	[tilespmem:$0x1F800] =	vst v63  }
0x74: {  	_ =	swait.ge [sflag:s26], $0x4000  }
0x75: {  	s5 =	simm.s32 $0x1;
	[sflag:s26] =	ssyncset.done $0x0  }
.LBB2_10:
0x76: {  	[sflag:s26] =	ssyncadd.s32 $0xFFFFC000;
	s2 =	sadd.s32 $0x80, s2;
	s4 =	sadd.s32 $0x80, s4  }
0x77: {  	p1 =	sne.s32 s5, $0xE;
	s6 =	smov.u32 s5;
	s5 =	sadd.s32 $0x1, s5  }
0x78: {  	s6 =	sshll.u32 s6, $0xE;
	_ =	swait.ge [sflag:s28], $0x4000  }
0x79: {  	s6 =	sand.u32 $0x4000, s6;
	[sflag:s28] =	ssyncset.done $0x0  }
0x7a: {  	s7 =	sxor.u32 $0x7800, s6;
	[sflag:s28] =	ssyncadd.s32 $0xFFFFC000  }
0x7b: {  	[tilespmem:s7], [sflag:$0x1] =	stream.indirect.gather [hbm4b:s17+s29], $0x80, s4, s29, $0xb8;
	[tilespmem:$0x1F800] =	vst v63  }
.Ltmp3:
0x7c: {  	_ = 	snop;
	(pc) =	sbr.rel @p1 .LBB2_10-.Ltmp3, $4  }
0x7d: {  	s6 =	sor.u32 $0x3800, s6  }
0x7e: {  	[spmem:s1] =	stream.indirect.scatter.add.f32 [tilespmem:s6], [sflag:$0x2], $0x80, s2, s29, $0xb8;
	[tilespmem:$0x1F800] =	vst v63  }
0x7f: {  	_ =	swait.ge [sflag:s26], $0x4000  }
0x80: {  	[sflag:s26] =	ssyncset.done $0x0  }
.Ltmp4:
0x81: {  	_ = 	snop;
	(pc) =	sbr.rel .LBB2_11-.Ltmp4, $1  }
0x82: {  	_ =	sdelay $0x3  }
.LBB2_2:
0x83: {  	s2 =	rddreg [dreg:$0x3]  }
0x84: {  	[tilespmem:s5], [sflag:$0x2] =	stream.linear.gather [hbm4b:s2+s5], $0x1C00, $0x38;
	[tilespmem:$0x1F800] =	vst v63  }
0x85: {  	_ =	swait.ge [sflag:s26], $0x1C00  }
0x86: {  	[sflag:s26] =	ssyncset.done $0x0  }
0x87: {  	s2 =	simm.s32 $0x1C00;
	s4 =	rddreg [dreg:$0x4];
	[sflag:s26] =	ssyncadd.s32 $0xFFFFE400  }
0x88: {  	[tilespmem:s2], [sflag:$0x2] =	stream.linear.gather [hbm4b:s4+s5], $0x1C00, $0x38;
	[tilespmem:$0x1F800] =	vst v63  }
0x89: {  	_ =	swait.ge [sflag:s26], $0x1C00  }
0x8a: {  	[sflag:s26] =	ssyncset.done $0x0  }
0x8b: {  	s4 =	simm.s32 $0x80;
	[sflag:s26] =	ssyncadd.s32 $0xFFFFE400  }
0x8c: {  	[tilespmem:s25], [sflag:$0x1] =	stream.indirect.gather [hbm4b:s17+s4], $0x80, s5, s4, $0xb8;
	[tilespmem:$0x1F800] =	vst v63  }
0x8d: {  	s7 =	simm.s32 $0x0;
	_ =	swait.ge [sflag:s28], $0x4000  }
0x8e: {  	s5 =	sand.u32 $0x4000, s7;
	[sflag:s28] =	ssyncset.done $0x0  }
0x8f: {  	s6 =	sxor.u32 $0x7800, s5;
	[sflag:s28] =	ssyncadd.s32 $0xFFFFC000  }
0x90: {  	[tilespmem:s6], [sflag:$0x1] =	stream.indirect.gather [hbm4b:s17+s29], $0x80, s4, s29, $0xb8;
	[tilespmem:$0x1F800] =	vst v63  }
0x91: {  	s5 =	sor.u32 $0x3800, s5  }
0x92: {  	[spmem:s1] =	stream.indirect.scatter.add.f32 [tilespmem:s5], [sflag:$0x2], $0x80, s2, s29, $0xb8;
	[tilespmem:$0x1F800] =	vst v63  }
0x93: {  	_ =	swait.ge [sflag:s26], $0x4000  }
0x94: {  	s5 =	simm.s32 $0x1;
	[sflag:s26] =	ssyncset.done $0x0  }
.LBB2_3:
0x95: {  	[sflag:s26] =	ssyncadd.s32 $0xFFFFC000;
	s2 =	sadd.s32 $0x80, s2;
	s4 =	sadd.s32 $0x80, s4  }
0x96: {  	p1 =	sne.s32 s5, $0x36;
	s6 =	smov.u32 s5;
	s5 =	sadd.s32 $0x1, s5  }
0x97: {  	s6 =	sshll.u32 s6, $0xE;
	_ =	swait.ge [sflag:s28], $0x4000  }
0x98: {  	s6 =	sand.u32 $0x4000, s6;
	[sflag:s28] =	ssyncset.done $0x0  }
0x99: {  	s7 =	sxor.u32 $0x7800, s6;
	[sflag:s28] =	ssyncadd.s32 $0xFFFFC000  }
0x9a: {  	[tilespmem:s7], [sflag:$0x1] =	stream.indirect.gather [hbm4b:s17+s29], $0x80, s4, s29, $0xb8;
	[tilespmem:$0x1F800] =	vst v63  }
.Ltmp5:
0x9b: {  	_ = 	snop;
	(pc) =	sbr.rel @p1 .LBB2_3-.Ltmp5, $4  }
0x9c: {  	s6 =	sor.u32 $0x3800, s6  }
0x9d: {  	[spmem:s1] =	stream.indirect.scatter.add.f32 [tilespmem:s6], [sflag:$0x2], $0x80, s2, s29, $0xb8;
	[tilespmem:$0x1F800] =	vst v63  }
0x9e: {  	_ =	swait.ge [sflag:s26], $0x4000  }
0x9f: {  	[sflag:s26] =	ssyncset.done $0x0  }
0xa0: {  	[sflag:s26] =	ssyncadd.s32 $0xFFFFC000  }
0xa1: {  	_ =	swait.ge [sflag:s28], $0x4000  }
0xa2: {  	[sflag:s28] =	ssyncset.done $0x0  }
0xa3: {  	s2 =	simm.s32 $0x80;
	[sflag:s28] =	ssyncadd.s32 $0xFFFFC000  }
0xa4: {  	[spmem:s1] =	stream.indirect.scatter.add.f32 [tilespmem:s31], [sflag:$0x2], $0x80, s0, s2, $0xb8;
	[tilespmem:$0x1F800] =	vst v63  }
0xa5: {  	_ =	swait.ge [sflag:s26], $0x4000  }
0xa6: {  	[sflag:s26] =	ssyncset.done $0x0  }
0xa7: {  	s5 =	simm.s32 $0x0;
	s4 =	rddreg [dreg:$0x5];
	[sflag:s26] =	ssyncadd.s32 $0xFFFFC000  }
0xa8: {  	[tilespmem:s5], [sflag:$0x2] =	stream.linear.gather [hbm4b:s4+s5], $0x1C00, $0x38;
	[tilespmem:$0x1F800] =	vst v63  }
0xa9: {  	_ =	swait.ge [sflag:s26], $0x1C00  }
0xaa: {  	[sflag:s26] =	ssyncset.done $0x0  }
0xab: {  	s4 =	simm.s32 $0x1C00;
	s6 =	rddreg [dreg:$0x6];
	[sflag:s26] =	ssyncadd.s32 $0xFFFFE400  }
0xac: {  	[tilespmem:s4], [sflag:$0x2] =	stream.linear.gather [hbm4b:s6+s5], $0x1C00, $0x38;
	[tilespmem:$0x1F800] =	vst v63  }
0xad: {  	_ =	swait.ge [sflag:s26], $0x1C00  }
0xae: {  	[sflag:s26] =	ssyncset.done $0x0  }
0xaf: {  	[sflag:s26] =	ssyncadd.s32 $0xFFFFE400  }
0xb0: {  	[tilespmem:s25], [sflag:$0x1] =	stream.indirect.gather [hbm4b:s17+s2], $0x80, s5, s2, $0xb8;
	[tilespmem:$0x1F800] =	vst v63  }
0xb1: {  	s6 =	simm.s32 $0x0;
	_ =	swait.ge [sflag:s28], $0x4000  }
0xb2: {  	s5 =	sand.u32 $0x4000, s6;
	[sflag:s28] =	ssyncset.done $0x0  }
0xb3: {  	s7 =	sxor.u32 $0x7800, s5;
	[sflag:s28] =	ssyncadd.s32 $0xFFFFC000  }
0xb4: {  	[tilespmem:s7], [sflag:$0x1] =	stream.indirect.gather [hbm4b:s17+s29], $0x80, s2, s29, $0xb8;
	[tilespmem:$0x1F800] =	vst v63  }
0xb5: {  	s5 =	sor.u32 $0x3800, s5  }
0xb6: {  	[spmem:s1] =	stream.indirect.scatter.add.f32 [tilespmem:s5], [sflag:$0x2], $0x80, s4, s29, $0xb8;
	[tilespmem:$0x1F800] =	vst v63  }
0xb7: {  	_ =	swait.ge [sflag:s26], $0x4000  }
0xb8: {  	s5 =	simm.s32 $0x1;
	[sflag:s26] =	ssyncset.done $0x0  }
.LBB2_5:
0xb9: {  	[sflag:s26] =	ssyncadd.s32 $0xFFFFC000;
	s4 =	sadd.s32 $0x80, s4;
	s2 =	sadd.s32 $0x80, s2  }
0xba: {  	p1 =	sne.s32 s5, $0x36;
	s6 =	smov.u32 s5;
	s5 =	sadd.s32 $0x1, s5  }
0xbb: {  	s6 =	sshll.u32 s6, $0xE;
	_ =	swait.ge [sflag:s28], $0x4000  }
0xbc: {  	s6 =	sand.u32 $0x4000, s6;
	[sflag:s28] =	ssyncset.done $0x0  }
0xbd: {  	s7 =	sxor.u32 $0x7800, s6;
	[sflag:s28] =	ssyncadd.s32 $0xFFFFC000  }
0xbe: {  	[tilespmem:s7], [sflag:$0x1] =	stream.indirect.gather [hbm4b:s17+s29], $0x80, s2, s29, $0xb8;
	[tilespmem:$0x1F800] =	vst v63  }
.Ltmp6:
0xbf: {  	_ = 	snop;
	(pc) =	sbr.rel @p1 .LBB2_5-.Ltmp6, $4  }
0xc0: {  	s6 =	sor.u32 $0x3800, s6  }
0xc1: {  	[spmem:s1] =	stream.indirect.scatter.add.f32 [tilespmem:s6], [sflag:$0x2], $0x80, s4, s29, $0xb8;
	[tilespmem:$0x1F800] =	vst v63  }
0xc2: {  	_ =	swait.ge [sflag:s26], $0x4000  }
0xc3: {  	[sflag:s26] =	ssyncset.done $0x0  }
0xc4: {  	[sflag:s26] =	ssyncadd.s32 $0xFFFFC000  }
0xc5: {  	_ =	swait.ge [sflag:s28], $0x4000  }
0xc6: {  	[sflag:s28] =	ssyncset.done $0x0  }
0xc7: {  	s2 =	simm.s32 $0x80;
	[sflag:s28] =	ssyncadd.s32 $0xFFFFC000  }
0xc8: {  	[spmem:s1] =	stream.indirect.scatter.add.f32 [tilespmem:s31], [sflag:$0x2], $0x80, s0, s2, $0xb8;
	[tilespmem:$0x1F800] =	vst v63  }
0xc9: {  	_ =	swait.ge [sflag:s26], $0x4000  }
0xca: {  	[sflag:s26] =	ssyncset.done $0x0  }
0xcb: {  	s5 =	simm.s32 $0x0;
	[sflag:s26] =	ssyncadd.s32 $0xFFFFC000  }
0xcc: {  	[tilespmem:s5], [sflag:$0x2] =	stream.linear.gather [hbm4b:s8+s5], $0x1000, $0x38;
	[tilespmem:$0x1F800] =	vst v63  }
0xcd: {  	_ =	swait.ge [sflag:s26], $0x1000  }
0xce: {  	[sflag:s26] =	ssyncset.done $0x0  }
0xcf: {  	s4 =	simm.s32 $0x1C00;
	[sflag:s26] =	ssyncadd.s32 $0xFFFFF000  }
0xd0: {  	[tilespmem:s4], [sflag:$0x2] =	stream.linear.gather [hbm4b:s9+s5], $0x1000, $0x38;
	[tilespmem:$0x1F800] =	vst v63  }
0xd1: {  	_ =	swait.ge [sflag:s26], $0x1000  }
0xd2: {  	[sflag:s26] =	ssyncset.done $0x0  }
0xd3: {  	[sflag:s26] =	ssyncadd.s32 $0xFFFFF000  }
0xd4: {  	[tilespmem:s25], [sflag:$0x1] =	stream.indirect.gather [hbm4b:s17+s2], $0x80, s5, s2, $0xb8;
	[tilespmem:$0x1F800] =	vst v63  }
0xd5: {  	s7 =	simm.s32 $0x0;
	_ =	swait.ge [sflag:s28], $0x4000  }
0xd6: {  	s5 =	sand.u32 $0x4000, s7;
	[sflag:s28] =	ssyncset.done $0x0  }
0xd7: {  	s6 =	sxor.u32 $0x7800, s5;
	[sflag:s28] =	ssyncadd.s32 $0xFFFFC000  }
0xd8: {  	[tilespmem:s6], [sflag:$0x1] =	stream.indirect.gather [hbm4b:s17+s29], $0x80, s2, s29, $0xb8;
	[tilespmem:$0x1F800] =	vst v63  }
0xd9: {  	s5 =	sor.u32 $0x3800, s5  }
0xda: {  	[spmem:s1] =	stream.indirect.scatter.add.f32 [tilespmem:s5], [sflag:$0x2], $0x80, s4, s29, $0xb8;
	[tilespmem:$0x1F800] =	vst v63  }
0xdb: {  	_ =	swait.ge [sflag:s26], $0x4000  }
0xdc: {  	s5 =	simm.s32 $0x1;
	[sflag:s26] =	ssyncset.done $0x0  }
.LBB2_7:
0xdd: {  	[sflag:s26] =	ssyncadd.s32 $0xFFFFC000;
	s4 =	sadd.s32 $0x80, s4;
	s2 =	sadd.s32 $0x80, s2  }
0xde: {  	p1 =	seq.s32 s5, $0x1E;
	s6 =	smov.u32 s5;
	s5 =	sadd.s32 $0x1, s5  }
0xdf: {  	s6 =	sshll.u32 s6, $0xE;
	_ =	swait.ge [sflag:s28], $0x4000  }
0xe0: {  	s6 =	sand.u32 $0x4000, s6;
	[sflag:s28] =	ssyncset.done $0x0  }
0xe1: {  	s7 =	sxor.u32 $0x7800, s6;
	[sflag:s28] =	ssyncadd.s32 $0xFFFFC000  }
0xe2: {  	[tilespmem:s7], [sflag:$0x1] =	stream.indirect.gather [hbm4b:s17+s29], $0x80, s2, s29, $0xb8;
	[tilespmem:$0x1F800] =	vst v63  }
.Ltmp7:
0xe3: {  	_ = 	snop;
	(pc) =	sbr.rel @!p1 .LBB2_7-.Ltmp7, $4  }
0xe4: {  	s6 =	sor.u32 $0x3800, s6  }
0xe5: {  	[spmem:s1] =	stream.indirect.scatter.add.f32 [tilespmem:s6], [sflag:$0x2], $0x80, s4, s29, $0xb8;
	[tilespmem:$0x1F800] =	vst v63  }
0xe6: {  	_ =	swait.ge [sflag:s26], $0x4000  }
0xe7: {  	[sflag:s26] =	ssyncset.done $0x0  }
.Ltmp8:
0xe8: {  	[sflag:s26] =	ssyncadd.s32 $0xFFFFC000;
	(pc) =	sbr.rel .LBB2_12-.Ltmp8, $4  }
0xe9: {  	_ =	swait.ge [sflag:s28], $0x4000  }
0xea: {  	[sflag:s28] =	ssyncset.done $0x0  }
0xeb: {  	s2 =	simm.s32 $0x2B80;
	[sflag:s28] =	ssyncadd.s32 $0xFFFFC000  }
0xec: {  	[spmem:s1] =	stream.indirect.scatter.add.f32 [tilespmem:s31], [sflag:$0x2], $0x80, s2, s29, $0xb8;
	[tilespmem:$0x1F800] =	vst v63  }
.LBB2_13:
0xed: {  	_ =	sfence.sel $0x180000  }
0xee: {  	[bflag:$0x0] =	sbarrier.arrive $0xFFFF  }
0xef: {  	_ =	strace $0x9000004D  }
0xf0: {  	s0 =	stileid.u32;
	[bflag:$0x2] =	sbarrier.arrive $0xFFFF  }
0xf1: {  	p0 =	sne.s32 s0, $0x0;
	s0 =	rddreg [dreg:$0x2]  }
0xf2: {  	s0 =	sadd.s32 @!p0 $0x100000, s0  }
0xf3: {  	[sflag:s0] =	ssyncadd.tile.s32 @!p0 $0x1;
	_ =	shalt  }
.Lfunc_end2:
_tile_overlayer_lowered:
.L_overlay_start_2:
0xf4: {  	(tag) =	ssettag $0x2  }
0xf5: {  	s0 =	rddreg [dreg:$0x0];
	s2 =	stileid.u32  }
0xf6: {  	s1 =	rddreg [dreg:$0x1];
	p0 =	sne.s32 s2, $0x0  }
0xf7: {  	s3 =	rddreg [dreg:$0x2];
	[bflag:$0x3] =	sbarrier.arrive $0xFFFF;
	s2 =	simm.s32 @!p0 $0x1C02  }
0xf8: {  	[timem:s3], [sflag:s2] =	dma.local @!p0 [hbm:s0], s1  }
0xf9: {  	s0 =	simm.s32 @!p0 $0x2  }
0xfa: {  	_ =	swait.ge @!p0 [sflag:s0], s1  }
0xfb: {  	s1 =	ssub.s32 @!p0 $0x0, s1;
	[sflag:s0] =	ssyncset.done @!p0 $0x0  }
0xfc: {  	[sflag:s0] =	ssyncadd.s32 @!p0 s1  }
0xfd: {  	[bflag:$0x3] =	sbarrier.arrive $0xFFFF  }
0xfe: {  	_ =	shalt  }

// kernel: kernel.8.cloned.1.call-start
scs
__scs_entry_jumppad:
0x0: {  	(pc) =	sbr.rel $0x88, $3  }
0x1: {  	(tag) =	ssettag $0x0;
	lr =	simm.s32 $0x1  }
0x2: {  	[smem:$0x3F98] =	sst lr;
	_ =	strace $0xD0000000  }
0x3: {  	_ = 	snop  }
0x4: {  	_ = 	snop  }
0x5: {  	_ = 	snop  }
0x6: {  	_ = 	snop  }
0x7: {  	_ = 	snop  }
__scs_overlays_trampoline_lowered:
0x8: {  	[smem:$0x3FA7] =	sst s0  }
0x9: {  	[smem:$0x3FA8] =	sst s1  }
0xa: {  	[smem:$0x3FA9] =	sst s2  }
0xb: {  	[smem:$0x3FAA] =	sst s3  }
0xc: {  	[smem:$0x3FAB] =	sst s4  }
0xd: {  	[smem:$0x3FAC] =	sst s5  }
0xe: {  	[smem:$0x3FAD] =	sst s6  }
0xf: {  	[smem:$0x3FAE] =	sst s7  }
0x10: {  	[smem:$0x3FAF] =	sst s8  }
0x11: {  	[smem:$0x3FB0] =	sst s9;
	s0 =	simm.s32 @!p0 $0x0  }
0x12: {  	s1 =	sld [smem:$0x3F96];
	s0 =	simm.s32 @p0 $0x1  }
0x13: {  	[smem:$0x3FB1] =	sst s0;
	s0 =	simm.s32 @!p1 $0x0  }
0x14: {  	s2 =	sld [smem:$0x3F95];
	s0 =	simm.s32 @p1 $0x1  }
0x15: {  	[smem:$0x3FB2] =	sst s0;
	s0 =	simm.s32 @!p2 $0x0  }
0x16: {  	s3 =	sld [smem:$0x3FDB];
	s0 =	simm.s32 @p2 $0x1  }
0x17: {  	s4 =	simm.s32 $0x1BF5;
	[smem:$0x3FB4] =	sst s0  }
0x18: {  	s0 =	sld [smem:$0x3F97];
	_ =	swait.ge [sflag:s4], $0x0  }
0x19: {  	s7 =	sld [smem:$0x3F98]  }
0x1a: {  	s8 =	sadd.s32 $0xFFFFE003, lr  }
0x1b: {  	s9 =	sadd.s32 $0xFFFFFEF7, lr;
	s5 =	simm.s32 $0xFFFFFFFF;
	p2 =	slt.u32 s8, $0xFFFFF086  }
0x1c: {  	p1 =	slt.u32 s9, $0xF7A;
	s5 =	simm.s32 @!p2 $0x0  }
0x1d: {  	s5 =	simm.s32 @p1 $0x1;
	p0 =	seq.s32 s7, s2  }
0x1e: {  	s7 =	smul.u32 @!p0 $0xF7A, s2;
	p2 =	seq.s32 @!p0 s5, $0x0  }
0x1f: {  	s9 =	smul.u32 $0xF7A, s1;
	s8 =	simm.s32 @!p0 $0x1BF5;
	p2 =	por !p2, p0  }
0x20: {  	[sflag:s8] =	ssyncset.s32 @!p0 $0xFFFFF086;
	s6 =	sadd.s32 @!p0 s3, s7;
	s7 =	simm.s32 @!p0 $0x108  }
0x21: {  	s3 =	sadd.s32 s3, s9;
	s6 =	sadd.s32 @!p0 $0x88, s6;
	s7 =	simm.s32 @p2 $0x1082  }
0x22: {  	[simem:s7], [sflag:s8] =	dma.local @!p0 [hbm:s6], $0xF7A  }
0x23: {  	s9 =	sor.u32 $0xD0000000, s2;
	s6 =	simm.s32 $0x108;
	_ =	swait.ge @!p0 [sflag:s8], $0x0  }
0x24: {  	s3 =	sadd.s32 $0x88, s3;
	s6 =	simm.s32 @!p1 $0x1082;
	[sflag:s4] =	ssyncset.s32 $0xFFFFF086  }
0x25: {  	[simem:s6], [sflag:s4] =	dma.local [hbm:s3], $0xF7A  }
0x26: {  	[smem:$0x3F98] =	sst s1;
	(tag) =	ssettag s2;
	_ =	strace s9  }
0x27: {  	s1 =	sld [smem:$0x3FA8]  }
0x28: {  	s2 =	sld [smem:$0x3FA9]  }
0x29: {  	s4 =	sld [smem:$0x3FAB]  }
0x2a: {  	p0 =	seq.s32 s5, $0x0;
	s5 =	sld [smem:$0x3FAC]  }
0x2b: {  	s6 =	sld [smem:$0x3FAD]  }
0x2c: {  	s7 =	sld [smem:$0x3FAE]  }
0x2d: {  	s3 =	simm.s32 $0x108;
	s8 =	sld [smem:$0x3FAF]  }
0x2e: {  	s3 =	simm.s32 @!p0 $0x1082;
	s9 =	sld [smem:$0x3FB0]  }
0x2f: {  	lr =	sadd.s32 s0, s3;
	s0 =	sld [smem:$0x3FA7]  }
0x30: {  	s3 =	sld [smem:$0x3FAA]  }
0x31: {  	[smem:$0x3FB3] =	sst s10  }
0x32: {  	s10 =	sld [smem:$0x3FB1];
	_ =	sdelay $0x3  }
0x33: {  	p0 =	seq.s32 s10, $0x1;
	s10 =	sld [smem:$0x3FB3];
	_ =	sdelay $0x3  }
0x34: {  	[smem:$0x3FB3] =	sst s10  }
0x35: {  	s10 =	sld [smem:$0x3FB2];
	_ =	sdelay $0x3  }
0x36: {  	p1 =	seq.s32 s10, $0x1;
	s10 =	sld [smem:$0x3FB3];
	_ =	sdelay $0x3  }
0x37: {  	[smem:$0x3FB3] =	sst s10  }
0x38: {  	s10 =	sld [smem:$0x3FB4]  }
0x39: {  	_ = 	snop;
	(pc) =	sbr.ind lr, $3  }
0x3a: {  	_ = 	snop  }
0x3b: {  	_ = 	snop  }
0x3c: {  	p2 =	seq.s32 s10, $0x1;
	s10 =	sld [smem:$0x3FB3]  }
0x3d: {  	_ =	shalt  }
0x3e: {  	_ =	shalt  }
0x3f: {  	_ =	shalt  }
0x40: {  	_ =	shalt  }
0x41: {  	_ =	shalt  }
0x42: {  	_ =	shalt  }
0x43: {  	_ =	shalt  }
0x44: {  	_ =	shalt  }
0x45: {  	_ =	shalt  }
0x46: {  	_ =	shalt  }
0x47: {  	_ =	shalt  }
0x48: {  	_ =	shalt  }
0x49: {  	_ =	shalt  }
0x4a: {  	_ =	shalt  }
0x4b: {  	_ =	shalt  }
0x4c: {  	_ =	shalt  }
0x4d: {  	_ =	shalt  }
0x4e: {  	_ =	shalt  }
0x4f: {  	_ =	shalt  }
0x50: {  	_ =	shalt  }
0x51: {  	_ =	shalt  }
0x52: {  	_ =	shalt  }
0x53: {  	_ =	shalt  }
0x54: {  	_ =	shalt  }
0x55: {  	_ =	shalt  }
0x56: {  	_ =	shalt  }
0x57: {  	_ =	shalt  }
0x58: {  	_ =	shalt  }
0x59: {  	_ =	shalt  }
0x5a: {  	_ =	shalt  }
0x5b: {  	_ =	shalt  }
0x5c: {  	_ =	shalt  }
0x5d: {  	_ =	shalt  }
0x5e: {  	_ =	shalt  }
0x5f: {  	_ =	shalt  }
0x60: {  	_ =	shalt  }
0x61: {  	_ =	shalt  }
0x62: {  	_ =	shalt  }
0x63: {  	_ =	shalt  }
0x64: {  	_ =	shalt  }
0x65: {  	_ =	shalt  }
0x66: {  	_ =	shalt  }
0x67: {  	_ =	shalt  }
0x68: {  	_ =	shalt  }
0x69: {  	_ =	shalt  }
0x6a: {  	_ =	shalt  }
0x6b: {  	_ =	shalt  }
0x6c: {  	_ =	shalt  }
0x6d: {  	_ =	shalt  }
0x6e: {  	_ =	shalt  }
0x6f: {  	_ =	shalt  }
0x70: {  	_ =	shalt  }
0x71: {  	_ =	shalt  }
0x72: {  	_ =	shalt  }
0x73: {  	_ =	shalt  }
0x74: {  	_ =	shalt  }
0x75: {  	_ =	shalt  }
0x76: {  	_ =	shalt  }
0x77: {  	_ =	shalt  }
0x78: {  	_ =	shalt  }
0x79: {  	_ =	shalt  }
0x7a: {  	_ =	shalt  }
0x7b: {  	_ =	shalt  }
0x7c: {  	_ =	shalt  }
0x7d: {  	_ =	shalt  }
0x7e: {  	_ =	shalt  }
0x7f: {  	_ =	shalt  }
0x80: {  	_ =	shalt  }
0x81: {  	_ =	shalt  }
0x82: {  	_ =	shalt  }
0x83: {  	_ =	shalt  }
0x84: {  	_ =	shalt  }
0x85: {  	_ =	shalt  }
0x86: {  	_ =	shalt  }
0x87: {  	_ =	shalt  }
.Lfunc_end0:
.L_simem_size_0:
called_computation_lowered:
.L_overlay_start_0:
0x88: {  	s2 =	sld [smem:$0x3FD9]  }
0x89: {  	s3 =	sld [smem:$0x3FFE];
	_ =	sdelay $0x1  }
0x8a: {  	s1 =	srdreg.scid  }
0x8b: {  	s0 =	sand.u32 $0x1, s1  }
0x8c: {  	s16 =	sshll.u32 s0, $0xA;
	s2 =	sadd.s32 s3, s2  }
0x8d: {  	s2 =	sadd.s32 s2, s16  }
0x8e: {  	[smem:$0x3FBF] =	sst s2  }
0x8f: {  	_ = 	snop  }
0x90: {  	(tm) =	ssettm $0x1  }
0x91: {  	s17 =	sld [smem:$0x3FFB];
	_ =	sdelay $0x3  }
0x92: {  	_ =	strace s17  }
0x93: {  	s2 =	sld [smem:$0x3FFC];
	_ =	sdelay $0x3  }
0x94: {  	_ =	strace s2  }
0x95: {  	s2 =	sld [smem:$0x3FFD];
	_ =	sdelay $0x3  }
0x96: {  	_ =	strace s2  }
0x97: {  	_ =	strace $0x8FFFFFFF  }
0x98: {  	s18 =	sld [smem:$0x3FDB];
	_ =	sdelay $0x1  }
0x99: {  	s19 =	simm.s32 $_scs_section_size  }
0x9a: {  	s4 =	simm.s32 $_size__tile_overlayer_lowered;
	s5 =	simm.s32 $_tile_overlayer_lowered  }
0x9b: {  	s22 =	simm.s32 $0x1BFF;
	s21 =	sshll.u32 s5, $0x1;
	s2 =	sadd.s32 s19, s18  }
0x9c: {  	s6 =	simm.s32 $0x0;
	s20 =	sshll.u32 s4, $0x1;
	s4 =	sadd.s32 s21, s2  }
0x9d: {  	[timem:s6], [sflag:s22] =	dma.local [hbm:s4], s20  }
0x9e: {  	_ =	swait.ge [sflag:s22], s20  }
0x9f: {  	s3 =	ssub.s32 $0x0, s20;
	[sflag:s22] =	ssyncset.done $0x0  }
0xa0: {  	[sflag:s22] =	ssyncadd.s32 s3;
	_ =	sdelay $0x1  }
0xa1: {  	s23 =	simm.s32 $0x1B8B  }
0xa2: {  	_ =	swait.ge [sflag:s23], $0x1  }
0xa3: {  	[sflag:s23] =	ssyncset.done $0x0  }
0xa4: {  	s25 =	simm.s32 $0x1B8E;
	s24 =	sld [smem:$0x3FFE];
	[sflag:s23] =	ssyncadd.s32 $0xFFFFFFFF  }
0xa5: {  	s26 =	simm.s32 $execute0_lowered;
	[smem:$0x3FD2] =	sst s25  }
0xa6: {  	s4 =	sshll.u32 s26, $0x1;
	_ =	strace $0x80000046;
	[dreg:$0x1] =	wrdreg $0xFFFFFFFF  }
0xa7: {  	s28 =	simm.s32 $_size_execute0_lowered;
	s2 =	sadd.s32 s2, s4;
	[dreg:$0x0] =	wrdreg $0x0  }
0xa8: {  	s4 =	sshll.u32 s28, $0x1;
	[dreg:$0x2] =	wrdreg s2  }
0xa9: {  	[dreg:$0x3] =	wrdreg s4  }
0xaa: {  	[dreg:$0x4] =	wrdreg $0xC0  }
0xab: {  	_ =	task [dreg:s6], $0x5FFFF  }
0xac: {  	[dreg:$0x1] =	wrdreg $0xFFFFFFFF  }
0xad: {  	[dreg:$0x0] =	wrdreg $0x60  }
0xae: {  	[dreg:$0x2] =	wrdreg s24  }
0xaf: {  	[dreg:$0x3] =	wrdreg $0x68000  }
0xb0: {  	[dreg:$0x4] =	wrdreg $0x9  }
0xb1: {  	_ =	task.clear_ibuf [dreg:s6], $0x5FFFF;
	_ =	strace $0x90000046  }
0xb2: {  	s29 =	simm.s32 $0x9;
	_ =	strace $0x80000048  }
0xb3: {  	_ =	swait.ge [sflag:s29], $0x1  }
0xb4: {  	[sflag:s29] =	ssyncadd.s32 $0xFFFFFFFF  }
0xb5: {  	_ =	strace $0x90000048  }
0xb6: {  	_ =	sfence  }
0xb7: {  	s30 =	sld [smem:$0x0];
	_ =	sdelay $0x2  }
0xb8: {  	s31 =	sshll.u32 s1, $0xD;
	s1 =	sshrl.u32 s1, $0x2  }
0xb9: {  	s3 =	sand.u32 $0x4000, s31;
	s1 =	sadd.s32 s1, s30  }
0xba: {  	s0 =	sor.u32 s3, s0;
	s1 =	sshll.u32 s1, $0x11  }
0xbb: {  	s0 =	sor.u32 s1, s0  }
0xbc: {  	s0 =	sadd.s32 $0x8F2B, s0  }
0xbd: {  	[sflag:s0] =	ssyncadd.remote.s32 $0x1  }
0xbe: {  	_ =	sfence.sel $0xFFFF  }
0xbf: {  	[dreg:$0x0] =	wrdreg $0xFFFFFFFF;
	(pc) =	sbr.abs _section_cstart, $3  }
0xc0: {  	[dreg:$0x1] =	wrdreg $0xFFFFFFFF  }
0xc1: {  	_ =	task.clear_ibuf [dreg:s6], $0x2FFFF;
	_ =	strace $0x9FFFFFFF  }
0xc2: {  	(tm) =	ssettm $0x7FFFFFFF  }
0xc3: {  	_ =	shalt  }
tec
execute0_lowered:
.L_overlay_start_1:
0x0: {  	(tag) =	ssettag $0x1  }
0x1: {  	s0 =	srdreg.scid;
	s6 =	rddreg [dreg:$0x0]  }
0x2: {  	s2 =	rddreg [dreg:$0x1];
	s7 =	sand.u32 $0x1, s0  }
0x3: {  	s0 =	stileid.u32;
	s4 =	smul.u32 $0x28000, s7  }
0x4: {  	s1 =	rddreg [dreg:$0x2];
	s3 =	simm.s32 $0x0;
	s5 =	smul.u32 $0x2800, s0  }
0x5: {  	s20 =	simm.s32 $0x80;
	s21 =	simm.s32 $0x0;
	s8 =	smul.u32 $0x50000, s0  }
0x6: {  	[smem:$0x7FF] =	sst s3;
	s16 =	sadd.s32 $0x18000, s6;
	s12 =	smul.u32 $0x14000, s0  }
0x7: {  	_ =	strace $0x80000047;
	s9 =	ssub.s32 $0x2, s7;
	s15 =	smul.u32 $0x140000, s7  }
0x8: {  	s10 =	sshrl.u32 s9, $0x1;
	s4 =	sadd.s32 s5, s4;
	s5 =	sadd.s32 $0x17000, s6  }
0x9: {  	s8 =	sshrl.u32 s8, $0x2;
	s17 =	ssub.s32 s9, s10;
	s13 =	sadd.s32 $0x4000, s12  }
0xa: {  	s14 =	sadd.s32 $0x8000, s12;
	s18 =	sadd.s32 $0xC000, s12;
	s19 =	sadd.s32 $0x10000, s12  }
0xb: {  	s12 =	sadd.s32 s12, s15;
	s4 =	sshrl.u32 s4, $0x3;
	s7 =	sadd.s32 s13, s2  }
0xc: {  	s9 =	sadd.s32 s18, s2;
	s10 =	sadd.s32 s19, s2;
	s12 =	sshrl.u32 s12, $0x3  }
0xd: {  	s13 =	sadd.s32 s15, s13;
	s18 =	sadd.s32 s15, s18;
	s19 =	sadd.s32 s15, s19  }
0xe: {  	s17 =	smax.u32 s17, $0x1;
	s11 =	sadd.s32 s4, s6;
	s4 =	sadd.s32 $0x17800, s6  }
0xf: {  	s6 =	sadd.s32 s8, s2;
	s8 =	sadd.s32 s14, s2;
	s12 =	sadd.s32 s16, s12  }
0x10: {  	s13 =	sshrl.u32 s13, $0x3;
	s14 =	sadd.s32 s15, s14;
	s18 =	sshrl.u32 s18, $0x3  }
0x11: {  	s31 =	sshrl.u32 s19, $0x3;
	s19 =	simm.s32 $0x1;
	s11 =	sadd.s32 $0x3000, s11  }
0x12: {  	s13 =	sadd.s32 s16, s13;
	s14 =	sshrl.u32 s14, $0x3;
	s15 =	sadd.s32 s16, s18  }
0x13: {  	s18 =	simm.s32 $0x2800;
	s14 =	sadd.s32 s16, s14;
	s16 =	sadd.s32 s16, s31  }
.LBB2_1:
0x14: {  	[tilespmem:s18], [sflag:$0x1] =	stream.linear.gather [hbm4b:s5+s3], $0x4000, $0x38;
	[tilespmem:$0x1A800] =	vst v63  }
0x15: {  	_ =	swait.ge [sflag:s19], $0x4000  }
0x16: {  	[sflag:s19] =	ssyncset.done $0x0  }
0x17: {  	[sflag:s19] =	ssyncadd.s32 $0xFFFFC000  }
0x18: {  	[spmem:s6] =	stream.linear.scatter [tilespmem:s18], [sflag:$0x1], $0x4000, $0x38;
	[tilespmem:$0x1A800] =	vst v63  }
0x19: {  	_ =	swait.ge [sflag:s19], $0x4000  }
0x1a: {  	[sflag:s19] =	ssyncset.done $0x0  }
0x1b: {  	[sflag:s19] =	ssyncadd.s32 $0xFFFFC000  }
0x1c: {  	[spmem:s7] =	stream.linear.scatter [tilespmem:s18], [sflag:$0x1], $0x4000, $0x38;
	[tilespmem:$0x1A800] =	vst v63  }
0x1d: {  	_ =	swait.ge [sflag:s19], $0x4000  }
0x1e: {  	[sflag:s19] =	ssyncset.done $0x0  }
0x1f: {  	[sflag:s19] =	ssyncadd.s32 $0xFFFFC000  }
0x20: {  	[spmem:s8] =	stream.linear.scatter [tilespmem:s18], [sflag:$0x1], $0x4000, $0x38;
	[tilespmem:$0x1A800] =	vst v63  }
0x21: {  	_ =	swait.ge [sflag:s19], $0x4000  }
0x22: {  	[sflag:s19] =	ssyncset.done $0x0  }
0x23: {  	[sflag:s19] =	ssyncadd.s32 $0xFFFFC000  }
0x24: {  	[spmem:s9] =	stream.linear.scatter [tilespmem:s18], [sflag:$0x1], $0x4000, $0x38;
	[tilespmem:$0x1A800] =	vst v63  }
0x25: {  	_ =	swait.ge [sflag:s19], $0x4000  }
0x26: {  	[sflag:s19] =	ssyncset.done $0x0  }
0x27: {  	[sflag:s19] =	ssyncadd.s32 $0xFFFFC000  }
0x28: {  	[spmem:s10] =	stream.linear.scatter [tilespmem:s18], [sflag:$0x1], $0x4000, $0x38;
	[tilespmem:$0x1A800] =	vst v63  }
0x29: {  	_ =	swait.ge [sflag:s19], $0x4000  }
0x2a: {  	[sflag:s19] =	ssyncset.done $0x0  }
0x2b: {  	[sflag:s19] =	ssyncadd.s32 $0xFFFFC000  }
0x2c: {  	[tilespmem:s18], [sflag:$0x1] =	stream.linear.gather [hbm4b:s4+s3], $0x4000, $0x38;
	[tilespmem:$0x1A800] =	vst v63  }
0x2d: {  	_ =	swait.ge [sflag:s19], $0x4000  }
0x2e: {  	[sflag:s19] =	ssyncset.done $0x0  }
0x2f: {  	[sflag:s19] =	ssyncadd.s32 $0xFFFFC000  }
0x30: {  	[bflag:$0x0] =	sbarrier.arrive $0xFFFF  }
0x31: {  	[tilespmem:s3], [sflag:$0x1] =	stream.linear.gather [hbm4b:s11+s3], $0x2800, $0x38;
	[tilespmem:$0x1A800] =	vst v63  }
0x32: {  	_ =	swait.ge [sflag:s19], $0x2800  }
0x33: {  	[sflag:s19] =	ssyncset.done $0x0  }
0x34: {  	s22 =	simm.s32 $0x0;
	[sflag:s19] =	ssyncadd.s32 $0xFFFFD800  }
0x35: {  	[spmem:s2] =	stream.indirect.scatter.add.f32 [tilespmem:s18], [sflag:$0x1], $0x80, s22, s20, $0xb8;
	[tilespmem:$0x1A800] =	vst v63  }
0x36: {  	_ =	swait.ge [sflag:s19], $0x4000  }
0x37: {  	s22 =	simm.s32 $0x200;
	[sflag:s19] =	ssyncset.done $0x0  }
.LBB2_2:
0x38: {  	s23 =	sshra.s32 s22, $0x2;
	[sflag:s19] =	ssyncadd.s32 $0xFFFFC000;
	p0 =	sne.s32 s22, $0x9E00  }
0x39: {  	[spmem:s2] =	stream.indirect.scatter.add.f32 [tilespmem:s18], [sflag:$0x1], $0x80, s23, s20, $0xb8;
	[tilespmem:$0x1A800] =	vst v63  }
.Ltmp0:
0x3a: {  	_ = 	snop;
	(pc) =	sbr.rel @p0 .LBB2_2-.Ltmp0, $4  }
0x3b: {  	_ = 	snop  }
0x3c: {  	s22 =	sadd.s32 $0x200, s22  }
0x3d: {  	_ =	swait.ge [sflag:s19], $0x4000  }
0x3e: {  	[sflag:s19] =	ssyncset.done $0x0  }
0x3f: {  	[sflag:s19] =	ssyncadd.s32 $0xFFFFC000  }
0x40: {  	[bflag:$0x0] =	sbarrier.arrive $0xFFFF  }
0x41: {  	[tilespmem:s18], [sflag:$0x1] =	stream.linear.gather [spmem:s6], $0x4000, $0x38;
	[tilespmem:$0x1A800] =	vst v63  }
0x42: {  	_ =	swait.ge [sflag:s19], $0x4000  }
0x43: {  	[sflag:s19] =	ssyncset.done $0x0  }
0x44: {  	[sflag:s19] =	ssyncadd.s32 $0xFFFFC000  }
0x45: {  	[hbm4b:s12+s3] =	stream.linear.scatter [tilespmem:s18], [sflag:$0x1], $0x4000, $0x38;
	[tilespmem:$0x1A800] =	vst v63  }
0x46: {  	_ =	swait.ge [sflag:s19], $0x4000  }
0x47: {  	[sflag:s19] =	ssyncset.done $0x0  }
0x48: {  	[sflag:s19] =	ssyncadd.s32 $0xFFFFC000  }
0x49: {  	[tilespmem:s18], [sflag:$0x1] =	stream.linear.gather [spmem:s7], $0x4000, $0x38;
	[tilespmem:$0x1A800] =	vst v63  }
0x4a: {  	_ =	swait.ge [sflag:s19], $0x4000  }
0x4b: {  	[sflag:s19] =	ssyncset.done $0x0  }
0x4c: {  	[sflag:s19] =	ssyncadd.s32 $0xFFFFC000  }
0x4d: {  	[hbm4b:s13+s3] =	stream.linear.scatter [tilespmem:s18], [sflag:$0x1], $0x4000, $0x38;
	[tilespmem:$0x1A800] =	vst v63  }
0x4e: {  	_ =	swait.ge [sflag:s19], $0x4000  }
0x4f: {  	[sflag:s19] =	ssyncset.done $0x0  }
0x50: {  	[sflag:s19] =	ssyncadd.s32 $0xFFFFC000  }
0x51: {  	[tilespmem:s18], [sflag:$0x1] =	stream.linear.gather [spmem:s8], $0x4000, $0x38;
	[tilespmem:$0x1A800] =	vst v63  }
0x52: {  	_ =	swait.ge [sflag:s19], $0x4000  }
0x53: {  	[sflag:s19] =	ssyncset.done $0x0  }
0x54: {  	[sflag:s19] =	ssyncadd.s32 $0xFFFFC000  }
0x55: {  	[hbm4b:s14+s3] =	stream.linear.scatter [tilespmem:s18], [sflag:$0x1], $0x4000, $0x38;
	[tilespmem:$0x1A800] =	vst v63  }
0x56: {  	_ =	swait.ge [sflag:s19], $0x4000  }
0x57: {  	[sflag:s19] =	ssyncset.done $0x0  }
0x58: {  	[sflag:s19] =	ssyncadd.s32 $0xFFFFC000  }
0x59: {  	[tilespmem:s18], [sflag:$0x1] =	stream.linear.gather [spmem:s9], $0x4000, $0x38;
	[tilespmem:$0x1A800] =	vst v63  }
0x5a: {  	_ =	swait.ge [sflag:s19], $0x4000  }
0x5b: {  	[sflag:s19] =	ssyncset.done $0x0  }
0x5c: {  	[sflag:s19] =	ssyncadd.s32 $0xFFFFC000  }
0x5d: {  	[hbm4b:s15+s3] =	stream.linear.scatter [tilespmem:s18], [sflag:$0x1], $0x4000, $0x38;
	[tilespmem:$0x1A800] =	vst v63  }
0x5e: {  	_ =	swait.ge [sflag:s19], $0x4000  }
0x5f: {  	[sflag:s19] =	ssyncset.done $0x0  }
0x60: {  	[sflag:s19] =	ssyncadd.s32 $0xFFFFC000  }
0x61: {  	[tilespmem:s18], [sflag:$0x1] =	stream.linear.gather [spmem:s10], $0x4000, $0x38;
	[tilespmem:$0x1A800] =	vst v63  }
0x62: {  	s21 =	sadd.s32 $0x1, s21;
	_ =	swait.ge [sflag:s19], $0x4000  }
0x63: {  	p0 =	sne.s32 s21, s17;
	[sflag:s19] =	ssyncset.done $0x0  }
.Ltmp1:
0x64: {  	[sflag:s19] =	ssyncadd.s32 $0xFFFFC000;
	(pc) =	sbr.rel @p0 .LBB2_1-.Ltmp1, $4  }
0x65: {  	[hbm4b:s16+s3] =	stream.linear.scatter [tilespmem:s18], [sflag:$0x1], $0x4000, $0x38;
	[tilespmem:$0x1A800] =	vst v63  }
0x66: {  	_ =	swait.ge [sflag:s19], $0x4000  }
0x67: {  	[sflag:s19] =	ssyncset.done $0x0  }
0x68: {  	[sflag:s19] =	ssyncadd.s32 $0xFFFFC000  }
0x69: {  	_ =	sfence.sel $0x180000  }
0x6a: {  	[bflag:$0x0] =	sbarrier.arrive $0xFFFF  }
0x6b: {  	p0 =	sne.s32 s0, $0x0;
	_ =	strace $0x90000047  }
0x6c: {  	s0 =	sadd.s32 @!p0 $0x100000, s1;
	[bflag:$0x2] =	sbarrier.arrive $0xFFFF  }
0x6d: {  	[sflag:s0] =	ssyncadd.tile.s32 @!p0 $0x1;
	_ =	shalt  }
.Lfunc_end2:
_tile_overlayer_lowered:
.L_overlay_start_2:
0x6e: {  	(tag) =	ssettag $0x2  }
0x6f: {  	s0 =	rddreg [dreg:$0x0];
	s2 =	stileid.u32  }
0x70: {  	s1 =	rddreg [dreg:$0x1];
	p0 =	sne.s32 s2, $0x0  }
0x71: {  	s3 =	rddreg [dreg:$0x2];
	[bflag:$0x3] =	sbarrier.arrive $0xFFFF;
	s2 =	simm.s32 @!p0 $0x1C01  }
0x72: {  	[timem:s3], [sflag:s2] =	dma.local @!p0 [hbm:s0], s1  }
0x73: {  	s0 =	simm.s32 @!p0 $0x1  }
0x74: {  	_ =	swait.ge @!p0 [sflag:s0], s1  }
0x75: {  	s1 =	ssub.s32 @!p0 $0x0, s1;
	[sflag:s0] =	ssyncset.done @!p0 $0x0  }
0x76: {  	[sflag:s0] =	ssyncadd.s32 @!p0 s1  }
0x77: {  	[bflag:$0x3] =	sbarrier.arrive $0xFFFF  }
0x78: {  	_ =	shalt  }

</sc_bundles>
